<compile_context>
chip_gen: v7x
topology: tpu7x:2x2x1
jax: 0.10.2.dev20260603
libtpu: 0.0.44.dev20260713+nightly
codegen_flags: <defaults>
</compile_context>

<pallas_src>
import jax
import jax.numpy as jnp
from jax import lax
from jax.experimental import pallas as pl
from jax.experimental.pallas import tpu as pltpu
from jax.experimental.pallas import tpu_sc as plsc

N_NODES = 1000
N_PAD = 1024
NPS = 64
E_PAD = 112
EG = E_PAD // 16
IN_D = 128
OUT_D = 16
L = 16


def _rsqrt(q):
    y = plsc.bitcast(
        jnp.int32(0x5F3759DF) - (plsc.bitcast(q, jnp.int32) >> 1),
        jnp.float32)
    for _ in range(3):
        y = y * (1.5 - 0.5 * q * y * y)
    return y


def _sc_body(x_hbm, wtp_hbm, bias_hbm, src_hbm, dst_hbm,
             out_hbm, h_hbm,
             x_v, wtp_v, bias_v, src_v, dst_v,
             degall_v, h8_v, o8_v, hall_v, sem_e, sem_in, sem_h):
    s = lax.axis_index("s")
    base = s * NPS
    xoff = lax.min(base, jnp.int32(N_NODES - NPS))
    xshift = base - xoff

    cp_src = pltpu.async_copy(src_hbm, src_v, sem_e)
    cp_dst = pltpu.async_copy(dst_hbm, dst_v, sem_e)
    cp_x = pltpu.async_copy(x_hbm.at[pl.ds(xoff, NPS), :], x_v, sem_in)
    cp_wt = pltpu.async_copy(wtp_hbm, wtp_v, sem_in)
    cp_b = pltpu.async_copy(bias_hbm, bias_v, sem_in)

    cp_src.wait()
    cp_dst.wait()

    ones = jnp.full((L,), 1.0, jnp.float32)
    for i in range(N_PAD // L):
        degall_v[pl.ds(i * L, L)] = ones
    for g in range(EG):
        sv = src_v[g, :]
        dv = dst_v[g, :]
        keep = sv != dv
        plsc.addupdate_scatter(degall_v, [dv], ones, mask=keep)

    cp_x.wait()
    cp_wt.wait()
    cp_b.wait()

    def mm_body(t, carry):
        n0 = t * 4
        accs = [[jnp.zeros((L,), jnp.float32) for _ in range(4)]
                for _ in range(4)]
        for kb in range(IN_D // L):
            xvs = [x_v[n0 + u + xshift, pl.ds(kb * L, L)]
                   for u in range(4)]
            for j in range(L):
                k = kb * L + j
                wrow = wtp_v[k >> 3, pl.ds((k & 7) * L, L)]
                for u in range(4):
                    b = j % 4
                    accs[u][b] = accs[u][b] + xvs[u][j] * wrow
        for u in range(4):
            n = n0 + u
            a = accs[u]
            h8_v[n >> 3, pl.ds((n & 7) * L, L)] = (a[0] + a[1]) + (a[2] + a[3])
        return carry

    lax.fori_loop(0, NPS // 4, mm_body, 0)

    pltpu.sync_copy(h8_v, h_hbm.at[pl.ds(s * 8, 8), :])
    plsc.subcore_barrier()
    cp_hall = pltpu.async_copy(h_hbm, hall_v, sem_h)

    bias_vec = bias_v[...]

    def scale_body(t, carry):
        n0 = t * L
        dsq = 1.0 / degall_v[pl.ds(base + n0, L)]
        for u in range(L):
            n = n0 + u
            hrow = h8_v[n >> 3, pl.ds((n & 7) * L, L)]
            o8_v[n >> 3, pl.ds((n & 7) * L, L)] = hrow * dsq[u] + bias_vec
        return carry

    lax.fori_loop(0, NPS // L, scale_body, 0)

    cp_hall.wait()

    def edge_body(g, carry):
        sv = src_v[g, :]
        dv = dst_v[g, :]
        deg_s = plsc.load_gather(degall_v, [sv])
        deg_d = plsc.load_gather(degall_v, [dv])
        nv = _rsqrt(deg_s * deg_d)
        ldv = dv - base
        for j in range(L):
            lj = ldv[j]
            sj = sv[j]
            dj = dv[j]
            nj = nv[j]

            @pl.when((lj >= 0) & (lj < NPS) & (sj != dj))
            def _():
                hrow = hall_v[sj >> 3, pl.ds((sj & 7) * L, L)]
                cur = o8_v[lj >> 3, pl.ds((lj & 7) * L, L)]
                o8_v[lj >> 3, pl.ds((lj & 7) * L, L)] = cur + hrow * nj

        return carry

    lax.fori_loop(0, EG, edge_body, 0)

    @pl.when(s < 15)
    def _():
        pltpu.sync_copy(o8_v, out_hbm.at[pl.ds(s * 8, 8), :])

    @pl.when(s == 15)
    def _():
        pltpu.sync_copy(o8_v.at[pl.ds(0, 5), :],
                        out_hbm.at[pl.ds(120, 5), :])


@jax.jit
def _run(x, wtp, bias, src2, dst2):
    mesh = plsc.VectorSubcoreMesh(
        core_axis_name="c", subcore_axis_name="s", num_cores=1,
        num_subcores=16)
    f = pl.kernel(
        _sc_body,
        out_type=(jax.ShapeDtypeStruct((125, 128), jnp.float32),
                  jax.ShapeDtypeStruct((N_PAD // 8, 8 * OUT_D), jnp.float32)),
        mesh=mesh,
        scratch_types=[
            pltpu.VMEM((NPS, IN_D), jnp.float32),
            pltpu.VMEM((IN_D // 8, 8 * OUT_D), jnp.float32),
            pltpu.VMEM((OUT_D,), jnp.float32),
            pltpu.VMEM((EG, L), jnp.int32),
            pltpu.VMEM((EG, L), jnp.int32),
            pltpu.VMEM((N_PAD,), jnp.float32),
            pltpu.VMEM((NPS // 8, 8 * OUT_D), jnp.float32),
            pltpu.VMEM((NPS // 8, 8 * OUT_D), jnp.float32),
            pltpu.VMEM((N_PAD // 8, 8 * OUT_D), jnp.float32),
            pltpu.SemaphoreType.DMA,
            pltpu.SemaphoreType.DMA,
            pltpu.SemaphoreType.DMA,
        ],
        compiler_params=pltpu.CompilerParams(needs_layout_passes=False),
    )
    return f(x, wtp, bias, src2, dst2)


def kernel(L_args_0_, L_args_1_,
           L_self_modules_encoder_modules_lin_parameters_weight_,
           L_self_modules_encoder_parameters_bias_):
    x = L_args_0_
    edge_index = L_args_1_.astype(jnp.int32)
    weight = L_self_modules_encoder_modules_lin_parameters_weight_
    bias = L_self_modules_encoder_parameters_bias_

    n_edges = edge_index.shape[1]
    src2 = jnp.pad(edge_index[0], (0, E_PAD - n_edges)).reshape(EG, L)
    dst2 = jnp.pad(edge_index[1], (0, E_PAD - n_edges)).reshape(EG, L)
    wtp = weight.T.reshape(IN_D // 8, 8 * OUT_D)

    out8, _ = _run(x, wtp, bias, src2, dst2)
    return (out8.reshape(N_NODES, OUT_D),)

# --- scband reference (transcript-rebuilt; emitter-appended) ---
"""Pipeline reference for scband-graph-module-59012850647685 (READ-ONLY COPY).

The authoritative reference and input builder live on the scoring server;
editing this copy changes nothing except your own understanding.
"""

import jax, jax.numpy as jnp
import numpy as np

N_NODES = 1000
OUT_DIM = 16
IN_DIM = 128
N_EDGES = 100

def setup_inputs(seed: int = 0) -> dict:
    key = jax.random.key(seed)
    k1, k2, k3, k4 = jax.random.split(key, 4)
    x = jax.random.normal(k1, (N_NODES, IN_DIM), dtype=jnp.float32)
    edge_index = jax.random.randint(k2, (2, N_EDGES), 0, N_NODES, dtype=jnp.int64)
    weight = jax.random.normal(k3, (OUT_DIM, IN_DIM), dtype=jnp.float32)
    bias = jax.random.normal(k4, (OUT_DIM,), dtype=jnp.float32)
    return {
        "L_args_0_": x,
        "L_args_1_": edge_index,
        "L_self_modules_encoder_modules_lin_parameters_weight_": weight,
        "L_self_modules_encoder_parameters_bias_": bias,
    }

def reference(L_args_0_, L_args_1_, L_self_modules_encoder_modules_lin_parameters_weight_, L_self_modules_encoder_parameters_bias_):
    x0 = L_args_0_
    edge_index = L_args_1_
    weight = L_self_modules_encoder_modules_lin_parameters_weight_
    bias = L_self_modules_encoder_parameters_bias_
    src = edge_index[0]
    dst = edge_index[1]
    # Torch code drops self-loop edges (data-dependent shape). Fixed-shape
    # equivalent: keep all edges but zero out the weight of self edges, since
    # every downstream op is a weight-multiplied scatter-add.
    keep = (src != dst).astype(jnp.float32)
    loop = jnp.arange(N_NODES, dtype=edge_index.dtype)
    row = jnp.concatenate([src, loop])  # source / j
    col = jnp.concatenate([dst, loop])  # destination / i
    edge_weight = jnp.concatenate([keep, jnp.ones((N_NODES,), dtype=jnp.float32)])
    # symmetric normalization: deg computed on col
    deg = jnp.zeros((N_NODES,), dtype=jnp.float32).at[col].add(edge_weight)
    deg_inv_sqrt = jnp.power(deg, -0.5)
    deg_inv_sqrt = jnp.where(jnp.isinf(deg_inv_sqrt), 0.0, deg_inv_sqrt)
    norm_ew = deg_inv_sqrt[row] * edge_weight * deg_inv_sqrt[col]
    # linear encoder (no bias inside linear)
    x = x0 @ weight.T
    # message passing: gather from src (j), scale, scatter-add into dst (i)
    x_j = jnp.take(x, row, axis=0)
    msg = norm_ew[:, None] * x_j
    out = jnp.zeros((N_NODES, OUT_DIM), dtype=jnp.float32).at[col].add(msg)
    out = out + bias
    return (out,)

if __name__ == "__main__":
    import jax
    _d = setup_inputs()
    print(jax.jit(kernel)(*tuple(_d.values())))

</pallas_src>

<mosaic_0001>
#map = affine_map<(d0, d1) -> (0, 0)>
#map1 = affine_map<(d0, d1) -> (0)>
module attributes {stable_mosaic.version = 14 : i64} {
  func.func @_sc_body(%arg0: i32, %arg1: i32, %arg2: memref<1000x128xf32, #tpu.memory_space<hbm>>, %arg3: memref<16x128xf32, #tpu.memory_space<hbm>>, %arg4: memref<16xf32, #tpu.memory_space<hbm>>, %arg5: memref<7x16xi32, #tpu.memory_space<hbm>>, %arg6: memref<7x16xi32, #tpu.memory_space<hbm>>, %arg7: memref<125x128xf32, #tpu.memory_space<hbm>>, %arg8: memref<128x128xf32, #tpu.memory_space<hbm>>, %arg9: memref<64x128xf32, #tpu.memory_space<vmem>>, %arg10: memref<16x128xf32, #tpu.memory_space<vmem>>, %arg11: memref<16xf32, #tpu.memory_space<vmem>>, %arg12: memref<7x16xi32, #tpu.memory_space<vmem>>, %arg13: memref<7x16xi32, #tpu.memory_space<vmem>>, %arg14: memref<1024xf32, #tpu.memory_space<vmem>>, %arg15: memref<8x128xf32, #tpu.memory_space<vmem>>, %arg16: memref<8x128xf32, #tpu.memory_space<vmem>>, %arg17: memref<128x128xf32, #tpu.memory_space<vmem>>, %arg18: memref<!tpu.dma_semaphore, #tpu.memory_space<semaphore_mem>>, %arg19: memref<!tpu.dma_semaphore, #tpu.memory_space<semaphore_mem>>, %arg20: memref<!tpu.dma_semaphore, #tpu.memory_space<semaphore_mem>>) attributes {dimension_semantics = [#tpu.dimension_semantics<core_parallel>, #tpu.dimension_semantics<subcore_parallel>], iteration_bounds = array<i64: 1, 16>, scalar_prefetch = 0 : i64, scratch_operands = 12 : i64, tpu.core_type = #tpu.core_type<sc_vector_subcore>, window_params = [{transform_indices = #map}, {transform_indices = #map}, {transform_indices = #map1}, {transform_indices = #map}, {transform_indices = #map}, {transform_indices = #map}, {transform_indices = #map}]} {
    %mul3A = arith.constant 64 : i32
    %mul3A_0 = arith.muli %arg1, %mul3A : i32
    %min3A = arith.constant 936 : i32
    %min3A_1 = arith.minsi %mul3A_0, %min3A : i32
    %sub3A = arith.subi %mul3A_0, %min3A_1 : i32
    tpu.enqueue_dma source(%arg5 : memref<7x16xi32, #tpu.memory_space<hbm>>) target(%arg12 : memref<7x16xi32, #tpu.memory_space<vmem>>) target_semaphore(%arg18 : memref<!tpu.dma_semaphore, #tpu.memory_space<semaphore_mem>>)
    tpu.enqueue_dma source(%arg6 : memref<7x16xi32, #tpu.memory_space<hbm>>) target(%arg13 : memref<7x16xi32, #tpu.memory_space<vmem>>) target_semaphore(%arg18 : memref<!tpu.dma_semaphore, #tpu.memory_space<semaphore_mem>>)
    %dma_start3A = arith.constant 0 : i32
    %dma_start3A_2 = tpu.memref_slice %arg2[%min3A_1, %dma_start3A] : memref<1000x128xf32, #tpu.memory_space<hbm>> -> memref<64x128xf32, #tpu.memory_space<hbm>>
    %dma_start3A_3 = arith.constant 0 : i32
    %dma_start3A_4 = tpu.memref_slice %arg2[%min3A_1, %dma_start3A_3] : memref<1000x128xf32, #tpu.memory_space<hbm>> -> memref<64x128xf32, #tpu.memory_space<hbm>>
    tpu.enqueue_dma source(%dma_start3A_4 : memref<64x128xf32, #tpu.memory_space<hbm>>) target(%arg9 : memref<64x128xf32, #tpu.memory_space<vmem>>) target_semaphore(%arg19 : memref<!tpu.dma_semaphore, #tpu.memory_space<semaphore_mem>>)
    tpu.enqueue_dma source(%arg3 : memref<16x128xf32, #tpu.memory_space<hbm>>) target(%arg10 : memref<16x128xf32, #tpu.memory_space<vmem>>) target_semaphore(%arg19 : memref<!tpu.dma_semaphore, #tpu.memory_space<semaphore_mem>>)
    tpu.enqueue_dma source(%arg4 : memref<16xf32, #tpu.memory_space<hbm>>) target(%arg11 : memref<16xf32, #tpu.memory_space<vmem>>) target_semaphore(%arg19 : memref<!tpu.dma_semaphore, #tpu.memory_space<semaphore_mem>>)
    tpu.wait_dma2 semaphore(%arg18 : memref<!tpu.dma_semaphore, #tpu.memory_space<semaphore_mem>>) src(%arg5 : memref<7x16xi32, #tpu.memory_space<hbm>>) dst(%arg12 : memref<7x16xi32, #tpu.memory_space<vmem>>)
    tpu.wait_dma2 semaphore(%arg18 : memref<!tpu.dma_semaphore, #tpu.memory_space<semaphore_mem>>) src(%arg6 : memref<7x16xi32, #tpu.memory_space<hbm>>) dst(%arg13 : memref<7x16xi32, #tpu.memory_space<vmem>>)
    %broadcast_in_dim3A = arith.constant 1.000000e+00 : f32
    %broadcast_in_dim3A_5 = vector.broadcast %broadcast_in_dim3A : f32 to vector<16xf32>
    %swap3A = arith.constant 0 : index
    %swap3A_6 = tpu.vector_load %arg14[%swap3A] {strides = array<i32>} : memref<1024xf32, #tpu.memory_space<vmem>>, vector<16xf32>,
    tpu.vector_store %arg14[%swap3A], %broadcast_in_dim3A_5 {strides = array<i32>} : memref<1024xf32, #tpu.memory_space<vmem>>, vector<16xf32>,
    %swap3A_7 = arith.constant 16 : index
    %swap3A_8 = tpu.vector_load %arg14[%swap3A_7] {strides = array<i32>} : memref<1024xf32, #tpu.memory_space<vmem>>, vector<16xf32>,
    tpu.vector_store %arg14[%swap3A_7], %broadcast_in_dim3A_5 {strides = array<i32>} : memref<1024xf32, #tpu.memory_space<vmem>>, vector<16xf32>,
    %swap3A_9 = arith.constant 32 : index
    %swap3A_10 = tpu.vector_load %arg14[%swap3A_9] {strides = array<i32>} : memref<1024xf32, #tpu.memory_space<vmem>>, vector<16xf32>,
    tpu.vector_store %arg14[%swap3A_9], %broadcast_in_dim3A_5 {strides = array<i32>} : memref<1024xf32, #tpu.memory_space<vmem>>, vector<16xf32>,
    %swap3A_11 = arith.constant 48 : index
    %swap3A_12 = tpu.vector_load %arg14[%swap3A_11] {strides = array<i32>} : memref<1024xf32, #tpu.memory_space<vmem>>, vector<16xf32>,
    tpu.vector_store %arg14[%swap3A_11], %broadcast_in_dim3A_5 {strides = array<i32>} : memref<1024xf32, #tpu.memory_space<vmem>>, vector<16xf32>,
    %swap3A_13 = arith.constant 64 : index
    %swap3A_14 = tpu.vector_load %arg14[%swap3A_13] {strides = array<i32>} : memref<1024xf32, #tpu.memory_space<vmem>>, vector<16xf32>,
    tpu.vector_store %arg14[%swap3A_13], %broadcast_in_dim3A_5 {strides = array<i32>} : memref<1024xf32, #tpu.memory_space<vmem>>, vector<16xf32>,
    %swap3A_15 = arith.constant 80 : index
    %swap3A_16 = tpu.vector_load %arg14[%swap3A_15] {strides = array<i32>} : memref<1024xf32, #tpu.memory_space<vmem>>, vector<16xf32>,
    tpu.vector_store %arg14[%swap3A_15], %broadcast_in_dim3A_5 {strides = array<i32>} : memref<1024xf32, #tpu.memory_space<vmem>>, vector<16xf32>,
    %swap3A_17 = arith.constant 96 : index
    %swap3A_18 = tpu.vector_load %arg14[%swap3A_17] {strides = array<i32>} : memref<1024xf32, #tpu.memory_space<vmem>>, vector<16xf32>,
    tpu.vector_store %arg14[%swap3A_17], %broadcast_in_dim3A_5 {strides = array<i32>} : memref<1024xf32, #tpu.memory_space<vmem>>, vector<16xf32>,
    %swap3A_19 = arith.constant 112 : index
    %swap3A_20 = tpu.vector_load %arg14[%swap3A_19] {strides = array<i32>} : memref<1024xf32, #tpu.memory_space<vmem>>, vector<16xf32>,
    tpu.vector_store %arg14[%swap3A_19], %broadcast_in_dim3A_5 {strides = array<i32>} : memref<1024xf32, #tpu.memory_space<vmem>>, vector<16xf32>,
    %swap3A_21 = arith.constant 128 : index
    %swap3A_22 = tpu.vector_load %arg14[%swap3A_21] {strides = array<i32>} : memref<1024xf32, #tpu.memory_space<vmem>>, vector<16xf32>,
    tpu.vector_store %arg14[%swap3A_21], %broadcast_in_dim3A_5 {strides = array<i32>} : memref<1024xf32, #tpu.memory_space<vmem>>, vector<16xf32>,
    %swap3A_23 = arith.constant 144 : index
    %swap3A_24 = tpu.vector_load %arg14[%swap3A_23] {strides = array<i32>} : memref<1024xf32, #tpu.memory_space<vmem>>, vector<16xf32>,
    tpu.vector_store %arg14[%swap3A_23], %broadcast_in_dim3A_5 {strides = array<i32>} : memref<1024xf32, #tpu.memory_space<vmem>>, vector<16xf32>,
    %swap3A_25 = arith.constant 160 : index
    %swap3A_26 = tpu.vector_load %arg14[%swap3A_25] {strides = array<i32>} : memref<1024xf32, #tpu.memory_space<vmem>>, vector<16xf32>,
    tpu.vector_store %arg14[%swap3A_25], %broadcast_in_dim3A_5 {strides = array<i32>} : memref<1024xf32, #tpu.memory_space<vmem>>, vector<16xf32>,
    %swap3A_27 = arith.constant 176 : index
    %swap3A_28 = tpu.vector_load %arg14[%swap3A_27] {strides = array<i32>} : memref<1024xf32, #tpu.memory_space<vmem>>, vector<16xf32>,
    tpu.vector_store %arg14[%swap3A_27], %broadcast_in_dim3A_5 {strides = array<i32>} : memref<1024xf32, #tpu.memory_space<vmem>>, vector<16xf32>,
    %swap3A_29 = arith.constant 192 : index
    %swap3A_30 = tpu.vector_load %arg14[%swap3A_29] {strides = array<i32>} : memref<1024xf32, #tpu.memory_space<vmem>>, vector<16xf32>,
    tpu.vector_store %arg14[%swap3A_29], %broadcast_in_dim3A_5 {strides = array<i32>} : memref<1024xf32, #tpu.memory_space<vmem>>, vector<16xf32>,
    %swap3A_31 = arith.constant 208 : index
    %swap3A_32 = tpu.vector_load %arg14[%swap3A_31] {strides = array<i32>} : memref<1024xf32, #tpu.memory_space<vmem>>, vector<16xf32>,
    tpu.vector_store %arg14[%swap3A_31], %broadcast_in_dim3A_5 {strides = array<i32>} : memref<1024xf32, #tpu.memory_space<vmem>>, vector<16xf32>,
    %swap3A_33 = arith.constant 224 : index
    %swap3A_34 = tpu.vector_load %arg14[%swap3A_33] {strides = array<i32>} : memref<1024xf32, #tpu.memory_space<vmem>>, vector<16xf32>,
    tpu.vector_store %arg14[%swap3A_33], %broadcast_in_dim3A_5 {strides = array<i32>} : memref<1024xf32, #tpu.memory_space<vmem>>, vector<16xf32>,
    %swap3A_35 = arith.constant 240 : index
    %swap3A_36 = tpu.vector_load %arg14[%swap3A_35] {strides = array<i32>} : memref<1024xf32, #tpu.memory_space<vmem>>, vector<16xf32>,
    tpu.vector_store %arg14[%swap3A_35], %broadcast_in_dim3A_5 {strides = array<i32>} : memref<1024xf32, #tpu.memory_space<vmem>>, vector<16xf32>,
    %swap3A_37 = arith.constant 256 : index
    %swap3A_38 = tpu.vector_load %arg14[%swap3A_37] {strides = array<i32>} : memref<1024xf32, #tpu.memory_space<vmem>>, vector<16xf32>,
    tpu.vector_store %arg14[%swap3A_37], %broadcast_in_dim3A_5 {strides = array<i32>} : memref<1024xf32, #tpu.memory_space<vmem>>, vector<16xf32>,
    %swap3A_39 = arith.constant 272 : index
    %swap3A_40 = tpu.vector_load %arg14[%swap3A_39] {strides = array<i32>} : memref<1024xf32, #tpu.memory_space<vmem>>, vector<16xf32>,
    tpu.vector_store %arg14[%swap3A_39], %broadcast_in_dim3A_5 {strides = array<i32>} : memref<1024xf32, #tpu.memory_space<vmem>>, vector<16xf32>,
    %swap3A_41 = arith.constant 288 : index
    %swap3A_42 = tpu.vector_load %arg14[%swap3A_41] {strides = array<i32>} : memref<1024xf32, #tpu.memory_space<vmem>>, vector<16xf32>,
    tpu.vector_store %arg14[%swap3A_41], %broadcast_in_dim3A_5 {strides = array<i32>} : memref<1024xf32, #tpu.memory_space<vmem>>, vector<16xf32>,
    %swap3A_43 = arith.constant 304 : index
    %swap3A_44 = tpu.vector_load %arg14[%swap3A_43] {strides = array<i32>} : memref<1024xf32, #tpu.memory_space<vmem>>, vector<16xf32>,
    tpu.vector_store %arg14[%swap3A_43], %broadcast_in_dim3A_5 {strides = array<i32>} : memref<1024xf32, #tpu.memory_space<vmem>>, vector<16xf32>,
    %swap3A_45 = arith.constant 320 : index
    %swap3A_46 = tpu.vector_load %arg14[%swap3A_45] {strides = array<i32>} : memref<1024xf32, #tpu.memory_space<vmem>>, vector<16xf32>,
    tpu.vector_store %arg14[%swap3A_45], %broadcast_in_dim3A_5 {strides = array<i32>} : memref<1024xf32, #tpu.memory_space<vmem>>, vector<16xf32>,
    %swap3A_47 = arith.constant 336 : index
    %swap3A_48 = tpu.vector_load %arg14[%swap3A_47] {strides = array<i32>} : memref<1024xf32, #tpu.memory_space<vmem>>, vector<16xf32>,
    tpu.vector_store %arg14[%swap3A_47], %broadcast_in_dim3A_5 {strides = array<i32>} : memref<1024xf32, #tpu.memory_space<vmem>>, vector<16xf32>,
    %swap3A_49 = arith.constant 352 : index
    %swap3A_50 = tpu.vector_load %arg14[%swap3A_49] {strides = array<i32>} : memref<1024xf32, #tpu.memory_space<vmem>>, vector<16xf32>,
    tpu.vector_store %arg14[%swap3A_49], %broadcast_in_dim3A_5 {strides = array<i32>} : memref<1024xf32, #tpu.memory_space<vmem>>, vector<16xf32>,
    %swap3A_51 = arith.constant 368 : index
    %swap3A_52 = tpu.vector_load %arg14[%swap3A_51] {strides = array<i32>} : memref<1024xf32, #tpu.memory_space<vmem>>, vector<16xf32>,
    tpu.vector_store %arg14[%swap3A_51], %broadcast_in_dim3A_5 {strides = array<i32>} : memref<1024xf32, #tpu.memory_space<vmem>>, vector<16xf32>,
    %swap3A_53 = arith.constant 384 : index
    %swap3A_54 = tpu.vector_load %arg14[%swap3A_53] {strides = array<i32>} : memref<1024xf32, #tpu.memory_space<vmem>>, vector<16xf32>,
    tpu.vector_store %arg14[%swap3A_53], %broadcast_in_dim3A_5 {strides = array<i32>} : memref<1024xf32, #tpu.memory_space<vmem>>, vector<16xf32>,
    %swap3A_55 = arith.constant 400 : index
    %swap3A_56 = tpu.vector_load %arg14[%swap3A_55] {strides = array<i32>} : memref<1024xf32, #tpu.memory_space<vmem>>, vector<16xf32>,
    tpu.vector_store %arg14[%swap3A_55], %broadcast_in_dim3A_5 {strides = array<i32>} : memref<1024xf32, #tpu.memory_space<vmem>>, vector<16xf32>,
    %swap3A_57 = arith.constant 416 : index
    %swap3A_58 = tpu.vector_load %arg14[%swap3A_57] {strides = array<i32>} : memref<1024xf32, #tpu.memory_space<vmem>>, vector<16xf32>,
    tpu.vector_store %arg14[%swap3A_57], %broadcast_in_dim3A_5 {strides = array<i32>} : memref<1024xf32, #tpu.memory_space<vmem>>, vector<16xf32>,
    %swap3A_59 = arith.constant 432 : index
    %swap3A_60 = tpu.vector_load %arg14[%swap3A_59] {strides = array<i32>} : memref<1024xf32, #tpu.memory_space<vmem>>, vector<16xf32>,
    tpu.vector_store %arg14[%swap3A_59], %broadcast_in_dim3A_5 {strides = array<i32>} : memref<1024xf32, #tpu.memory_space<vmem>>, vector<16xf32>,
    %swap3A_61 = arith.constant 448 : index
    %swap3A_62 = tpu.vector_load %arg14[%swap3A_61] {strides = array<i32>} : memref<1024xf32, #tpu.memory_space<vmem>>, vector<16xf32>,
    tpu.vector_store %arg14[%swap3A_61], %broadcast_in_dim3A_5 {strides = array<i32>} : memref<1024xf32, #tpu.memory_space<vmem>>, vector<16xf32>,
    %swap3A_63 = arith.constant 464 : index
    %swap3A_64 = tpu.vector_load %arg14[%swap3A_63] {strides = array<i32>} : memref<1024xf32, #tpu.memory_space<vmem>>, vector<16xf32>,
    tpu.vector_store %arg14[%swap3A_63], %broadcast_in_dim3A_5 {strides = array<i32>} : memref<1024xf32, #tpu.memory_space<vmem>>, vector<16xf32>,
    %swap3A_65 = arith.constant 480 : index
    %swap3A_66 = tpu.vector_load %arg14[%swap3A_65] {strides = array<i32>} : memref<1024xf32, #tpu.memory_space<vmem>>, vector<16xf32>,
    tpu.vector_store %arg14[%swap3A_65], %broadcast_in_dim3A_5 {strides = array<i32>} : memref<1024xf32, #tpu.memory_space<vmem>>, vector<16xf32>,
    %swap3A_67 = arith.constant 496 : index
    %swap3A_68 = tpu.vector_load %arg14[%swap3A_67] {strides = array<i32>} : memref<1024xf32, #tpu.memory_space<vmem>>, vector<16xf32>,
    tpu.vector_store %arg14[%swap3A_67], %broadcast_in_dim3A_5 {strides = array<i32>} : memref<1024xf32, #tpu.memory_space<vmem>>, vector<16xf32>,
    %swap3A_69 = arith.constant 512 : index
    %swap3A_70 = tpu.vector_load %arg14[%swap3A_69] {strides = array<i32>} : memref<1024xf32, #tpu.memory_space<vmem>>, vector<16xf32>,
    tpu.vector_store %arg14[%swap3A_69], %broadcast_in_dim3A_5 {strides = array<i32>} : memref<1024xf32, #tpu.memory_space<vmem>>, vector<16xf32>,
    %swap3A_71 = arith.constant 528 : index
    %swap3A_72 = tpu.vector_load %arg14[%swap3A_71] {strides = array<i32>} : memref<1024xf32, #tpu.memory_space<vmem>>, vector<16xf32>,
    tpu.vector_store %arg14[%swap3A_71], %broadcast_in_dim3A_5 {strides = array<i32>} : memref<1024xf32, #tpu.memory_space<vmem>>, vector<16xf32>,
    %swap3A_73 = arith.constant 544 : index
    %swap3A_74 = tpu.vector_load %arg14[%swap3A_73] {strides = array<i32>} : memref<1024xf32, #tpu.memory_space<vmem>>, vector<16xf32>,
    tpu.vector_store %arg14[%swap3A_73], %broadcast_in_dim3A_5 {strides = array<i32>} : memref<1024xf32, #tpu.memory_space<vmem>>, vector<16xf32>,
    %swap3A_75 = arith.constant 560 : index
    %swap3A_76 = tpu.vector_load %arg14[%swap3A_75] {strides = array<i32>} : memref<1024xf32, #tpu.memory_space<vmem>>, vector<16xf32>,
    tpu.vector_store %arg14[%swap3A_75], %broadcast_in_dim3A_5 {strides = array<i32>} : memref<1024xf32, #tpu.memory_space<vmem>>, vector<16xf32>,
    %swap3A_77 = arith.constant 576 : index
    %swap3A_78 = tpu.vector_load %arg14[%swap3A_77] {strides = array<i32>} : memref<1024xf32, #tpu.memory_space<vmem>>, vector<16xf32>,
    tpu.vector_store %arg14[%swap3A_77], %broadcast_in_dim3A_5 {strides = array<i32>} : memref<1024xf32, #tpu.memory_space<vmem>>, vector<16xf32>,
    %swap3A_79 = arith.constant 592 : index
    %swap3A_80 = tpu.vector_load %arg14[%swap3A_79] {strides = array<i32>} : memref<1024xf32, #tpu.memory_space<vmem>>, vector<16xf32>,
    tpu.vector_store %arg14[%swap3A_79], %broadcast_in_dim3A_5 {strides = array<i32>} : memref<1024xf32, #tpu.memory_space<vmem>>, vector<16xf32>,
    %swap3A_81 = arith.constant 608 : index
    %swap3A_82 = tpu.vector_load %arg14[%swap3A_81] {strides = array<i32>} : memref<1024xf32, #tpu.memory_space<vmem>>, vector<16xf32>,
    tpu.vector_store %arg14[%swap3A_81], %broadcast_in_dim3A_5 {strides = array<i32>} : memref<1024xf32, #tpu.memory_space<vmem>>, vector<16xf32>,
    %swap3A_83 = arith.constant 624 : index
    %swap3A_84 = tpu.vector_load %arg14[%swap3A_83] {strides = array<i32>} : memref<1024xf32, #tpu.memory_space<vmem>>, vector<16xf32>,
    tpu.vector_store %arg14[%swap3A_83], %broadcast_in_dim3A_5 {strides = array<i32>} : memref<1024xf32, #tpu.memory_space<vmem>>, vector<16xf32>,
    %swap3A_85 = arith.constant 640 : index
    %swap3A_86 = tpu.vector_load %arg14[%swap3A_85] {strides = array<i32>} : memref<1024xf32, #tpu.memory_space<vmem>>, vector<16xf32>,
    tpu.vector_store %arg14[%swap3A_85], %broadcast_in_dim3A_5 {strides = array<i32>} : memref<1024xf32, #tpu.memory_space<vmem>>, vector<16xf32>,
    %swap3A_87 = arith.constant 656 : index
    %swap3A_88 = tpu.vector_load %arg14[%swap3A_87] {strides = array<i32>} : memref<1024xf32, #tpu.memory_space<vmem>>, vector<16xf32>,
    tpu.vector_store %arg14[%swap3A_87], %broadcast_in_dim3A_5 {strides = array<i32>} : memref<1024xf32, #tpu.memory_space<vmem>>, vector<16xf32>,
    %swap3A_89 = arith.constant 672 : index
    %swap3A_90 = tpu.vector_load %arg14[%swap3A_89] {strides = array<i32>} : memref<1024xf32, #tpu.memory_space<vmem>>, vector<16xf32>,
    tpu.vector_store %arg14[%swap3A_89], %broadcast_in_dim3A_5 {strides = array<i32>} : memref<1024xf32, #tpu.memory_space<vmem>>, vector<16xf32>,
    %swap3A_91 = arith.constant 688 : index
    %swap3A_92 = tpu.vector_load %arg14[%swap3A_91] {strides = array<i32>} : memref<1024xf32, #tpu.memory_space<vmem>>, vector<16xf32>,
    tpu.vector_store %arg14[%swap3A_91], %broadcast_in_dim3A_5 {strides = array<i32>} : memref<1024xf32, #tpu.memory_space<vmem>>, vector<16xf32>,
    %swap3A_93 = arith.constant 704 : index
    %swap3A_94 = tpu.vector_load %arg14[%swap3A_93] {strides = array<i32>} : memref<1024xf32, #tpu.memory_space<vmem>>, vector<16xf32>,
    tpu.vector_store %arg14[%swap3A_93], %broadcast_in_dim3A_5 {strides = array<i32>} : memref<1024xf32, #tpu.memory_space<vmem>>, vector<16xf32>,
    %swap3A_95 = arith.constant 720 : index
    %swap3A_96 = tpu.vector_load %arg14[%swap3A_95] {strides = array<i32>} : memref<1024xf32, #tpu.memory_space<vmem>>, vector<16xf32>,
    tpu.vector_store %arg14[%swap3A_95], %broadcast_in_dim3A_5 {strides = array<i32>} : memref<1024xf32, #tpu.memory_space<vmem>>, vector<16xf32>,
    %swap3A_97 = arith.constant 736 : index
    %swap3A_98 = tpu.vector_load %arg14[%swap3A_97] {strides = array<i32>} : memref<1024xf32, #tpu.memory_space<vmem>>, vector<16xf32>,
    tpu.vector_store %arg14[%swap3A_97], %broadcast_in_dim3A_5 {strides = array<i32>} : memref<1024xf32, #tpu.memory_space<vmem>>, vector<16xf32>,
    %swap3A_99 = arith.constant 752 : index
    %swap3A_100 = tpu.vector_load %arg14[%swap3A_99] {strides = array<i32>} : memref<1024xf32, #tpu.memory_space<vmem>>, vector<16xf32>,
    tpu.vector_store %arg14[%swap3A_99], %broadcast_in_dim3A_5 {strides = array<i32>} : memref<1024xf32, #tpu.memory_space<vmem>>, vector<16xf32>,
    %swap3A_101 = arith.constant 768 : index
    %swap3A_102 = tpu.vector_load %arg14[%swap3A_101] {strides = array<i32>} : memref<1024xf32, #tpu.memory_space<vmem>>, vector<16xf32>,
    tpu.vector_store %arg14[%swap3A_101], %broadcast_in_dim3A_5 {strides = array<i32>} : memref<1024xf32, #tpu.memory_space<vmem>>, vector<16xf32>,
    %swap3A_103 = arith.constant 784 : index
    %swap3A_104 = tpu.vector_load %arg14[%swap3A_103] {strides = array<i32>} : memref<1024xf32, #tpu.memory_space<vmem>>, vector<16xf32>,
    tpu.vector_store %arg14[%swap3A_103], %broadcast_in_dim3A_5 {strides = array<i32>} : memref<1024xf32, #tpu.memory_space<vmem>>, vector<16xf32>,
    %swap3A_105 = arith.constant 800 : index
    %swap3A_106 = tpu.vector_load %arg14[%swap3A_105] {strides = array<i32>} : memref<1024xf32, #tpu.memory_space<vmem>>, vector<16xf32>,
    tpu.vector_store %arg14[%swap3A_105], %broadcast_in_dim3A_5 {strides = array<i32>} : memref<1024xf32, #tpu.memory_space<vmem>>, vector<16xf32>,
    %swap3A_107 = arith.constant 816 : index
    %swap3A_108 = tpu.vector_load %arg14[%swap3A_107] {strides = array<i32>} : memref<1024xf32, #tpu.memory_space<vmem>>, vector<16xf32>,
    tpu.vector_store %arg14[%swap3A_107], %broadcast_in_dim3A_5 {strides = array<i32>} : memref<1024xf32, #tpu.memory_space<vmem>>, vector<16xf32>,
    %swap3A_109 = arith.constant 832 : index
    %swap3A_110 = tpu.vector_load %arg14[%swap3A_109] {strides = array<i32>} : memref<1024xf32, #tpu.memory_space<vmem>>, vector<16xf32>,
    tpu.vector_store %arg14[%swap3A_109], %broadcast_in_dim3A_5 {strides = array<i32>} : memref<1024xf32, #tpu.memory_space<vmem>>, vector<16xf32>,
    %swap3A_111 = arith.constant 848 : index
    %swap3A_112 = tpu.vector_load %arg14[%swap3A_111] {strides = array<i32>} : memref<1024xf32, #tpu.memory_space<vmem>>, vector<16xf32>,
    tpu.vector_store %arg14[%swap3A_111], %broadcast_in_dim3A_5 {strides = array<i32>} : memref<1024xf32, #tpu.memory_space<vmem>>, vector<16xf32>,
    %swap3A_113 = arith.constant 864 : index
    %swap3A_114 = tpu.vector_load %arg14[%swap3A_113] {strides = array<i32>} : memref<1024xf32, #tpu.memory_space<vmem>>, vector<16xf32>,
    tpu.vector_store %arg14[%swap3A_113], %broadcast_in_dim3A_5 {strides = array<i32>} : memref<1024xf32, #tpu.memory_space<vmem>>, vector<16xf32>,
    %swap3A_115 = arith.constant 880 : index
    %swap3A_116 = tpu.vector_load %arg14[%swap3A_115] {strides = array<i32>} : memref<1024xf32, #tpu.memory_space<vmem>>, vector<16xf32>,
    tpu.vector_store %arg14[%swap3A_115], %broadcast_in_dim3A_5 {strides = array<i32>} : memref<1024xf32, #tpu.memory_space<vmem>>, vector<16xf32>,
    %swap3A_117 = arith.constant 896 : index
    %swap3A_118 = tpu.vector_load %arg14[%swap3A_117] {strides = array<i32>} : memref<1024xf32, #tpu.memory_space<vmem>>, vector<16xf32>,
    tpu.vector_store %arg14[%swap3A_117], %broadcast_in_dim3A_5 {strides = array<i32>} : memref<1024xf32, #tpu.memory_space<vmem>>, vector<16xf32>,
    %swap3A_119 = arith.constant 912 : index
    %swap3A_120 = tpu.vector_load %arg14[%swap3A_119] {strides = array<i32>} : memref<1024xf32, #tpu.memory_space<vmem>>, vector<16xf32>,
    tpu.vector_store %arg14[%swap3A_119], %broadcast_in_dim3A_5 {strides = array<i32>} : memref<1024xf32, #tpu.memory_space<vmem>>, vector<16xf32>,
    %swap3A_121 = arith.constant 928 : index
    %swap3A_122 = tpu.vector_load %arg14[%swap3A_121] {strides = array<i32>} : memref<1024xf32, #tpu.memory_space<vmem>>, vector<16xf32>,
    tpu.vector_store %arg14[%swap3A_121], %broadcast_in_dim3A_5 {strides = array<i32>} : memref<1024xf32, #tpu.memory_space<vmem>>, vector<16xf32>,
    %swap3A_123 = arith.constant 944 : index
    %swap3A_124 = tpu.vector_load %arg14[%swap3A_123] {strides = array<i32>} : memref<1024xf32, #tpu.memory_space<vmem>>, vector<16xf32>,
    tpu.vector_store %arg14[%swap3A_123], %broadcast_in_dim3A_5 {strides = array<i32>} : memref<1024xf32, #tpu.memory_space<vmem>>, vector<16xf32>,
    %swap3A_125 = arith.constant 960 : index
    %swap3A_126 = tpu.vector_load %arg14[%swap3A_125] {strides = array<i32>} : memref<1024xf32, #tpu.memory_space<vmem>>, vector<16xf32>,
    tpu.vector_store %arg14[%swap3A_125], %broadcast_in_dim3A_5 {strides = array<i32>} : memref<1024xf32, #tpu.memory_space<vmem>>, vector<16xf32>,
    %swap3A_127 = arith.constant 976 : index
    %swap3A_128 = tpu.vector_load %arg14[%swap3A_127] {strides = array<i32>} : memref<1024xf32, #tpu.memory_space<vmem>>, vector<16xf32>,
    tpu.vector_store %arg14[%swap3A_127], %broadcast_in_dim3A_5 {strides = array<i32>} : memref<1024xf32, #tpu.memory_space<vmem>>, vector<16xf32>,
    %swap3A_129 = arith.constant 992 : index
    %swap3A_130 = tpu.vector_load %arg14[%swap3A_129] {strides = array<i32>} : memref<1024xf32, #tpu.memory_space<vmem>>, vector<16xf32>,
    tpu.vector_store %arg14[%swap3A_129], %broadcast_in_dim3A_5 {strides = array<i32>} : memref<1024xf32, #tpu.memory_space<vmem>>, vector<16xf32>,
    %swap3A_131 = arith.constant 1008 : index
    %swap3A_132 = tpu.vector_load %arg14[%swap3A_131] {strides = array<i32>} : memref<1024xf32, #tpu.memory_space<vmem>>, vector<16xf32>,
    tpu.vector_store %arg14[%swap3A_131], %broadcast_in_dim3A_5 {strides = array<i32>} : memref<1024xf32, #tpu.memory_space<vmem>>, vector<16xf32>,
    %get3A = arith.constant 0 : i32
    %get3A_133 = arith.index_cast %get3A : i32 to index
    %get3A_134 = arith.constant 0 : index
    %get3A_135 = tpu.vector_load %arg12[%get3A_133, %get3A_134] {strides = array<i32>} : memref<7x16xi32, #tpu.memory_space<vmem>>, vector<16xi32>,
    %get3A_136 = arith.constant 0 : i32
    %get3A_137 = arith.index_cast %get3A_136 : i32 to index
    %get3A_138 = arith.constant 0 : index
    %get3A_139 = tpu.vector_load %arg13[%get3A_137, %get3A_138] {strides = array<i32>} : memref<7x16xi32, #tpu.memory_space<vmem>>, vector<16xi32>,
    %ne3A = arith.cmpi ne, %get3A_135, %get3A_139 : vector<16xi32>
    tpu.vector_store_idx %arg14[%get3A_139], %broadcast_in_dim3A_5 masked %ne3A {add = true} : memref<1024xf32, #tpu.memory_space<vmem>>[vector<16xi32>], vector<16xf32>, vector<16xi1>
    %get3A_140 = arith.constant 1 : i32
    %get3A_141 = arith.index_cast %get3A_140 : i32 to index
    %get3A_142 = arith.constant 0 : index
    %get3A_143 = tpu.vector_load %arg12[%get3A_141, %get3A_142] {strides = array<i32>} : memref<7x16xi32, #tpu.memory_space<vmem>>, vector<16xi32>,
    %get3A_144 = arith.constant 1 : i32
    %get3A_145 = arith.index_cast %get3A_144 : i32 to index
    %get3A_146 = arith.constant 0 : index
    %get3A_147 = tpu.vector_load %arg13[%get3A_145, %get3A_146] {strides = array<i32>} : memref<7x16xi32, #tpu.memory_space<vmem>>, vector<16xi32>,
    %ne3A_148 = arith.cmpi ne, %get3A_143, %get3A_147 : vector<16xi32>
    tpu.vector_store_idx %arg14[%get3A_147], %broadcast_in_dim3A_5 masked %ne3A_148 {add = true} : memref<1024xf32, #tpu.memory_space<vmem>>[vector<16xi32>], vector<16xf32>, vector<16xi1>
    %get3A_149 = arith.constant 2 : i32
    %get3A_150 = arith.index_cast %get3A_149 : i32 to index
    %get3A_151 = arith.constant 0 : index
    %get3A_152 = tpu.vector_load %arg12[%get3A_150, %get3A_151] {strides = array<i32>} : memref<7x16xi32, #tpu.memory_space<vmem>>, vector<16xi32>,
    %get3A_153 = arith.constant 2 : i32
    %get3A_154 = arith.index_cast %get3A_153 : i32 to index
    %get3A_155 = arith.constant 0 : index
    %get3A_156 = tpu.vector_load %arg13[%get3A_154, %get3A_155] {strides = array<i32>} : memref<7x16xi32, #tpu.memory_space<vmem>>, vector<16xi32>,
    %ne3A_157 = arith.cmpi ne, %get3A_152, %get3A_156 : vector<16xi32>
    tpu.vector_store_idx %arg14[%get3A_156], %broadcast_in_dim3A_5 masked %ne3A_157 {add = true} : memref<1024xf32, #tpu.memory_space<vmem>>[vector<16xi32>], vector<16xf32>, vector<16xi1>
    %get3A_158 = arith.constant 3 : i32
    %get3A_159 = arith.index_cast %get3A_158 : i32 to index
    %get3A_160 = arith.constant 0 : index
    %get3A_161 = tpu.vector_load %arg12[%get3A_159, %get3A_160] {strides = array<i32>} : memref<7x16xi32, #tpu.memory_space<vmem>>, vector<16xi32>,
    %get3A_162 = arith.constant 3 : i32
    %get3A_163 = arith.index_cast %get3A_162 : i32 to index
    %get3A_164 = arith.constant 0 : index
    %get3A_165 = tpu.vector_load %arg13[%get3A_163, %get3A_164] {strides = array<i32>} : memref<7x16xi32, #tpu.memory_space<vmem>>, vector<16xi32>,
    %ne3A_166 = arith.cmpi ne, %get3A_161, %get3A_165 : vector<16xi32>
    tpu.vector_store_idx %arg14[%get3A_165], %broadcast_in_dim3A_5 masked %ne3A_166 {add = true} : memref<1024xf32, #tpu.memory_space<vmem>>[vector<16xi32>], vector<16xf32>, vector<16xi1>
    %get3A_167 = arith.constant 4 : i32
    %get3A_168 = arith.index_cast %get3A_167 : i32 to index
    %get3A_169 = arith.constant 0 : index
    %get3A_170 = tpu.vector_load %arg12[%get3A_168, %get3A_169] {strides = array<i32>} : memref<7x16xi32, #tpu.memory_space<vmem>>, vector<16xi32>,
    %get3A_171 = arith.constant 4 : i32
    %get3A_172 = arith.index_cast %get3A_171 : i32 to index
    %get3A_173 = arith.constant 0 : index
    %get3A_174 = tpu.vector_load %arg13[%get3A_172, %get3A_173] {strides = array<i32>} : memref<7x16xi32, #tpu.memory_space<vmem>>, vector<16xi32>,
    %ne3A_175 = arith.cmpi ne, %get3A_170, %get3A_174 : vector<16xi32>
    tpu.vector_store_idx %arg14[%get3A_174], %broadcast_in_dim3A_5 masked %ne3A_175 {add = true} : memref<1024xf32, #tpu.memory_space<vmem>>[vector<16xi32>], vector<16xf32>, vector<16xi1>
    %get3A_176 = arith.constant 5 : i32
    %get3A_177 = arith.index_cast %get3A_176 : i32 to index
    %get3A_178 = arith.constant 0 : index
    %get3A_179 = tpu.vector_load %arg12[%get3A_177, %get3A_178] {strides = array<i32>} : memref<7x16xi32, #tpu.memory_space<vmem>>, vector<16xi32>,
    %get3A_180 = arith.constant 5 : i32
    %get3A_181 = arith.index_cast %get3A_180 : i32 to index
    %get3A_182 = arith.constant 0 : index
    %get3A_183 = tpu.vector_load %arg13[%get3A_181, %get3A_182] {strides = array<i32>} : memref<7x16xi32, #tpu.memory_space<vmem>>, vector<16xi32>,
    %ne3A_184 = arith.cmpi ne, %get3A_179, %get3A_183 : vector<16xi32>
    tpu.vector_store_idx %arg14[%get3A_183], %broadcast_in_dim3A_5 masked %ne3A_184 {add = true} : memref<1024xf32, #tpu.memory_space<vmem>>[vector<16xi32>], vector<16xf32>, vector<16xi1>
    %get3A_185 = arith.constant 6 : i32
    %get3A_186 = arith.index_cast %get3A_185 : i32 to index
    %get3A_187 = arith.constant 0 : index
    %get3A_188 = tpu.vector_load %arg12[%get3A_186, %get3A_187] {strides = array<i32>} : memref<7x16xi32, #tpu.memory_space<vmem>>, vector<16xi32>,
    %get3A_189 = arith.constant 6 : i32
    %get3A_190 = arith.index_cast %get3A_189 : i32 to index
    %get3A_191 = arith.constant 0 : index
    %get3A_192 = tpu.vector_load %arg13[%get3A_190, %get3A_191] {strides = array<i32>} : memref<7x16xi32, #tpu.memory_space<vmem>>, vector<16xi32>,
    %ne3A_193 = arith.cmpi ne, %get3A_188, %get3A_192 : vector<16xi32>
    tpu.vector_store_idx %arg14[%get3A_192], %broadcast_in_dim3A_5 masked %ne3A_193 {add = true} : memref<1024xf32, #tpu.memory_space<vmem>>[vector<16xi32>], vector<16xf32>, vector<16xi1>
    %dma_wait3A = arith.constant 0 : i32
    %dma_wait3A_194 = tpu.memref_slice %arg2[%min3A_1, %dma_wait3A] : memref<1000x128xf32, #tpu.memory_space<hbm>> -> memref<64x128xf32, #tpu.memory_space<hbm>>
    %dma_wait3A_195 = arith.constant 0 : i32
    %dma_wait3A_196 = tpu.memref_slice %arg2[%min3A_1, %dma_wait3A_195] : memref<1000x128xf32, #tpu.memory_space<hbm>> -> memref<64x128xf32, #tpu.memory_space<hbm>>
    tpu.wait_dma2 semaphore(%arg19 : memref<!tpu.dma_semaphore, #tpu.memory_space<semaphore_mem>>) src(%dma_wait3A_196 : memref<64x128xf32, #tpu.memory_space<hbm>>) dst(%arg9 : memref<64x128xf32, #tpu.memory_space<vmem>>)
    tpu.wait_dma2 semaphore(%arg19 : memref<!tpu.dma_semaphore, #tpu.memory_space<semaphore_mem>>) src(%arg3 : memref<16x128xf32, #tpu.memory_space<hbm>>) dst(%arg10 : memref<16x128xf32, #tpu.memory_space<vmem>>)
    tpu.wait_dma2 semaphore(%arg19 : memref<!tpu.dma_semaphore, #tpu.memory_space<semaphore_mem>>) src(%arg4 : memref<16xf32, #tpu.memory_space<hbm>>) dst(%arg11 : memref<16xf32, #tpu.memory_space<vmem>>)
    %scan3A = arith.constant 0 : i32
    %scan3A_197 = arith.constant 0 : i32
    %scan3A_198 = arith.constant 16 : i32
    %scan3A_199 = arith.addi %scan3A_197, %scan3A_198 : i32
    %scan3A_200 = arith.constant 1 : i32
    scf.for %scan3A_224 = %scan3A_197 to %scan3A_199 step %scan3A_200  : i32 {
      %mul3A_225 = arith.constant 4 : i32
      %mul3A_226 = arith.muli %scan3A_224, %mul3A_225 : i32
      %broadcast_in_dim3A_227 = arith.constant 0.000000e+00 : f32
      %broadcast_in_dim3A_228 = vector.broadcast %broadcast_in_dim3A_227 : f32 to vector<16xf32>
      %broadcast_in_dim3A_229 = arith.constant 0.000000e+00 : f32
      %broadcast_in_dim3A_230 = vector.broadcast %broadcast_in_dim3A_229 : f32 to vector<16xf32>
      %broadcast_in_dim3A_231 = arith.constant 0.000000e+00 : f32
      %broadcast_in_dim3A_232 = vector.broadcast %broadcast_in_dim3A_231 : f32 to vector<16xf32>
      %broadcast_in_dim3A_233 = arith.constant 0.000000e+00 : f32
      %broadcast_in_dim3A_234 = vector.broadcast %broadcast_in_dim3A_233 : f32 to vector<16xf32>
      %broadcast_in_dim3A_235 = arith.constant 0.000000e+00 : f32
      %broadcast_in_dim3A_236 = vector.broadcast %broadcast_in_dim3A_235 : f32 to vector<16xf32>
      %broadcast_in_dim3A_237 = arith.constant 0.000000e+00 : f32
      %broadcast_in_dim3A_238 = vector.broadcast %broadcast_in_dim3A_237 : f32 to vector<16xf32>
      %broadcast_in_dim3A_239 = arith.constant 0.000000e+00 : f32
      %broadcast_in_dim3A_240 = vector.broadcast %broadcast_in_dim3A_239 : f32 to vector<16xf32>
      %broadcast_in_dim3A_241 = arith.constant 0.000000e+00 : f32
      %broadcast_in_dim3A_242 = vector.broadcast %broadcast_in_dim3A_241 : f32 to vector<16xf32>
      %broadcast_in_dim3A_243 = arith.constant 0.000000e+00 : f32
      %broadcast_in_dim3A_244 = vector.broadcast %broadcast_in_dim3A_243 : f32 to vector<16xf32>
      %broadcast_in_dim3A_245 = arith.constant 0.000000e+00 : f32
      %broadcast_in_dim3A_246 = vector.broadcast %broadcast_in_dim3A_245 : f32 to vector<16xf32>
      %broadcast_in_dim3A_247 = arith.constant 0.000000e+00 : f32
      %broadcast_in_dim3A_248 = vector.broadcast %broadcast_in_dim3A_247 : f32 to vector<16xf32>
      %broadcast_in_dim3A_249 = arith.constant 0.000000e+00 : f32
      %broadcast_in_dim3A_250 = vector.broadcast %broadcast_in_dim3A_249 : f32 to vector<16xf32>
      %broadcast_in_dim3A_251 = arith.constant 0.000000e+00 : f32
      %broadcast_in_dim3A_252 = vector.broadcast %broadcast_in_dim3A_251 : f32 to vector<16xf32>
      %broadcast_in_dim3A_253 = arith.constant 0.000000e+00 : f32
      %broadcast_in_dim3A_254 = vector.broadcast %broadcast_in_dim3A_253 : f32 to vector<16xf32>
      %broadcast_in_dim3A_255 = arith.constant 0.000000e+00 : f32
      %broadcast_in_dim3A_256 = vector.broadcast %broadcast_in_dim3A_255 : f32 to vector<16xf32>
      %broadcast_in_dim3A_257 = arith.constant 0.000000e+00 : f32
      %broadcast_in_dim3A_258 = vector.broadcast %broadcast_in_dim3A_257 : f32 to vector<16xf32>
      %add3A = arith.constant 0 : i32
      %add3A_259 = arith.addi %mul3A_226, %add3A : i32
      %add3A_260 = arith.addi %add3A_259, %sub3A : i32
      %get3A_261 = arith.index_cast %add3A_260 : i32 to index
      %get3A_262 = arith.constant 0 : index
      %get3A_263 = tpu.vector_load %arg9[%get3A_261, %get3A_262] {strides = array<i32>} : memref<64x128xf32, #tpu.memory_space<vmem>>, vector<16xf32>,
      %add3A_264 = arith.constant 1 : i32
      %add3A_265 = arith.addi %mul3A_226, %add3A_264 : i32
      %add3A_266 = arith.addi %add3A_265, %sub3A : i32
      %get3A_267 = arith.index_cast %add3A_266 : i32 to index
      %get3A_268 = arith.constant 0 : index
      %get3A_269 = tpu.vector_load %arg9[%get3A_267, %get3A_268] {strides = array<i32>} : memref<64x128xf32, #tpu.memory_space<vmem>>, vector<16xf32>,
      %add3A_270 = arith.constant 2 : i32
      %add3A_271 = arith.addi %mul3A_226, %add3A_270 : i32
      %add3A_272 = arith.addi %add3A_271, %sub3A : i32
      %get3A_273 = arith.index_cast %add3A_272 : i32 to index
      %get3A_274 = arith.constant 0 : index
      %get3A_275 = tpu.vector_load %arg9[%get3A_273, %get3A_274] {strides = array<i32>} : memref<64x128xf32, #tpu.memory_space<vmem>>, vector<16xf32>,
      %add3A_276 = arith.constant 3 : i32
      %add3A_277 = arith.addi %mul3A_226, %add3A_276 : i32
      %add3A_278 = arith.addi %add3A_277, %sub3A : i32
      %get3A_279 = arith.index_cast %add3A_278 : i32 to index
      %get3A_280 = arith.constant 0 : index
      %get3A_281 = tpu.vector_load %arg9[%get3A_279, %get3A_280] {strides = array<i32>} : memref<64x128xf32, #tpu.memory_space<vmem>>, vector<16xf32>,
      %get3A_282 = arith.constant 0 : i32
      %get3A_283 = arith.index_cast %get3A_282 : i32 to index
      %get3A_284 = arith.constant 0 : index
      %get3A_285 = tpu.vector_load %arg10[%get3A_283, %get3A_284] {strides = array<i32>} : memref<16x128xf32, #tpu.memory_space<vmem>>, vector<16xf32>,
      %slice3A = vector.extract_strided_slice %get3A_263 {offsets = [0], sizes = [1], strides = [1]} : vector<16xf32> to vector<1xf32>
      %squeeze3A = vector.extract %slice3A[0] : f32 from vector<1xf32>
      %mul3A_286 = vector.broadcast %squeeze3A : f32 to vector<16xf32>
      %mul3A_287 = arith.mulf %mul3A_286, %get3A_285 : vector<16xf32>
      %add3A_288 = arith.addf %broadcast_in_dim3A_228, %mul3A_287 : vector<16xf32>
      %slice3A_289 = vector.extract_strided_slice %get3A_269 {offsets = [0], sizes = [1], strides = [1]} : vector<16xf32> to vector<1xf32>
      %squeeze3A_290 = vector.extract %slice3A_289[0] : f32 from vector<1xf32>
      %mul3A_291 = vector.broadcast %squeeze3A_290 : f32 to vector<16xf32>
      %mul3A_292 = arith.mulf %mul3A_291, %get3A_285 : vector<16xf32>
      %add3A_293 = arith.addf %broadcast_in_dim3A_236, %mul3A_292 : vector<16xf32>
      %slice3A_294 = vector.extract_strided_slice %get3A_275 {offsets = [0], sizes = [1], strides = [1]} : vector<16xf32> to vector<1xf32>
      %squeeze3A_295 = vector.extract %slice3A_294[0] : f32 from vector<1xf32>
      %mul3A_296 = vector.broadcast %squeeze3A_295 : f32 to vector<16xf32>
      %mul3A_297 = arith.mulf %mul3A_296, %get3A_285 : vector<16xf32>
      %add3A_298 = arith.addf %broadcast_in_dim3A_244, %mul3A_297 : vector<16xf32>
      %slice3A_299 = vector.extract_strided_slice %get3A_281 {offsets = [0], sizes = [1], strides = [1]} : vector<16xf32> to vector<1xf32>
      %squeeze3A_300 = vector.extract %slice3A_299[0] : f32 from vector<1xf32>
      %mul3A_301 = vector.broadcast %squeeze3A_300 : f32 to vector<16xf32>
      %mul3A_302 = arith.mulf %mul3A_301, %get3A_285 : vector<16xf32>
      %add3A_303 = arith.addf %broadcast_in_dim3A_252, %mul3A_302 : vector<16xf32>
      %get3A_304 = arith.constant 0 : i32
      %get3A_305 = arith.index_cast %get3A_304 : i32 to index
      %get3A_306 = arith.constant 16 : index
      %get3A_307 = tpu.vector_load %arg10[%get3A_305, %get3A_306] {strides = array<i32>} : memref<16x128xf32, #tpu.memory_space<vmem>>, vector<16xf32>,
      %slice3A_308 = vector.extract_strided_slice %get3A_263 {offsets = [1], sizes = [1], strides = [1]} : vector<16xf32> to vector<1xf32>
      %squeeze3A_309 = vector.extract %slice3A_308[0] : f32 from vector<1xf32>
      %mul3A_310 = vector.broadcast %squeeze3A_309 : f32 to vector<16xf32>
      %mul3A_311 = arith.mulf %mul3A_310, %get3A_307 : vector<16xf32>
      %add3A_312 = arith.addf %broadcast_in_dim3A_230, %mul3A_311 : vector<16xf32>
      %slice3A_313 = vector.extract_strided_slice %get3A_269 {offsets = [1], sizes = [1], strides = [1]} : vector<16xf32> to vector<1xf32>
      %squeeze3A_314 = vector.extract %slice3A_313[0] : f32 from vector<1xf32>
      %mul3A_315 = vector.broadcast %squeeze3A_314 : f32 to vector<16xf32>
      %mul3A_316 = arith.mulf %mul3A_315, %get3A_307 : vector<16xf32>
      %add3A_317 = arith.addf %broadcast_in_dim3A_238, %mul3A_316 : vector<16xf32>
      %slice3A_318 = vector.extract_strided_slice %get3A_275 {offsets = [1], sizes = [1], strides = [1]} : vector<16xf32> to vector<1xf32>
      %squeeze3A_319 = vector.extract %slice3A_318[0] : f32 from vector<1xf32>
      %mul3A_320 = vector.broadcast %squeeze3A_319 : f32 to vector<16xf32>
      %mul3A_321 = arith.mulf %mul3A_320, %get3A_307 : vector<16xf32>
      %add3A_322 = arith.addf %broadcast_in_dim3A_246, %mul3A_321 : vector<16xf32>
      %slice3A_323 = vector.extract_strided_slice %get3A_281 {offsets = [1], sizes = [1], strides = [1]} : vector<16xf32> to vector<1xf32>
      %squeeze3A_324 = vector.extract %slice3A_323[0] : f32 from vector<1xf32>
      %mul3A_325 = vector.broadcast %squeeze3A_324 : f32 to vector<16xf32>
      %mul3A_326 = arith.mulf %mul3A_325, %get3A_307 : vector<16xf32>
      %add3A_327 = arith.addf %broadcast_in_dim3A_254, %mul3A_326 : vector<16xf32>
      %get3A_328 = arith.constant 0 : i32
      %get3A_329 = arith.index_cast %get3A_328 : i32 to index
      %get3A_330 = arith.constant 32 : index
      %get3A_331 = tpu.vector_load %arg10[%get3A_329, %get3A_330] {strides = array<i32>} : memref<16x128xf32, #tpu.memory_space<vmem>>, vector<16xf32>,
      %slice3A_332 = vector.extract_strided_slice %get3A_263 {offsets = [2], sizes = [1], strides = [1]} : vector<16xf32> to vector<1xf32>
      %squeeze3A_333 = vector.extract %slice3A_332[0] : f32 from vector<1xf32>
      %mul3A_334 = vector.broadcast %squeeze3A_333 : f32 to vector<16xf32>
      %mul3A_335 = arith.mulf %mul3A_334, %get3A_331 : vector<16xf32>
      %add3A_336 = arith.addf %broadcast_in_dim3A_232, %mul3A_335 : vector<16xf32>
      %slice3A_337 = vector.extract_strided_slice %get3A_269 {offsets = [2], sizes = [1], strides = [1]} : vector<16xf32> to vector<1xf32>
      %squeeze3A_338 = vector.extract %slice3A_337[0] : f32 from vector<1xf32>
      %mul3A_339 = vector.broadcast %squeeze3A_338 : f32 to vector<16xf32>
      %mul3A_340 = arith.mulf %mul3A_339, %get3A_331 : vector<16xf32>
      %add3A_341 = arith.addf %broadcast_in_dim3A_240, %mul3A_340 : vector<16xf32>
      %slice3A_342 = vector.extract_strided_slice %get3A_275 {offsets = [2], sizes = [1], strides = [1]} : vector<16xf32> to vector<1xf32>
      %squeeze3A_343 = vector.extract %slice3A_342[0] : f32 from vector<1xf32>
      %mul3A_344 = vector.broadcast %squeeze3A_343 : f32 to vector<16xf32>
      %mul3A_345 = arith.mulf %mul3A_344, %get3A_331 : vector<16xf32>
      %add3A_346 = arith.addf %broadcast_in_dim3A_248, %mul3A_345 : vector<16xf32>
      %slice3A_347 = vector.extract_strided_slice %get3A_281 {offsets = [2], sizes = [1], strides = [1]} : vector<16xf32> to vector<1xf32>
      %squeeze3A_348 = vector.extract %slice3A_347[0] : f32 from vector<1xf32>
      %mul3A_349 = vector.broadcast %squeeze3A_348 : f32 to vector<16xf32>
      %mul3A_350 = arith.mulf %mul3A_349, %get3A_331 : vector<16xf32>
      %add3A_351 = arith.addf %broadcast_in_dim3A_256, %mul3A_350 : vector<16xf32>
      %get3A_352 = arith.constant 0 : i32
      %get3A_353 = arith.index_cast %get3A_352 : i32 to index
      %get3A_354 = arith.constant 48 : index
      %get3A_355 = tpu.vector_load %arg10[%get3A_353, %get3A_354] {strides = array<i32>} : memref<16x128xf32, #tpu.memory_space<vmem>>, vector<16xf32>,
      %slice3A_356 = vector.extract_strided_slice %get3A_263 {offsets = [3], sizes = [1], strides = [1]} : vector<16xf32> to vector<1xf32>
      %squeeze3A_357 = vector.extract %slice3A_356[0] : f32 from vector<1xf32>
      %mul3A_358 = vector.broadcast %squeeze3A_357 : f32 to vector<16xf32>
      %mul3A_359 = arith.mulf %mul3A_358, %get3A_355 : vector<16xf32>
      %add3A_360 = arith.addf %broadcast_in_dim3A_234, %mul3A_359 : vector<16xf32>
      %slice3A_361 = vector.extract_strided_slice %get3A_269 {offsets = [3], sizes = [1], strides = [1]} : vector<16xf32> to vector<1xf32>
      %squeeze3A_362 = vector.extract %slice3A_361[0] : f32 from vector<1xf32>
      %mul3A_363 = vector.broadcast %squeeze3A_362 : f32 to vector<16xf32>
      %mul3A_364 = arith.mulf %mul3A_363, %get3A_355 : vector<16xf32>
      %add3A_365 = arith.addf %broadcast_in_dim3A_242, %mul3A_364 : vector<16xf32>
      %slice3A_366 = vector.extract_strided_slice %get3A_275 {offsets = [3], sizes = [1], strides = [1]} : vector<16xf32> to vector<1xf32>
      %squeeze3A_367 = vector.extract %slice3A_366[0] : f32 from vector<1xf32>
      %mul3A_368 = vector.broadcast %squeeze3A_367 : f32 to vector<16xf32>
      %mul3A_369 = arith.mulf %mul3A_368, %get3A_355 : vector<16xf32>
      %add3A_370 = arith.addf %broadcast_in_dim3A_250, %mul3A_369 : vector<16xf32>
      %slice3A_371 = vector.extract_strided_slice %get3A_281 {offsets = [3], sizes = [1], strides = [1]} : vector<16xf32> to vector<1xf32>
      %squeeze3A_372 = vector.extract %slice3A_371[0] : f32 from vector<1xf32>
      %mul3A_373 = vector.broadcast %squeeze3A_372 : f32 to vector<16xf32>
      %mul3A_374 = arith.mulf %mul3A_373, %get3A_355 : vector<16xf32>
      %add3A_375 = arith.addf %broadcast_in_dim3A_258, %mul3A_374 : vector<16xf32>
      %get3A_376 = arith.constant 0 : i32
      %get3A_377 = arith.index_cast %get3A_376 : i32 to index
      %get3A_378 = arith.constant 64 : index
      %get3A_379 = tpu.vector_load %arg10[%get3A_377, %get3A_378] {strides = array<i32>} : memref<16x128xf32, #tpu.memory_space<vmem>>, vector<16xf32>,
      %slice3A_380 = vector.extract_strided_slice %get3A_263 {offsets = [4], sizes = [1], strides = [1]} : vector<16xf32> to vector<1xf32>
      %squeeze3A_381 = vector.extract %slice3A_380[0] : f32 from vector<1xf32>
      %mul3A_382 = vector.broadcast %squeeze3A_381 : f32 to vector<16xf32>
      %mul3A_383 = arith.mulf %mul3A_382, %get3A_379 : vector<16xf32>
      %add3A_384 = arith.addf %add3A_288, %mul3A_383 : vector<16xf32>
      %slice3A_385 = vector.extract_strided_slice %get3A_269 {offsets = [4], sizes = [1], strides = [1]} : vector<16xf32> to vector<1xf32>
      %squeeze3A_386 = vector.extract %slice3A_385[0] : f32 from vector<1xf32>
      %mul3A_387 = vector.broadcast %squeeze3A_386 : f32 to vector<16xf32>
      %mul3A_388 = arith.mulf %mul3A_387, %get3A_379 : vector<16xf32>
      %add3A_389 = arith.addf %add3A_293, %mul3A_388 : vector<16xf32>
      %slice3A_390 = vector.extract_strided_slice %get3A_275 {offsets = [4], sizes = [1], strides = [1]} : vector<16xf32> to vector<1xf32>
      %squeeze3A_391 = vector.extract %slice3A_390[0] : f32 from vector<1xf32>
      %mul3A_392 = vector.broadcast %squeeze3A_391 : f32 to vector<16xf32>
      %mul3A_393 = arith.mulf %mul3A_392, %get3A_379 : vector<16xf32>
      %add3A_394 = arith.addf %add3A_298, %mul3A_393 : vector<16xf32>
      %slice3A_395 = vector.extract_strided_slice %get3A_281 {offsets = [4], sizes = [1], strides = [1]} : vector<16xf32> to vector<1xf32>
      %squeeze3A_396 = vector.extract %slice3A_395[0] : f32 from vector<1xf32>
      %mul3A_397 = vector.broadcast %squeeze3A_396 : f32 to vector<16xf32>
      %mul3A_398 = arith.mulf %mul3A_397, %get3A_379 : vector<16xf32>
      %add3A_399 = arith.addf %add3A_303, %mul3A_398 : vector<16xf32>
      %get3A_400 = arith.constant 0 : i32
      %get3A_401 = arith.index_cast %get3A_400 : i32 to index
      %get3A_402 = arith.constant 80 : index
      %get3A_403 = tpu.vector_load %arg10[%get3A_401, %get3A_402] {strides = array<i32>} : memref<16x128xf32, #tpu.memory_space<vmem>>, vector<16xf32>,
      %slice3A_404 = vector.extract_strided_slice %get3A_263 {offsets = [5], sizes = [1], strides = [1]} : vector<16xf32> to vector<1xf32>
      %squeeze3A_405 = vector.extract %slice3A_404[0] : f32 from vector<1xf32>
      %mul3A_406 = vector.broadcast %squeeze3A_405 : f32 to vector<16xf32>
      %mul3A_407 = arith.mulf %mul3A_406, %get3A_403 : vector<16xf32>
      %add3A_408 = arith.addf %add3A_312, %mul3A_407 : vector<16xf32>
      %slice3A_409 = vector.extract_strided_slice %get3A_269 {offsets = [5], sizes = [1], strides = [1]} : vector<16xf32> to vector<1xf32>
      %squeeze3A_410 = vector.extract %slice3A_409[0] : f32 from vector<1xf32>
      %mul3A_411 = vector.broadcast %squeeze3A_410 : f32 to vector<16xf32>
      %mul3A_412 = arith.mulf %mul3A_411, %get3A_403 : vector<16xf32>
      %add3A_413 = arith.addf %add3A_317, %mul3A_412 : vector<16xf32>
      %slice3A_414 = vector.extract_strided_slice %get3A_275 {offsets = [5], sizes = [1], strides = [1]} : vector<16xf32> to vector<1xf32>
      %squeeze3A_415 = vector.extract %slice3A_414[0] : f32 from vector<1xf32>
      %mul3A_416 = vector.broadcast %squeeze3A_415 : f32 to vector<16xf32>
      %mul3A_417 = arith.mulf %mul3A_416, %get3A_403 : vector<16xf32>
      %add3A_418 = arith.addf %add3A_322, %mul3A_417 : vector<16xf32>
      %slice3A_419 = vector.extract_strided_slice %get3A_281 {offsets = [5], sizes = [1], strides = [1]} : vector<16xf32> to vector<1xf32>
      %squeeze3A_420 = vector.extract %slice3A_419[0] : f32 from vector<1xf32>
      %mul3A_421 = vector.broadcast %squeeze3A_420 : f32 to vector<16xf32>
      %mul3A_422 = arith.mulf %mul3A_421, %get3A_403 : vector<16xf32>
      %add3A_423 = arith.addf %add3A_327, %mul3A_422 : vector<16xf32>
      %get3A_424 = arith.constant 0 : i32
      %get3A_425 = arith.index_cast %get3A_424 : i32 to index
      %get3A_426 = arith.constant 96 : index
      %get3A_427 = tpu.vector_load %arg10[%get3A_425, %get3A_426] {strides = array<i32>} : memref<16x128xf32, #tpu.memory_space<vmem>>, vector<16xf32>,
      %slice3A_428 = vector.extract_strided_slice %get3A_263 {offsets = [6], sizes = [1], strides = [1]} : vector<16xf32> to vector<1xf32>
      %squeeze3A_429 = vector.extract %slice3A_428[0] : f32 from vector<1xf32>
      %mul3A_430 = vector.broadcast %squeeze3A_429 : f32 to vector<16xf32>
      %mul3A_431 = arith.mulf %mul3A_430, %get3A_427 : vector<16xf32>
      %add3A_432 = arith.addf %add3A_336, %mul3A_431 : vector<16xf32>
      %slice3A_433 = vector.extract_strided_slice %get3A_269 {offsets = [6], sizes = [1], strides = [1]} : vector<16xf32> to vector<1xf32>
      %squeeze3A_434 = vector.extract %slice3A_433[0] : f32 from vector<1xf32>
      %mul3A_435 = vector.broadcast %squeeze3A_434 : f32 to vector<16xf32>
      %mul3A_436 = arith.mulf %mul3A_435, %get3A_427 : vector<16xf32>
      %add3A_437 = arith.addf %add3A_341, %mul3A_436 : vector<16xf32>
      %slice3A_438 = vector.extract_strided_slice %get3A_275 {offsets = [6], sizes = [1], strides = [1]} : vector<16xf32> to vector<1xf32>
      %squeeze3A_439 = vector.extract %slice3A_438[0] : f32 from vector<1xf32>
      %mul3A_440 = vector.broadcast %squeeze3A_439 : f32 to vector<16xf32>
      %mul3A_441 = arith.mulf %mul3A_440, %get3A_427 : vector<16xf32>
      %add3A_442 = arith.addf %add3A_346, %mul3A_441 : vector<16xf32>
      %slice3A_443 = vector.extract_strided_slice %get3A_281 {offsets = [6], sizes = [1], strides = [1]} : vector<16xf32> to vector<1xf32>
      %squeeze3A_444 = vector.extract %slice3A_443[0] : f32 from vector<1xf32>
      %mul3A_445 = vector.broadcast %squeeze3A_444 : f32 to vector<16xf32>
      %mul3A_446 = arith.mulf %mul3A_445, %get3A_427 : vector<16xf32>
      %add3A_447 = arith.addf %add3A_351, %mul3A_446 : vector<16xf32>
      %get3A_448 = arith.constant 0 : i32
      %get3A_449 = arith.index_cast %get3A_448 : i32 to index
      %get3A_450 = arith.constant 112 : index
      %get3A_451 = tpu.vector_load %arg10[%get3A_449, %get3A_450] {strides = array<i32>} : memref<16x128xf32, #tpu.memory_space<vmem>>, vector<16xf32>,
      %slice3A_452 = vector.extract_strided_slice %get3A_263 {offsets = [7], sizes = [1], strides = [1]} : vector<16xf32> to vector<1xf32>
      %squeeze3A_453 = vector.extract %slice3A_452[0] : f32 from vector<1xf32>
      %mul3A_454 = vector.broadcast %squeeze3A_453 : f32 to vector<16xf32>
      %mul3A_455 = arith.mulf %mul3A_454, %get3A_451 : vector<16xf32>
      %add3A_456 = arith.addf %add3A_360, %mul3A_455 : vector<16xf32>
      %slice3A_457 = vector.extract_strided_slice %get3A_269 {offsets = [7], sizes = [1], strides = [1]} : vector<16xf32> to vector<1xf32>
      %squeeze3A_458 = vector.extract %slice3A_457[0] : f32 from vector<1xf32>
      %mul3A_459 = vector.broadcast %squeeze3A_458 : f32 to vector<16xf32>
      %mul3A_460 = arith.mulf %mul3A_459, %get3A_451 : vector<16xf32>
      %add3A_461 = arith.addf %add3A_365, %mul3A_460 : vector<16xf32>
      %slice3A_462 = vector.extract_strided_slice %get3A_275 {offsets = [7], sizes = [1], strides = [1]} : vector<16xf32> to vector<1xf32>
      %squeeze3A_463 = vector.extract %slice3A_462[0] : f32 from vector<1xf32>
      %mul3A_464 = vector.broadcast %squeeze3A_463 : f32 to vector<16xf32>
      %mul3A_465 = arith.mulf %mul3A_464, %get3A_451 : vector<16xf32>
      %add3A_466 = arith.addf %add3A_370, %mul3A_465 : vector<16xf32>
      %slice3A_467 = vector.extract_strided_slice %get3A_281 {offsets = [7], sizes = [1], strides = [1]} : vector<16xf32> to vector<1xf32>
      %squeeze3A_468 = vector.extract %slice3A_467[0] : f32 from vector<1xf32>
      %mul3A_469 = vector.broadcast %squeeze3A_468 : f32 to vector<16xf32>
      %mul3A_470 = arith.mulf %mul3A_469, %get3A_451 : vector<16xf32>
      %add3A_471 = arith.addf %add3A_375, %mul3A_470 : vector<16xf32>
      %get3A_472 = arith.constant 1 : i32
      %get3A_473 = arith.index_cast %get3A_472 : i32 to index
      %get3A_474 = arith.constant 0 : index
      %get3A_475 = tpu.vector_load %arg10[%get3A_473, %get3A_474] {strides = array<i32>} : memref<16x128xf32, #tpu.memory_space<vmem>>, vector<16xf32>,
      %slice3A_476 = vector.extract_strided_slice %get3A_263 {offsets = [8], sizes = [1], strides = [1]} : vector<16xf32> to vector<1xf32>
      %squeeze3A_477 = vector.extract %slice3A_476[0] : f32 from vector<1xf32>
      %mul3A_478 = vector.broadcast %squeeze3A_477 : f32 to vector<16xf32>
      %mul3A_479 = arith.mulf %mul3A_478, %get3A_475 : vector<16xf32>
      %add3A_480 = arith.addf %add3A_384, %mul3A_479 : vector<16xf32>
      %slice3A_481 = vector.extract_strided_slice %get3A_269 {offsets = [8], sizes = [1], strides = [1]} : vector<16xf32> to vector<1xf32>
      %squeeze3A_482 = vector.extract %slice3A_481[0] : f32 from vector<1xf32>
      %mul3A_483 = vector.broadcast %squeeze3A_482 : f32 to vector<16xf32>
      %mul3A_484 = arith.mulf %mul3A_483, %get3A_475 : vector<16xf32>
      %add3A_485 = arith.addf %add3A_389, %mul3A_484 : vector<16xf32>
      %slice3A_486 = vector.extract_strided_slice %get3A_275 {offsets = [8], sizes = [1], strides = [1]} : vector<16xf32> to vector<1xf32>
      %squeeze3A_487 = vector.extract %slice3A_486[0] : f32 from vector<1xf32>
      %mul3A_488 = vector.broadcast %squeeze3A_487 : f32 to vector<16xf32>
      %mul3A_489 = arith.mulf %mul3A_488, %get3A_475 : vector<16xf32>
      %add3A_490 = arith.addf %add3A_394, %mul3A_489 : vector<16xf32>
      %slice3A_491 = vector.extract_strided_slice %get3A_281 {offsets = [8], sizes = [1], strides = [1]} : vector<16xf32> to vector<1xf32>
      %squeeze3A_492 = vector.extract %slice3A_491[0] : f32 from vector<1xf32>
      %mul3A_493 = vector.broadcast %squeeze3A_492 : f32 to vector<16xf32>
      %mul3A_494 = arith.mulf %mul3A_493, %get3A_475 : vector<16xf32>
      %add3A_495 = arith.addf %add3A_399, %mul3A_494 : vector<16xf32>
      %get3A_496 = arith.constant 1 : i32
      %get3A_497 = arith.index_cast %get3A_496 : i32 to index
      %get3A_498 = arith.constant 16 : index
      %get3A_499 = tpu.vector_load %arg10[%get3A_497, %get3A_498] {strides = array<i32>} : memref<16x128xf32, #tpu.memory_space<vmem>>, vector<16xf32>,
      %slice3A_500 = vector.extract_strided_slice %get3A_263 {offsets = [9], sizes = [1], strides = [1]} : vector<16xf32> to vector<1xf32>
      %squeeze3A_501 = vector.extract %slice3A_500[0] : f32 from vector<1xf32>
      %mul3A_502 = vector.broadcast %squeeze3A_501 : f32 to vector<16xf32>
      %mul3A_503 = arith.mulf %mul3A_502, %get3A_499 : vector<16xf32>
      %add3A_504 = arith.addf %add3A_408, %mul3A_503 : vector<16xf32>
      %slice3A_505 = vector.extract_strided_slice %get3A_269 {offsets = [9], sizes = [1], strides = [1]} : vector<16xf32> to vector<1xf32>
      %squeeze3A_506 = vector.extract %slice3A_505[0] : f32 from vector<1xf32>
      %mul3A_507 = vector.broadcast %squeeze3A_506 : f32 to vector<16xf32>
      %mul3A_508 = arith.mulf %mul3A_507, %get3A_499 : vector<16xf32>
      %add3A_509 = arith.addf %add3A_413, %mul3A_508 : vector<16xf32>
      %slice3A_510 = vector.extract_strided_slice %get3A_275 {offsets = [9], sizes = [1], strides = [1]} : vector<16xf32> to vector<1xf32>
      %squeeze3A_511 = vector.extract %slice3A_510[0] : f32 from vector<1xf32>
      %mul3A_512 = vector.broadcast %squeeze3A_511 : f32 to vector<16xf32>
      %mul3A_513 = arith.mulf %mul3A_512, %get3A_499 : vector<16xf32>
      %add3A_514 = arith.addf %add3A_418, %mul3A_513 : vector<16xf32>
      %slice3A_515 = vector.extract_strided_slice %get3A_281 {offsets = [9], sizes = [1], strides = [1]} : vector<16xf32> to vector<1xf32>
      %squeeze3A_516 = vector.extract %slice3A_515[0] : f32 from vector<1xf32>
      %mul3A_517 = vector.broadcast %squeeze3A_516 : f32 to vector<16xf32>
      %mul3A_518 = arith.mulf %mul3A_517, %get3A_499 : vector<16xf32>
      %add3A_519 = arith.addf %add3A_423, %mul3A_518 : vector<16xf32>
      %get3A_520 = arith.constant 1 : i32
      %get3A_521 = arith.index_cast %get3A_520 : i32 to index
      %get3A_522 = arith.constant 32 : index
      %get3A_523 = tpu.vector_load %arg10[%get3A_521, %get3A_522] {strides = array<i32>} : memref<16x128xf32, #tpu.memory_space<vmem>>, vector<16xf32>,
      %slice3A_524 = vector.extract_strided_slice %get3A_263 {offsets = [10], sizes = [1], strides = [1]} : vector<16xf32> to vector<1xf32>
      %squeeze3A_525 = vector.extract %slice3A_524[0] : f32 from vector<1xf32>
      %mul3A_526 = vector.broadcast %squeeze3A_525 : f32 to vector<16xf32>
      %mul3A_527 = arith.mulf %mul3A_526, %get3A_523 : vector<16xf32>
      %add3A_528 = arith.addf %add3A_432, %mul3A_527 : vector<16xf32>
      %slice3A_529 = vector.extract_strided_slice %get3A_269 {offsets = [10], sizes = [1], strides = [1]} : vector<16xf32> to vector<1xf32>
      %squeeze3A_530 = vector.extract %slice3A_529[0] : f32 from vector<1xf32>
      %mul3A_531 = vector.broadcast %squeeze3A_530 : f32 to vector<16xf32>
      %mul3A_532 = arith.mulf %mul3A_531, %get3A_523 : vector<16xf32>
      %add3A_533 = arith.addf %add3A_437, %mul3A_532 : vector<16xf32>
      %slice3A_534 = vector.extract_strided_slice %get3A_275 {offsets = [10], sizes = [1], strides = [1]} : vector<16xf32> to vector<1xf32>
      %squeeze3A_535 = vector.extract %slice3A_534[0] : f32 from vector<1xf32>
      %mul3A_536 = vector.broadcast %squeeze3A_535 : f32 to vector<16xf32>
      %mul3A_537 = arith.mulf %mul3A_536, %get3A_523 : vector<16xf32>
      %add3A_538 = arith.addf %add3A_442, %mul3A_537 : vector<16xf32>
      %slice3A_539 = vector.extract_strided_slice %get3A_281 {offsets = [10], sizes = [1], strides = [1]} : vector<16xf32> to vector<1xf32>
      %squeeze3A_540 = vector.extract %slice3A_539[0] : f32 from vector<1xf32>
      %mul3A_541 = vector.broadcast %squeeze3A_540 : f32 to vector<16xf32>
      %mul3A_542 = arith.mulf %mul3A_541, %get3A_523 : vector<16xf32>
      %add3A_543 = arith.addf %add3A_447, %mul3A_542 : vector<16xf32>
      %get3A_544 = arith.constant 1 : i32
      %get3A_545 = arith.index_cast %get3A_544 : i32 to index
      %get3A_546 = arith.constant 48 : index
      %get3A_547 = tpu.vector_load %arg10[%get3A_545, %get3A_546] {strides = array<i32>} : memref<16x128xf32, #tpu.memory_space<vmem>>, vector<16xf32>,
      %slice3A_548 = vector.extract_strided_slice %get3A_263 {offsets = [11], sizes = [1], strides = [1]} : vector<16xf32> to vector<1xf32>
      %squeeze3A_549 = vector.extract %slice3A_548[0] : f32 from vector<1xf32>
      %mul3A_550 = vector.broadcast %squeeze3A_549 : f32 to vector<16xf32>
      %mul3A_551 = arith.mulf %mul3A_550, %get3A_547 : vector<16xf32>
      %add3A_552 = arith.addf %add3A_456, %mul3A_551 : vector<16xf32>
      %slice3A_553 = vector.extract_strided_slice %get3A_269 {offsets = [11], sizes = [1], strides = [1]} : vector<16xf32> to vector<1xf32>
      %squeeze3A_554 = vector.extract %slice3A_553[0] : f32 from vector<1xf32>
      %mul3A_555 = vector.broadcast %squeeze3A_554 : f32 to vector<16xf32>
      %mul3A_556 = arith.mulf %mul3A_555, %get3A_547 : vector<16xf32>
      %add3A_557 = arith.addf %add3A_461, %mul3A_556 : vector<16xf32>
      %slice3A_558 = vector.extract_strided_slice %get3A_275 {offsets = [11], sizes = [1], strides = [1]} : vector<16xf32> to vector<1xf32>
      %squeeze3A_559 = vector.extract %slice3A_558[0] : f32 from vector<1xf32>
      %mul3A_560 = vector.broadcast %squeeze3A_559 : f32 to vector<16xf32>
      %mul3A_561 = arith.mulf %mul3A_560, %get3A_547 : vector<16xf32>
      %add3A_562 = arith.addf %add3A_466, %mul3A_561 : vector<16xf32>
      %slice3A_563 = vector.extract_strided_slice %get3A_281 {offsets = [11], sizes = [1], strides = [1]} : vector<16xf32> to vector<1xf32>
      %squeeze3A_564 = vector.extract %slice3A_563[0] : f32 from vector<1xf32>
      %mul3A_565 = vector.broadcast %squeeze3A_564 : f32 to vector<16xf32>
      %mul3A_566 = arith.mulf %mul3A_565, %get3A_547 : vector<16xf32>
      %add3A_567 = arith.addf %add3A_471, %mul3A_566 : vector<16xf32>
      %get3A_568 = arith.constant 1 : i32
      %get3A_569 = arith.index_cast %get3A_568 : i32 to index
      %get3A_570 = arith.constant 64 : index
      %get3A_571 = tpu.vector_load %arg10[%get3A_569, %get3A_570] {strides = array<i32>} : memref<16x128xf32, #tpu.memory_space<vmem>>, vector<16xf32>,
      %slice3A_572 = vector.extract_strided_slice %get3A_263 {offsets = [12], sizes = [1], strides = [1]} : vector<16xf32> to vector<1xf32>
      %squeeze3A_573 = vector.extract %slice3A_572[0] : f32 from vector<1xf32>
      %mul3A_574 = vector.broadcast %squeeze3A_573 : f32 to vector<16xf32>
      %mul3A_575 = arith.mulf %mul3A_574, %get3A_571 : vector<16xf32>
      %add3A_576 = arith.addf %add3A_480, %mul3A_575 : vector<16xf32>
      %slice3A_577 = vector.extract_strided_slice %get3A_269 {offsets = [12], sizes = [1], strides = [1]} : vector<16xf32> to vector<1xf32>
      %squeeze3A_578 = vector.extract %slice3A_577[0] : f32 from vector<1xf32>
      %mul3A_579 = vector.broadcast %squeeze3A_578 : f32 to vector<16xf32>
      %mul3A_580 = arith.mulf %mul3A_579, %get3A_571 : vector<16xf32>
      %add3A_581 = arith.addf %add3A_485, %mul3A_580 : vector<16xf32>
      %slice3A_582 = vector.extract_strided_slice %get3A_275 {offsets = [12], sizes = [1], strides = [1]} : vector<16xf32> to vector<1xf32>
      %squeeze3A_583 = vector.extract %slice3A_582[0] : f32 from vector<1xf32>
      %mul3A_584 = vector.broadcast %squeeze3A_583 : f32 to vector<16xf32>
      %mul3A_585 = arith.mulf %mul3A_584, %get3A_571 : vector<16xf32>
      %add3A_586 = arith.addf %add3A_490, %mul3A_585 : vector<16xf32>
      %slice3A_587 = vector.extract_strided_slice %get3A_281 {offsets = [12], sizes = [1], strides = [1]} : vector<16xf32> to vector<1xf32>
      %squeeze3A_588 = vector.extract %slice3A_587[0] : f32 from vector<1xf32>
      %mul3A_589 = vector.broadcast %squeeze3A_588 : f32 to vector<16xf32>
      %mul3A_590 = arith.mulf %mul3A_589, %get3A_571 : vector<16xf32>
      %add3A_591 = arith.addf %add3A_495, %mul3A_590 : vector<16xf32>
      %get3A_592 = arith.constant 1 : i32
      %get3A_593 = arith.index_cast %get3A_592 : i32 to index
      %get3A_594 = arith.constant 80 : index
      %get3A_595 = tpu.vector_load %arg10[%get3A_593, %get3A_594] {strides = array<i32>} : memref<16x128xf32, #tpu.memory_space<vmem>>, vector<16xf32>,
      %slice3A_596 = vector.extract_strided_slice %get3A_263 {offsets = [13], sizes = [1], strides = [1]} : vector<16xf32> to vector<1xf32>
      %squeeze3A_597 = vector.extract %slice3A_596[0] : f32 from vector<1xf32>
      %mul3A_598 = vector.broadcast %squeeze3A_597 : f32 to vector<16xf32>
      %mul3A_599 = arith.mulf %mul3A_598, %get3A_595 : vector<16xf32>
      %add3A_600 = arith.addf %add3A_504, %mul3A_599 : vector<16xf32>
      %slice3A_601 = vector.extract_strided_slice %get3A_269 {offsets = [13], sizes = [1], strides = [1]} : vector<16xf32> to vector<1xf32>
      %squeeze3A_602 = vector.extract %slice3A_601[0] : f32 from vector<1xf32>
      %mul3A_603 = vector.broadcast %squeeze3A_602 : f32 to vector<16xf32>
      %mul3A_604 = arith.mulf %mul3A_603, %get3A_595 : vector<16xf32>
      %add3A_605 = arith.addf %add3A_509, %mul3A_604 : vector<16xf32>
      %slice3A_606 = vector.extract_strided_slice %get3A_275 {offsets = [13], sizes = [1], strides = [1]} : vector<16xf32> to vector<1xf32>
      %squeeze3A_607 = vector.extract %slice3A_606[0] : f32 from vector<1xf32>
      %mul3A_608 = vector.broadcast %squeeze3A_607 : f32 to vector<16xf32>
      %mul3A_609 = arith.mulf %mul3A_608, %get3A_595 : vector<16xf32>
      %add3A_610 = arith.addf %add3A_514, %mul3A_609 : vector<16xf32>
      %slice3A_611 = vector.extract_strided_slice %get3A_281 {offsets = [13], sizes = [1], strides = [1]} : vector<16xf32> to vector<1xf32>
      %squeeze3A_612 = vector.extract %slice3A_611[0] : f32 from vector<1xf32>
      %mul3A_613 = vector.broadcast %squeeze3A_612 : f32 to vector<16xf32>
      %mul3A_614 = arith.mulf %mul3A_613, %get3A_595 : vector<16xf32>
      %add3A_615 = arith.addf %add3A_519, %mul3A_614 : vector<16xf32>
      %get3A_616 = arith.constant 1 : i32
      %get3A_617 = arith.index_cast %get3A_616 : i32 to index
      %get3A_618 = arith.constant 96 : index
      %get3A_619 = tpu.vector_load %arg10[%get3A_617, %get3A_618] {strides = array<i32>} : memref<16x128xf32, #tpu.memory_space<vmem>>, vector<16xf32>,
      %slice3A_620 = vector.extract_strided_slice %get3A_263 {offsets = [14], sizes = [1], strides = [1]} : vector<16xf32> to vector<1xf32>
      %squeeze3A_621 = vector.extract %slice3A_620[0] : f32 from vector<1xf32>
      %mul3A_622 = vector.broadcast %squeeze3A_621 : f32 to vector<16xf32>
      %mul3A_623 = arith.mulf %mul3A_622, %get3A_619 : vector<16xf32>
      %add3A_624 = arith.addf %add3A_528, %mul3A_623 : vector<16xf32>
      %slice3A_625 = vector.extract_strided_slice %get3A_269 {offsets = [14], sizes = [1], strides = [1]} : vector<16xf32> to vector<1xf32>
      %squeeze3A_626 = vector.extract %slice3A_625[0] : f32 from vector<1xf32>
      %mul3A_627 = vector.broadcast %squeeze3A_626 : f32 to vector<16xf32>
      %mul3A_628 = arith.mulf %mul3A_627, %get3A_619 : vector<16xf32>
      %add3A_629 = arith.addf %add3A_533, %mul3A_628 : vector<16xf32>
      %slice3A_630 = vector.extract_strided_slice %get3A_275 {offsets = [14], sizes = [1], strides = [1]} : vector<16xf32> to vector<1xf32>
      %squeeze3A_631 = vector.extract %slice3A_630[0] : f32 from vector<1xf32>
      %mul3A_632 = vector.broadcast %squeeze3A_631 : f32 to vector<16xf32>
      %mul3A_633 = arith.mulf %mul3A_632, %get3A_619 : vector<16xf32>
      %add3A_634 = arith.addf %add3A_538, %mul3A_633 : vector<16xf32>
      %slice3A_635 = vector.extract_strided_slice %get3A_281 {offsets = [14], sizes = [1], strides = [1]} : vector<16xf32> to vector<1xf32>
      %squeeze3A_636 = vector.extract %slice3A_635[0] : f32 from vector<1xf32>
      %mul3A_637 = vector.broadcast %squeeze3A_636 : f32 to vector<16xf32>
      %mul3A_638 = arith.mulf %mul3A_637, %get3A_619 : vector<16xf32>
      %add3A_639 = arith.addf %add3A_543, %mul3A_638 : vector<16xf32>
      %get3A_640 = arith.constant 1 : i32
      %get3A_641 = arith.index_cast %get3A_640 : i32 to index
      %get3A_642 = arith.constant 112 : index
      %get3A_643 = tpu.vector_load %arg10[%get3A_641, %get3A_642] {strides = array<i32>} : memref<16x128xf32, #tpu.memory_space<vmem>>, vector<16xf32>,
      %slice3A_644 = vector.extract_strided_slice %get3A_263 {offsets = [15], sizes = [1], strides = [1]} : vector<16xf32> to vector<1xf32>
      %squeeze3A_645 = vector.extract %slice3A_644[0] : f32 from vector<1xf32>
      %mul3A_646 = vector.broadcast %squeeze3A_645 : f32 to vector<16xf32>
      %mul3A_647 = arith.mulf %mul3A_646, %get3A_643 : vector<16xf32>
      %add3A_648 = arith.addf %add3A_552, %mul3A_647 : vector<16xf32>
      %slice3A_649 = vector.extract_strided_slice %get3A_269 {offsets = [15], sizes = [1], strides = [1]} : vector<16xf32> to vector<1xf32>
      %squeeze3A_650 = vector.extract %slice3A_649[0] : f32 from vector<1xf32>
      %mul3A_651 = vector.broadcast %squeeze3A_650 : f32 to vector<16xf32>
      %mul3A_652 = arith.mulf %mul3A_651, %get3A_643 : vector<16xf32>
      %add3A_653 = arith.addf %add3A_557, %mul3A_652 : vector<16xf32>
      %slice3A_654 = vector.extract_strided_slice %get3A_275 {offsets = [15], sizes = [1], strides = [1]} : vector<16xf32> to vector<1xf32>
      %squeeze3A_655 = vector.extract %slice3A_654[0] : f32 from vector<1xf32>
      %mul3A_656 = vector.broadcast %squeeze3A_655 : f32 to vector<16xf32>
      %mul3A_657 = arith.mulf %mul3A_656, %get3A_643 : vector<16xf32>
      %add3A_658 = arith.addf %add3A_562, %mul3A_657 : vector<16xf32>
      %slice3A_659 = vector.extract_strided_slice %get3A_281 {offsets = [15], sizes = [1], strides = [1]} : vector<16xf32> to vector<1xf32>
      %squeeze3A_660 = vector.extract %slice3A_659[0] : f32 from vector<1xf32>
      %mul3A_661 = vector.broadcast %squeeze3A_660 : f32 to vector<16xf32>
      %mul3A_662 = arith.mulf %mul3A_661, %get3A_643 : vector<16xf32>
      %add3A_663 = arith.addf %add3A_567, %mul3A_662 : vector<16xf32>
      %add3A_664 = arith.constant 0 : i32
      %add3A_665 = arith.addi %mul3A_226, %add3A_664 : i32
      %add3A_666 = arith.addi %add3A_665, %sub3A : i32
      %get3A_667 = arith.index_cast %add3A_666 : i32 to index
      %get3A_668 = arith.constant 16 : index
      %get3A_669 = tpu.vector_load %arg9[%get3A_667, %get3A_668] {strides = array<i32>} : memref<64x128xf32, #tpu.memory_space<vmem>>, vector<16xf32>,
      %add3A_670 = arith.constant 1 : i32
      %add3A_671 = arith.addi %mul3A_226, %add3A_670 : i32
      %add3A_672 = arith.addi %add3A_671, %sub3A : i32
      %get3A_673 = arith.index_cast %add3A_672 : i32 to index
      %get3A_674 = arith.constant 16 : index
      %get3A_675 = tpu.vector_load %arg9[%get3A_673, %get3A_674] {strides = array<i32>} : memref<64x128xf32, #tpu.memory_space<vmem>>, vector<16xf32>,
      %add3A_676 = arith.constant 2 : i32
      %add3A_677 = arith.addi %mul3A_226, %add3A_676 : i32
      %add3A_678 = arith.addi %add3A_677, %sub3A : i32
      %get3A_679 = arith.index_cast %add3A_678 : i32 to index
      %get3A_680 = arith.constant 16 : index
      %get3A_681 = tpu.vector_load %arg9[%get3A_679, %get3A_680] {strides = array<i32>} : memref<64x128xf32, #tpu.memory_space<vmem>>, vector<16xf32>,
      %add3A_682 = arith.constant 3 : i32
      %add3A_683 = arith.addi %mul3A_226, %add3A_682 : i32
      %add3A_684 = arith.addi %add3A_683, %sub3A : i32
      %get3A_685 = arith.index_cast %add3A_684 : i32 to index
      %get3A_686 = arith.constant 16 : index
      %get3A_687 = tpu.vector_load %arg9[%get3A_685, %get3A_686] {strides = array<i32>} : memref<64x128xf32, #tpu.memory_space<vmem>>, vector<16xf32>,
      %get3A_688 = arith.constant 2 : i32
      %get3A_689 = arith.index_cast %get3A_688 : i32 to index
      %get3A_690 = arith.constant 0 : index
      %get3A_691 = tpu.vector_load %arg10[%get3A_689, %get3A_690] {strides = array<i32>} : memref<16x128xf32, #tpu.memory_space<vmem>>, vector<16xf32>,
      %slice3A_692 = vector.extract_strided_slice %get3A_669 {offsets = [0], sizes = [1], strides = [1]} : vector<16xf32> to vector<1xf32>
      %squeeze3A_693 = vector.extract %slice3A_692[0] : f32 from vector<1xf32>
      %mul3A_694 = vector.broadcast %squeeze3A_693 : f32 to vector<16xf32>
      %mul3A_695 = arith.mulf %mul3A_694, %get3A_691 : vector<16xf32>
      %add3A_696 = arith.addf %add3A_576, %mul3A_695 : vector<16xf32>
      %slice3A_697 = vector.extract_strided_slice %get3A_675 {offsets = [0], sizes = [1], strides = [1]} : vector<16xf32> to vector<1xf32>
      %squeeze3A_698 = vector.extract %slice3A_697[0] : f32 from vector<1xf32>
      %mul3A_699 = vector.broadcast %squeeze3A_698 : f32 to vector<16xf32>
      %mul3A_700 = arith.mulf %mul3A_699, %get3A_691 : vector<16xf32>
      %add3A_701 = arith.addf %add3A_581, %mul3A_700 : vector<16xf32>
      %slice3A_702 = vector.extract_strided_slice %get3A_681 {offsets = [0], sizes = [1], strides = [1]} : vector<16xf32> to vector<1xf32>
      %squeeze3A_703 = vector.extract %slice3A_702[0] : f32 from vector<1xf32>
      %mul3A_704 = vector.broadcast %squeeze3A_703 : f32 to vector<16xf32>
      %mul3A_705 = arith.mulf %mul3A_704, %get3A_691 : vector<16xf32>
      %add3A_706 = arith.addf %add3A_586, %mul3A_705 : vector<16xf32>
      %slice3A_707 = vector.extract_strided_slice %get3A_687 {offsets = [0], sizes = [1], strides = [1]} : vector<16xf32> to vector<1xf32>
      %squeeze3A_708 = vector.extract %slice3A_707[0] : f32 from vector<1xf32>
      %mul3A_709 = vector.broadcast %squeeze3A_708 : f32 to vector<16xf32>
      %mul3A_710 = arith.mulf %mul3A_709, %get3A_691 : vector<16xf32>
      %add3A_711 = arith.addf %add3A_591, %mul3A_710 : vector<16xf32>
      %get3A_712 = arith.constant 2 : i32
      %get3A_713 = arith.index_cast %get3A_712 : i32 to index
      %get3A_714 = arith.constant 16 : index
      %get3A_715 = tpu.vector_load %arg10[%get3A_713, %get3A_714] {strides = array<i32>} : memref<16x128xf32, #tpu.memory_space<vmem>>, vector<16xf32>,
      %slice3A_716 = vector.extract_strided_slice %get3A_669 {offsets = [1], sizes = [1], strides = [1]} : vector<16xf32> to vector<1xf32>
      %squeeze3A_717 = vector.extract %slice3A_716[0] : f32 from vector<1xf32>
      %mul3A_718 = vector.broadcast %squeeze3A_717 : f32 to vector<16xf32>
      %mul3A_719 = arith.mulf %mul3A_718, %get3A_715 : vector<16xf32>
      %add3A_720 = arith.addf %add3A_600, %mul3A_719 : vector<16xf32>
      %slice3A_721 = vector.extract_strided_slice %get3A_675 {offsets = [1], sizes = [1], strides = [1]} : vector<16xf32> to vector<1xf32>
      %squeeze3A_722 = vector.extract %slice3A_721[0] : f32 from vector<1xf32>
      %mul3A_723 = vector.broadcast %squeeze3A_722 : f32 to vector<16xf32>
      %mul3A_724 = arith.mulf %mul3A_723, %get3A_715 : vector<16xf32>
      %add3A_725 = arith.addf %add3A_605, %mul3A_724 : vector<16xf32>
      %slice3A_726 = vector.extract_strided_slice %get3A_681 {offsets = [1], sizes = [1], strides = [1]} : vector<16xf32> to vector<1xf32>
      %squeeze3A_727 = vector.extract %slice3A_726[0] : f32 from vector<1xf32>
      %mul3A_728 = vector.broadcast %squeeze3A_727 : f32 to vector<16xf32>
      %mul3A_729 = arith.mulf %mul3A_728, %get3A_715 : vector<16xf32>
      %add3A_730 = arith.addf %add3A_610, %mul3A_729 : vector<16xf32>
      %slice3A_731 = vector.extract_strided_slice %get3A_687 {offsets = [1], sizes = [1], strides = [1]} : vector<16xf32> to vector<1xf32>
      %squeeze3A_732 = vector.extract %slice3A_731[0] : f32 from vector<1xf32>
      %mul3A_733 = vector.broadcast %squeeze3A_732 : f32 to vector<16xf32>
      %mul3A_734 = arith.mulf %mul3A_733, %get3A_715 : vector<16xf32>
      %add3A_735 = arith.addf %add3A_615, %mul3A_734 : vector<16xf32>
      %get3A_736 = arith.constant 2 : i32
      %get3A_737 = arith.index_cast %get3A_736 : i32 to index
      %get3A_738 = arith.constant 32 : index
      %get3A_739 = tpu.vector_load %arg10[%get3A_737, %get3A_738] {strides = array<i32>} : memref<16x128xf32, #tpu.memory_space<vmem>>, vector<16xf32>,
      %slice3A_740 = vector.extract_strided_slice %get3A_669 {offsets = [2], sizes = [1], strides = [1]} : vector<16xf32> to vector<1xf32>
      %squeeze3A_741 = vector.extract %slice3A_740[0] : f32 from vector<1xf32>
      %mul3A_742 = vector.broadcast %squeeze3A_741 : f32 to vector<16xf32>
      %mul3A_743 = arith.mulf %mul3A_742, %get3A_739 : vector<16xf32>
      %add3A_744 = arith.addf %add3A_624, %mul3A_743 : vector<16xf32>
      %slice3A_745 = vector.extract_strided_slice %get3A_675 {offsets = [2], sizes = [1], strides = [1]} : vector<16xf32> to vector<1xf32>
      %squeeze3A_746 = vector.extract %slice3A_745[0] : f32 from vector<1xf32>
      %mul3A_747 = vector.broadcast %squeeze3A_746 : f32 to vector<16xf32>
      %mul3A_748 = arith.mulf %mul3A_747, %get3A_739 : vector<16xf32>
      %add3A_749 = arith.addf %add3A_629, %mul3A_748 : vector<16xf32>
      %slice3A_750 = vector.extract_strided_slice %get3A_681 {offsets = [2], sizes = [1], strides = [1]} : vector<16xf32> to vector<1xf32>
      %squeeze3A_751 = vector.extract %slice3A_750[0] : f32 from vector<1xf32>
      %mul3A_752 = vector.broadcast %squeeze3A_751 : f32 to vector<16xf32>
      %mul3A_753 = arith.mulf %mul3A_752, %get3A_739 : vector<16xf32>
      %add3A_754 = arith.addf %add3A_634, %mul3A_753 : vector<16xf32>
      %slice3A_755 = vector.extract_strided_slice %get3A_687 {offsets = [2], sizes = [1], strides = [1]} : vector<16xf32> to vector<1xf32>
      %squeeze3A_756 = vector.extract %slice3A_755[0] : f32 from vector<1xf32>
      %mul3A_757 = vector.broadcast %squeeze3A_756 : f32 to vector<16xf32>
      %mul3A_758 = arith.mulf %mul3A_757, %get3A_739 : vector<16xf32>
      %add3A_759 = arith.addf %add3A_639, %mul3A_758 : vector<16xf32>
      %get3A_760 = arith.constant 2 : i32
      %get3A_761 = arith.index_cast %get3A_760 : i32 to index
      %get3A_762 = arith.constant 48 : index
      %get3A_763 = tpu.vector_load %arg10[%get3A_761, %get3A_762] {strides = array<i32>} : memref<16x128xf32, #tpu.memory_space<vmem>>, vector<16xf32>,
      %slice3A_764 = vector.extract_strided_slice %get3A_669 {offsets = [3], sizes = [1], strides = [1]} : vector<16xf32> to vector<1xf32>
      %squeeze3A_765 = vector.extract %slice3A_764[0] : f32 from vector<1xf32>
      %mul3A_766 = vector.broadcast %squeeze3A_765 : f32 to vector<16xf32>
      %mul3A_767 = arith.mulf %mul3A_766, %get3A_763 : vector<16xf32>
      %add3A_768 = arith.addf %add3A_648, %mul3A_767 : vector<16xf32>
      %slice3A_769 = vector.extract_strided_slice %get3A_675 {offsets = [3], sizes = [1], strides = [1]} : vector<16xf32> to vector<1xf32>
      %squeeze3A_770 = vector.extract %slice3A_769[0] : f32 from vector<1xf32>
      %mul3A_771 = vector.broadcast %squeeze3A_770 : f32 to vector<16xf32>
      %mul3A_772 = arith.mulf %mul3A_771, %get3A_763 : vector<16xf32>
      %add3A_773 = arith.addf %add3A_653, %mul3A_772 : vector<16xf32>
      %slice3A_774 = vector.extract_strided_slice %get3A_681 {offsets = [3], sizes = [1], strides = [1]} : vector<16xf32> to vector<1xf32>
      %squeeze3A_775 = vector.extract %slice3A_774[0] : f32 from vector<1xf32>
      %mul3A_776 = vector.broadcast %squeeze3A_775 : f32 to vector<16xf32>
      %mul3A_777 = arith.mulf %mul3A_776, %get3A_763 : vector<16xf32>
      %add3A_778 = arith.addf %add3A_658, %mul3A_777 : vector<16xf32>
      %slice3A_779 = vector.extract_strided_slice %get3A_687 {offsets = [3], sizes = [1], strides = [1]} : vector<16xf32> to vector<1xf32>
      %squeeze3A_780 = vector.extract %slice3A_779[0] : f32 from vector<1xf32>
      %mul3A_781 = vector.broadcast %squeeze3A_780 : f32 to vector<16xf32>
      %mul3A_782 = arith.mulf %mul3A_781, %get3A_763 : vector<16xf32>
      %add3A_783 = arith.addf %add3A_663, %mul3A_782 : vector<16xf32>
      %get3A_784 = arith.constant 2 : i32
      %get3A_785 = arith.index_cast %get3A_784 : i32 to index
      %get3A_786 = arith.constant 64 : index
      %get3A_787 = tpu.vector_load %arg10[%get3A_785, %get3A_786] {strides = array<i32>} : memref<16x128xf32, #tpu.memory_space<vmem>>, vector<16xf32>,
      %slice3A_788 = vector.extract_strided_slice %get3A_669 {offsets = [4], sizes = [1], strides = [1]} : vector<16xf32> to vector<1xf32>
      %squeeze3A_789 = vector.extract %slice3A_788[0] : f32 from vector<1xf32>
      %mul3A_790 = vector.broadcast %squeeze3A_789 : f32 to vector<16xf32>
      %mul3A_791 = arith.mulf %mul3A_790, %get3A_787 : vector<16xf32>
      %add3A_792 = arith.addf %add3A_696, %mul3A_791 : vector<16xf32>
      %slice3A_793 = vector.extract_strided_slice %get3A_675 {offsets = [4], sizes = [1], strides = [1]} : vector<16xf32> to vector<1xf32>
      %squeeze3A_794 = vector.extract %slice3A_793[0] : f32 from vector<1xf32>
      %mul3A_795 = vector.broadcast %squeeze3A_794 : f32 to vector<16xf32>
      %mul3A_796 = arith.mulf %mul3A_795, %get3A_787 : vector<16xf32>
      %add3A_797 = arith.addf %add3A_701, %mul3A_796 : vector<16xf32>
      %slice3A_798 = vector.extract_strided_slice %get3A_681 {offsets = [4], sizes = [1], strides = [1]} : vector<16xf32> to vector<1xf32>
      %squeeze3A_799 = vector.extract %slice3A_798[0] : f32 from vector<1xf32>
      %mul3A_800 = vector.broadcast %squeeze3A_799 : f32 to vector<16xf32>
      %mul3A_801 = arith.mulf %mul3A_800, %get3A_787 : vector<16xf32>
      %add3A_802 = arith.addf %add3A_706, %mul3A_801 : vector<16xf32>
      %slice3A_803 = vector.extract_strided_slice %get3A_687 {offsets = [4], sizes = [1], strides = [1]} : vector<16xf32> to vector<1xf32>
      %squeeze3A_804 = vector.extract %slice3A_803[0] : f32 from vector<1xf32>
      %mul3A_805 = vector.broadcast %squeeze3A_804 : f32 to vector<16xf32>
      %mul3A_806 = arith.mulf %mul3A_805, %get3A_787 : vector<16xf32>
      %add3A_807 = arith.addf %add3A_711, %mul3A_806 : vector<16xf32>
      %get3A_808 = arith.constant 2 : i32
      %get3A_809 = arith.index_cast %get3A_808 : i32 to index
      %get3A_810 = arith.constant 80 : index
      %get3A_811 = tpu.vector_load %arg10[%get3A_809, %get3A_810] {strides = array<i32>} : memref<16x128xf32, #tpu.memory_space<vmem>>, vector<16xf32>,
      %slice3A_812 = vector.extract_strided_slice %get3A_669 {offsets = [5], sizes = [1], strides = [1]} : vector<16xf32> to vector<1xf32>
      %squeeze3A_813 = vector.extract %slice3A_812[0] : f32 from vector<1xf32>
      %mul3A_814 = vector.broadcast %squeeze3A_813 : f32 to vector<16xf32>
      %mul3A_815 = arith.mulf %mul3A_814, %get3A_811 : vector<16xf32>
      %add3A_816 = arith.addf %add3A_720, %mul3A_815 : vector<16xf32>
      %slice3A_817 = vector.extract_strided_slice %get3A_675 {offsets = [5], sizes = [1], strides = [1]} : vector<16xf32> to vector<1xf32>
      %squeeze3A_818 = vector.extract %slice3A_817[0] : f32 from vector<1xf32>
      %mul3A_819 = vector.broadcast %squeeze3A_818 : f32 to vector<16xf32>
      %mul3A_820 = arith.mulf %mul3A_819, %get3A_811 : vector<16xf32>
      %add3A_821 = arith.addf %add3A_725, %mul3A_820 : vector<16xf32>
      %slice3A_822 = vector.extract_strided_slice %get3A_681 {offsets = [5], sizes = [1], strides = [1]} : vector<16xf32> to vector<1xf32>
      %squeeze3A_823 = vector.extract %slice3A_822[0] : f32 from vector<1xf32>
      %mul3A_824 = vector.broadcast %squeeze3A_823 : f32 to vector<16xf32>
      %mul3A_825 = arith.mulf %mul3A_824, %get3A_811 : vector<16xf32>
      %add3A_826 = arith.addf %add3A_730, %mul3A_825 : vector<16xf32>
      %slice3A_827 = vector.extract_strided_slice %get3A_687 {offsets = [5], sizes = [1], strides = [1]} : vector<16xf32> to vector<1xf32>
      %squeeze3A_828 = vector.extract %slice3A_827[0] : f32 from vector<1xf32>
      %mul3A_829 = vector.broadcast %squeeze3A_828 : f32 to vector<16xf32>
      %mul3A_830 = arith.mulf %mul3A_829, %get3A_811 : vector<16xf32>
      %add3A_831 = arith.addf %add3A_735, %mul3A_830 : vector<16xf32>
      %get3A_832 = arith.constant 2 : i32
      %get3A_833 = arith.index_cast %get3A_832 : i32 to index
      %get3A_834 = arith.constant 96 : index
      %get3A_835 = tpu.vector_load %arg10[%get3A_833, %get3A_834] {strides = array<i32>} : memref<16x128xf32, #tpu.memory_space<vmem>>, vector<16xf32>,
      %slice3A_836 = vector.extract_strided_slice %get3A_669 {offsets = [6], sizes = [1], strides = [1]} : vector<16xf32> to vector<1xf32>
      %squeeze3A_837 = vector.extract %slice3A_836[0] : f32 from vector<1xf32>
      %mul3A_838 = vector.broadcast %squeeze3A_837 : f32 to vector<16xf32>
      %mul3A_839 = arith.mulf %mul3A_838, %get3A_835 : vector<16xf32>
      %add3A_840 = arith.addf %add3A_744, %mul3A_839 : vector<16xf32>
      %slice3A_841 = vector.extract_strided_slice %get3A_675 {offsets = [6], sizes = [1], strides = [1]} : vector<16xf32> to vector<1xf32>
      %squeeze3A_842 = vector.extract %slice3A_841[0] : f32 from vector<1xf32>
      %mul3A_843 = vector.broadcast %squeeze3A_842 : f32 to vector<16xf32>
      %mul3A_844 = arith.mulf %mul3A_843, %get3A_835 : vector<16xf32>
      %add3A_845 = arith.addf %add3A_749, %mul3A_844 : vector<16xf32>
      %slice3A_846 = vector.extract_strided_slice %get3A_681 {offsets = [6], sizes = [1], strides = [1]} : vector<16xf32> to vector<1xf32>
      %squeeze3A_847 = vector.extract %slice3A_846[0] : f32 from vector<1xf32>
      %mul3A_848 = vector.broadcast %squeeze3A_847 : f32 to vector<16xf32>
      %mul3A_849 = arith.mulf %mul3A_848, %get3A_835 : vector<16xf32>
      %add3A_850 = arith.addf %add3A_754, %mul3A_849 : vector<16xf32>
      %slice3A_851 = vector.extract_strided_slice %get3A_687 {offsets = [6], sizes = [1], strides = [1]} : vector<16xf32> to vector<1xf32>
      %squeeze3A_852 = vector.extract %slice3A_851[0] : f32 from vector<1xf32>
      %mul3A_853 = vector.broadcast %squeeze3A_852 : f32 to vector<16xf32>
      %mul3A_854 = arith.mulf %mul3A_853, %get3A_835 : vector<16xf32>
      %add3A_855 = arith.addf %add3A_759, %mul3A_854 : vector<16xf32>
      %get3A_856 = arith.constant 2 : i32
      %get3A_857 = arith.index_cast %get3A_856 : i32 to index
      %get3A_858 = arith.constant 112 : index
      %get3A_859 = tpu.vector_load %arg10[%get3A_857, %get3A_858] {strides = array<i32>} : memref<16x128xf32, #tpu.memory_space<vmem>>, vector<16xf32>,
      %slice3A_860 = vector.extract_strided_slice %get3A_669 {offsets = [7], sizes = [1], strides = [1]} : vector<16xf32> to vector<1xf32>
      %squeeze3A_861 = vector.extract %slice3A_860[0] : f32 from vector<1xf32>
      %mul3A_862 = vector.broadcast %squeeze3A_861 : f32 to vector<16xf32>
      %mul3A_863 = arith.mulf %mul3A_862, %get3A_859 : vector<16xf32>
      %add3A_864 = arith.addf %add3A_768, %mul3A_863 : vector<16xf32>
      %slice3A_865 = vector.extract_strided_slice %get3A_675 {offsets = [7], sizes = [1], strides = [1]} : vector<16xf32> to vector<1xf32>
      %squeeze3A_866 = vector.extract %slice3A_865[0] : f32 from vector<1xf32>
      %mul3A_867 = vector.broadcast %squeeze3A_866 : f32 to vector<16xf32>
      %mul3A_868 = arith.mulf %mul3A_867, %get3A_859 : vector<16xf32>
      %add3A_869 = arith.addf %add3A_773, %mul3A_868 : vector<16xf32>
      %slice3A_870 = vector.extract_strided_slice %get3A_681 {offsets = [7], sizes = [1], strides = [1]} : vector<16xf32> to vector<1xf32>
      %squeeze3A_871 = vector.extract %slice3A_870[0] : f32 from vector<1xf32>
      %mul3A_872 = vector.broadcast %squeeze3A_871 : f32 to vector<16xf32>
      %mul3A_873 = arith.mulf %mul3A_872, %get3A_859 : vector<16xf32>
      %add3A_874 = arith.addf %add3A_778, %mul3A_873 : vector<16xf32>
      %slice3A_875 = vector.extract_strided_slice %get3A_687 {offsets = [7], sizes = [1], strides = [1]} : vector<16xf32> to vector<1xf32>
      %squeeze3A_876 = vector.extract %slice3A_875[0] : f32 from vector<1xf32>
      %mul3A_877 = vector.broadcast %squeeze3A_876 : f32 to vector<16xf32>
      %mul3A_878 = arith.mulf %mul3A_877, %get3A_859 : vector<16xf32>
      %add3A_879 = arith.addf %add3A_783, %mul3A_878 : vector<16xf32>
      %get3A_880 = arith.constant 3 : i32
      %get3A_881 = arith.index_cast %get3A_880 : i32 to index
      %get3A_882 = arith.constant 0 : index
      %get3A_883 = tpu.vector_load %arg10[%get3A_881, %get3A_882] {strides = array<i32>} : memref<16x128xf32, #tpu.memory_space<vmem>>, vector<16xf32>,
      %slice3A_884 = vector.extract_strided_slice %get3A_669 {offsets = [8], sizes = [1], strides = [1]} : vector<16xf32> to vector<1xf32>
      %squeeze3A_885 = vector.extract %slice3A_884[0] : f32 from vector<1xf32>
      %mul3A_886 = vector.broadcast %squeeze3A_885 : f32 to vector<16xf32>
      %mul3A_887 = arith.mulf %mul3A_886, %get3A_883 : vector<16xf32>
      %add3A_888 = arith.addf %add3A_792, %mul3A_887 : vector<16xf32>
      %slice3A_889 = vector.extract_strided_slice %get3A_675 {offsets = [8], sizes = [1], strides = [1]} : vector<16xf32> to vector<1xf32>
      %squeeze3A_890 = vector.extract %slice3A_889[0] : f32 from vector<1xf32>
      %mul3A_891 = vector.broadcast %squeeze3A_890 : f32 to vector<16xf32>
      %mul3A_892 = arith.mulf %mul3A_891, %get3A_883 : vector<16xf32>
      %add3A_893 = arith.addf %add3A_797, %mul3A_892 : vector<16xf32>
      %slice3A_894 = vector.extract_strided_slice %get3A_681 {offsets = [8], sizes = [1], strides = [1]} : vector<16xf32> to vector<1xf32>
      %squeeze3A_895 = vector.extract %slice3A_894[0] : f32 from vector<1xf32>
      %mul3A_896 = vector.broadcast %squeeze3A_895 : f32 to vector<16xf32>
      %mul3A_897 = arith.mulf %mul3A_896, %get3A_883 : vector<16xf32>
      %add3A_898 = arith.addf %add3A_802, %mul3A_897 : vector<16xf32>
      %slice3A_899 = vector.extract_strided_slice %get3A_687 {offsets = [8], sizes = [1], strides = [1]} : vector<16xf32> to vector<1xf32>
      %squeeze3A_900 = vector.extract %slice3A_899[0] : f32 from vector<1xf32>
      %mul3A_901 = vector.broadcast %squeeze3A_900 : f32 to vector<16xf32>
      %mul3A_902 = arith.mulf %mul3A_901, %get3A_883 : vector<16xf32>
      %add3A_903 = arith.addf %add3A_807, %mul3A_902 : vector<16xf32>
      %get3A_904 = arith.constant 3 : i32
      %get3A_905 = arith.index_cast %get3A_904 : i32 to index
      %get3A_906 = arith.constant 16 : index
      %get3A_907 = tpu.vector_load %arg10[%get3A_905, %get3A_906] {strides = array<i32>} : memref<16x128xf32, #tpu.memory_space<vmem>>, vector<16xf32>,
      %slice3A_908 = vector.extract_strided_slice %get3A_669 {offsets = [9], sizes = [1], strides = [1]} : vector<16xf32> to vector<1xf32>
      %squeeze3A_909 = vector.extract %slice3A_908[0] : f32 from vector<1xf32>
      %mul3A_910 = vector.broadcast %squeeze3A_909 : f32 to vector<16xf32>
      %mul3A_911 = arith.mulf %mul3A_910, %get3A_907 : vector<16xf32>
      %add3A_912 = arith.addf %add3A_816, %mul3A_911 : vector<16xf32>
      %slice3A_913 = vector.extract_strided_slice %get3A_675 {offsets = [9], sizes = [1], strides = [1]} : vector<16xf32> to vector<1xf32>
      %squeeze3A_914 = vector.extract %slice3A_913[0] : f32 from vector<1xf32>
      %mul3A_915 = vector.broadcast %squeeze3A_914 : f32 to vector<16xf32>
      %mul3A_916 = arith.mulf %mul3A_915, %get3A_907 : vector<16xf32>
      %add3A_917 = arith.addf %add3A_821, %mul3A_916 : vector<16xf32>
      %slice3A_918 = vector.extract_strided_slice %get3A_681 {offsets = [9], sizes = [1], strides = [1]} : vector<16xf32> to vector<1xf32>
      %squeeze3A_919 = vector.extract %slice3A_918[0] : f32 from vector<1xf32>
      %mul3A_920 = vector.broadcast %squeeze3A_919 : f32 to vector<16xf32>
      %mul3A_921 = arith.mulf %mul3A_920, %get3A_907 : vector<16xf32>
      %add3A_922 = arith.addf %add3A_826, %mul3A_921 : vector<16xf32>
      %slice3A_923 = vector.extract_strided_slice %get3A_687 {offsets = [9], sizes = [1], strides = [1]} : vector<16xf32> to vector<1xf32>
      %squeeze3A_924 = vector.extract %slice3A_923[0] : f32 from vector<1xf32>
      %mul3A_925 = vector.broadcast %squeeze3A_924 : f32 to vector<16xf32>
      %mul3A_926 = arith.mulf %mul3A_925, %get3A_907 : vector<16xf32>
      %add3A_927 = arith.addf %add3A_831, %mul3A_926 : vector<16xf32>
      %get3A_928 = arith.constant 3 : i32
      %get3A_929 = arith.index_cast %get3A_928 : i32 to index
      %get3A_930 = arith.constant 32 : index
      %get3A_931 = tpu.vector_load %arg10[%get3A_929, %get3A_930] {strides = array<i32>} : memref<16x128xf32, #tpu.memory_space<vmem>>, vector<16xf32>,
      %slice3A_932 = vector.extract_strided_slice %get3A_669 {offsets = [10], sizes = [1], strides = [1]} : vector<16xf32> to vector<1xf32>
      %squeeze3A_933 = vector.extract %slice3A_932[0] : f32 from vector<1xf32>
      %mul3A_934 = vector.broadcast %squeeze3A_933 : f32 to vector<16xf32>
      %mul3A_935 = arith.mulf %mul3A_934, %get3A_931 : vector<16xf32>
      %add3A_936 = arith.addf %add3A_840, %mul3A_935 : vector<16xf32>
      %slice3A_937 = vector.extract_strided_slice %get3A_675 {offsets = [10], sizes = [1], strides = [1]} : vector<16xf32> to vector<1xf32>
      %squeeze3A_938 = vector.extract %slice3A_937[0] : f32 from vector<1xf32>
      %mul3A_939 = vector.broadcast %squeeze3A_938 : f32 to vector<16xf32>
      %mul3A_940 = arith.mulf %mul3A_939, %get3A_931 : vector<16xf32>
      %add3A_941 = arith.addf %add3A_845, %mul3A_940 : vector<16xf32>
      %slice3A_942 = vector.extract_strided_slice %get3A_681 {offsets = [10], sizes = [1], strides = [1]} : vector<16xf32> to vector<1xf32>
      %squeeze3A_943 = vector.extract %slice3A_942[0] : f32 from vector<1xf32>
      %mul3A_944 = vector.broadcast %squeeze3A_943 : f32 to vector<16xf32>
      %mul3A_945 = arith.mulf %mul3A_944, %get3A_931 : vector<16xf32>
      %add3A_946 = arith.addf %add3A_850, %mul3A_945 : vector<16xf32>
      %slice3A_947 = vector.extract_strided_slice %get3A_687 {offsets = [10], sizes = [1], strides = [1]} : vector<16xf32> to vector<1xf32>
      %squeeze3A_948 = vector.extract %slice3A_947[0] : f32 from vector<1xf32>
      %mul3A_949 = vector.broadcast %squeeze3A_948 : f32 to vector<16xf32>
      %mul3A_950 = arith.mulf %mul3A_949, %get3A_931 : vector<16xf32>
      %add3A_951 = arith.addf %add3A_855, %mul3A_950 : vector<16xf32>
      %get3A_952 = arith.constant 3 : i32
      %get3A_953 = arith.index_cast %get3A_952 : i32 to index
      %get3A_954 = arith.constant 48 : index
      %get3A_955 = tpu.vector_load %arg10[%get3A_953, %get3A_954] {strides = array<i32>} : memref<16x128xf32, #tpu.memory_space<vmem>>, vector<16xf32>,
      %slice3A_956 = vector.extract_strided_slice %get3A_669 {offsets = [11], sizes = [1], strides = [1]} : vector<16xf32> to vector<1xf32>
      %squeeze3A_957 = vector.extract %slice3A_956[0] : f32 from vector<1xf32>
      %mul3A_958 = vector.broadcast %squeeze3A_957 : f32 to vector<16xf32>
      %mul3A_959 = arith.mulf %mul3A_958, %get3A_955 : vector<16xf32>
      %add3A_960 = arith.addf %add3A_864, %mul3A_959 : vector<16xf32>
      %slice3A_961 = vector.extract_strided_slice %get3A_675 {offsets = [11], sizes = [1], strides = [1]} : vector<16xf32> to vector<1xf32>
      %squeeze3A_962 = vector.extract %slice3A_961[0] : f32 from vector<1xf32>
      %mul3A_963 = vector.broadcast %squeeze3A_962 : f32 to vector<16xf32>
      %mul3A_964 = arith.mulf %mul3A_963, %get3A_955 : vector<16xf32>
      %add3A_965 = arith.addf %add3A_869, %mul3A_964 : vector<16xf32>
      %slice3A_966 = vector.extract_strided_slice %get3A_681 {offsets = [11], sizes = [1], strides = [1]} : vector<16xf32> to vector<1xf32>
      %squeeze3A_967 = vector.extract %slice3A_966[0] : f32 from vector<1xf32>
      %mul3A_968 = vector.broadcast %squeeze3A_967 : f32 to vector<16xf32>
      %mul3A_969 = arith.mulf %mul3A_968, %get3A_955 : vector<16xf32>
      %add3A_970 = arith.addf %add3A_874, %mul3A_969 : vector<16xf32>
      %slice3A_971 = vector.extract_strided_slice %get3A_687 {offsets = [11], sizes = [1], strides = [1]} : vector<16xf32> to vector<1xf32>
      %squeeze3A_972 = vector.extract %slice3A_971[0] : f32 from vector<1xf32>
      %mul3A_973 = vector.broadcast %squeeze3A_972 : f32 to vector<16xf32>
      %mul3A_974 = arith.mulf %mul3A_973, %get3A_955 : vector<16xf32>
      %add3A_975 = arith.addf %add3A_879, %mul3A_974 : vector<16xf32>
      %get3A_976 = arith.constant 3 : i32
      %get3A_977 = arith.index_cast %get3A_976 : i32 to index
      %get3A_978 = arith.constant 64 : index
      %get3A_979 = tpu.vector_load %arg10[%get3A_977, %get3A_978] {strides = array<i32>} : memref<16x128xf32, #tpu.memory_space<vmem>>, vector<16xf32>,
      %slice3A_980 = vector.extract_strided_slice %get3A_669 {offsets = [12], sizes = [1], strides = [1]} : vector<16xf32> to vector<1xf32>
      %squeeze3A_981 = vector.extract %slice3A_980[0] : f32 from vector<1xf32>
      %mul3A_982 = vector.broadcast %squeeze3A_981 : f32 to vector<16xf32>
      %mul3A_983 = arith.mulf %mul3A_982, %get3A_979 : vector<16xf32>
      %add3A_984 = arith.addf %add3A_888, %mul3A_983 : vector<16xf32>
      %slice3A_985 = vector.extract_strided_slice %get3A_675 {offsets = [12], sizes = [1], strides = [1]} : vector<16xf32> to vector<1xf32>
      %squeeze3A_986 = vector.extract %slice3A_985[0] : f32 from vector<1xf32>
      %mul3A_987 = vector.broadcast %squeeze3A_986 : f32 to vector<16xf32>
      %mul3A_988 = arith.mulf %mul3A_987, %get3A_979 : vector<16xf32>
      %add3A_989 = arith.addf %add3A_893, %mul3A_988 : vector<16xf32>
      %slice3A_990 = vector.extract_strided_slice %get3A_681 {offsets = [12], sizes = [1], strides = [1]} : vector<16xf32> to vector<1xf32>
      %squeeze3A_991 = vector.extract %slice3A_990[0] : f32 from vector<1xf32>
      %mul3A_992 = vector.broadcast %squeeze3A_991 : f32 to vector<16xf32>
      %mul3A_993 = arith.mulf %mul3A_992, %get3A_979 : vector<16xf32>
      %add3A_994 = arith.addf %add3A_898, %mul3A_993 : vector<16xf32>
      %slice3A_995 = vector.extract_strided_slice %get3A_687 {offsets = [12], sizes = [1], strides = [1]} : vector<16xf32> to vector<1xf32>
      %squeeze3A_996 = vector.extract %slice3A_995[0] : f32 from vector<1xf32>
      %mul3A_997 = vector.broadcast %squeeze3A_996 : f32 to vector<16xf32>
      %mul3A_998 = arith.mulf %mul3A_997, %get3A_979 : vector<16xf32>
      %add3A_999 = arith.addf %add3A_903, %mul3A_998 : vector<16xf32>
      %get3A_1000 = arith.constant 3 : i32
      %get3A_1001 = arith.index_cast %get3A_1000 : i32 to index
      %get3A_1002 = arith.constant 80 : index
      %get3A_1003 = tpu.vector_load %arg10[%get3A_1001, %get3A_1002] {strides = array<i32>} : memref<16x128xf32, #tpu.memory_space<vmem>>, vector<16xf32>,
      %slice3A_1004 = vector.extract_strided_slice %get3A_669 {offsets = [13], sizes = [1], strides = [1]} : vector<16xf32> to vector<1xf32>
      %squeeze3A_1005 = vector.extract %slice3A_1004[0] : f32 from vector<1xf32>
      %mul3A_1006 = vector.broadcast %squeeze3A_1005 : f32 to vector<16xf32>
      %mul3A_1007 = arith.mulf %mul3A_1006, %get3A_1003 : vector<16xf32>
      %add3A_1008 = arith.addf %add3A_912, %mul3A_1007 : vector<16xf32>
      %slice3A_1009 = vector.extract_strided_slice %get3A_675 {offsets = [13], sizes = [1], strides = [1]} : vector<16xf32> to vector<1xf32>
      %squeeze3A_1010 = vector.extract %slice3A_1009[0] : f32 from vector<1xf32>
      %mul3A_1011 = vector.broadcast %squeeze3A_1010 : f32 to vector<16xf32>
      %mul3A_1012 = arith.mulf %mul3A_1011, %get3A_1003 : vector<16xf32>
      %add3A_1013 = arith.addf %add3A_917, %mul3A_1012 : vector<16xf32>
      %slice3A_1014 = vector.extract_strided_slice %get3A_681 {offsets = [13], sizes = [1], strides = [1]} : vector<16xf32> to vector<1xf32>
      %squeeze3A_1015 = vector.extract %slice3A_1014[0] : f32 from vector<1xf32>
      %mul3A_1016 = vector.broadcast %squeeze3A_1015 : f32 to vector<16xf32>
      %mul3A_1017 = arith.mulf %mul3A_1016, %get3A_1003 : vector<16xf32>
      %add3A_1018 = arith.addf %add3A_922, %mul3A_1017 : vector<16xf32>
      %slice3A_1019 = vector.extract_strided_slice %get3A_687 {offsets = [13], sizes = [1], strides = [1]} : vector<16xf32> to vector<1xf32>
      %squeeze3A_1020 = vector.extract %slice3A_1019[0] : f32 from vector<1xf32>
      %mul3A_1021 = vector.broadcast %squeeze3A_1020 : f32 to vector<16xf32>
      %mul3A_1022 = arith.mulf %mul3A_1021, %get3A_1003 : vector<16xf32>
      %add3A_1023 = arith.addf %add3A_927, %mul3A_1022 : vector<16xf32>
      %get3A_1024 = arith.constant 3 : i32
      %get3A_1025 = arith.index_cast %get3A_1024 : i32 to index
      %get3A_1026 = arith.constant 96 : index
      %get3A_1027 = tpu.vector_load %arg10[%get3A_1025, %get3A_1026] {strides = array<i32>} : memref<16x128xf32, #tpu.memory_space<vmem>>, vector<16xf32>,
      %slice3A_1028 = vector.extract_strided_slice %get3A_669 {offsets = [14], sizes = [1], strides = [1]} : vector<16xf32> to vector<1xf32>
      %squeeze3A_1029 = vector.extract %slice3A_1028[0] : f32 from vector<1xf32>
      %mul3A_1030 = vector.broadcast %squeeze3A_1029 : f32 to vector<16xf32>
      %mul3A_1031 = arith.mulf %mul3A_1030, %get3A_1027 : vector<16xf32>
      %add3A_1032 = arith.addf %add3A_936, %mul3A_1031 : vector<16xf32>
      %slice3A_1033 = vector.extract_strided_slice %get3A_675 {offsets = [14], sizes = [1], strides = [1]} : vector<16xf32> to vector<1xf32>
      %squeeze3A_1034 = vector.extract %slice3A_1033[0] : f32 from vector<1xf32>
      %mul3A_1035 = vector.broadcast %squeeze3A_1034 : f32 to vector<16xf32>
      %mul3A_1036 = arith.mulf %mul3A_1035, %get3A_1027 : vector<16xf32>
      %add3A_1037 = arith.addf %add3A_941, %mul3A_1036 : vector<16xf32>
      %slice3A_1038 = vector.extract_strided_slice %get3A_681 {offsets = [14], sizes = [1], strides = [1]} : vector<16xf32> to vector<1xf32>
      %squeeze3A_1039 = vector.extract %slice3A_1038[0] : f32 from vector<1xf32>
      %mul3A_1040 = vector.broadcast %squeeze3A_1039 : f32 to vector<16xf32>
      %mul3A_1041 = arith.mulf %mul3A_1040, %get3A_1027 : vector<16xf32>
      %add3A_1042 = arith.addf %add3A_946, %mul3A_1041 : vector<16xf32>
      %slice3A_1043 = vector.extract_strided_slice %get3A_687 {offsets = [14], sizes = [1], strides = [1]} : vector<16xf32> to vector<1xf32>
      %squeeze3A_1044 = vector.extract %slice3A_1043[0] : f32 from vector<1xf32>
      %mul3A_1045 = vector.broadcast %squeeze3A_1044 : f32 to vector<16xf32>
      %mul3A_1046 = arith.mulf %mul3A_1045, %get3A_1027 : vector<16xf32>
      %add3A_1047 = arith.addf %add3A_951, %mul3A_1046 : vector<16xf32>
      %get3A_1048 = arith.constant 3 : i32
      %get3A_1049 = arith.index_cast %get3A_1048 : i32 to index
      %get3A_1050 = arith.constant 112 : index
      %get3A_1051 = tpu.vector_load %arg10[%get3A_1049, %get3A_1050] {strides = array<i32>} : memref<16x128xf32, #tpu.memory_space<vmem>>, vector<16xf32>,
      %slice3A_1052 = vector.extract_strided_slice %get3A_669 {offsets = [15], sizes = [1], strides = [1]} : vector<16xf32> to vector<1xf32>
      %squeeze3A_1053 = vector.extract %slice3A_1052[0] : f32 from vector<1xf32>
      %mul3A_1054 = vector.broadcast %squeeze3A_1053 : f32 to vector<16xf32>
      %mul3A_1055 = arith.mulf %mul3A_1054, %get3A_1051 : vector<16xf32>
      %add3A_1056 = arith.addf %add3A_960, %mul3A_1055 : vector<16xf32>
      %slice3A_1057 = vector.extract_strided_slice %get3A_675 {offsets = [15], sizes = [1], strides = [1]} : vector<16xf32> to vector<1xf32>
      %squeeze3A_1058 = vector.extract %slice3A_1057[0] : f32 from vector<1xf32>
      %mul3A_1059 = vector.broadcast %squeeze3A_1058 : f32 to vector<16xf32>
      %mul3A_1060 = arith.mulf %mul3A_1059, %get3A_1051 : vector<16xf32>
      %add3A_1061 = arith.addf %add3A_965, %mul3A_1060 : vector<16xf32>
      %slice3A_1062 = vector.extract_strided_slice %get3A_681 {offsets = [15], sizes = [1], strides = [1]} : vector<16xf32> to vector<1xf32>
      %squeeze3A_1063 = vector.extract %slice3A_1062[0] : f32 from vector<1xf32>
      %mul3A_1064 = vector.broadcast %squeeze3A_1063 : f32 to vector<16xf32>
      %mul3A_1065 = arith.mulf %mul3A_1064, %get3A_1051 : vector<16xf32>
      %add3A_1066 = arith.addf %add3A_970, %mul3A_1065 : vector<16xf32>
      %slice3A_1067 = vector.extract_strided_slice %get3A_687 {offsets = [15], sizes = [1], strides = [1]} : vector<16xf32> to vector<1xf32>
      %squeeze3A_1068 = vector.extract %slice3A_1067[0] : f32 from vector<1xf32>
      %mul3A_1069 = vector.broadcast %squeeze3A_1068 : f32 to vector<16xf32>
      %mul3A_1070 = arith.mulf %mul3A_1069, %get3A_1051 : vector<16xf32>
      %add3A_1071 = arith.addf %add3A_975, %mul3A_1070 : vector<16xf32>
      %add3A_1072 = arith.constant 0 : i32
      %add3A_1073 = arith.addi %mul3A_226, %add3A_1072 : i32
      %add3A_1074 = arith.addi %add3A_1073, %sub3A : i32
      %get3A_1075 = arith.index_cast %add3A_1074 : i32 to index
      %get3A_1076 = arith.constant 32 : index
      %get3A_1077 = tpu.vector_load %arg9[%get3A_1075, %get3A_1076] {strides = array<i32>} : memref<64x128xf32, #tpu.memory_space<vmem>>, vector<16xf32>,
      %add3A_1078 = arith.constant 1 : i32
      %add3A_1079 = arith.addi %mul3A_226, %add3A_1078 : i32
      %add3A_1080 = arith.addi %add3A_1079, %sub3A : i32
      %get3A_1081 = arith.index_cast %add3A_1080 : i32 to index
      %get3A_1082 = arith.constant 32 : index
      %get3A_1083 = tpu.vector_load %arg9[%get3A_1081, %get3A_1082] {strides = array<i32>} : memref<64x128xf32, #tpu.memory_space<vmem>>, vector<16xf32>,
      %add3A_1084 = arith.constant 2 : i32
      %add3A_1085 = arith.addi %mul3A_226, %add3A_1084 : i32
      %add3A_1086 = arith.addi %add3A_1085, %sub3A : i32
      %get3A_1087 = arith.index_cast %add3A_1086 : i32 to index
      %get3A_1088 = arith.constant 32 : index
      %get3A_1089 = tpu.vector_load %arg9[%get3A_1087, %get3A_1088] {strides = array<i32>} : memref<64x128xf32, #tpu.memory_space<vmem>>, vector<16xf32>,
      %add3A_1090 = arith.constant 3 : i32
      %add3A_1091 = arith.addi %mul3A_226, %add3A_1090 : i32
      %add3A_1092 = arith.addi %add3A_1091, %sub3A : i32
      %get3A_1093 = arith.index_cast %add3A_1092 : i32 to index
      %get3A_1094 = arith.constant 32 : index
      %get3A_1095 = tpu.vector_load %arg9[%get3A_1093, %get3A_1094] {strides = array<i32>} : memref<64x128xf32, #tpu.memory_space<vmem>>, vector<16xf32>,
      %get3A_1096 = arith.constant 4 : i32
      %get3A_1097 = arith.index_cast %get3A_1096 : i32 to index
      %get3A_1098 = arith.constant 0 : index
      %get3A_1099 = tpu.vector_load %arg10[%get3A_1097, %get3A_1098] {strides = array<i32>} : memref<16x128xf32, #tpu.memory_space<vmem>>, vector<16xf32>,
      %slice3A_1100 = vector.extract_strided_slice %get3A_1077 {offsets = [0], sizes = [1], strides = [1]} : vector<16xf32> to vector<1xf32>
      %squeeze3A_1101 = vector.extract %slice3A_1100[0] : f32 from vector<1xf32>
      %mul3A_1102 = vector.broadcast %squeeze3A_1101 : f32 to vector<16xf32>
      %mul3A_1103 = arith.mulf %mul3A_1102, %get3A_1099 : vector<16xf32>
      %add3A_1104 = arith.addf %add3A_984, %mul3A_1103 : vector<16xf32>
      %slice3A_1105 = vector.extract_strided_slice %get3A_1083 {offsets = [0], sizes = [1], strides = [1]} : vector<16xf32> to vector<1xf32>
      %squeeze3A_1106 = vector.extract %slice3A_1105[0] : f32 from vector<1xf32>
      %mul3A_1107 = vector.broadcast %squeeze3A_1106 : f32 to vector<16xf32>
      %mul3A_1108 = arith.mulf %mul3A_1107, %get3A_1099 : vector<16xf32>
      %add3A_1109 = arith.addf %add3A_989, %mul3A_1108 : vector<16xf32>
      %slice3A_1110 = vector.extract_strided_slice %get3A_1089 {offsets = [0], sizes = [1], strides = [1]} : vector<16xf32> to vector<1xf32>
      %squeeze3A_1111 = vector.extract %slice3A_1110[0] : f32 from vector<1xf32>
      %mul3A_1112 = vector.broadcast %squeeze3A_1111 : f32 to vector<16xf32>
      %mul3A_1113 = arith.mulf %mul3A_1112, %get3A_1099 : vector<16xf32>
      %add3A_1114 = arith.addf %add3A_994, %mul3A_1113 : vector<16xf32>
      %slice3A_1115 = vector.extract_strided_slice %get3A_1095 {offsets = [0], sizes = [1], strides = [1]} : vector<16xf32> to vector<1xf32>
      %squeeze3A_1116 = vector.extract %slice3A_1115[0] : f32 from vector<1xf32>
      %mul3A_1117 = vector.broadcast %squeeze3A_1116 : f32 to vector<16xf32>
      %mul3A_1118 = arith.mulf %mul3A_1117, %get3A_1099 : vector<16xf32>
      %add3A_1119 = arith.addf %add3A_999, %mul3A_1118 : vector<16xf32>
      %get3A_1120 = arith.constant 4 : i32
      %get3A_1121 = arith.index_cast %get3A_1120 : i32 to index
      %get3A_1122 = arith.constant 16 : index
      %get3A_1123 = tpu.vector_load %arg10[%get3A_1121, %get3A_1122] {strides = array<i32>} : memref<16x128xf32, #tpu.memory_space<vmem>>, vector<16xf32>,
      %slice3A_1124 = vector.extract_strided_slice %get3A_1077 {offsets = [1], sizes = [1], strides = [1]} : vector<16xf32> to vector<1xf32>
      %squeeze3A_1125 = vector.extract %slice3A_1124[0] : f32 from vector<1xf32>
      %mul3A_1126 = vector.broadcast %squeeze3A_1125 : f32 to vector<16xf32>
      %mul3A_1127 = arith.mulf %mul3A_1126, %get3A_1123 : vector<16xf32>
      %add3A_1128 = arith.addf %add3A_1008, %mul3A_1127 : vector<16xf32>
      %slice3A_1129 = vector.extract_strided_slice %get3A_1083 {offsets = [1], sizes = [1], strides = [1]} : vector<16xf32> to vector<1xf32>
      %squeeze3A_1130 = vector.extract %slice3A_1129[0] : f32 from vector<1xf32>
      %mul3A_1131 = vector.broadcast %squeeze3A_1130 : f32 to vector<16xf32>
      %mul3A_1132 = arith.mulf %mul3A_1131, %get3A_1123 : vector<16xf32>
      %add3A_1133 = arith.addf %add3A_1013, %mul3A_1132 : vector<16xf32>
      %slice3A_1134 = vector.extract_strided_slice %get3A_1089 {offsets = [1], sizes = [1], strides = [1]} : vector<16xf32> to vector<1xf32>
      %squeeze3A_1135 = vector.extract %slice3A_1134[0] : f32 from vector<1xf32>
      %mul3A_1136 = vector.broadcast %squeeze3A_1135 : f32 to vector<16xf32>
      %mul3A_1137 = arith.mulf %mul3A_1136, %get3A_1123 : vector<16xf32>
      %add3A_1138 = arith.addf %add3A_1018, %mul3A_1137 : vector<16xf32>
      %slice3A_1139 = vector.extract_strided_slice %get3A_1095 {offsets = [1], sizes = [1], strides = [1]} : vector<16xf32> to vector<1xf32>
      %squeeze3A_1140 = vector.extract %slice3A_1139[0] : f32 from vector<1xf32>
      %mul3A_1141 = vector.broadcast %squeeze3A_1140 : f32 to vector<16xf32>
      %mul3A_1142 = arith.mulf %mul3A_1141, %get3A_1123 : vector<16xf32>
      %add3A_1143 = arith.addf %add3A_1023, %mul3A_1142 : vector<16xf32>
      %get3A_1144 = arith.constant 4 : i32
      %get3A_1145 = arith.index_cast %get3A_1144 : i32 to index
      %get3A_1146 = arith.constant 32 : index
      %get3A_1147 = tpu.vector_load %arg10[%get3A_1145, %get3A_1146] {strides = array<i32>} : memref<16x128xf32, #tpu.memory_space<vmem>>, vector<16xf32>,
      %slice3A_1148 = vector.extract_strided_slice %get3A_1077 {offsets = [2], sizes = [1], strides = [1]} : vector<16xf32> to vector<1xf32>
      %squeeze3A_1149 = vector.extract %slice3A_1148[0] : f32 from vector<1xf32>
      %mul3A_1150 = vector.broadcast %squeeze3A_1149 : f32 to vector<16xf32>
      %mul3A_1151 = arith.mulf %mul3A_1150, %get3A_1147 : vector<16xf32>
      %add3A_1152 = arith.addf %add3A_1032, %mul3A_1151 : vector<16xf32>
      %slice3A_1153 = vector.extract_strided_slice %get3A_1083 {offsets = [2], sizes = [1], strides = [1]} : vector<16xf32> to vector<1xf32>
      %squeeze3A_1154 = vector.extract %slice3A_1153[0] : f32 from vector<1xf32>
      %mul3A_1155 = vector.broadcast %squeeze3A_1154 : f32 to vector<16xf32>
      %mul3A_1156 = arith.mulf %mul3A_1155, %get3A_1147 : vector<16xf32>
      %add3A_1157 = arith.addf %add3A_1037, %mul3A_1156 : vector<16xf32>
      %slice3A_1158 = vector.extract_strided_slice %get3A_1089 {offsets = [2], sizes = [1], strides = [1]} : vector<16xf32> to vector<1xf32>
      %squeeze3A_1159 = vector.extract %slice3A_1158[0] : f32 from vector<1xf32>
      %mul3A_1160 = vector.broadcast %squeeze3A_1159 : f32 to vector<16xf32>
      %mul3A_1161 = arith.mulf %mul3A_1160, %get3A_1147 : vector<16xf32>
      %add3A_1162 = arith.addf %add3A_1042, %mul3A_1161 : vector<16xf32>
      %slice3A_1163 = vector.extract_strided_slice %get3A_1095 {offsets = [2], sizes = [1], strides = [1]} : vector<16xf32> to vector<1xf32>
      %squeeze3A_1164 = vector.extract %slice3A_1163[0] : f32 from vector<1xf32>
      %mul3A_1165 = vector.broadcast %squeeze3A_1164 : f32 to vector<16xf32>
      %mul3A_1166 = arith.mulf %mul3A_1165, %get3A_1147 : vector<16xf32>
      %add3A_1167 = arith.addf %add3A_1047, %mul3A_1166 : vector<16xf32>
      %get3A_1168 = arith.constant 4 : i32
      %get3A_1169 = arith.index_cast %get3A_1168 : i32 to index
      %get3A_1170 = arith.constant 48 : index
      %get3A_1171 = tpu.vector_load %arg10[%get3A_1169, %get3A_1170] {strides = array<i32>} : memref<16x128xf32, #tpu.memory_space<vmem>>, vector<16xf32>,
      %slice3A_1172 = vector.extract_strided_slice %get3A_1077 {offsets = [3], sizes = [1], strides = [1]} : vector<16xf32> to vector<1xf32>
      %squeeze3A_1173 = vector.extract %slice3A_1172[0] : f32 from vector<1xf32>
      %mul3A_1174 = vector.broadcast %squeeze3A_1173 : f32 to vector<16xf32>
      %mul3A_1175 = arith.mulf %mul3A_1174, %get3A_1171 : vector<16xf32>
      %add3A_1176 = arith.addf %add3A_1056, %mul3A_1175 : vector<16xf32>
      %slice3A_1177 = vector.extract_strided_slice %get3A_1083 {offsets = [3], sizes = [1], strides = [1]} : vector<16xf32> to vector<1xf32>
      %squeeze3A_1178 = vector.extract %slice3A_1177[0] : f32 from vector<1xf32>
      %mul3A_1179 = vector.broadcast %squeeze3A_1178 : f32 to vector<16xf32>
      %mul3A_1180 = arith.mulf %mul3A_1179, %get3A_1171 : vector<16xf32>
      %add3A_1181 = arith.addf %add3A_1061, %mul3A_1180 : vector<16xf32>
      %slice3A_1182 = vector.extract_strided_slice %get3A_1089 {offsets = [3], sizes = [1], strides = [1]} : vector<16xf32> to vector<1xf32>
      %squeeze3A_1183 = vector.extract %slice3A_1182[0] : f32 from vector<1xf32>
      %mul3A_1184 = vector.broadcast %squeeze3A_1183 : f32 to vector<16xf32>
      %mul3A_1185 = arith.mulf %mul3A_1184, %get3A_1171 : vector<16xf32>
      %add3A_1186 = arith.addf %add3A_1066, %mul3A_1185 : vector<16xf32>
      %slice3A_1187 = vector.extract_strided_slice %get3A_1095 {offsets = [3], sizes = [1], strides = [1]} : vector<16xf32> to vector<1xf32>
      %squeeze3A_1188 = vector.extract %slice3A_1187[0] : f32 from vector<1xf32>
      %mul3A_1189 = vector.broadcast %squeeze3A_1188 : f32 to vector<16xf32>
      %mul3A_1190 = arith.mulf %mul3A_1189, %get3A_1171 : vector<16xf32>
      %add3A_1191 = arith.addf %add3A_1071, %mul3A_1190 : vector<16xf32>
      %get3A_1192 = arith.constant 4 : i32
      %get3A_1193 = arith.index_cast %get3A_1192 : i32 to index
      %get3A_1194 = arith.constant 64 : index
      %get3A_1195 = tpu.vector_load %arg10[%get3A_1193, %get3A_1194] {strides = array<i32>} : memref<16x128xf32, #tpu.memory_space<vmem>>, vector<16xf32>,
      %slice3A_1196 = vector.extract_strided_slice %get3A_1077 {offsets = [4], sizes = [1], strides = [1]} : vector<16xf32> to vector<1xf32>
      %squeeze3A_1197 = vector.extract %slice3A_1196[0] : f32 from vector<1xf32>
      %mul3A_1198 = vector.broadcast %squeeze3A_1197 : f32 to vector<16xf32>
      %mul3A_1199 = arith.mulf %mul3A_1198, %get3A_1195 : vector<16xf32>
      %add3A_1200 = arith.addf %add3A_1104, %mul3A_1199 : vector<16xf32>
      %slice3A_1201 = vector.extract_strided_slice %get3A_1083 {offsets = [4], sizes = [1], strides = [1]} : vector<16xf32> to vector<1xf32>
      %squeeze3A_1202 = vector.extract %slice3A_1201[0] : f32 from vector<1xf32>
      %mul3A_1203 = vector.broadcast %squeeze3A_1202 : f32 to vector<16xf32>
      %mul3A_1204 = arith.mulf %mul3A_1203, %get3A_1195 : vector<16xf32>
      %add3A_1205 = arith.addf %add3A_1109, %mul3A_1204 : vector<16xf32>
      %slice3A_1206 = vector.extract_strided_slice %get3A_1089 {offsets = [4], sizes = [1], strides = [1]} : vector<16xf32> to vector<1xf32>
      %squeeze3A_1207 = vector.extract %slice3A_1206[0] : f32 from vector<1xf32>
      %mul3A_1208 = vector.broadcast %squeeze3A_1207 : f32 to vector<16xf32>
      %mul3A_1209 = arith.mulf %mul3A_1208, %get3A_1195 : vector<16xf32>
      %add3A_1210 = arith.addf %add3A_1114, %mul3A_1209 : vector<16xf32>
      %slice3A_1211 = vector.extract_strided_slice %get3A_1095 {offsets = [4], sizes = [1], strides = [1]} : vector<16xf32> to vector<1xf32>
      %squeeze3A_1212 = vector.extract %slice3A_1211[0] : f32 from vector<1xf32>
      %mul3A_1213 = vector.broadcast %squeeze3A_1212 : f32 to vector<16xf32>
      %mul3A_1214 = arith.mulf %mul3A_1213, %get3A_1195 : vector<16xf32>
      %add3A_1215 = arith.addf %add3A_1119, %mul3A_1214 : vector<16xf32>
      %get3A_1216 = arith.constant 4 : i32
      %get3A_1217 = arith.index_cast %get3A_1216 : i32 to index
      %get3A_1218 = arith.constant 80 : index
      %get3A_1219 = tpu.vector_load %arg10[%get3A_1217, %get3A_1218] {strides = array<i32>} : memref<16x128xf32, #tpu.memory_space<vmem>>, vector<16xf32>,
      %slice3A_1220 = vector.extract_strided_slice %get3A_1077 {offsets = [5], sizes = [1], strides = [1]} : vector<16xf32> to vector<1xf32>
      %squeeze3A_1221 = vector.extract %slice3A_1220[0] : f32 from vector<1xf32>
      %mul3A_1222 = vector.broadcast %squeeze3A_1221 : f32 to vector<16xf32>
      %mul3A_1223 = arith.mulf %mul3A_1222, %get3A_1219 : vector<16xf32>
      %add3A_1224 = arith.addf %add3A_1128, %mul3A_1223 : vector<16xf32>
      %slice3A_1225 = vector.extract_strided_slice %get3A_1083 {offsets = [5], sizes = [1], strides = [1]} : vector<16xf32> to vector<1xf32>
      %squeeze3A_1226 = vector.extract %slice3A_1225[0] : f32 from vector<1xf32>
      %mul3A_1227 = vector.broadcast %squeeze3A_1226 : f32 to vector<16xf32>
      %mul3A_1228 = arith.mulf %mul3A_1227, %get3A_1219 : vector<16xf32>
      %add3A_1229 = arith.addf %add3A_1133, %mul3A_1228 : vector<16xf32>
      %slice3A_1230 = vector.extract_strided_slice %get3A_1089 {offsets = [5], sizes = [1], strides = [1]} : vector<16xf32> to vector<1xf32>
      %squeeze3A_1231 = vector.extract %slice3A_1230[0] : f32 from vector<1xf32>
      %mul3A_1232 = vector.broadcast %squeeze3A_1231 : f32 to vector<16xf32>
      %mul3A_1233 = arith.mulf %mul3A_1232, %get3A_1219 : vector<16xf32>
      %add3A_1234 = arith.addf %add3A_1138, %mul3A_1233 : vector<16xf32>
      %slice3A_1235 = vector.extract_strided_slice %get3A_1095 {offsets = [5], sizes = [1], strides = [1]} : vector<16xf32> to vector<1xf32>
      %squeeze3A_1236 = vector.extract %slice3A_1235[0] : f32 from vector<1xf32>
      %mul3A_1237 = vector.broadcast %squeeze3A_1236 : f32 to vector<16xf32>
      %mul3A_1238 = arith.mulf %mul3A_1237, %get3A_1219 : vector<16xf32>
      %add3A_1239 = arith.addf %add3A_1143, %mul3A_1238 : vector<16xf32>
      %get3A_1240 = arith.constant 4 : i32
      %get3A_1241 = arith.index_cast %get3A_1240 : i32 to index
      %get3A_1242 = arith.constant 96 : index
      %get3A_1243 = tpu.vector_load %arg10[%get3A_1241, %get3A_1242] {strides = array<i32>} : memref<16x128xf32, #tpu.memory_space<vmem>>, vector<16xf32>,
      %slice3A_1244 = vector.extract_strided_slice %get3A_1077 {offsets = [6], sizes = [1], strides = [1]} : vector<16xf32> to vector<1xf32>
      %squeeze3A_1245 = vector.extract %slice3A_1244[0] : f32 from vector<1xf32>
      %mul3A_1246 = vector.broadcast %squeeze3A_1245 : f32 to vector<16xf32>
      %mul3A_1247 = arith.mulf %mul3A_1246, %get3A_1243 : vector<16xf32>
      %add3A_1248 = arith.addf %add3A_1152, %mul3A_1247 : vector<16xf32>
      %slice3A_1249 = vector.extract_strided_slice %get3A_1083 {offsets = [6], sizes = [1], strides = [1]} : vector<16xf32> to vector<1xf32>
      %squeeze3A_1250 = vector.extract %slice3A_1249[0] : f32 from vector<1xf32>
      %mul3A_1251 = vector.broadcast %squeeze3A_1250 : f32 to vector<16xf32>
      %mul3A_1252 = arith.mulf %mul3A_1251, %get3A_1243 : vector<16xf32>
      %add3A_1253 = arith.addf %add3A_1157, %mul3A_1252 : vector<16xf32>
      %slice3A_1254 = vector.extract_strided_slice %get3A_1089 {offsets = [6], sizes = [1], strides = [1]} : vector<16xf32> to vector<1xf32>
      %squeeze3A_1255 = vector.extract %slice3A_1254[0] : f32 from vector<1xf32>
      %mul3A_1256 = vector.broadcast %squeeze3A_1255 : f32 to vector<16xf32>
      %mul3A_1257 = arith.mulf %mul3A_1256, %get3A_1243 : vector<16xf32>
      %add3A_1258 = arith.addf %add3A_1162, %mul3A_1257 : vector<16xf32>
      %slice3A_1259 = vector.extract_strided_slice %get3A_1095 {offsets = [6], sizes = [1], strides = [1]} : vector<16xf32> to vector<1xf32>
      %squeeze3A_1260 = vector.extract %slice3A_1259[0] : f32 from vector<1xf32>
      %mul3A_1261 = vector.broadcast %squeeze3A_1260 : f32 to vector<16xf32>
      %mul3A_1262 = arith.mulf %mul3A_1261, %get3A_1243 : vector<16xf32>
      %add3A_1263 = arith.addf %add3A_1167, %mul3A_1262 : vector<16xf32>
      %get3A_1264 = arith.constant 4 : i32
      %get3A_1265 = arith.index_cast %get3A_1264 : i32 to index
      %get3A_1266 = arith.constant 112 : index
      %get3A_1267 = tpu.vector_load %arg10[%get3A_1265, %get3A_1266] {strides = array<i32>} : memref<16x128xf32, #tpu.memory_space<vmem>>, vector<16xf32>,
      %slice3A_1268 = vector.extract_strided_slice %get3A_1077 {offsets = [7], sizes = [1], strides = [1]} : vector<16xf32> to vector<1xf32>
      %squeeze3A_1269 = vector.extract %slice3A_1268[0] : f32 from vector<1xf32>
      %mul3A_1270 = vector.broadcast %squeeze3A_1269 : f32 to vector<16xf32>
      %mul3A_1271 = arith.mulf %mul3A_1270, %get3A_1267 : vector<16xf32>
      %add3A_1272 = arith.addf %add3A_1176, %mul3A_1271 : vector<16xf32>
      %slice3A_1273 = vector.extract_strided_slice %get3A_1083 {offsets = [7], sizes = [1], strides = [1]} : vector<16xf32> to vector<1xf32>
      %squeeze3A_1274 = vector.extract %slice3A_1273[0] : f32 from vector<1xf32>
      %mul3A_1275 = vector.broadcast %squeeze3A_1274 : f32 to vector<16xf32>
      %mul3A_1276 = arith.mulf %mul3A_1275, %get3A_1267 : vector<16xf32>
      %add3A_1277 = arith.addf %add3A_1181, %mul3A_1276 : vector<16xf32>
      %slice3A_1278 = vector.extract_strided_slice %get3A_1089 {offsets = [7], sizes = [1], strides = [1]} : vector<16xf32> to vector<1xf32>
      %squeeze3A_1279 = vector.extract %slice3A_1278[0] : f32 from vector<1xf32>
      %mul3A_1280 = vector.broadcast %squeeze3A_1279 : f32 to vector<16xf32>
      %mul3A_1281 = arith.mulf %mul3A_1280, %get3A_1267 : vector<16xf32>
      %add3A_1282 = arith.addf %add3A_1186, %mul3A_1281 : vector<16xf32>
      %slice3A_1283 = vector.extract_strided_slice %get3A_1095 {offsets = [7], sizes = [1], strides = [1]} : vector<16xf32> to vector<1xf32>
      %squeeze3A_1284 = vector.extract %slice3A_1283[0] : f32 from vector<1xf32>
      %mul3A_1285 = vector.broadcast %squeeze3A_1284 : f32 to vector<16xf32>
      %mul3A_1286 = arith.mulf %mul3A_1285, %get3A_1267 : vector<16xf32>
      %add3A_1287 = arith.addf %add3A_1191, %mul3A_1286 : vector<16xf32>
      %get3A_1288 = arith.constant 5 : i32
      %get3A_1289 = arith.index_cast %get3A_1288 : i32 to index
      %get3A_1290 = arith.constant 0 : index
      %get3A_1291 = tpu.vector_load %arg10[%get3A_1289, %get3A_1290] {strides = array<i32>} : memref<16x128xf32, #tpu.memory_space<vmem>>, vector<16xf32>,
      %slice3A_1292 = vector.extract_strided_slice %get3A_1077 {offsets = [8], sizes = [1], strides = [1]} : vector<16xf32> to vector<1xf32>
      %squeeze3A_1293 = vector.extract %slice3A_1292[0] : f32 from vector<1xf32>
      %mul3A_1294 = vector.broadcast %squeeze3A_1293 : f32 to vector<16xf32>
      %mul3A_1295 = arith.mulf %mul3A_1294, %get3A_1291 : vector<16xf32>
      %add3A_1296 = arith.addf %add3A_1200, %mul3A_1295 : vector<16xf32>
      %slice3A_1297 = vector.extract_strided_slice %get3A_1083 {offsets = [8], sizes = [1], strides = [1]} : vector<16xf32> to vector<1xf32>
      %squeeze3A_1298 = vector.extract %slice3A_1297[0] : f32 from vector<1xf32>
      %mul3A_1299 = vector.broadcast %squeeze3A_1298 : f32 to vector<16xf32>
      %mul3A_1300 = arith.mulf %mul3A_1299, %get3A_1291 : vector<16xf32>
      %add3A_1301 = arith.addf %add3A_1205, %mul3A_1300 : vector<16xf32>
      %slice3A_1302 = vector.extract_strided_slice %get3A_1089 {offsets = [8], sizes = [1], strides = [1]} : vector<16xf32> to vector<1xf32>
      %squeeze3A_1303 = vector.extract %slice3A_1302[0] : f32 from vector<1xf32>
      %mul3A_1304 = vector.broadcast %squeeze3A_1303 : f32 to vector<16xf32>
      %mul3A_1305 = arith.mulf %mul3A_1304, %get3A_1291 : vector<16xf32>
      %add3A_1306 = arith.addf %add3A_1210, %mul3A_1305 : vector<16xf32>
      %slice3A_1307 = vector.extract_strided_slice %get3A_1095 {offsets = [8], sizes = [1], strides = [1]} : vector<16xf32> to vector<1xf32>
      %squeeze3A_1308 = vector.extract %slice3A_1307[0] : f32 from vector<1xf32>
      %mul3A_1309 = vector.broadcast %squeeze3A_1308 : f32 to vector<16xf32>
      %mul3A_1310 = arith.mulf %mul3A_1309, %get3A_1291 : vector<16xf32>
      %add3A_1311 = arith.addf %add3A_1215, %mul3A_1310 : vector<16xf32>
      %get3A_1312 = arith.constant 5 : i32
      %get3A_1313 = arith.index_cast %get3A_1312 : i32 to index
      %get3A_1314 = arith.constant 16 : index
      %get3A_1315 = tpu.vector_load %arg10[%get3A_1313, %get3A_1314] {strides = array<i32>} : memref<16x128xf32, #tpu.memory_space<vmem>>, vector<16xf32>,
      %slice3A_1316 = vector.extract_strided_slice %get3A_1077 {offsets = [9], sizes = [1], strides = [1]} : vector<16xf32> to vector<1xf32>
      %squeeze3A_1317 = vector.extract %slice3A_1316[0] : f32 from vector<1xf32>
      %mul3A_1318 = vector.broadcast %squeeze3A_1317 : f32 to vector<16xf32>
      %mul3A_1319 = arith.mulf %mul3A_1318, %get3A_1315 : vector<16xf32>
      %add3A_1320 = arith.addf %add3A_1224, %mul3A_1319 : vector<16xf32>
      %slice3A_1321 = vector.extract_strided_slice %get3A_1083 {offsets = [9], sizes = [1], strides = [1]} : vector<16xf32> to vector<1xf32>
      %squeeze3A_1322 = vector.extract %slice3A_1321[0] : f32 from vector<1xf32>
      %mul3A_1323 = vector.broadcast %squeeze3A_1322 : f32 to vector<16xf32>
      %mul3A_1324 = arith.mulf %mul3A_1323, %get3A_1315 : vector<16xf32>
      %add3A_1325 = arith.addf %add3A_1229, %mul3A_1324 : vector<16xf32>
      %slice3A_1326 = vector.extract_strided_slice %get3A_1089 {offsets = [9], sizes = [1], strides = [1]} : vector<16xf32> to vector<1xf32>
      %squeeze3A_1327 = vector.extract %slice3A_1326[0] : f32 from vector<1xf32>
      %mul3A_1328 = vector.broadcast %squeeze3A_1327 : f32 to vector<16xf32>
      %mul3A_1329 = arith.mulf %mul3A_1328, %get3A_1315 : vector<16xf32>
      %add3A_1330 = arith.addf %add3A_1234, %mul3A_1329 : vector<16xf32>
      %slice3A_1331 = vector.extract_strided_slice %get3A_1095 {offsets = [9], sizes = [1], strides = [1]} : vector<16xf32> to vector<1xf32>
      %squeeze3A_1332 = vector.extract %slice3A_1331[0] : f32 from vector<1xf32>
      %mul3A_1333 = vector.broadcast %squeeze3A_1332 : f32 to vector<16xf32>
      %mul3A_1334 = arith.mulf %mul3A_1333, %get3A_1315 : vector<16xf32>
      %add3A_1335 = arith.addf %add3A_1239, %mul3A_1334 : vector<16xf32>
      %get3A_1336 = arith.constant 5 : i32
      %get3A_1337 = arith.index_cast %get3A_1336 : i32 to index
      %get3A_1338 = arith.constant 32 : index
      %get3A_1339 = tpu.vector_load %arg10[%get3A_1337, %get3A_1338] {strides = array<i32>} : memref<16x128xf32, #tpu.memory_space<vmem>>, vector<16xf32>,
      %slice3A_1340 = vector.extract_strided_slice %get3A_1077 {offsets = [10], sizes = [1], strides = [1]} : vector<16xf32> to vector<1xf32>
      %squeeze3A_1341 = vector.extract %slice3A_1340[0] : f32 from vector<1xf32>
      %mul3A_1342 = vector.broadcast %squeeze3A_1341 : f32 to vector<16xf32>
      %mul3A_1343 = arith.mulf %mul3A_1342, %get3A_1339 : vector<16xf32>
      %add3A_1344 = arith.addf %add3A_1248, %mul3A_1343 : vector<16xf32>
      %slice3A_1345 = vector.extract_strided_slice %get3A_1083 {offsets = [10], sizes = [1], strides = [1]} : vector<16xf32> to vector<1xf32>
      %squeeze3A_1346 = vector.extract %slice3A_1345[0] : f32 from vector<1xf32>
      %mul3A_1347 = vector.broadcast %squeeze3A_1346 : f32 to vector<16xf32>
      %mul3A_1348 = arith.mulf %mul3A_1347, %get3A_1339 : vector<16xf32>
      %add3A_1349 = arith.addf %add3A_1253, %mul3A_1348 : vector<16xf32>
      %slice3A_1350 = vector.extract_strided_slice %get3A_1089 {offsets = [10], sizes = [1], strides = [1]} : vector<16xf32> to vector<1xf32>
      %squeeze3A_1351 = vector.extract %slice3A_1350[0] : f32 from vector<1xf32>
      %mul3A_1352 = vector.broadcast %squeeze3A_1351 : f32 to vector<16xf32>
      %mul3A_1353 = arith.mulf %mul3A_1352, %get3A_1339 : vector<16xf32>
      %add3A_1354 = arith.addf %add3A_1258, %mul3A_1353 : vector<16xf32>
      %slice3A_1355 = vector.extract_strided_slice %get3A_1095 {offsets = [10], sizes = [1], strides = [1]} : vector<16xf32> to vector<1xf32>
      %squeeze3A_1356 = vector.extract %slice3A_1355[0] : f32 from vector<1xf32>
      %mul3A_1357 = vector.broadcast %squeeze3A_1356 : f32 to vector<16xf32>
      %mul3A_1358 = arith.mulf %mul3A_1357, %get3A_1339 : vector<16xf32>
      %add3A_1359 = arith.addf %add3A_1263, %mul3A_1358 : vector<16xf32>
      %get3A_1360 = arith.constant 5 : i32
      %get3A_1361 = arith.index_cast %get3A_1360 : i32 to index
      %get3A_1362 = arith.constant 48 : index
      %get3A_1363 = tpu.vector_load %arg10[%get3A_1361, %get3A_1362] {strides = array<i32>} : memref<16x128xf32, #tpu.memory_space<vmem>>, vector<16xf32>,
      %slice3A_1364 = vector.extract_strided_slice %get3A_1077 {offsets = [11], sizes = [1], strides = [1]} : vector<16xf32> to vector<1xf32>
      %squeeze3A_1365 = vector.extract %slice3A_1364[0] : f32 from vector<1xf32>
      %mul3A_1366 = vector.broadcast %squeeze3A_1365 : f32 to vector<16xf32>
      %mul3A_1367 = arith.mulf %mul3A_1366, %get3A_1363 : vector<16xf32>
      %add3A_1368 = arith.addf %add3A_1272, %mul3A_1367 : vector<16xf32>
      %slice3A_1369 = vector.extract_strided_slice %get3A_1083 {offsets = [11], sizes = [1], strides = [1]} : vector<16xf32> to vector<1xf32>
      %squeeze3A_1370 = vector.extract %slice3A_1369[0] : f32 from vector<1xf32>
      %mul3A_1371 = vector.broadcast %squeeze3A_1370 : f32 to vector<16xf32>
      %mul3A_1372 = arith.mulf %mul3A_1371, %get3A_1363 : vector<16xf32>
      %add3A_1373 = arith.addf %add3A_1277, %mul3A_1372 : vector<16xf32>
      %slice3A_1374 = vector.extract_strided_slice %get3A_1089 {offsets = [11], sizes = [1], strides = [1]} : vector<16xf32> to vector<1xf32>
      %squeeze3A_1375 = vector.extract %slice3A_1374[0] : f32 from vector<1xf32>
      %mul3A_1376 = vector.broadcast %squeeze3A_1375 : f32 to vector<16xf32>
      %mul3A_1377 = arith.mulf %mul3A_1376, %get3A_1363 : vector<16xf32>
      %add3A_1378 = arith.addf %add3A_1282, %mul3A_1377 : vector<16xf32>
      %slice3A_1379 = vector.extract_strided_slice %get3A_1095 {offsets = [11], sizes = [1], strides = [1]} : vector<16xf32> to vector<1xf32>
      %squeeze3A_1380 = vector.extract %slice3A_1379[0] : f32 from vector<1xf32>
      %mul3A_1381 = vector.broadcast %squeeze3A_1380 : f32 to vector<16xf32>
      %mul3A_1382 = arith.mulf %mul3A_1381, %get3A_1363 : vector<16xf32>
      %add3A_1383 = arith.addf %add3A_1287, %mul3A_1382 : vector<16xf32>
      %get3A_1384 = arith.constant 5 : i32
      %get3A_1385 = arith.index_cast %get3A_1384 : i32 to index
      %get3A_1386 = arith.constant 64 : index
      %get3A_1387 = tpu.vector_load %arg10[%get3A_1385, %get3A_1386] {strides = array<i32>} : memref<16x128xf32, #tpu.memory_space<vmem>>, vector<16xf32>,
      %slice3A_1388 = vector.extract_strided_slice %get3A_1077 {offsets = [12], sizes = [1], strides = [1]} : vector<16xf32> to vector<1xf32>
      %squeeze3A_1389 = vector.extract %slice3A_1388[0] : f32 from vector<1xf32>
      %mul3A_1390 = vector.broadcast %squeeze3A_1389 : f32 to vector<16xf32>
      %mul3A_1391 = arith.mulf %mul3A_1390, %get3A_1387 : vector<16xf32>
      %add3A_1392 = arith.addf %add3A_1296, %mul3A_1391 : vector<16xf32>
      %slice3A_1393 = vector.extract_strided_slice %get3A_1083 {offsets = [12], sizes = [1], strides = [1]} : vector<16xf32> to vector<1xf32>
      %squeeze3A_1394 = vector.extract %slice3A_1393[0] : f32 from vector<1xf32>
      %mul3A_1395 = vector.broadcast %squeeze3A_1394 : f32 to vector<16xf32>
      %mul3A_1396 = arith.mulf %mul3A_1395, %get3A_1387 : vector<16xf32>
      %add3A_1397 = arith.addf %add3A_1301, %mul3A_1396 : vector<16xf32>
      %slice3A_1398 = vector.extract_strided_slice %get3A_1089 {offsets = [12], sizes = [1], strides = [1]} : vector<16xf32> to vector<1xf32>
      %squeeze3A_1399 = vector.extract %slice3A_1398[0] : f32 from vector<1xf32>
      %mul3A_1400 = vector.broadcast %squeeze3A_1399 : f32 to vector<16xf32>
      %mul3A_1401 = arith.mulf %mul3A_1400, %get3A_1387 : vector<16xf32>
      %add3A_1402 = arith.addf %add3A_1306, %mul3A_1401 : vector<16xf32>
      %slice3A_1403 = vector.extract_strided_slice %get3A_1095 {offsets = [12], sizes = [1], strides = [1]} : vector<16xf32> to vector<1xf32>
      %squeeze3A_1404 = vector.extract %slice3A_1403[0] : f32 from vector<1xf32>
      %mul3A_1405 = vector.broadcast %squeeze3A_1404 : f32 to vector<16xf32>
      %mul3A_1406 = arith.mulf %mul3A_1405, %get3A_1387 : vector<16xf32>
      %add3A_1407 = arith.addf %add3A_1311, %mul3A_1406 : vector<16xf32>
      %get3A_1408 = arith.constant 5 : i32
      %get3A_1409 = arith.index_cast %get3A_1408 : i32 to index
      %get3A_1410 = arith.constant 80 : index
      %get3A_1411 = tpu.vector_load %arg10[%get3A_1409, %get3A_1410] {strides = array<i32>} : memref<16x128xf32, #tpu.memory_space<vmem>>, vector<16xf32>,
      %slice3A_1412 = vector.extract_strided_slice %get3A_1077 {offsets = [13], sizes = [1], strides = [1]} : vector<16xf32> to vector<1xf32>
      %squeeze3A_1413 = vector.extract %slice3A_1412[0] : f32 from vector<1xf32>
      %mul3A_1414 = vector.broadcast %squeeze3A_1413 : f32 to vector<16xf32>
      %mul3A_1415 = arith.mulf %mul3A_1414, %get3A_1411 : vector<16xf32>
      %add3A_1416 = arith.addf %add3A_1320, %mul3A_1415 : vector<16xf32>
      %slice3A_1417 = vector.extract_strided_slice %get3A_1083 {offsets = [13], sizes = [1], strides = [1]} : vector<16xf32> to vector<1xf32>
      %squeeze3A_1418 = vector.extract %slice3A_1417[0] : f32 from vector<1xf32>
      %mul3A_1419 = vector.broadcast %squeeze3A_1418 : f32 to vector<16xf32>
      %mul3A_1420 = arith.mulf %mul3A_1419, %get3A_1411 : vector<16xf32>
      %add3A_1421 = arith.addf %add3A_1325, %mul3A_1420 : vector<16xf32>
      %slice3A_1422 = vector.extract_strided_slice %get3A_1089 {offsets = [13], sizes = [1], strides = [1]} : vector<16xf32> to vector<1xf32>
      %squeeze3A_1423 = vector.extract %slice3A_1422[0] : f32 from vector<1xf32>
      %mul3A_1424 = vector.broadcast %squeeze3A_1423 : f32 to vector<16xf32>
      %mul3A_1425 = arith.mulf %mul3A_1424, %get3A_1411 : vector<16xf32>
      %add3A_1426 = arith.addf %add3A_1330, %mul3A_1425 : vector<16xf32>
      %slice3A_1427 = vector.extract_strided_slice %get3A_1095 {offsets = [13], sizes = [1], strides = [1]} : vector<16xf32> to vector<1xf32>
      %squeeze3A_1428 = vector.extract %slice3A_1427[0] : f32 from vector<1xf32>
      %mul3A_1429 = vector.broadcast %squeeze3A_1428 : f32 to vector<16xf32>
      %mul3A_1430 = arith.mulf %mul3A_1429, %get3A_1411 : vector<16xf32>
      %add3A_1431 = arith.addf %add3A_1335, %mul3A_1430 : vector<16xf32>
      %get3A_1432 = arith.constant 5 : i32
      %get3A_1433 = arith.index_cast %get3A_1432 : i32 to index
      %get3A_1434 = arith.constant 96 : index
      %get3A_1435 = tpu.vector_load %arg10[%get3A_1433, %get3A_1434] {strides = array<i32>} : memref<16x128xf32, #tpu.memory_space<vmem>>, vector<16xf32>,
      %slice3A_1436 = vector.extract_strided_slice %get3A_1077 {offsets = [14], sizes = [1], strides = [1]} : vector<16xf32> to vector<1xf32>
      %squeeze3A_1437 = vector.extract %slice3A_1436[0] : f32 from vector<1xf32>
      %mul3A_1438 = vector.broadcast %squeeze3A_1437 : f32 to vector<16xf32>
      %mul3A_1439 = arith.mulf %mul3A_1438, %get3A_1435 : vector<16xf32>
      %add3A_1440 = arith.addf %add3A_1344, %mul3A_1439 : vector<16xf32>
      %slice3A_1441 = vector.extract_strided_slice %get3A_1083 {offsets = [14], sizes = [1], strides = [1]} : vector<16xf32> to vector<1xf32>
      %squeeze3A_1442 = vector.extract %slice3A_1441[0] : f32 from vector<1xf32>
      %mul3A_1443 = vector.broadcast %squeeze3A_1442 : f32 to vector<16xf32>
      %mul3A_1444 = arith.mulf %mul3A_1443, %get3A_1435 : vector<16xf32>
      %add3A_1445 = arith.addf %add3A_1349, %mul3A_1444 : vector<16xf32>
      %slice3A_1446 = vector.extract_strided_slice %get3A_1089 {offsets = [14], sizes = [1], strides = [1]} : vector<16xf32> to vector<1xf32>
      %squeeze3A_1447 = vector.extract %slice3A_1446[0] : f32 from vector<1xf32>
      %mul3A_1448 = vector.broadcast %squeeze3A_1447 : f32 to vector<16xf32>
      %mul3A_1449 = arith.mulf %mul3A_1448, %get3A_1435 : vector<16xf32>
      %add3A_1450 = arith.addf %add3A_1354, %mul3A_1449 : vector<16xf32>
      %slice3A_1451 = vector.extract_strided_slice %get3A_1095 {offsets = [14], sizes = [1], strides = [1]} : vector<16xf32> to vector<1xf32>
      %squeeze3A_1452 = vector.extract %slice3A_1451[0] : f32 from vector<1xf32>
      %mul3A_1453 = vector.broadcast %squeeze3A_1452 : f32 to vector<16xf32>
      %mul3A_1454 = arith.mulf %mul3A_1453, %get3A_1435 : vector<16xf32>
      %add3A_1455 = arith.addf %add3A_1359, %mul3A_1454 : vector<16xf32>
      %get3A_1456 = arith.constant 5 : i32
      %get3A_1457 = arith.index_cast %get3A_1456 : i32 to index
      %get3A_1458 = arith.constant 112 : index
      %get3A_1459 = tpu.vector_load %arg10[%get3A_1457, %get3A_1458] {strides = array<i32>} : memref<16x128xf32, #tpu.memory_space<vmem>>, vector<16xf32>,
      %slice3A_1460 = vector.extract_strided_slice %get3A_1077 {offsets = [15], sizes = [1], strides = [1]} : vector<16xf32> to vector<1xf32>
      %squeeze3A_1461 = vector.extract %slice3A_1460[0] : f32 from vector<1xf32>
      %mul3A_1462 = vector.broadcast %squeeze3A_1461 : f32 to vector<16xf32>
      %mul3A_1463 = arith.mulf %mul3A_1462, %get3A_1459 : vector<16xf32>
      %add3A_1464 = arith.addf %add3A_1368, %mul3A_1463 : vector<16xf32>
      %slice3A_1465 = vector.extract_strided_slice %get3A_1083 {offsets = [15], sizes = [1], strides = [1]} : vector<16xf32> to vector<1xf32>
      %squeeze3A_1466 = vector.extract %slice3A_1465[0] : f32 from vector<1xf32>
      %mul3A_1467 = vector.broadcast %squeeze3A_1466 : f32 to vector<16xf32>
      %mul3A_1468 = arith.mulf %mul3A_1467, %get3A_1459 : vector<16xf32>
      %add3A_1469 = arith.addf %add3A_1373, %mul3A_1468 : vector<16xf32>
      %slice3A_1470 = vector.extract_strided_slice %get3A_1089 {offsets = [15], sizes = [1], strides = [1]} : vector<16xf32> to vector<1xf32>
      %squeeze3A_1471 = vector.extract %slice3A_1470[0] : f32 from vector<1xf32>
      %mul3A_1472 = vector.broadcast %squeeze3A_1471 : f32 to vector<16xf32>
      %mul3A_1473 = arith.mulf %mul3A_1472, %get3A_1459 : vector<16xf32>
      %add3A_1474 = arith.addf %add3A_1378, %mul3A_1473 : vector<16xf32>
      %slice3A_1475 = vector.extract_strided_slice %get3A_1095 {offsets = [15], sizes = [1], strides = [1]} : vector<16xf32> to vector<1xf32>
      %squeeze3A_1476 = vector.extract %slice3A_1475[0] : f32 from vector<1xf32>
      %mul3A_1477 = vector.broadcast %squeeze3A_1476 : f32 to vector<16xf32>
      %mul3A_1478 = arith.mulf %mul3A_1477, %get3A_1459 : vector<16xf32>
      %add3A_1479 = arith.addf %add3A_1383, %mul3A_1478 : vector<16xf32>
      %add3A_1480 = arith.constant 0 : i32
      %add3A_1481 = arith.addi %mul3A_226, %add3A_1480 : i32
      %add3A_1482 = arith.addi %add3A_1481, %sub3A : i32
      %get3A_1483 = arith.index_cast %add3A_1482 : i32 to index
      %get3A_1484 = arith.constant 48 : index
      %get3A_1485 = tpu.vector_load %arg9[%get3A_1483, %get3A_1484] {strides = array<i32>} : memref<64x128xf32, #tpu.memory_space<vmem>>, vector<16xf32>,
      %add3A_1486 = arith.constant 1 : i32
      %add3A_1487 = arith.addi %mul3A_226, %add3A_1486 : i32
      %add3A_1488 = arith.addi %add3A_1487, %sub3A : i32
      %get3A_1489 = arith.index_cast %add3A_1488 : i32 to index
      %get3A_1490 = arith.constant 48 : index
      %get3A_1491 = tpu.vector_load %arg9[%get3A_1489, %get3A_1490] {strides = array<i32>} : memref<64x128xf32, #tpu.memory_space<vmem>>, vector<16xf32>,
      %add3A_1492 = arith.constant 2 : i32
      %add3A_1493 = arith.addi %mul3A_226, %add3A_1492 : i32
      %add3A_1494 = arith.addi %add3A_1493, %sub3A : i32
      %get3A_1495 = arith.index_cast %add3A_1494 : i32 to index
      %get3A_1496 = arith.constant 48 : index
      %get3A_1497 = tpu.vector_load %arg9[%get3A_1495, %get3A_1496] {strides = array<i32>} : memref<64x128xf32, #tpu.memory_space<vmem>>, vector<16xf32>,
      %add3A_1498 = arith.constant 3 : i32
      %add3A_1499 = arith.addi %mul3A_226, %add3A_1498 : i32
      %add3A_1500 = arith.addi %add3A_1499, %sub3A : i32
      %get3A_1501 = arith.index_cast %add3A_1500 : i32 to index
      %get3A_1502 = arith.constant 48 : index
      %get3A_1503 = tpu.vector_load %arg9[%get3A_1501, %get3A_1502] {strides = array<i32>} : memref<64x128xf32, #tpu.memory_space<vmem>>, vector<16xf32>,
      %get3A_1504 = arith.constant 6 : i32
      %get3A_1505 = arith.index_cast %get3A_1504 : i32 to index
      %get3A_1506 = arith.constant 0 : index
      %get3A_1507 = tpu.vector_load %arg10[%get3A_1505, %get3A_1506] {strides = array<i32>} : memref<16x128xf32, #tpu.memory_space<vmem>>, vector<16xf32>,
      %slice3A_1508 = vector.extract_strided_slice %get3A_1485 {offsets = [0], sizes = [1], strides = [1]} : vector<16xf32> to vector<1xf32>
      %squeeze3A_1509 = vector.extract %slice3A_1508[0] : f32 from vector<1xf32>
      %mul3A_1510 = vector.broadcast %squeeze3A_1509 : f32 to vector<16xf32>
      %mul3A_1511 = arith.mulf %mul3A_1510, %get3A_1507 : vector<16xf32>
      %add3A_1512 = arith.addf %add3A_1392, %mul3A_1511 : vector<16xf32>
      %slice3A_1513 = vector.extract_strided_slice %get3A_1491 {offsets = [0], sizes = [1], strides = [1]} : vector<16xf32> to vector<1xf32>
      %squeeze3A_1514 = vector.extract %slice3A_1513[0] : f32 from vector<1xf32>
      %mul3A_1515 = vector.broadcast %squeeze3A_1514 : f32 to vector<16xf32>
      %mul3A_1516 = arith.mulf %mul3A_1515, %get3A_1507 : vector<16xf32>
      %add3A_1517 = arith.addf %add3A_1397, %mul3A_1516 : vector<16xf32>
      %slice3A_1518 = vector.extract_strided_slice %get3A_1497 {offsets = [0], sizes = [1], strides = [1]} : vector<16xf32> to vector<1xf32>
      %squeeze3A_1519 = vector.extract %slice3A_1518[0] : f32 from vector<1xf32>
      %mul3A_1520 = vector.broadcast %squeeze3A_1519 : f32 to vector<16xf32>
      %mul3A_1521 = arith.mulf %mul3A_1520, %get3A_1507 : vector<16xf32>
      %add3A_1522 = arith.addf %add3A_1402, %mul3A_1521 : vector<16xf32>
      %slice3A_1523 = vector.extract_strided_slice %get3A_1503 {offsets = [0], sizes = [1], strides = [1]} : vector<16xf32> to vector<1xf32>
      %squeeze3A_1524 = vector.extract %slice3A_1523[0] : f32 from vector<1xf32>
      %mul3A_1525 = vector.broadcast %squeeze3A_1524 : f32 to vector<16xf32>
      %mul3A_1526 = arith.mulf %mul3A_1525, %get3A_1507 : vector<16xf32>
      %add3A_1527 = arith.addf %add3A_1407, %mul3A_1526 : vector<16xf32>
      %get3A_1528 = arith.constant 6 : i32
      %get3A_1529 = arith.index_cast %get3A_1528 : i32 to index
      %get3A_1530 = arith.constant 16 : index
      %get3A_1531 = tpu.vector_load %arg10[%get3A_1529, %get3A_1530] {strides = array<i32>} : memref<16x128xf32, #tpu.memory_space<vmem>>, vector<16xf32>,
      %slice3A_1532 = vector.extract_strided_slice %get3A_1485 {offsets = [1], sizes = [1], strides = [1]} : vector<16xf32> to vector<1xf32>
      %squeeze3A_1533 = vector.extract %slice3A_1532[0] : f32 from vector<1xf32>
      %mul3A_1534 = vector.broadcast %squeeze3A_1533 : f32 to vector<16xf32>
      %mul3A_1535 = arith.mulf %mul3A_1534, %get3A_1531 : vector<16xf32>
      %add3A_1536 = arith.addf %add3A_1416, %mul3A_1535 : vector<16xf32>
      %slice3A_1537 = vector.extract_strided_slice %get3A_1491 {offsets = [1], sizes = [1], strides = [1]} : vector<16xf32> to vector<1xf32>
      %squeeze3A_1538 = vector.extract %slice3A_1537[0] : f32 from vector<1xf32>
      %mul3A_1539 = vector.broadcast %squeeze3A_1538 : f32 to vector<16xf32>
      %mul3A_1540 = arith.mulf %mul3A_1539, %get3A_1531 : vector<16xf32>
      %add3A_1541 = arith.addf %add3A_1421, %mul3A_1540 : vector<16xf32>
      %slice3A_1542 = vector.extract_strided_slice %get3A_1497 {offsets = [1], sizes = [1], strides = [1]} : vector<16xf32> to vector<1xf32>
      %squeeze3A_1543 = vector.extract %slice3A_1542[0] : f32 from vector<1xf32>
      %mul3A_1544 = vector.broadcast %squeeze3A_1543 : f32 to vector<16xf32>
      %mul3A_1545 = arith.mulf %mul3A_1544, %get3A_1531 : vector<16xf32>
      %add3A_1546 = arith.addf %add3A_1426, %mul3A_1545 : vector<16xf32>
      %slice3A_1547 = vector.extract_strided_slice %get3A_1503 {offsets = [1], sizes = [1], strides = [1]} : vector<16xf32> to vector<1xf32>
      %squeeze3A_1548 = vector.extract %slice3A_1547[0] : f32 from vector<1xf32>
      %mul3A_1549 = vector.broadcast %squeeze3A_1548 : f32 to vector<16xf32>
      %mul3A_1550 = arith.mulf %mul3A_1549, %get3A_1531 : vector<16xf32>
      %add3A_1551 = arith.addf %add3A_1431, %mul3A_1550 : vector<16xf32>
      %get3A_1552 = arith.constant 6 : i32
      %get3A_1553 = arith.index_cast %get3A_1552 : i32 to index
      %get3A_1554 = arith.constant 32 : index
      %get3A_1555 = tpu.vector_load %arg10[%get3A_1553, %get3A_1554] {strides = array<i32>} : memref<16x128xf32, #tpu.memory_space<vmem>>, vector<16xf32>,
      %slice3A_1556 = vector.extract_strided_slice %get3A_1485 {offsets = [2], sizes = [1], strides = [1]} : vector<16xf32> to vector<1xf32>
      %squeeze3A_1557 = vector.extract %slice3A_1556[0] : f32 from vector<1xf32>
      %mul3A_1558 = vector.broadcast %squeeze3A_1557 : f32 to vector<16xf32>
      %mul3A_1559 = arith.mulf %mul3A_1558, %get3A_1555 : vector<16xf32>
      %add3A_1560 = arith.addf %add3A_1440, %mul3A_1559 : vector<16xf32>
      %slice3A_1561 = vector.extract_strided_slice %get3A_1491 {offsets = [2], sizes = [1], strides = [1]} : vector<16xf32> to vector<1xf32>
      %squeeze3A_1562 = vector.extract %slice3A_1561[0] : f32 from vector<1xf32>
      %mul3A_1563 = vector.broadcast %squeeze3A_1562 : f32 to vector<16xf32>
      %mul3A_1564 = arith.mulf %mul3A_1563, %get3A_1555 : vector<16xf32>
      %add3A_1565 = arith.addf %add3A_1445, %mul3A_1564 : vector<16xf32>
      %slice3A_1566 = vector.extract_strided_slice %get3A_1497 {offsets = [2], sizes = [1], strides = [1]} : vector<16xf32> to vector<1xf32>
      %squeeze3A_1567 = vector.extract %slice3A_1566[0] : f32 from vector<1xf32>
      %mul3A_1568 = vector.broadcast %squeeze3A_1567 : f32 to vector<16xf32>
      %mul3A_1569 = arith.mulf %mul3A_1568, %get3A_1555 : vector<16xf32>
      %add3A_1570 = arith.addf %add3A_1450, %mul3A_1569 : vector<16xf32>
      %slice3A_1571 = vector.extract_strided_slice %get3A_1503 {offsets = [2], sizes = [1], strides = [1]} : vector<16xf32> to vector<1xf32>
      %squeeze3A_1572 = vector.extract %slice3A_1571[0] : f32 from vector<1xf32>
      %mul3A_1573 = vector.broadcast %squeeze3A_1572 : f32 to vector<16xf32>
      %mul3A_1574 = arith.mulf %mul3A_1573, %get3A_1555 : vector<16xf32>
      %add3A_1575 = arith.addf %add3A_1455, %mul3A_1574 : vector<16xf32>
      %get3A_1576 = arith.constant 6 : i32
      %get3A_1577 = arith.index_cast %get3A_1576 : i32 to index
      %get3A_1578 = arith.constant 48 : index
      %get3A_1579 = tpu.vector_load %arg10[%get3A_1577, %get3A_1578] {strides = array<i32>} : memref<16x128xf32, #tpu.memory_space<vmem>>, vector<16xf32>,
      %slice3A_1580 = vector.extract_strided_slice %get3A_1485 {offsets = [3], sizes = [1], strides = [1]} : vector<16xf32> to vector<1xf32>
      %squeeze3A_1581 = vector.extract %slice3A_1580[0] : f32 from vector<1xf32>
      %mul3A_1582 = vector.broadcast %squeeze3A_1581 : f32 to vector<16xf32>
      %mul3A_1583 = arith.mulf %mul3A_1582, %get3A_1579 : vector<16xf32>
      %add3A_1584 = arith.addf %add3A_1464, %mul3A_1583 : vector<16xf32>
      %slice3A_1585 = vector.extract_strided_slice %get3A_1491 {offsets = [3], sizes = [1], strides = [1]} : vector<16xf32> to vector<1xf32>
      %squeeze3A_1586 = vector.extract %slice3A_1585[0] : f32 from vector<1xf32>
      %mul3A_1587 = vector.broadcast %squeeze3A_1586 : f32 to vector<16xf32>
      %mul3A_1588 = arith.mulf %mul3A_1587, %get3A_1579 : vector<16xf32>
      %add3A_1589 = arith.addf %add3A_1469, %mul3A_1588 : vector<16xf32>
      %slice3A_1590 = vector.extract_strided_slice %get3A_1497 {offsets = [3], sizes = [1], strides = [1]} : vector<16xf32> to vector<1xf32>
      %squeeze3A_1591 = vector.extract %slice3A_1590[0] : f32 from vector<1xf32>
      %mul3A_1592 = vector.broadcast %squeeze3A_1591 : f32 to vector<16xf32>
      %mul3A_1593 = arith.mulf %mul3A_1592, %get3A_1579 : vector<16xf32>
      %add3A_1594 = arith.addf %add3A_1474, %mul3A_1593 : vector<16xf32>
      %slice3A_1595 = vector.extract_strided_slice %get3A_1503 {offsets = [3], sizes = [1], strides = [1]} : vector<16xf32> to vector<1xf32>
      %squeeze3A_1596 = vector.extract %slice3A_1595[0] : f32 from vector<1xf32>
      %mul3A_1597 = vector.broadcast %squeeze3A_1596 : f32 to vector<16xf32>
      %mul3A_1598 = arith.mulf %mul3A_1597, %get3A_1579 : vector<16xf32>
      %add3A_1599 = arith.addf %add3A_1479, %mul3A_1598 : vector<16xf32>
      %get3A_1600 = arith.constant 6 : i32
      %get3A_1601 = arith.index_cast %get3A_1600 : i32 to index
      %get3A_1602 = arith.constant 64 : index
      %get3A_1603 = tpu.vector_load %arg10[%get3A_1601, %get3A_1602] {strides = array<i32>} : memref<16x128xf32, #tpu.memory_space<vmem>>, vector<16xf32>,
      %slice3A_1604 = vector.extract_strided_slice %get3A_1485 {offsets = [4], sizes = [1], strides = [1]} : vector<16xf32> to vector<1xf32>
      %squeeze3A_1605 = vector.extract %slice3A_1604[0] : f32 from vector<1xf32>
      %mul3A_1606 = vector.broadcast %squeeze3A_1605 : f32 to vector<16xf32>
      %mul3A_1607 = arith.mulf %mul3A_1606, %get3A_1603 : vector<16xf32>
      %add3A_1608 = arith.addf %add3A_1512, %mul3A_1607 : vector<16xf32>
      %slice3A_1609 = vector.extract_strided_slice %get3A_1491 {offsets = [4], sizes = [1], strides = [1]} : vector<16xf32> to vector<1xf32>
      %squeeze3A_1610 = vector.extract %slice3A_1609[0] : f32 from vector<1xf32>
      %mul3A_1611 = vector.broadcast %squeeze3A_1610 : f32 to vector<16xf32>
      %mul3A_1612 = arith.mulf %mul3A_1611, %get3A_1603 : vector<16xf32>
      %add3A_1613 = arith.addf %add3A_1517, %mul3A_1612 : vector<16xf32>
      %slice3A_1614 = vector.extract_strided_slice %get3A_1497 {offsets = [4], sizes = [1], strides = [1]} : vector<16xf32> to vector<1xf32>
      %squeeze3A_1615 = vector.extract %slice3A_1614[0] : f32 from vector<1xf32>
      %mul3A_1616 = vector.broadcast %squeeze3A_1615 : f32 to vector<16xf32>
      %mul3A_1617 = arith.mulf %mul3A_1616, %get3A_1603 : vector<16xf32>
      %add3A_1618 = arith.addf %add3A_1522, %mul3A_1617 : vector<16xf32>
      %slice3A_1619 = vector.extract_strided_slice %get3A_1503 {offsets = [4], sizes = [1], strides = [1]} : vector<16xf32> to vector<1xf32>
      %squeeze3A_1620 = vector.extract %slice3A_1619[0] : f32 from vector<1xf32>
      %mul3A_1621 = vector.broadcast %squeeze3A_1620 : f32 to vector<16xf32>
      %mul3A_1622 = arith.mulf %mul3A_1621, %get3A_1603 : vector<16xf32>
      %add3A_1623 = arith.addf %add3A_1527, %mul3A_1622 : vector<16xf32>
      %get3A_1624 = arith.constant 6 : i32
      %get3A_1625 = arith.index_cast %get3A_1624 : i32 to index
      %get3A_1626 = arith.constant 80 : index
      %get3A_1627 = tpu.vector_load %arg10[%get3A_1625, %get3A_1626] {strides = array<i32>} : memref<16x128xf32, #tpu.memory_space<vmem>>, vector<16xf32>,
      %slice3A_1628 = vector.extract_strided_slice %get3A_1485 {offsets = [5], sizes = [1], strides = [1]} : vector<16xf32> to vector<1xf32>
      %squeeze3A_1629 = vector.extract %slice3A_1628[0] : f32 from vector<1xf32>
      %mul3A_1630 = vector.broadcast %squeeze3A_1629 : f32 to vector<16xf32>
      %mul3A_1631 = arith.mulf %mul3A_1630, %get3A_1627 : vector<16xf32>
      %add3A_1632 = arith.addf %add3A_1536, %mul3A_1631 : vector<16xf32>
      %slice3A_1633 = vector.extract_strided_slice %get3A_1491 {offsets = [5], sizes = [1], strides = [1]} : vector<16xf32> to vector<1xf32>
      %squeeze3A_1634 = vector.extract %slice3A_1633[0] : f32 from vector<1xf32>
      %mul3A_1635 = vector.broadcast %squeeze3A_1634 : f32 to vector<16xf32>
      %mul3A_1636 = arith.mulf %mul3A_1635, %get3A_1627 : vector<16xf32>
      %add3A_1637 = arith.addf %add3A_1541, %mul3A_1636 : vector<16xf32>
      %slice3A_1638 = vector.extract_strided_slice %get3A_1497 {offsets = [5], sizes = [1], strides = [1]} : vector<16xf32> to vector<1xf32>
      %squeeze3A_1639 = vector.extract %slice3A_1638[0] : f32 from vector<1xf32>
      %mul3A_1640 = vector.broadcast %squeeze3A_1639 : f32 to vector<16xf32>
      %mul3A_1641 = arith.mulf %mul3A_1640, %get3A_1627 : vector<16xf32>
      %add3A_1642 = arith.addf %add3A_1546, %mul3A_1641 : vector<16xf32>
      %slice3A_1643 = vector.extract_strided_slice %get3A_1503 {offsets = [5], sizes = [1], strides = [1]} : vector<16xf32> to vector<1xf32>
      %squeeze3A_1644 = vector.extract %slice3A_1643[0] : f32 from vector<1xf32>
      %mul3A_1645 = vector.broadcast %squeeze3A_1644 : f32 to vector<16xf32>
      %mul3A_1646 = arith.mulf %mul3A_1645, %get3A_1627 : vector<16xf32>
      %add3A_1647 = arith.addf %add3A_1551, %mul3A_1646 : vector<16xf32>
      %get3A_1648 = arith.constant 6 : i32
      %get3A_1649 = arith.index_cast %get3A_1648 : i32 to index
      %get3A_1650 = arith.constant 96 : index
      %get3A_1651 = tpu.vector_load %arg10[%get3A_1649, %get3A_1650] {strides = array<i32>} : memref<16x128xf32, #tpu.memory_space<vmem>>, vector<16xf32>,
      %slice3A_1652 = vector.extract_strided_slice %get3A_1485 {offsets = [6], sizes = [1], strides = [1]} : vector<16xf32> to vector<1xf32>
      %squeeze3A_1653 = vector.extract %slice3A_1652[0] : f32 from vector<1xf32>
      %mul3A_1654 = vector.broadcast %squeeze3A_1653 : f32 to vector<16xf32>
      %mul3A_1655 = arith.mulf %mul3A_1654, %get3A_1651 : vector<16xf32>
      %add3A_1656 = arith.addf %add3A_1560, %mul3A_1655 : vector<16xf32>
      %slice3A_1657 = vector.extract_strided_slice %get3A_1491 {offsets = [6], sizes = [1], strides = [1]} : vector<16xf32> to vector<1xf32>
      %squeeze3A_1658 = vector.extract %slice3A_1657[0] : f32 from vector<1xf32>
      %mul3A_1659 = vector.broadcast %squeeze3A_1658 : f32 to vector<16xf32>
      %mul3A_1660 = arith.mulf %mul3A_1659, %get3A_1651 : vector<16xf32>
      %add3A_1661 = arith.addf %add3A_1565, %mul3A_1660 : vector<16xf32>
      %slice3A_1662 = vector.extract_strided_slice %get3A_1497 {offsets = [6], sizes = [1], strides = [1]} : vector<16xf32> to vector<1xf32>
      %squeeze3A_1663 = vector.extract %slice3A_1662[0] : f32 from vector<1xf32>
      %mul3A_1664 = vector.broadcast %squeeze3A_1663 : f32 to vector<16xf32>
      %mul3A_1665 = arith.mulf %mul3A_1664, %get3A_1651 : vector<16xf32>
      %add3A_1666 = arith.addf %add3A_1570, %mul3A_1665 : vector<16xf32>
      %slice3A_1667 = vector.extract_strided_slice %get3A_1503 {offsets = [6], sizes = [1], strides = [1]} : vector<16xf32> to vector<1xf32>
      %squeeze3A_1668 = vector.extract %slice3A_1667[0] : f32 from vector<1xf32>
      %mul3A_1669 = vector.broadcast %squeeze3A_1668 : f32 to vector<16xf32>
      %mul3A_1670 = arith.mulf %mul3A_1669, %get3A_1651 : vector<16xf32>
      %add3A_1671 = arith.addf %add3A_1575, %mul3A_1670 : vector<16xf32>
      %get3A_1672 = arith.constant 6 : i32
      %get3A_1673 = arith.index_cast %get3A_1672 : i32 to index
      %get3A_1674 = arith.constant 112 : index
      %get3A_1675 = tpu.vector_load %arg10[%get3A_1673, %get3A_1674] {strides = array<i32>} : memref<16x128xf32, #tpu.memory_space<vmem>>, vector<16xf32>,
      %slice3A_1676 = vector.extract_strided_slice %get3A_1485 {offsets = [7], sizes = [1], strides = [1]} : vector<16xf32> to vector<1xf32>
      %squeeze3A_1677 = vector.extract %slice3A_1676[0] : f32 from vector<1xf32>
      %mul3A_1678 = vector.broadcast %squeeze3A_1677 : f32 to vector<16xf32>
      %mul3A_1679 = arith.mulf %mul3A_1678, %get3A_1675 : vector<16xf32>
      %add3A_1680 = arith.addf %add3A_1584, %mul3A_1679 : vector<16xf32>
      %slice3A_1681 = vector.extract_strided_slice %get3A_1491 {offsets = [7], sizes = [1], strides = [1]} : vector<16xf32> to vector<1xf32>
      %squeeze3A_1682 = vector.extract %slice3A_1681[0] : f32 from vector<1xf32>
      %mul3A_1683 = vector.broadcast %squeeze3A_1682 : f32 to vector<16xf32>
      %mul3A_1684 = arith.mulf %mul3A_1683, %get3A_1675 : vector<16xf32>
      %add3A_1685 = arith.addf %add3A_1589, %mul3A_1684 : vector<16xf32>
      %slice3A_1686 = vector.extract_strided_slice %get3A_1497 {offsets = [7], sizes = [1], strides = [1]} : vector<16xf32> to vector<1xf32>
      %squeeze3A_1687 = vector.extract %slice3A_1686[0] : f32 from vector<1xf32>
      %mul3A_1688 = vector.broadcast %squeeze3A_1687 : f32 to vector<16xf32>
      %mul3A_1689 = arith.mulf %mul3A_1688, %get3A_1675 : vector<16xf32>
      %add3A_1690 = arith.addf %add3A_1594, %mul3A_1689 : vector<16xf32>
      %slice3A_1691 = vector.extract_strided_slice %get3A_1503 {offsets = [7], sizes = [1], strides = [1]} : vector<16xf32> to vector<1xf32>
      %squeeze3A_1692 = vector.extract %slice3A_1691[0] : f32 from vector<1xf32>
      %mul3A_1693 = vector.broadcast %squeeze3A_1692 : f32 to vector<16xf32>
      %mul3A_1694 = arith.mulf %mul3A_1693, %get3A_1675 : vector<16xf32>
      %add3A_1695 = arith.addf %add3A_1599, %mul3A_1694 : vector<16xf32>
      %get3A_1696 = arith.constant 7 : i32
      %get3A_1697 = arith.index_cast %get3A_1696 : i32 to index
      %get3A_1698 = arith.constant 0 : index
      %get3A_1699 = tpu.vector_load %arg10[%get3A_1697, %get3A_1698] {strides = array<i32>} : memref<16x128xf32, #tpu.memory_space<vmem>>, vector<16xf32>,
      %slice3A_1700 = vector.extract_strided_slice %get3A_1485 {offsets = [8], sizes = [1], strides = [1]} : vector<16xf32> to vector<1xf32>
      %squeeze3A_1701 = vector.extract %slice3A_1700[0] : f32 from vector<1xf32>
      %mul3A_1702 = vector.broadcast %squeeze3A_1701 : f32 to vector<16xf32>
      %mul3A_1703 = arith.mulf %mul3A_1702, %get3A_1699 : vector<16xf32>
      %add3A_1704 = arith.addf %add3A_1608, %mul3A_1703 : vector<16xf32>
      %slice3A_1705 = vector.extract_strided_slice %get3A_1491 {offsets = [8], sizes = [1], strides = [1]} : vector<16xf32> to vector<1xf32>
      %squeeze3A_1706 = vector.extract %slice3A_1705[0] : f32 from vector<1xf32>
      %mul3A_1707 = vector.broadcast %squeeze3A_1706 : f32 to vector<16xf32>
      %mul3A_1708 = arith.mulf %mul3A_1707, %get3A_1699 : vector<16xf32>
      %add3A_1709 = arith.addf %add3A_1613, %mul3A_1708 : vector<16xf32>
      %slice3A_1710 = vector.extract_strided_slice %get3A_1497 {offsets = [8], sizes = [1], strides = [1]} : vector<16xf32> to vector<1xf32>
      %squeeze3A_1711 = vector.extract %slice3A_1710[0] : f32 from vector<1xf32>
      %mul3A_1712 = vector.broadcast %squeeze3A_1711 : f32 to vector<16xf32>
      %mul3A_1713 = arith.mulf %mul3A_1712, %get3A_1699 : vector<16xf32>
      %add3A_1714 = arith.addf %add3A_1618, %mul3A_1713 : vector<16xf32>
      %slice3A_1715 = vector.extract_strided_slice %get3A_1503 {offsets = [8], sizes = [1], strides = [1]} : vector<16xf32> to vector<1xf32>
      %squeeze3A_1716 = vector.extract %slice3A_1715[0] : f32 from vector<1xf32>
      %mul3A_1717 = vector.broadcast %squeeze3A_1716 : f32 to vector<16xf32>
      %mul3A_1718 = arith.mulf %mul3A_1717, %get3A_1699 : vector<16xf32>
      %add3A_1719 = arith.addf %add3A_1623, %mul3A_1718 : vector<16xf32>
      %get3A_1720 = arith.constant 7 : i32
      %get3A_1721 = arith.index_cast %get3A_1720 : i32 to index
      %get3A_1722 = arith.constant 16 : index
      %get3A_1723 = tpu.vector_load %arg10[%get3A_1721, %get3A_1722] {strides = array<i32>} : memref<16x128xf32, #tpu.memory_space<vmem>>, vector<16xf32>,
      %slice3A_1724 = vector.extract_strided_slice %get3A_1485 {offsets = [9], sizes = [1], strides = [1]} : vector<16xf32> to vector<1xf32>
      %squeeze3A_1725 = vector.extract %slice3A_1724[0] : f32 from vector<1xf32>
      %mul3A_1726 = vector.broadcast %squeeze3A_1725 : f32 to vector<16xf32>
      %mul3A_1727 = arith.mulf %mul3A_1726, %get3A_1723 : vector<16xf32>
      %add3A_1728 = arith.addf %add3A_1632, %mul3A_1727 : vector<16xf32>
      %slice3A_1729 = vector.extract_strided_slice %get3A_1491 {offsets = [9], sizes = [1], strides = [1]} : vector<16xf32> to vector<1xf32>
      %squeeze3A_1730 = vector.extract %slice3A_1729[0] : f32 from vector<1xf32>
      %mul3A_1731 = vector.broadcast %squeeze3A_1730 : f32 to vector<16xf32>
      %mul3A_1732 = arith.mulf %mul3A_1731, %get3A_1723 : vector<16xf32>
      %add3A_1733 = arith.addf %add3A_1637, %mul3A_1732 : vector<16xf32>
      %slice3A_1734 = vector.extract_strided_slice %get3A_1497 {offsets = [9], sizes = [1], strides = [1]} : vector<16xf32> to vector<1xf32>
      %squeeze3A_1735 = vector.extract %slice3A_1734[0] : f32 from vector<1xf32>
      %mul3A_1736 = vector.broadcast %squeeze3A_1735 : f32 to vector<16xf32>
      %mul3A_1737 = arith.mulf %mul3A_1736, %get3A_1723 : vector<16xf32>
      %add3A_1738 = arith.addf %add3A_1642, %mul3A_1737 : vector<16xf32>
      %slice3A_1739 = vector.extract_strided_slice %get3A_1503 {offsets = [9], sizes = [1], strides = [1]} : vector<16xf32> to vector<1xf32>
      %squeeze3A_1740 = vector.extract %slice3A_1739[0] : f32 from vector<1xf32>
      %mul3A_1741 = vector.broadcast %squeeze3A_1740 : f32 to vector<16xf32>
      %mul3A_1742 = arith.mulf %mul3A_1741, %get3A_1723 : vector<16xf32>
      %add3A_1743 = arith.addf %add3A_1647, %mul3A_1742 : vector<16xf32>
      %get3A_1744 = arith.constant 7 : i32
      %get3A_1745 = arith.index_cast %get3A_1744 : i32 to index
      %get3A_1746 = arith.constant 32 : index
      %get3A_1747 = tpu.vector_load %arg10[%get3A_1745, %get3A_1746] {strides = array<i32>} : memref<16x128xf32, #tpu.memory_space<vmem>>, vector<16xf32>,
      %slice3A_1748 = vector.extract_strided_slice %get3A_1485 {offsets = [10], sizes = [1], strides = [1]} : vector<16xf32> to vector<1xf32>
      %squeeze3A_1749 = vector.extract %slice3A_1748[0] : f32 from vector<1xf32>
      %mul3A_1750 = vector.broadcast %squeeze3A_1749 : f32 to vector<16xf32>
      %mul3A_1751 = arith.mulf %mul3A_1750, %get3A_1747 : vector<16xf32>
      %add3A_1752 = arith.addf %add3A_1656, %mul3A_1751 : vector<16xf32>
      %slice3A_1753 = vector.extract_strided_slice %get3A_1491 {offsets = [10], sizes = [1], strides = [1]} : vector<16xf32> to vector<1xf32>
      %squeeze3A_1754 = vector.extract %slice3A_1753[0] : f32 from vector<1xf32>
      %mul3A_1755 = vector.broadcast %squeeze3A_1754 : f32 to vector<16xf32>
      %mul3A_1756 = arith.mulf %mul3A_1755, %get3A_1747 : vector<16xf32>
      %add3A_1757 = arith.addf %add3A_1661, %mul3A_1756 : vector<16xf32>
      %slice3A_1758 = vector.extract_strided_slice %get3A_1497 {offsets = [10], sizes = [1], strides = [1]} : vector<16xf32> to vector<1xf32>
      %squeeze3A_1759 = vector.extract %slice3A_1758[0] : f32 from vector<1xf32>
      %mul3A_1760 = vector.broadcast %squeeze3A_1759 : f32 to vector<16xf32>
      %mul3A_1761 = arith.mulf %mul3A_1760, %get3A_1747 : vector<16xf32>
      %add3A_1762 = arith.addf %add3A_1666, %mul3A_1761 : vector<16xf32>
      %slice3A_1763 = vector.extract_strided_slice %get3A_1503 {offsets = [10], sizes = [1], strides = [1]} : vector<16xf32> to vector<1xf32>
      %squeeze3A_1764 = vector.extract %slice3A_1763[0] : f32 from vector<1xf32>
      %mul3A_1765 = vector.broadcast %squeeze3A_1764 : f32 to vector<16xf32>
      %mul3A_1766 = arith.mulf %mul3A_1765, %get3A_1747 : vector<16xf32>
      %add3A_1767 = arith.addf %add3A_1671, %mul3A_1766 : vector<16xf32>
      %get3A_1768 = arith.constant 7 : i32
      %get3A_1769 = arith.index_cast %get3A_1768 : i32 to index
      %get3A_1770 = arith.constant 48 : index
      %get3A_1771 = tpu.vector_load %arg10[%get3A_1769, %get3A_1770] {strides = array<i32>} : memref<16x128xf32, #tpu.memory_space<vmem>>, vector<16xf32>,
      %slice3A_1772 = vector.extract_strided_slice %get3A_1485 {offsets = [11], sizes = [1], strides = [1]} : vector<16xf32> to vector<1xf32>
      %squeeze3A_1773 = vector.extract %slice3A_1772[0] : f32 from vector<1xf32>
      %mul3A_1774 = vector.broadcast %squeeze3A_1773 : f32 to vector<16xf32>
      %mul3A_1775 = arith.mulf %mul3A_1774, %get3A_1771 : vector<16xf32>
      %add3A_1776 = arith.addf %add3A_1680, %mul3A_1775 : vector<16xf32>
      %slice3A_1777 = vector.extract_strided_slice %get3A_1491 {offsets = [11], sizes = [1], strides = [1]} : vector<16xf32> to vector<1xf32>
      %squeeze3A_1778 = vector.extract %slice3A_1777[0] : f32 from vector<1xf32>
      %mul3A_1779 = vector.broadcast %squeeze3A_1778 : f32 to vector<16xf32>
      %mul3A_1780 = arith.mulf %mul3A_1779, %get3A_1771 : vector<16xf32>
      %add3A_1781 = arith.addf %add3A_1685, %mul3A_1780 : vector<16xf32>
      %slice3A_1782 = vector.extract_strided_slice %get3A_1497 {offsets = [11], sizes = [1], strides = [1]} : vector<16xf32> to vector<1xf32>
      %squeeze3A_1783 = vector.extract %slice3A_1782[0] : f32 from vector<1xf32>
      %mul3A_1784 = vector.broadcast %squeeze3A_1783 : f32 to vector<16xf32>
      %mul3A_1785 = arith.mulf %mul3A_1784, %get3A_1771 : vector<16xf32>
      %add3A_1786 = arith.addf %add3A_1690, %mul3A_1785 : vector<16xf32>
      %slice3A_1787 = vector.extract_strided_slice %get3A_1503 {offsets = [11], sizes = [1], strides = [1]} : vector<16xf32> to vector<1xf32>
      %squeeze3A_1788 = vector.extract %slice3A_1787[0] : f32 from vector<1xf32>
      %mul3A_1789 = vector.broadcast %squeeze3A_1788 : f32 to vector<16xf32>
      %mul3A_1790 = arith.mulf %mul3A_1789, %get3A_1771 : vector<16xf32>
      %add3A_1791 = arith.addf %add3A_1695, %mul3A_1790 : vector<16xf32>
      %get3A_1792 = arith.constant 7 : i32
      %get3A_1793 = arith.index_cast %get3A_1792 : i32 to index
      %get3A_1794 = arith.constant 64 : index
      %get3A_1795 = tpu.vector_load %arg10[%get3A_1793, %get3A_1794] {strides = array<i32>} : memref<16x128xf32, #tpu.memory_space<vmem>>, vector<16xf32>,
      %slice3A_1796 = vector.extract_strided_slice %get3A_1485 {offsets = [12], sizes = [1], strides = [1]} : vector<16xf32> to vector<1xf32>
      %squeeze3A_1797 = vector.extract %slice3A_1796[0] : f32 from vector<1xf32>
      %mul3A_1798 = vector.broadcast %squeeze3A_1797 : f32 to vector<16xf32>
      %mul3A_1799 = arith.mulf %mul3A_1798, %get3A_1795 : vector<16xf32>
      %add3A_1800 = arith.addf %add3A_1704, %mul3A_1799 : vector<16xf32>
      %slice3A_1801 = vector.extract_strided_slice %get3A_1491 {offsets = [12], sizes = [1], strides = [1]} : vector<16xf32> to vector<1xf32>
      %squeeze3A_1802 = vector.extract %slice3A_1801[0] : f32 from vector<1xf32>
      %mul3A_1803 = vector.broadcast %squeeze3A_1802 : f32 to vector<16xf32>
      %mul3A_1804 = arith.mulf %mul3A_1803, %get3A_1795 : vector<16xf32>
      %add3A_1805 = arith.addf %add3A_1709, %mul3A_1804 : vector<16xf32>
      %slice3A_1806 = vector.extract_strided_slice %get3A_1497 {offsets = [12], sizes = [1], strides = [1]} : vector<16xf32> to vector<1xf32>
      %squeeze3A_1807 = vector.extract %slice3A_1806[0] : f32 from vector<1xf32>
      %mul3A_1808 = vector.broadcast %squeeze3A_1807 : f32 to vector<16xf32>
      %mul3A_1809 = arith.mulf %mul3A_1808, %get3A_1795 : vector<16xf32>
      %add3A_1810 = arith.addf %add3A_1714, %mul3A_1809 : vector<16xf32>
      %slice3A_1811 = vector.extract_strided_slice %get3A_1503 {offsets = [12], sizes = [1], strides = [1]} : vector<16xf32> to vector<1xf32>
      %squeeze3A_1812 = vector.extract %slice3A_1811[0] : f32 from vector<1xf32>
      %mul3A_1813 = vector.broadcast %squeeze3A_1812 : f32 to vector<16xf32>
      %mul3A_1814 = arith.mulf %mul3A_1813, %get3A_1795 : vector<16xf32>
      %add3A_1815 = arith.addf %add3A_1719, %mul3A_1814 : vector<16xf32>
      %get3A_1816 = arith.constant 7 : i32
      %get3A_1817 = arith.index_cast %get3A_1816 : i32 to index
      %get3A_1818 = arith.constant 80 : index
      %get3A_1819 = tpu.vector_load %arg10[%get3A_1817, %get3A_1818] {strides = array<i32>} : memref<16x128xf32, #tpu.memory_space<vmem>>, vector<16xf32>,
      %slice3A_1820 = vector.extract_strided_slice %get3A_1485 {offsets = [13], sizes = [1], strides = [1]} : vector<16xf32> to vector<1xf32>
      %squeeze3A_1821 = vector.extract %slice3A_1820[0] : f32 from vector<1xf32>
      %mul3A_1822 = vector.broadcast %squeeze3A_1821 : f32 to vector<16xf32>
      %mul3A_1823 = arith.mulf %mul3A_1822, %get3A_1819 : vector<16xf32>
      %add3A_1824 = arith.addf %add3A_1728, %mul3A_1823 : vector<16xf32>
      %slice3A_1825 = vector.extract_strided_slice %get3A_1491 {offsets = [13], sizes = [1], strides = [1]} : vector<16xf32> to vector<1xf32>
      %squeeze3A_1826 = vector.extract %slice3A_1825[0] : f32 from vector<1xf32>
      %mul3A_1827 = vector.broadcast %squeeze3A_1826 : f32 to vector<16xf32>
      %mul3A_1828 = arith.mulf %mul3A_1827, %get3A_1819 : vector<16xf32>
      %add3A_1829 = arith.addf %add3A_1733, %mul3A_1828 : vector<16xf32>
      %slice3A_1830 = vector.extract_strided_slice %get3A_1497 {offsets = [13], sizes = [1], strides = [1]} : vector<16xf32> to vector<1xf32>
      %squeeze3A_1831 = vector.extract %slice3A_1830[0] : f32 from vector<1xf32>
      %mul3A_1832 = vector.broadcast %squeeze3A_1831 : f32 to vector<16xf32>
      %mul3A_1833 = arith.mulf %mul3A_1832, %get3A_1819 : vector<16xf32>
      %add3A_1834 = arith.addf %add3A_1738, %mul3A_1833 : vector<16xf32>
      %slice3A_1835 = vector.extract_strided_slice %get3A_1503 {offsets = [13], sizes = [1], strides = [1]} : vector<16xf32> to vector<1xf32>
      %squeeze3A_1836 = vector.extract %slice3A_1835[0] : f32 from vector<1xf32>
      %mul3A_1837 = vector.broadcast %squeeze3A_1836 : f32 to vector<16xf32>
      %mul3A_1838 = arith.mulf %mul3A_1837, %get3A_1819 : vector<16xf32>
      %add3A_1839 = arith.addf %add3A_1743, %mul3A_1838 : vector<16xf32>
      %get3A_1840 = arith.constant 7 : i32
      %get3A_1841 = arith.index_cast %get3A_1840 : i32 to index
      %get3A_1842 = arith.constant 96 : index
      %get3A_1843 = tpu.vector_load %arg10[%get3A_1841, %get3A_1842] {strides = array<i32>} : memref<16x128xf32, #tpu.memory_space<vmem>>, vector<16xf32>,
      %slice3A_1844 = vector.extract_strided_slice %get3A_1485 {offsets = [14], sizes = [1], strides = [1]} : vector<16xf32> to vector<1xf32>
      %squeeze3A_1845 = vector.extract %slice3A_1844[0] : f32 from vector<1xf32>
      %mul3A_1846 = vector.broadcast %squeeze3A_1845 : f32 to vector<16xf32>
      %mul3A_1847 = arith.mulf %mul3A_1846, %get3A_1843 : vector<16xf32>
      %add3A_1848 = arith.addf %add3A_1752, %mul3A_1847 : vector<16xf32>
      %slice3A_1849 = vector.extract_strided_slice %get3A_1491 {offsets = [14], sizes = [1], strides = [1]} : vector<16xf32> to vector<1xf32>
      %squeeze3A_1850 = vector.extract %slice3A_1849[0] : f32 from vector<1xf32>
      %mul3A_1851 = vector.broadcast %squeeze3A_1850 : f32 to vector<16xf32>
      %mul3A_1852 = arith.mulf %mul3A_1851, %get3A_1843 : vector<16xf32>
      %add3A_1853 = arith.addf %add3A_1757, %mul3A_1852 : vector<16xf32>
      %slice3A_1854 = vector.extract_strided_slice %get3A_1497 {offsets = [14], sizes = [1], strides = [1]} : vector<16xf32> to vector<1xf32>
      %squeeze3A_1855 = vector.extract %slice3A_1854[0] : f32 from vector<1xf32>
      %mul3A_1856 = vector.broadcast %squeeze3A_1855 : f32 to vector<16xf32>
      %mul3A_1857 = arith.mulf %mul3A_1856, %get3A_1843 : vector<16xf32>
      %add3A_1858 = arith.addf %add3A_1762, %mul3A_1857 : vector<16xf32>
      %slice3A_1859 = vector.extract_strided_slice %get3A_1503 {offsets = [14], sizes = [1], strides = [1]} : vector<16xf32> to vector<1xf32>
      %squeeze3A_1860 = vector.extract %slice3A_1859[0] : f32 from vector<1xf32>
      %mul3A_1861 = vector.broadcast %squeeze3A_1860 : f32 to vector<16xf32>
      %mul3A_1862 = arith.mulf %mul3A_1861, %get3A_1843 : vector<16xf32>
      %add3A_1863 = arith.addf %add3A_1767, %mul3A_1862 : vector<16xf32>
      %get3A_1864 = arith.constant 7 : i32
      %get3A_1865 = arith.index_cast %get3A_1864 : i32 to index
      %get3A_1866 = arith.constant 112 : index
      %get3A_1867 = tpu.vector_load %arg10[%get3A_1865, %get3A_1866] {strides = array<i32>} : memref<16x128xf32, #tpu.memory_space<vmem>>, vector<16xf32>,
      %slice3A_1868 = vector.extract_strided_slice %get3A_1485 {offsets = [15], sizes = [1], strides = [1]} : vector<16xf32> to vector<1xf32>
      %squeeze3A_1869 = vector.extract %slice3A_1868[0] : f32 from vector<1xf32>
      %mul3A_1870 = vector.broadcast %squeeze3A_1869 : f32 to vector<16xf32>
      %mul3A_1871 = arith.mulf %mul3A_1870, %get3A_1867 : vector<16xf32>
      %add3A_1872 = arith.addf %add3A_1776, %mul3A_1871 : vector<16xf32>
      %slice3A_1873 = vector.extract_strided_slice %get3A_1491 {offsets = [15], sizes = [1], strides = [1]} : vector<16xf32> to vector<1xf32>
      %squeeze3A_1874 = vector.extract %slice3A_1873[0] : f32 from vector<1xf32>
      %mul3A_1875 = vector.broadcast %squeeze3A_1874 : f32 to vector<16xf32>
      %mul3A_1876 = arith.mulf %mul3A_1875, %get3A_1867 : vector<16xf32>
      %add3A_1877 = arith.addf %add3A_1781, %mul3A_1876 : vector<16xf32>
      %slice3A_1878 = vector.extract_strided_slice %get3A_1497 {offsets = [15], sizes = [1], strides = [1]} : vector<16xf32> to vector<1xf32>
      %squeeze3A_1879 = vector.extract %slice3A_1878[0] : f32 from vector<1xf32>
      %mul3A_1880 = vector.broadcast %squeeze3A_1879 : f32 to vector<16xf32>
      %mul3A_1881 = arith.mulf %mul3A_1880, %get3A_1867 : vector<16xf32>
      %add3A_1882 = arith.addf %add3A_1786, %mul3A_1881 : vector<16xf32>
      %slice3A_1883 = vector.extract_strided_slice %get3A_1503 {offsets = [15], sizes = [1], strides = [1]} : vector<16xf32> to vector<1xf32>
      %squeeze3A_1884 = vector.extract %slice3A_1883[0] : f32 from vector<1xf32>
      %mul3A_1885 = vector.broadcast %squeeze3A_1884 : f32 to vector<16xf32>
      %mul3A_1886 = arith.mulf %mul3A_1885, %get3A_1867 : vector<16xf32>
      %add3A_1887 = arith.addf %add3A_1791, %mul3A_1886 : vector<16xf32>
      %add3A_1888 = arith.constant 0 : i32
      %add3A_1889 = arith.addi %mul3A_226, %add3A_1888 : i32
      %add3A_1890 = arith.addi %add3A_1889, %sub3A : i32
      %get3A_1891 = arith.index_cast %add3A_1890 : i32 to index
      %get3A_1892 = arith.constant 64 : index
      %get3A_1893 = tpu.vector_load %arg9[%get3A_1891, %get3A_1892] {strides = array<i32>} : memref<64x128xf32, #tpu.memory_space<vmem>>, vector<16xf32>,
      %add3A_1894 = arith.constant 1 : i32
      %add3A_1895 = arith.addi %mul3A_226, %add3A_1894 : i32
      %add3A_1896 = arith.addi %add3A_1895, %sub3A : i32
      %get3A_1897 = arith.index_cast %add3A_1896 : i32 to index
      %get3A_1898 = arith.constant 64 : index
      %get3A_1899 = tpu.vector_load %arg9[%get3A_1897, %get3A_1898] {strides = array<i32>} : memref<64x128xf32, #tpu.memory_space<vmem>>, vector<16xf32>,
      %add3A_1900 = arith.constant 2 : i32
      %add3A_1901 = arith.addi %mul3A_226, %add3A_1900 : i32
      %add3A_1902 = arith.addi %add3A_1901, %sub3A : i32
      %get3A_1903 = arith.index_cast %add3A_1902 : i32 to index
      %get3A_1904 = arith.constant 64 : index
      %get3A_1905 = tpu.vector_load %arg9[%get3A_1903, %get3A_1904] {strides = array<i32>} : memref<64x128xf32, #tpu.memory_space<vmem>>, vector<16xf32>,
      %add3A_1906 = arith.constant 3 : i32
      %add3A_1907 = arith.addi %mul3A_226, %add3A_1906 : i32
      %add3A_1908 = arith.addi %add3A_1907, %sub3A : i32
      %get3A_1909 = arith.index_cast %add3A_1908 : i32 to index
      %get3A_1910 = arith.constant 64 : index
      %get3A_1911 = tpu.vector_load %arg9[%get3A_1909, %get3A_1910] {strides = array<i32>} : memref<64x128xf32, #tpu.memory_space<vmem>>, vector<16xf32>,
      %get3A_1912 = arith.constant 8 : i32
      %get3A_1913 = arith.index_cast %get3A_1912 : i32 to index
      %get3A_1914 = arith.constant 0 : index
      %get3A_1915 = tpu.vector_load %arg10[%get3A_1913, %get3A_1914] {strides = array<i32>} : memref<16x128xf32, #tpu.memory_space<vmem>>, vector<16xf32>,
      %slice3A_1916 = vector.extract_strided_slice %get3A_1893 {offsets = [0], sizes = [1], strides = [1]} : vector<16xf32> to vector<1xf32>
      %squeeze3A_1917 = vector.extract %slice3A_1916[0] : f32 from vector<1xf32>
      %mul3A_1918 = vector.broadcast %squeeze3A_1917 : f32 to vector<16xf32>
      %mul3A_1919 = arith.mulf %mul3A_1918, %get3A_1915 : vector<16xf32>
      %add3A_1920 = arith.addf %add3A_1800, %mul3A_1919 : vector<16xf32>
      %slice3A_1921 = vector.extract_strided_slice %get3A_1899 {offsets = [0], sizes = [1], strides = [1]} : vector<16xf32> to vector<1xf32>
      %squeeze3A_1922 = vector.extract %slice3A_1921[0] : f32 from vector<1xf32>
      %mul3A_1923 = vector.broadcast %squeeze3A_1922 : f32 to vector<16xf32>
      %mul3A_1924 = arith.mulf %mul3A_1923, %get3A_1915 : vector<16xf32>
      %add3A_1925 = arith.addf %add3A_1805, %mul3A_1924 : vector<16xf32>
      %slice3A_1926 = vector.extract_strided_slice %get3A_1905 {offsets = [0], sizes = [1], strides = [1]} : vector<16xf32> to vector<1xf32>
      %squeeze3A_1927 = vector.extract %slice3A_1926[0] : f32 from vector<1xf32>
      %mul3A_1928 = vector.broadcast %squeeze3A_1927 : f32 to vector<16xf32>
      %mul3A_1929 = arith.mulf %mul3A_1928, %get3A_1915 : vector<16xf32>
      %add3A_1930 = arith.addf %add3A_1810, %mul3A_1929 : vector<16xf32>
      %slice3A_1931 = vector.extract_strided_slice %get3A_1911 {offsets = [0], sizes = [1], strides = [1]} : vector<16xf32> to vector<1xf32>
      %squeeze3A_1932 = vector.extract %slice3A_1931[0] : f32 from vector<1xf32>
      %mul3A_1933 = vector.broadcast %squeeze3A_1932 : f32 to vector<16xf32>
      %mul3A_1934 = arith.mulf %mul3A_1933, %get3A_1915 : vector<16xf32>
      %add3A_1935 = arith.addf %add3A_1815, %mul3A_1934 : vector<16xf32>
      %get3A_1936 = arith.constant 8 : i32
      %get3A_1937 = arith.index_cast %get3A_1936 : i32 to index
      %get3A_1938 = arith.constant 16 : index
      %get3A_1939 = tpu.vector_load %arg10[%get3A_1937, %get3A_1938] {strides = array<i32>} : memref<16x128xf32, #tpu.memory_space<vmem>>, vector<16xf32>,
      %slice3A_1940 = vector.extract_strided_slice %get3A_1893 {offsets = [1], sizes = [1], strides = [1]} : vector<16xf32> to vector<1xf32>
      %squeeze3A_1941 = vector.extract %slice3A_1940[0] : f32 from vector<1xf32>
      %mul3A_1942 = vector.broadcast %squeeze3A_1941 : f32 to vector<16xf32>
      %mul3A_1943 = arith.mulf %mul3A_1942, %get3A_1939 : vector<16xf32>
      %add3A_1944 = arith.addf %add3A_1824, %mul3A_1943 : vector<16xf32>
      %slice3A_1945 = vector.extract_strided_slice %get3A_1899 {offsets = [1], sizes = [1], strides = [1]} : vector<16xf32> to vector<1xf32>
      %squeeze3A_1946 = vector.extract %slice3A_1945[0] : f32 from vector<1xf32>
      %mul3A_1947 = vector.broadcast %squeeze3A_1946 : f32 to vector<16xf32>
      %mul3A_1948 = arith.mulf %mul3A_1947, %get3A_1939 : vector<16xf32>
      %add3A_1949 = arith.addf %add3A_1829, %mul3A_1948 : vector<16xf32>
      %slice3A_1950 = vector.extract_strided_slice %get3A_1905 {offsets = [1], sizes = [1], strides = [1]} : vector<16xf32> to vector<1xf32>
      %squeeze3A_1951 = vector.extract %slice3A_1950[0] : f32 from vector<1xf32>
      %mul3A_1952 = vector.broadcast %squeeze3A_1951 : f32 to vector<16xf32>
      %mul3A_1953 = arith.mulf %mul3A_1952, %get3A_1939 : vector<16xf32>
      %add3A_1954 = arith.addf %add3A_1834, %mul3A_1953 : vector<16xf32>
      %slice3A_1955 = vector.extract_strided_slice %get3A_1911 {offsets = [1], sizes = [1], strides = [1]} : vector<16xf32> to vector<1xf32>
      %squeeze3A_1956 = vector.extract %slice3A_1955[0] : f32 from vector<1xf32>
      %mul3A_1957 = vector.broadcast %squeeze3A_1956 : f32 to vector<16xf32>
      %mul3A_1958 = arith.mulf %mul3A_1957, %get3A_1939 : vector<16xf32>
      %add3A_1959 = arith.addf %add3A_1839, %mul3A_1958 : vector<16xf32>
      %get3A_1960 = arith.constant 8 : i32
      %get3A_1961 = arith.index_cast %get3A_1960 : i32 to index
      %get3A_1962 = arith.constant 32 : index
      %get3A_1963 = tpu.vector_load %arg10[%get3A_1961, %get3A_1962] {strides = array<i32>} : memref<16x128xf32, #tpu.memory_space<vmem>>, vector<16xf32>,
      %slice3A_1964 = vector.extract_strided_slice %get3A_1893 {offsets = [2], sizes = [1], strides = [1]} : vector<16xf32> to vector<1xf32>
      %squeeze3A_1965 = vector.extract %slice3A_1964[0] : f32 from vector<1xf32>
      %mul3A_1966 = vector.broadcast %squeeze3A_1965 : f32 to vector<16xf32>
      %mul3A_1967 = arith.mulf %mul3A_1966, %get3A_1963 : vector<16xf32>
      %add3A_1968 = arith.addf %add3A_1848, %mul3A_1967 : vector<16xf32>
      %slice3A_1969 = vector.extract_strided_slice %get3A_1899 {offsets = [2], sizes = [1], strides = [1]} : vector<16xf32> to vector<1xf32>
      %squeeze3A_1970 = vector.extract %slice3A_1969[0] : f32 from vector<1xf32>
      %mul3A_1971 = vector.broadcast %squeeze3A_1970 : f32 to vector<16xf32>
      %mul3A_1972 = arith.mulf %mul3A_1971, %get3A_1963 : vector<16xf32>
      %add3A_1973 = arith.addf %add3A_1853, %mul3A_1972 : vector<16xf32>
      %slice3A_1974 = vector.extract_strided_slice %get3A_1905 {offsets = [2], sizes = [1], strides = [1]} : vector<16xf32> to vector<1xf32>
      %squeeze3A_1975 = vector.extract %slice3A_1974[0] : f32 from vector<1xf32>
      %mul3A_1976 = vector.broadcast %squeeze3A_1975 : f32 to vector<16xf32>
      %mul3A_1977 = arith.mulf %mul3A_1976, %get3A_1963 : vector<16xf32>
      %add3A_1978 = arith.addf %add3A_1858, %mul3A_1977 : vector<16xf32>
      %slice3A_1979 = vector.extract_strided_slice %get3A_1911 {offsets = [2], sizes = [1], strides = [1]} : vector<16xf32> to vector<1xf32>
      %squeeze3A_1980 = vector.extract %slice3A_1979[0] : f32 from vector<1xf32>
      %mul3A_1981 = vector.broadcast %squeeze3A_1980 : f32 to vector<16xf32>
      %mul3A_1982 = arith.mulf %mul3A_1981, %get3A_1963 : vector<16xf32>
      %add3A_1983 = arith.addf %add3A_1863, %mul3A_1982 : vector<16xf32>
      %get3A_1984 = arith.constant 8 : i32
      %get3A_1985 = arith.index_cast %get3A_1984 : i32 to index
      %get3A_1986 = arith.constant 48 : index
      %get3A_1987 = tpu.vector_load %arg10[%get3A_1985, %get3A_1986] {strides = array<i32>} : memref<16x128xf32, #tpu.memory_space<vmem>>, vector<16xf32>,
      %slice3A_1988 = vector.extract_strided_slice %get3A_1893 {offsets = [3], sizes = [1], strides = [1]} : vector<16xf32> to vector<1xf32>
      %squeeze3A_1989 = vector.extract %slice3A_1988[0] : f32 from vector<1xf32>
      %mul3A_1990 = vector.broadcast %squeeze3A_1989 : f32 to vector<16xf32>
      %mul3A_1991 = arith.mulf %mul3A_1990, %get3A_1987 : vector<16xf32>
      %add3A_1992 = arith.addf %add3A_1872, %mul3A_1991 : vector<16xf32>
      %slice3A_1993 = vector.extract_strided_slice %get3A_1899 {offsets = [3], sizes = [1], strides = [1]} : vector<16xf32> to vector<1xf32>
      %squeeze3A_1994 = vector.extract %slice3A_1993[0] : f32 from vector<1xf32>
      %mul3A_1995 = vector.broadcast %squeeze3A_1994 : f32 to vector<16xf32>
      %mul3A_1996 = arith.mulf %mul3A_1995, %get3A_1987 : vector<16xf32>
      %add3A_1997 = arith.addf %add3A_1877, %mul3A_1996 : vector<16xf32>
      %slice3A_1998 = vector.extract_strided_slice %get3A_1905 {offsets = [3], sizes = [1], strides = [1]} : vector<16xf32> to vector<1xf32>
      %squeeze3A_1999 = vector.extract %slice3A_1998[0] : f32 from vector<1xf32>
      %mul3A_2000 = vector.broadcast %squeeze3A_1999 : f32 to vector<16xf32>
      %mul3A_2001 = arith.mulf %mul3A_2000, %get3A_1987 : vector<16xf32>
      %add3A_2002 = arith.addf %add3A_1882, %mul3A_2001 : vector<16xf32>
      %slice3A_2003 = vector.extract_strided_slice %get3A_1911 {offsets = [3], sizes = [1], strides = [1]} : vector<16xf32> to vector<1xf32>
      %squeeze3A_2004 = vector.extract %slice3A_2003[0] : f32 from vector<1xf32>
      %mul3A_2005 = vector.broadcast %squeeze3A_2004 : f32 to vector<16xf32>
      %mul3A_2006 = arith.mulf %mul3A_2005, %get3A_1987 : vector<16xf32>
      %add3A_2007 = arith.addf %add3A_1887, %mul3A_2006 : vector<16xf32>
      %get3A_2008 = arith.constant 8 : i32
      %get3A_2009 = arith.index_cast %get3A_2008 : i32 to index
      %get3A_2010 = arith.constant 64 : index
      %get3A_2011 = tpu.vector_load %arg10[%get3A_2009, %get3A_2010] {strides = array<i32>} : memref<16x128xf32, #tpu.memory_space<vmem>>, vector<16xf32>,
      %slice3A_2012 = vector.extract_strided_slice %get3A_1893 {offsets = [4], sizes = [1], strides = [1]} : vector<16xf32> to vector<1xf32>
      %squeeze3A_2013 = vector.extract %slice3A_2012[0] : f32 from vector<1xf32>
      %mul3A_2014 = vector.broadcast %squeeze3A_2013 : f32 to vector<16xf32>
      %mul3A_2015 = arith.mulf %mul3A_2014, %get3A_2011 : vector<16xf32>
      %add3A_2016 = arith.addf %add3A_1920, %mul3A_2015 : vector<16xf32>
      %slice3A_2017 = vector.extract_strided_slice %get3A_1899 {offsets = [4], sizes = [1], strides = [1]} : vector<16xf32> to vector<1xf32>
      %squeeze3A_2018 = vector.extract %slice3A_2017[0] : f32 from vector<1xf32>
      %mul3A_2019 = vector.broadcast %squeeze3A_2018 : f32 to vector<16xf32>
      %mul3A_2020 = arith.mulf %mul3A_2019, %get3A_2011 : vector<16xf32>
      %add3A_2021 = arith.addf %add3A_1925, %mul3A_2020 : vector<16xf32>
      %slice3A_2022 = vector.extract_strided_slice %get3A_1905 {offsets = [4], sizes = [1], strides = [1]} : vector<16xf32> to vector<1xf32>
      %squeeze3A_2023 = vector.extract %slice3A_2022[0] : f32 from vector<1xf32>
      %mul3A_2024 = vector.broadcast %squeeze3A_2023 : f32 to vector<16xf32>
      %mul3A_2025 = arith.mulf %mul3A_2024, %get3A_2011 : vector<16xf32>
      %add3A_2026 = arith.addf %add3A_1930, %mul3A_2025 : vector<16xf32>
      %slice3A_2027 = vector.extract_strided_slice %get3A_1911 {offsets = [4], sizes = [1], strides = [1]} : vector<16xf32> to vector<1xf32>
      %squeeze3A_2028 = vector.extract %slice3A_2027[0] : f32 from vector<1xf32>
      %mul3A_2029 = vector.broadcast %squeeze3A_2028 : f32 to vector<16xf32>
      %mul3A_2030 = arith.mulf %mul3A_2029, %get3A_2011 : vector<16xf32>
      %add3A_2031 = arith.addf %add3A_1935, %mul3A_2030 : vector<16xf32>
      %get3A_2032 = arith.constant 8 : i32
      %get3A_2033 = arith.index_cast %get3A_2032 : i32 to index
      %get3A_2034 = arith.constant 80 : index
      %get3A_2035 = tpu.vector_load %arg10[%get3A_2033, %get3A_2034] {strides = array<i32>} : memref<16x128xf32, #tpu.memory_space<vmem>>, vector<16xf32>,
      %slice3A_2036 = vector.extract_strided_slice %get3A_1893 {offsets = [5], sizes = [1], strides = [1]} : vector<16xf32> to vector<1xf32>
      %squeeze3A_2037 = vector.extract %slice3A_2036[0] : f32 from vector<1xf32>
      %mul3A_2038 = vector.broadcast %squeeze3A_2037 : f32 to vector<16xf32>
      %mul3A_2039 = arith.mulf %mul3A_2038, %get3A_2035 : vector<16xf32>
      %add3A_2040 = arith.addf %add3A_1944, %mul3A_2039 : vector<16xf32>
      %slice3A_2041 = vector.extract_strided_slice %get3A_1899 {offsets = [5], sizes = [1], strides = [1]} : vector<16xf32> to vector<1xf32>
      %squeeze3A_2042 = vector.extract %slice3A_2041[0] : f32 from vector<1xf32>
      %mul3A_2043 = vector.broadcast %squeeze3A_2042 : f32 to vector<16xf32>
      %mul3A_2044 = arith.mulf %mul3A_2043, %get3A_2035 : vector<16xf32>
      %add3A_2045 = arith.addf %add3A_1949, %mul3A_2044 : vector<16xf32>
      %slice3A_2046 = vector.extract_strided_slice %get3A_1905 {offsets = [5], sizes = [1], strides = [1]} : vector<16xf32> to vector<1xf32>
      %squeeze3A_2047 = vector.extract %slice3A_2046[0] : f32 from vector<1xf32>
      %mul3A_2048 = vector.broadcast %squeeze3A_2047 : f32 to vector<16xf32>
      %mul3A_2049 = arith.mulf %mul3A_2048, %get3A_2035 : vector<16xf32>
      %add3A_2050 = arith.addf %add3A_1954, %mul3A_2049 : vector<16xf32>
      %slice3A_2051 = vector.extract_strided_slice %get3A_1911 {offsets = [5], sizes = [1], strides = [1]} : vector<16xf32> to vector<1xf32>
      %squeeze3A_2052 = vector.extract %slice3A_2051[0] : f32 from vector<1xf32>
      %mul3A_2053 = vector.broadcast %squeeze3A_2052 : f32 to vector<16xf32>
      %mul3A_2054 = arith.mulf %mul3A_2053, %get3A_2035 : vector<16xf32>
      %add3A_2055 = arith.addf %add3A_1959, %mul3A_2054 : vector<16xf32>
      %get3A_2056 = arith.constant 8 : i32
      %get3A_2057 = arith.index_cast %get3A_2056 : i32 to index
      %get3A_2058 = arith.constant 96 : index
      %get3A_2059 = tpu.vector_load %arg10[%get3A_2057, %get3A_2058] {strides = array<i32>} : memref<16x128xf32, #tpu.memory_space<vmem>>, vector<16xf32>,
      %slice3A_2060 = vector.extract_strided_slice %get3A_1893 {offsets = [6], sizes = [1], strides = [1]} : vector<16xf32> to vector<1xf32>
      %squeeze3A_2061 = vector.extract %slice3A_2060[0] : f32 from vector<1xf32>
      %mul3A_2062 = vector.broadcast %squeeze3A_2061 : f32 to vector<16xf32>
      %mul3A_2063 = arith.mulf %mul3A_2062, %get3A_2059 : vector<16xf32>
      %add3A_2064 = arith.addf %add3A_1968, %mul3A_2063 : vector<16xf32>
      %slice3A_2065 = vector.extract_strided_slice %get3A_1899 {offsets = [6], sizes = [1], strides = [1]} : vector<16xf32> to vector<1xf32>
      %squeeze3A_2066 = vector.extract %slice3A_2065[0] : f32 from vector<1xf32>
      %mul3A_2067 = vector.broadcast %squeeze3A_2066 : f32 to vector<16xf32>
      %mul3A_2068 = arith.mulf %mul3A_2067, %get3A_2059 : vector<16xf32>
      %add3A_2069 = arith.addf %add3A_1973, %mul3A_2068 : vector<16xf32>
      %slice3A_2070 = vector.extract_strided_slice %get3A_1905 {offsets = [6], sizes = [1], strides = [1]} : vector<16xf32> to vector<1xf32>
      %squeeze3A_2071 = vector.extract %slice3A_2070[0] : f32 from vector<1xf32>
      %mul3A_2072 = vector.broadcast %squeeze3A_2071 : f32 to vector<16xf32>
      %mul3A_2073 = arith.mulf %mul3A_2072, %get3A_2059 : vector<16xf32>
      %add3A_2074 = arith.addf %add3A_1978, %mul3A_2073 : vector<16xf32>
      %slice3A_2075 = vector.extract_strided_slice %get3A_1911 {offsets = [6], sizes = [1], strides = [1]} : vector<16xf32> to vector<1xf32>
      %squeeze3A_2076 = vector.extract %slice3A_2075[0] : f32 from vector<1xf32>
      %mul3A_2077 = vector.broadcast %squeeze3A_2076 : f32 to vector<16xf32>
      %mul3A_2078 = arith.mulf %mul3A_2077, %get3A_2059 : vector<16xf32>
      %add3A_2079 = arith.addf %add3A_1983, %mul3A_2078 : vector<16xf32>
      %get3A_2080 = arith.constant 8 : i32
      %get3A_2081 = arith.index_cast %get3A_2080 : i32 to index
      %get3A_2082 = arith.constant 112 : index
      %get3A_2083 = tpu.vector_load %arg10[%get3A_2081, %get3A_2082] {strides = array<i32>} : memref<16x128xf32, #tpu.memory_space<vmem>>, vector<16xf32>,
      %slice3A_2084 = vector.extract_strided_slice %get3A_1893 {offsets = [7], sizes = [1], strides = [1]} : vector<16xf32> to vector<1xf32>
      %squeeze3A_2085 = vector.extract %slice3A_2084[0] : f32 from vector<1xf32>
      %mul3A_2086 = vector.broadcast %squeeze3A_2085 : f32 to vector<16xf32>
      %mul3A_2087 = arith.mulf %mul3A_2086, %get3A_2083 : vector<16xf32>
      %add3A_2088 = arith.addf %add3A_1992, %mul3A_2087 : vector<16xf32>
      %slice3A_2089 = vector.extract_strided_slice %get3A_1899 {offsets = [7], sizes = [1], strides = [1]} : vector<16xf32> to vector<1xf32>
      %squeeze3A_2090 = vector.extract %slice3A_2089[0] : f32 from vector<1xf32>
      %mul3A_2091 = vector.broadcast %squeeze3A_2090 : f32 to vector<16xf32>
      %mul3A_2092 = arith.mulf %mul3A_2091, %get3A_2083 : vector<16xf32>
      %add3A_2093 = arith.addf %add3A_1997, %mul3A_2092 : vector<16xf32>
      %slice3A_2094 = vector.extract_strided_slice %get3A_1905 {offsets = [7], sizes = [1], strides = [1]} : vector<16xf32> to vector<1xf32>
      %squeeze3A_2095 = vector.extract %slice3A_2094[0] : f32 from vector<1xf32>
      %mul3A_2096 = vector.broadcast %squeeze3A_2095 : f32 to vector<16xf32>
      %mul3A_2097 = arith.mulf %mul3A_2096, %get3A_2083 : vector<16xf32>
      %add3A_2098 = arith.addf %add3A_2002, %mul3A_2097 : vector<16xf32>
      %slice3A_2099 = vector.extract_strided_slice %get3A_1911 {offsets = [7], sizes = [1], strides = [1]} : vector<16xf32> to vector<1xf32>
      %squeeze3A_2100 = vector.extract %slice3A_2099[0] : f32 from vector<1xf32>
      %mul3A_2101 = vector.broadcast %squeeze3A_2100 : f32 to vector<16xf32>
      %mul3A_2102 = arith.mulf %mul3A_2101, %get3A_2083 : vector<16xf32>
      %add3A_2103 = arith.addf %add3A_2007, %mul3A_2102 : vector<16xf32>
      %get3A_2104 = arith.constant 9 : i32
      %get3A_2105 = arith.index_cast %get3A_2104 : i32 to index
      %get3A_2106 = arith.constant 0 : index
      %get3A_2107 = tpu.vector_load %arg10[%get3A_2105, %get3A_2106] {strides = array<i32>} : memref<16x128xf32, #tpu.memory_space<vmem>>, vector<16xf32>,
      %slice3A_2108 = vector.extract_strided_slice %get3A_1893 {offsets = [8], sizes = [1], strides = [1]} : vector<16xf32> to vector<1xf32>
      %squeeze3A_2109 = vector.extract %slice3A_2108[0] : f32 from vector<1xf32>
      %mul3A_2110 = vector.broadcast %squeeze3A_2109 : f32 to vector<16xf32>
      %mul3A_2111 = arith.mulf %mul3A_2110, %get3A_2107 : vector<16xf32>
      %add3A_2112 = arith.addf %add3A_2016, %mul3A_2111 : vector<16xf32>
      %slice3A_2113 = vector.extract_strided_slice %get3A_1899 {offsets = [8], sizes = [1], strides = [1]} : vector<16xf32> to vector<1xf32>
      %squeeze3A_2114 = vector.extract %slice3A_2113[0] : f32 from vector<1xf32>
      %mul3A_2115 = vector.broadcast %squeeze3A_2114 : f32 to vector<16xf32>
      %mul3A_2116 = arith.mulf %mul3A_2115, %get3A_2107 : vector<16xf32>
      %add3A_2117 = arith.addf %add3A_2021, %mul3A_2116 : vector<16xf32>
      %slice3A_2118 = vector.extract_strided_slice %get3A_1905 {offsets = [8], sizes = [1], strides = [1]} : vector<16xf32> to vector<1xf32>
      %squeeze3A_2119 = vector.extract %slice3A_2118[0] : f32 from vector<1xf32>
      %mul3A_2120 = vector.broadcast %squeeze3A_2119 : f32 to vector<16xf32>
      %mul3A_2121 = arith.mulf %mul3A_2120, %get3A_2107 : vector<16xf32>
      %add3A_2122 = arith.addf %add3A_2026, %mul3A_2121 : vector<16xf32>
      %slice3A_2123 = vector.extract_strided_slice %get3A_1911 {offsets = [8], sizes = [1], strides = [1]} : vector<16xf32> to vector<1xf32>
      %squeeze3A_2124 = vector.extract %slice3A_2123[0] : f32 from vector<1xf32>
      %mul3A_2125 = vector.broadcast %squeeze3A_2124 : f32 to vector<16xf32>
      %mul3A_2126 = arith.mulf %mul3A_2125, %get3A_2107 : vector<16xf32>
      %add3A_2127 = arith.addf %add3A_2031, %mul3A_2126 : vector<16xf32>
      %get3A_2128 = arith.constant 9 : i32
      %get3A_2129 = arith.index_cast %get3A_2128 : i32 to index
      %get3A_2130 = arith.constant 16 : index
      %get3A_2131 = tpu.vector_load %arg10[%get3A_2129, %get3A_2130] {strides = array<i32>} : memref<16x128xf32, #tpu.memory_space<vmem>>, vector<16xf32>,
      %slice3A_2132 = vector.extract_strided_slice %get3A_1893 {offsets = [9], sizes = [1], strides = [1]} : vector<16xf32> to vector<1xf32>
      %squeeze3A_2133 = vector.extract %slice3A_2132[0] : f32 from vector<1xf32>
      %mul3A_2134 = vector.broadcast %squeeze3A_2133 : f32 to vector<16xf32>
      %mul3A_2135 = arith.mulf %mul3A_2134, %get3A_2131 : vector<16xf32>
      %add3A_2136 = arith.addf %add3A_2040, %mul3A_2135 : vector<16xf32>
      %slice3A_2137 = vector.extract_strided_slice %get3A_1899 {offsets = [9], sizes = [1], strides = [1]} : vector<16xf32> to vector<1xf32>
      %squeeze3A_2138 = vector.extract %slice3A_2137[0] : f32 from vector<1xf32>
      %mul3A_2139 = vector.broadcast %squeeze3A_2138 : f32 to vector<16xf32>
      %mul3A_2140 = arith.mulf %mul3A_2139, %get3A_2131 : vector<16xf32>
      %add3A_2141 = arith.addf %add3A_2045, %mul3A_2140 : vector<16xf32>
      %slice3A_2142 = vector.extract_strided_slice %get3A_1905 {offsets = [9], sizes = [1], strides = [1]} : vector<16xf32> to vector<1xf32>
      %squeeze3A_2143 = vector.extract %slice3A_2142[0] : f32 from vector<1xf32>
      %mul3A_2144 = vector.broadcast %squeeze3A_2143 : f32 to vector<16xf32>
      %mul3A_2145 = arith.mulf %mul3A_2144, %get3A_2131 : vector<16xf32>
      %add3A_2146 = arith.addf %add3A_2050, %mul3A_2145 : vector<16xf32>
      %slice3A_2147 = vector.extract_strided_slice %get3A_1911 {offsets = [9], sizes = [1], strides = [1]} : vector<16xf32> to vector<1xf32>
      %squeeze3A_2148 = vector.extract %slice3A_2147[0] : f32 from vector<1xf32>
      %mul3A_2149 = vector.broadcast %squeeze3A_2148 : f32 to vector<16xf32>
      %mul3A_2150 = arith.mulf %mul3A_2149, %get3A_2131 : vector<16xf32>
      %add3A_2151 = arith.addf %add3A_2055, %mul3A_2150 : vector<16xf32>
      %get3A_2152 = arith.constant 9 : i32
      %get3A_2153 = arith.index_cast %get3A_2152 : i32 to index
      %get3A_2154 = arith.constant 32 : index
      %get3A_2155 = tpu.vector_load %arg10[%get3A_2153, %get3A_2154] {strides = array<i32>} : memref<16x128xf32, #tpu.memory_space<vmem>>, vector<16xf32>,
      %slice3A_2156 = vector.extract_strided_slice %get3A_1893 {offsets = [10], sizes = [1], strides = [1]} : vector<16xf32> to vector<1xf32>
      %squeeze3A_2157 = vector.extract %slice3A_2156[0] : f32 from vector<1xf32>
      %mul3A_2158 = vector.broadcast %squeeze3A_2157 : f32 to vector<16xf32>
      %mul3A_2159 = arith.mulf %mul3A_2158, %get3A_2155 : vector<16xf32>
      %add3A_2160 = arith.addf %add3A_2064, %mul3A_2159 : vector<16xf32>
      %slice3A_2161 = vector.extract_strided_slice %get3A_1899 {offsets = [10], sizes = [1], strides = [1]} : vector<16xf32> to vector<1xf32>
      %squeeze3A_2162 = vector.extract %slice3A_2161[0] : f32 from vector<1xf32>
      %mul3A_2163 = vector.broadcast %squeeze3A_2162 : f32 to vector<16xf32>
      %mul3A_2164 = arith.mulf %mul3A_2163, %get3A_2155 : vector<16xf32>
      %add3A_2165 = arith.addf %add3A_2069, %mul3A_2164 : vector<16xf32>
      %slice3A_2166 = vector.extract_strided_slice %get3A_1905 {offsets = [10], sizes = [1], strides = [1]} : vector<16xf32> to vector<1xf32>
      %squeeze3A_2167 = vector.extract %slice3A_2166[0] : f32 from vector<1xf32>
      %mul3A_2168 = vector.broadcast %squeeze3A_2167 : f32 to vector<16xf32>
      %mul3A_2169 = arith.mulf %mul3A_2168, %get3A_2155 : vector<16xf32>
      %add3A_2170 = arith.addf %add3A_2074, %mul3A_2169 : vector<16xf32>
      %slice3A_2171 = vector.extract_strided_slice %get3A_1911 {offsets = [10], sizes = [1], strides = [1]} : vector<16xf32> to vector<1xf32>
      %squeeze3A_2172 = vector.extract %slice3A_2171[0] : f32 from vector<1xf32>
      %mul3A_2173 = vector.broadcast %squeeze3A_2172 : f32 to vector<16xf32>
      %mul3A_2174 = arith.mulf %mul3A_2173, %get3A_2155 : vector<16xf32>
      %add3A_2175 = arith.addf %add3A_2079, %mul3A_2174 : vector<16xf32>
      %get3A_2176 = arith.constant 9 : i32
      %get3A_2177 = arith.index_cast %get3A_2176 : i32 to index
      %get3A_2178 = arith.constant 48 : index
      %get3A_2179 = tpu.vector_load %arg10[%get3A_2177, %get3A_2178] {strides = array<i32>} : memref<16x128xf32, #tpu.memory_space<vmem>>, vector<16xf32>,
      %slice3A_2180 = vector.extract_strided_slice %get3A_1893 {offsets = [11], sizes = [1], strides = [1]} : vector<16xf32> to vector<1xf32>
      %squeeze3A_2181 = vector.extract %slice3A_2180[0] : f32 from vector<1xf32>
      %mul3A_2182 = vector.broadcast %squeeze3A_2181 : f32 to vector<16xf32>
      %mul3A_2183 = arith.mulf %mul3A_2182, %get3A_2179 : vector<16xf32>
      %add3A_2184 = arith.addf %add3A_2088, %mul3A_2183 : vector<16xf32>
      %slice3A_2185 = vector.extract_strided_slice %get3A_1899 {offsets = [11], sizes = [1], strides = [1]} : vector<16xf32> to vector<1xf32>
      %squeeze3A_2186 = vector.extract %slice3A_2185[0] : f32 from vector<1xf32>
      %mul3A_2187 = vector.broadcast %squeeze3A_2186 : f32 to vector<16xf32>
      %mul3A_2188 = arith.mulf %mul3A_2187, %get3A_2179 : vector<16xf32>
      %add3A_2189 = arith.addf %add3A_2093, %mul3A_2188 : vector<16xf32>
      %slice3A_2190 = vector.extract_strided_slice %get3A_1905 {offsets = [11], sizes = [1], strides = [1]} : vector<16xf32> to vector<1xf32>
      %squeeze3A_2191 = vector.extract %slice3A_2190[0] : f32 from vector<1xf32>
      %mul3A_2192 = vector.broadcast %squeeze3A_2191 : f32 to vector<16xf32>
      %mul3A_2193 = arith.mulf %mul3A_2192, %get3A_2179 : vector<16xf32>
      %add3A_2194 = arith.addf %add3A_2098, %mul3A_2193 : vector<16xf32>
      %slice3A_2195 = vector.extract_strided_slice %get3A_1911 {offsets = [11], sizes = [1], strides = [1]} : vector<16xf32> to vector<1xf32>
      %squeeze3A_2196 = vector.extract %slice3A_2195[0] : f32 from vector<1xf32>
      %mul3A_2197 = vector.broadcast %squeeze3A_2196 : f32 to vector<16xf32>
      %mul3A_2198 = arith.mulf %mul3A_2197, %get3A_2179 : vector<16xf32>
      %add3A_2199 = arith.addf %add3A_2103, %mul3A_2198 : vector<16xf32>
      %get3A_2200 = arith.constant 9 : i32
      %get3A_2201 = arith.index_cast %get3A_2200 : i32 to index
      %get3A_2202 = arith.constant 64 : index
      %get3A_2203 = tpu.vector_load %arg10[%get3A_2201, %get3A_2202] {strides = array<i32>} : memref<16x128xf32, #tpu.memory_space<vmem>>, vector<16xf32>,
      %slice3A_2204 = vector.extract_strided_slice %get3A_1893 {offsets = [12], sizes = [1], strides = [1]} : vector<16xf32> to vector<1xf32>
      %squeeze3A_2205 = vector.extract %slice3A_2204[0] : f32 from vector<1xf32>
      %mul3A_2206 = vector.broadcast %squeeze3A_2205 : f32 to vector<16xf32>
      %mul3A_2207 = arith.mulf %mul3A_2206, %get3A_2203 : vector<16xf32>
      %add3A_2208 = arith.addf %add3A_2112, %mul3A_2207 : vector<16xf32>
      %slice3A_2209 = vector.extract_strided_slice %get3A_1899 {offsets = [12], sizes = [1], strides = [1]} : vector<16xf32> to vector<1xf32>
      %squeeze3A_2210 = vector.extract %slice3A_2209[0] : f32 from vector<1xf32>
      %mul3A_2211 = vector.broadcast %squeeze3A_2210 : f32 to vector<16xf32>
      %mul3A_2212 = arith.mulf %mul3A_2211, %get3A_2203 : vector<16xf32>
      %add3A_2213 = arith.addf %add3A_2117, %mul3A_2212 : vector<16xf32>
      %slice3A_2214 = vector.extract_strided_slice %get3A_1905 {offsets = [12], sizes = [1], strides = [1]} : vector<16xf32> to vector<1xf32>
      %squeeze3A_2215 = vector.extract %slice3A_2214[0] : f32 from vector<1xf32>
      %mul3A_2216 = vector.broadcast %squeeze3A_2215 : f32 to vector<16xf32>
      %mul3A_2217 = arith.mulf %mul3A_2216, %get3A_2203 : vector<16xf32>
      %add3A_2218 = arith.addf %add3A_2122, %mul3A_2217 : vector<16xf32>
      %slice3A_2219 = vector.extract_strided_slice %get3A_1911 {offsets = [12], sizes = [1], strides = [1]} : vector<16xf32> to vector<1xf32>
      %squeeze3A_2220 = vector.extract %slice3A_2219[0] : f32 from vector<1xf32>
      %mul3A_2221 = vector.broadcast %squeeze3A_2220 : f32 to vector<16xf32>
      %mul3A_2222 = arith.mulf %mul3A_2221, %get3A_2203 : vector<16xf32>
      %add3A_2223 = arith.addf %add3A_2127, %mul3A_2222 : vector<16xf32>
      %get3A_2224 = arith.constant 9 : i32
      %get3A_2225 = arith.index_cast %get3A_2224 : i32 to index
      %get3A_2226 = arith.constant 80 : index
      %get3A_2227 = tpu.vector_load %arg10[%get3A_2225, %get3A_2226] {strides = array<i32>} : memref<16x128xf32, #tpu.memory_space<vmem>>, vector<16xf32>,
      %slice3A_2228 = vector.extract_strided_slice %get3A_1893 {offsets = [13], sizes = [1], strides = [1]} : vector<16xf32> to vector<1xf32>
      %squeeze3A_2229 = vector.extract %slice3A_2228[0] : f32 from vector<1xf32>
      %mul3A_2230 = vector.broadcast %squeeze3A_2229 : f32 to vector<16xf32>
      %mul3A_2231 = arith.mulf %mul3A_2230, %get3A_2227 : vector<16xf32>
      %add3A_2232 = arith.addf %add3A_2136, %mul3A_2231 : vector<16xf32>
      %slice3A_2233 = vector.extract_strided_slice %get3A_1899 {offsets = [13], sizes = [1], strides = [1]} : vector<16xf32> to vector<1xf32>
      %squeeze3A_2234 = vector.extract %slice3A_2233[0] : f32 from vector<1xf32>
      %mul3A_2235 = vector.broadcast %squeeze3A_2234 : f32 to vector<16xf32>
      %mul3A_2236 = arith.mulf %mul3A_2235, %get3A_2227 : vector<16xf32>
      %add3A_2237 = arith.addf %add3A_2141, %mul3A_2236 : vector<16xf32>
      %slice3A_2238 = vector.extract_strided_slice %get3A_1905 {offsets = [13], sizes = [1], strides = [1]} : vector<16xf32> to vector<1xf32>
      %squeeze3A_2239 = vector.extract %slice3A_2238[0] : f32 from vector<1xf32>
      %mul3A_2240 = vector.broadcast %squeeze3A_2239 : f32 to vector<16xf32>
      %mul3A_2241 = arith.mulf %mul3A_2240, %get3A_2227 : vector<16xf32>
      %add3A_2242 = arith.addf %add3A_2146, %mul3A_2241 : vector<16xf32>
      %slice3A_2243 = vector.extract_strided_slice %get3A_1911 {offsets = [13], sizes = [1], strides = [1]} : vector<16xf32> to vector<1xf32>
      %squeeze3A_2244 = vector.extract %slice3A_2243[0] : f32 from vector<1xf32>
      %mul3A_2245 = vector.broadcast %squeeze3A_2244 : f32 to vector<16xf32>
      %mul3A_2246 = arith.mulf %mul3A_2245, %get3A_2227 : vector<16xf32>
      %add3A_2247 = arith.addf %add3A_2151, %mul3A_2246 : vector<16xf32>
      %get3A_2248 = arith.constant 9 : i32
      %get3A_2249 = arith.index_cast %get3A_2248 : i32 to index
      %get3A_2250 = arith.constant 96 : index
      %get3A_2251 = tpu.vector_load %arg10[%get3A_2249, %get3A_2250] {strides = array<i32>} : memref<16x128xf32, #tpu.memory_space<vmem>>, vector<16xf32>,
      %slice3A_2252 = vector.extract_strided_slice %get3A_1893 {offsets = [14], sizes = [1], strides = [1]} : vector<16xf32> to vector<1xf32>
      %squeeze3A_2253 = vector.extract %slice3A_2252[0] : f32 from vector<1xf32>
      %mul3A_2254 = vector.broadcast %squeeze3A_2253 : f32 to vector<16xf32>
      %mul3A_2255 = arith.mulf %mul3A_2254, %get3A_2251 : vector<16xf32>
      %add3A_2256 = arith.addf %add3A_2160, %mul3A_2255 : vector<16xf32>
      %slice3A_2257 = vector.extract_strided_slice %get3A_1899 {offsets = [14], sizes = [1], strides = [1]} : vector<16xf32> to vector<1xf32>
      %squeeze3A_2258 = vector.extract %slice3A_2257[0] : f32 from vector<1xf32>
      %mul3A_2259 = vector.broadcast %squeeze3A_2258 : f32 to vector<16xf32>
      %mul3A_2260 = arith.mulf %mul3A_2259, %get3A_2251 : vector<16xf32>
      %add3A_2261 = arith.addf %add3A_2165, %mul3A_2260 : vector<16xf32>
      %slice3A_2262 = vector.extract_strided_slice %get3A_1905 {offsets = [14], sizes = [1], strides = [1]} : vector<16xf32> to vector<1xf32>
      %squeeze3A_2263 = vector.extract %slice3A_2262[0] : f32 from vector<1xf32>
      %mul3A_2264 = vector.broadcast %squeeze3A_2263 : f32 to vector<16xf32>
      %mul3A_2265 = arith.mulf %mul3A_2264, %get3A_2251 : vector<16xf32>
      %add3A_2266 = arith.addf %add3A_2170, %mul3A_2265 : vector<16xf32>
      %slice3A_2267 = vector.extract_strided_slice %get3A_1911 {offsets = [14], sizes = [1], strides = [1]} : vector<16xf32> to vector<1xf32>
      %squeeze3A_2268 = vector.extract %slice3A_2267[0] : f32 from vector<1xf32>
      %mul3A_2269 = vector.broadcast %squeeze3A_2268 : f32 to vector<16xf32>
      %mul3A_2270 = arith.mulf %mul3A_2269, %get3A_2251 : vector<16xf32>
      %add3A_2271 = arith.addf %add3A_2175, %mul3A_2270 : vector<16xf32>
      %get3A_2272 = arith.constant 9 : i32
      %get3A_2273 = arith.index_cast %get3A_2272 : i32 to index
      %get3A_2274 = arith.constant 112 : index
      %get3A_2275 = tpu.vector_load %arg10[%get3A_2273, %get3A_2274] {strides = array<i32>} : memref<16x128xf32, #tpu.memory_space<vmem>>, vector<16xf32>,
      %slice3A_2276 = vector.extract_strided_slice %get3A_1893 {offsets = [15], sizes = [1], strides = [1]} : vector<16xf32> to vector<1xf32>
      %squeeze3A_2277 = vector.extract %slice3A_2276[0] : f32 from vector<1xf32>
      %mul3A_2278 = vector.broadcast %squeeze3A_2277 : f32 to vector<16xf32>
      %mul3A_2279 = arith.mulf %mul3A_2278, %get3A_2275 : vector<16xf32>
      %add3A_2280 = arith.addf %add3A_2184, %mul3A_2279 : vector<16xf32>
      %slice3A_2281 = vector.extract_strided_slice %get3A_1899 {offsets = [15], sizes = [1], strides = [1]} : vector<16xf32> to vector<1xf32>
      %squeeze3A_2282 = vector.extract %slice3A_2281[0] : f32 from vector<1xf32>
      %mul3A_2283 = vector.broadcast %squeeze3A_2282 : f32 to vector<16xf32>
      %mul3A_2284 = arith.mulf %mul3A_2283, %get3A_2275 : vector<16xf32>
      %add3A_2285 = arith.addf %add3A_2189, %mul3A_2284 : vector<16xf32>
      %slice3A_2286 = vector.extract_strided_slice %get3A_1905 {offsets = [15], sizes = [1], strides = [1]} : vector<16xf32> to vector<1xf32>
      %squeeze3A_2287 = vector.extract %slice3A_2286[0] : f32 from vector<1xf32>
      %mul3A_2288 = vector.broadcast %squeeze3A_2287 : f32 to vector<16xf32>
      %mul3A_2289 = arith.mulf %mul3A_2288, %get3A_2275 : vector<16xf32>
      %add3A_2290 = arith.addf %add3A_2194, %mul3A_2289 : vector<16xf32>
      %slice3A_2291 = vector.extract_strided_slice %get3A_1911 {offsets = [15], sizes = [1], strides = [1]} : vector<16xf32> to vector<1xf32>
      %squeeze3A_2292 = vector.extract %slice3A_2291[0] : f32 from vector<1xf32>
      %mul3A_2293 = vector.broadcast %squeeze3A_2292 : f32 to vector<16xf32>
      %mul3A_2294 = arith.mulf %mul3A_2293, %get3A_2275 : vector<16xf32>
      %add3A_2295 = arith.addf %add3A_2199, %mul3A_2294 : vector<16xf32>
      %add3A_2296 = arith.constant 0 : i32
      %add3A_2297 = arith.addi %mul3A_226, %add3A_2296 : i32
      %add3A_2298 = arith.addi %add3A_2297, %sub3A : i32
      %get3A_2299 = arith.index_cast %add3A_2298 : i32 to index
      %get3A_2300 = arith.constant 80 : index
      %get3A_2301 = tpu.vector_load %arg9[%get3A_2299, %get3A_2300] {strides = array<i32>} : memref<64x128xf32, #tpu.memory_space<vmem>>, vector<16xf32>,
      %add3A_2302 = arith.constant 1 : i32
      %add3A_2303 = arith.addi %mul3A_226, %add3A_2302 : i32
      %add3A_2304 = arith.addi %add3A_2303, %sub3A : i32
      %get3A_2305 = arith.index_cast %add3A_2304 : i32 to index
      %get3A_2306 = arith.constant 80 : index
      %get3A_2307 = tpu.vector_load %arg9[%get3A_2305, %get3A_2306] {strides = array<i32>} : memref<64x128xf32, #tpu.memory_space<vmem>>, vector<16xf32>,
      %add3A_2308 = arith.constant 2 : i32
      %add3A_2309 = arith.addi %mul3A_226, %add3A_2308 : i32
      %add3A_2310 = arith.addi %add3A_2309, %sub3A : i32
      %get3A_2311 = arith.index_cast %add3A_2310 : i32 to index
      %get3A_2312 = arith.constant 80 : index
      %get3A_2313 = tpu.vector_load %arg9[%get3A_2311, %get3A_2312] {strides = array<i32>} : memref<64x128xf32, #tpu.memory_space<vmem>>, vector<16xf32>,
      %add3A_2314 = arith.constant 3 : i32
      %add3A_2315 = arith.addi %mul3A_226, %add3A_2314 : i32
      %add3A_2316 = arith.addi %add3A_2315, %sub3A : i32
      %get3A_2317 = arith.index_cast %add3A_2316 : i32 to index
      %get3A_2318 = arith.constant 80 : index
      %get3A_2319 = tpu.vector_load %arg9[%get3A_2317, %get3A_2318] {strides = array<i32>} : memref<64x128xf32, #tpu.memory_space<vmem>>, vector<16xf32>,
      %get3A_2320 = arith.constant 10 : i32
      %get3A_2321 = arith.index_cast %get3A_2320 : i32 to index
      %get3A_2322 = arith.constant 0 : index
      %get3A_2323 = tpu.vector_load %arg10[%get3A_2321, %get3A_2322] {strides = array<i32>} : memref<16x128xf32, #tpu.memory_space<vmem>>, vector<16xf32>,
      %slice3A_2324 = vector.extract_strided_slice %get3A_2301 {offsets = [0], sizes = [1], strides = [1]} : vector<16xf32> to vector<1xf32>
      %squeeze3A_2325 = vector.extract %slice3A_2324[0] : f32 from vector<1xf32>
      %mul3A_2326 = vector.broadcast %squeeze3A_2325 : f32 to vector<16xf32>
      %mul3A_2327 = arith.mulf %mul3A_2326, %get3A_2323 : vector<16xf32>
      %add3A_2328 = arith.addf %add3A_2208, %mul3A_2327 : vector<16xf32>
      %slice3A_2329 = vector.extract_strided_slice %get3A_2307 {offsets = [0], sizes = [1], strides = [1]} : vector<16xf32> to vector<1xf32>
      %squeeze3A_2330 = vector.extract %slice3A_2329[0] : f32 from vector<1xf32>
      %mul3A_2331 = vector.broadcast %squeeze3A_2330 : f32 to vector<16xf32>
      %mul3A_2332 = arith.mulf %mul3A_2331, %get3A_2323 : vector<16xf32>
      %add3A_2333 = arith.addf %add3A_2213, %mul3A_2332 : vector<16xf32>
      %slice3A_2334 = vector.extract_strided_slice %get3A_2313 {offsets = [0], sizes = [1], strides = [1]} : vector<16xf32> to vector<1xf32>
      %squeeze3A_2335 = vector.extract %slice3A_2334[0] : f32 from vector<1xf32>
      %mul3A_2336 = vector.broadcast %squeeze3A_2335 : f32 to vector<16xf32>
      %mul3A_2337 = arith.mulf %mul3A_2336, %get3A_2323 : vector<16xf32>
      %add3A_2338 = arith.addf %add3A_2218, %mul3A_2337 : vector<16xf32>
      %slice3A_2339 = vector.extract_strided_slice %get3A_2319 {offsets = [0], sizes = [1], strides = [1]} : vector<16xf32> to vector<1xf32>
      %squeeze3A_2340 = vector.extract %slice3A_2339[0] : f32 from vector<1xf32>
      %mul3A_2341 = vector.broadcast %squeeze3A_2340 : f32 to vector<16xf32>
      %mul3A_2342 = arith.mulf %mul3A_2341, %get3A_2323 : vector<16xf32>
      %add3A_2343 = arith.addf %add3A_2223, %mul3A_2342 : vector<16xf32>
      %get3A_2344 = arith.constant 10 : i32
      %get3A_2345 = arith.index_cast %get3A_2344 : i32 to index
      %get3A_2346 = arith.constant 16 : index
      %get3A_2347 = tpu.vector_load %arg10[%get3A_2345, %get3A_2346] {strides = array<i32>} : memref<16x128xf32, #tpu.memory_space<vmem>>, vector<16xf32>,
      %slice3A_2348 = vector.extract_strided_slice %get3A_2301 {offsets = [1], sizes = [1], strides = [1]} : vector<16xf32> to vector<1xf32>
      %squeeze3A_2349 = vector.extract %slice3A_2348[0] : f32 from vector<1xf32>
      %mul3A_2350 = vector.broadcast %squeeze3A_2349 : f32 to vector<16xf32>
      %mul3A_2351 = arith.mulf %mul3A_2350, %get3A_2347 : vector<16xf32>
      %add3A_2352 = arith.addf %add3A_2232, %mul3A_2351 : vector<16xf32>
      %slice3A_2353 = vector.extract_strided_slice %get3A_2307 {offsets = [1], sizes = [1], strides = [1]} : vector<16xf32> to vector<1xf32>
      %squeeze3A_2354 = vector.extract %slice3A_2353[0] : f32 from vector<1xf32>
      %mul3A_2355 = vector.broadcast %squeeze3A_2354 : f32 to vector<16xf32>
      %mul3A_2356 = arith.mulf %mul3A_2355, %get3A_2347 : vector<16xf32>
      %add3A_2357 = arith.addf %add3A_2237, %mul3A_2356 : vector<16xf32>
      %slice3A_2358 = vector.extract_strided_slice %get3A_2313 {offsets = [1], sizes = [1], strides = [1]} : vector<16xf32> to vector<1xf32>
      %squeeze3A_2359 = vector.extract %slice3A_2358[0] : f32 from vector<1xf32>
      %mul3A_2360 = vector.broadcast %squeeze3A_2359 : f32 to vector<16xf32>
      %mul3A_2361 = arith.mulf %mul3A_2360, %get3A_2347 : vector<16xf32>
      %add3A_2362 = arith.addf %add3A_2242, %mul3A_2361 : vector<16xf32>
      %slice3A_2363 = vector.extract_strided_slice %get3A_2319 {offsets = [1], sizes = [1], strides = [1]} : vector<16xf32> to vector<1xf32>
      %squeeze3A_2364 = vector.extract %slice3A_2363[0] : f32 from vector<1xf32>
      %mul3A_2365 = vector.broadcast %squeeze3A_2364 : f32 to vector<16xf32>
      %mul3A_2366 = arith.mulf %mul3A_2365, %get3A_2347 : vector<16xf32>
      %add3A_2367 = arith.addf %add3A_2247, %mul3A_2366 : vector<16xf32>
      %get3A_2368 = arith.constant 10 : i32
      %get3A_2369 = arith.index_cast %get3A_2368 : i32 to index
      %get3A_2370 = arith.constant 32 : index
      %get3A_2371 = tpu.vector_load %arg10[%get3A_2369, %get3A_2370] {strides = array<i32>} : memref<16x128xf32, #tpu.memory_space<vmem>>, vector<16xf32>,
      %slice3A_2372 = vector.extract_strided_slice %get3A_2301 {offsets = [2], sizes = [1], strides = [1]} : vector<16xf32> to vector<1xf32>
      %squeeze3A_2373 = vector.extract %slice3A_2372[0] : f32 from vector<1xf32>
      %mul3A_2374 = vector.broadcast %squeeze3A_2373 : f32 to vector<16xf32>
      %mul3A_2375 = arith.mulf %mul3A_2374, %get3A_2371 : vector<16xf32>
      %add3A_2376 = arith.addf %add3A_2256, %mul3A_2375 : vector<16xf32>
      %slice3A_2377 = vector.extract_strided_slice %get3A_2307 {offsets = [2], sizes = [1], strides = [1]} : vector<16xf32> to vector<1xf32>
      %squeeze3A_2378 = vector.extract %slice3A_2377[0] : f32 from vector<1xf32>
      %mul3A_2379 = vector.broadcast %squeeze3A_2378 : f32 to vector<16xf32>
      %mul3A_2380 = arith.mulf %mul3A_2379, %get3A_2371 : vector<16xf32>
      %add3A_2381 = arith.addf %add3A_2261, %mul3A_2380 : vector<16xf32>
      %slice3A_2382 = vector.extract_strided_slice %get3A_2313 {offsets = [2], sizes = [1], strides = [1]} : vector<16xf32> to vector<1xf32>
      %squeeze3A_2383 = vector.extract %slice3A_2382[0] : f32 from vector<1xf32>
      %mul3A_2384 = vector.broadcast %squeeze3A_2383 : f32 to vector<16xf32>
      %mul3A_2385 = arith.mulf %mul3A_2384, %get3A_2371 : vector<16xf32>
      %add3A_2386 = arith.addf %add3A_2266, %mul3A_2385 : vector<16xf32>
      %slice3A_2387 = vector.extract_strided_slice %get3A_2319 {offsets = [2], sizes = [1], strides = [1]} : vector<16xf32> to vector<1xf32>
      %squeeze3A_2388 = vector.extract %slice3A_2387[0] : f32 from vector<1xf32>
      %mul3A_2389 = vector.broadcast %squeeze3A_2388 : f32 to vector<16xf32>
      %mul3A_2390 = arith.mulf %mul3A_2389, %get3A_2371 : vector<16xf32>
      %add3A_2391 = arith.addf %add3A_2271, %mul3A_2390 : vector<16xf32>
      %get3A_2392 = arith.constant 10 : i32
      %get3A_2393 = arith.index_cast %get3A_2392 : i32 to index
      %get3A_2394 = arith.constant 48 : index
      %get3A_2395 = tpu.vector_load %arg10[%get3A_2393, %get3A_2394] {strides = array<i32>} : memref<16x128xf32, #tpu.memory_space<vmem>>, vector<16xf32>,
      %slice3A_2396 = vector.extract_strided_slice %get3A_2301 {offsets = [3], sizes = [1], strides = [1]} : vector<16xf32> to vector<1xf32>
      %squeeze3A_2397 = vector.extract %slice3A_2396[0] : f32 from vector<1xf32>
      %mul3A_2398 = vector.broadcast %squeeze3A_2397 : f32 to vector<16xf32>
      %mul3A_2399 = arith.mulf %mul3A_2398, %get3A_2395 : vector<16xf32>
      %add3A_2400 = arith.addf %add3A_2280, %mul3A_2399 : vector<16xf32>
      %slice3A_2401 = vector.extract_strided_slice %get3A_2307 {offsets = [3], sizes = [1], strides = [1]} : vector<16xf32> to vector<1xf32>
      %squeeze3A_2402 = vector.extract %slice3A_2401[0] : f32 from vector<1xf32>
      %mul3A_2403 = vector.broadcast %squeeze3A_2402 : f32 to vector<16xf32>
      %mul3A_2404 = arith.mulf %mul3A_2403, %get3A_2395 : vector<16xf32>
      %add3A_2405 = arith.addf %add3A_2285, %mul3A_2404 : vector<16xf32>
      %slice3A_2406 = vector.extract_strided_slice %get3A_2313 {offsets = [3], sizes = [1], strides = [1]} : vector<16xf32> to vector<1xf32>
      %squeeze3A_2407 = vector.extract %slice3A_2406[0] : f32 from vector<1xf32>
      %mul3A_2408 = vector.broadcast %squeeze3A_2407 : f32 to vector<16xf32>
      %mul3A_2409 = arith.mulf %mul3A_2408, %get3A_2395 : vector<16xf32>
      %add3A_2410 = arith.addf %add3A_2290, %mul3A_2409 : vector<16xf32>
      %slice3A_2411 = vector.extract_strided_slice %get3A_2319 {offsets = [3], sizes = [1], strides = [1]} : vector<16xf32> to vector<1xf32>
      %squeeze3A_2412 = vector.extract %slice3A_2411[0] : f32 from vector<1xf32>
      %mul3A_2413 = vector.broadcast %squeeze3A_2412 : f32 to vector<16xf32>
      %mul3A_2414 = arith.mulf %mul3A_2413, %get3A_2395 : vector<16xf32>
      %add3A_2415 = arith.addf %add3A_2295, %mul3A_2414 : vector<16xf32>
      %get3A_2416 = arith.constant 10 : i32
      %get3A_2417 = arith.index_cast %get3A_2416 : i32 to index
      %get3A_2418 = arith.constant 64 : index
      %get3A_2419 = tpu.vector_load %arg10[%get3A_2417, %get3A_2418] {strides = array<i32>} : memref<16x128xf32, #tpu.memory_space<vmem>>, vector<16xf32>,
      %slice3A_2420 = vector.extract_strided_slice %get3A_2301 {offsets = [4], sizes = [1], strides = [1]} : vector<16xf32> to vector<1xf32>
      %squeeze3A_2421 = vector.extract %slice3A_2420[0] : f32 from vector<1xf32>
      %mul3A_2422 = vector.broadcast %squeeze3A_2421 : f32 to vector<16xf32>
      %mul3A_2423 = arith.mulf %mul3A_2422, %get3A_2419 : vector<16xf32>
      %add3A_2424 = arith.addf %add3A_2328, %mul3A_2423 : vector<16xf32>
      %slice3A_2425 = vector.extract_strided_slice %get3A_2307 {offsets = [4], sizes = [1], strides = [1]} : vector<16xf32> to vector<1xf32>
      %squeeze3A_2426 = vector.extract %slice3A_2425[0] : f32 from vector<1xf32>
      %mul3A_2427 = vector.broadcast %squeeze3A_2426 : f32 to vector<16xf32>
      %mul3A_2428 = arith.mulf %mul3A_2427, %get3A_2419 : vector<16xf32>
      %add3A_2429 = arith.addf %add3A_2333, %mul3A_2428 : vector<16xf32>
      %slice3A_2430 = vector.extract_strided_slice %get3A_2313 {offsets = [4], sizes = [1], strides = [1]} : vector<16xf32> to vector<1xf32>
      %squeeze3A_2431 = vector.extract %slice3A_2430[0] : f32 from vector<1xf32>
      %mul3A_2432 = vector.broadcast %squeeze3A_2431 : f32 to vector<16xf32>
      %mul3A_2433 = arith.mulf %mul3A_2432, %get3A_2419 : vector<16xf32>
      %add3A_2434 = arith.addf %add3A_2338, %mul3A_2433 : vector<16xf32>
      %slice3A_2435 = vector.extract_strided_slice %get3A_2319 {offsets = [4], sizes = [1], strides = [1]} : vector<16xf32> to vector<1xf32>
      %squeeze3A_2436 = vector.extract %slice3A_2435[0] : f32 from vector<1xf32>
      %mul3A_2437 = vector.broadcast %squeeze3A_2436 : f32 to vector<16xf32>
      %mul3A_2438 = arith.mulf %mul3A_2437, %get3A_2419 : vector<16xf32>
      %add3A_2439 = arith.addf %add3A_2343, %mul3A_2438 : vector<16xf32>
      %get3A_2440 = arith.constant 10 : i32
      %get3A_2441 = arith.index_cast %get3A_2440 : i32 to index
      %get3A_2442 = arith.constant 80 : index
      %get3A_2443 = tpu.vector_load %arg10[%get3A_2441, %get3A_2442] {strides = array<i32>} : memref<16x128xf32, #tpu.memory_space<vmem>>, vector<16xf32>,
      %slice3A_2444 = vector.extract_strided_slice %get3A_2301 {offsets = [5], sizes = [1], strides = [1]} : vector<16xf32> to vector<1xf32>
      %squeeze3A_2445 = vector.extract %slice3A_2444[0] : f32 from vector<1xf32>
      %mul3A_2446 = vector.broadcast %squeeze3A_2445 : f32 to vector<16xf32>
      %mul3A_2447 = arith.mulf %mul3A_2446, %get3A_2443 : vector<16xf32>
      %add3A_2448 = arith.addf %add3A_2352, %mul3A_2447 : vector<16xf32>
      %slice3A_2449 = vector.extract_strided_slice %get3A_2307 {offsets = [5], sizes = [1], strides = [1]} : vector<16xf32> to vector<1xf32>
      %squeeze3A_2450 = vector.extract %slice3A_2449[0] : f32 from vector<1xf32>
      %mul3A_2451 = vector.broadcast %squeeze3A_2450 : f32 to vector<16xf32>
      %mul3A_2452 = arith.mulf %mul3A_2451, %get3A_2443 : vector<16xf32>
      %add3A_2453 = arith.addf %add3A_2357, %mul3A_2452 : vector<16xf32>
      %slice3A_2454 = vector.extract_strided_slice %get3A_2313 {offsets = [5], sizes = [1], strides = [1]} : vector<16xf32> to vector<1xf32>
      %squeeze3A_2455 = vector.extract %slice3A_2454[0] : f32 from vector<1xf32>
      %mul3A_2456 = vector.broadcast %squeeze3A_2455 : f32 to vector<16xf32>
      %mul3A_2457 = arith.mulf %mul3A_2456, %get3A_2443 : vector<16xf32>
      %add3A_2458 = arith.addf %add3A_2362, %mul3A_2457 : vector<16xf32>
      %slice3A_2459 = vector.extract_strided_slice %get3A_2319 {offsets = [5], sizes = [1], strides = [1]} : vector<16xf32> to vector<1xf32>
      %squeeze3A_2460 = vector.extract %slice3A_2459[0] : f32 from vector<1xf32>
      %mul3A_2461 = vector.broadcast %squeeze3A_2460 : f32 to vector<16xf32>
      %mul3A_2462 = arith.mulf %mul3A_2461, %get3A_2443 : vector<16xf32>
      %add3A_2463 = arith.addf %add3A_2367, %mul3A_2462 : vector<16xf32>
      %get3A_2464 = arith.constant 10 : i32
      %get3A_2465 = arith.index_cast %get3A_2464 : i32 to index
      %get3A_2466 = arith.constant 96 : index
      %get3A_2467 = tpu.vector_load %arg10[%get3A_2465, %get3A_2466] {strides = array<i32>} : memref<16x128xf32, #tpu.memory_space<vmem>>, vector<16xf32>,
      %slice3A_2468 = vector.extract_strided_slice %get3A_2301 {offsets = [6], sizes = [1], strides = [1]} : vector<16xf32> to vector<1xf32>
      %squeeze3A_2469 = vector.extract %slice3A_2468[0] : f32 from vector<1xf32>
      %mul3A_2470 = vector.broadcast %squeeze3A_2469 : f32 to vector<16xf32>
      %mul3A_2471 = arith.mulf %mul3A_2470, %get3A_2467 : vector<16xf32>
      %add3A_2472 = arith.addf %add3A_2376, %mul3A_2471 : vector<16xf32>
      %slice3A_2473 = vector.extract_strided_slice %get3A_2307 {offsets = [6], sizes = [1], strides = [1]} : vector<16xf32> to vector<1xf32>
      %squeeze3A_2474 = vector.extract %slice3A_2473[0] : f32 from vector<1xf32>
      %mul3A_2475 = vector.broadcast %squeeze3A_2474 : f32 to vector<16xf32>
      %mul3A_2476 = arith.mulf %mul3A_2475, %get3A_2467 : vector<16xf32>
      %add3A_2477 = arith.addf %add3A_2381, %mul3A_2476 : vector<16xf32>
      %slice3A_2478 = vector.extract_strided_slice %get3A_2313 {offsets = [6], sizes = [1], strides = [1]} : vector<16xf32> to vector<1xf32>
      %squeeze3A_2479 = vector.extract %slice3A_2478[0] : f32 from vector<1xf32>
      %mul3A_2480 = vector.broadcast %squeeze3A_2479 : f32 to vector<16xf32>
      %mul3A_2481 = arith.mulf %mul3A_2480, %get3A_2467 : vector<16xf32>
      %add3A_2482 = arith.addf %add3A_2386, %mul3A_2481 : vector<16xf32>
      %slice3A_2483 = vector.extract_strided_slice %get3A_2319 {offsets = [6], sizes = [1], strides = [1]} : vector<16xf32> to vector<1xf32>
      %squeeze3A_2484 = vector.extract %slice3A_2483[0] : f32 from vector<1xf32>
      %mul3A_2485 = vector.broadcast %squeeze3A_2484 : f32 to vector<16xf32>
      %mul3A_2486 = arith.mulf %mul3A_2485, %get3A_2467 : vector<16xf32>
      %add3A_2487 = arith.addf %add3A_2391, %mul3A_2486 : vector<16xf32>
      %get3A_2488 = arith.constant 10 : i32
      %get3A_2489 = arith.index_cast %get3A_2488 : i32 to index
      %get3A_2490 = arith.constant 112 : index
      %get3A_2491 = tpu.vector_load %arg10[%get3A_2489, %get3A_2490] {strides = array<i32>} : memref<16x128xf32, #tpu.memory_space<vmem>>, vector<16xf32>,
      %slice3A_2492 = vector.extract_strided_slice %get3A_2301 {offsets = [7], sizes = [1], strides = [1]} : vector<16xf32> to vector<1xf32>
      %squeeze3A_2493 = vector.extract %slice3A_2492[0] : f32 from vector<1xf32>
      %mul3A_2494 = vector.broadcast %squeeze3A_2493 : f32 to vector<16xf32>
      %mul3A_2495 = arith.mulf %mul3A_2494, %get3A_2491 : vector<16xf32>
      %add3A_2496 = arith.addf %add3A_2400, %mul3A_2495 : vector<16xf32>
      %slice3A_2497 = vector.extract_strided_slice %get3A_2307 {offsets = [7], sizes = [1], strides = [1]} : vector<16xf32> to vector<1xf32>
      %squeeze3A_2498 = vector.extract %slice3A_2497[0] : f32 from vector<1xf32>
      %mul3A_2499 = vector.broadcast %squeeze3A_2498 : f32 to vector<16xf32>
      %mul3A_2500 = arith.mulf %mul3A_2499, %get3A_2491 : vector<16xf32>
      %add3A_2501 = arith.addf %add3A_2405, %mul3A_2500 : vector<16xf32>
      %slice3A_2502 = vector.extract_strided_slice %get3A_2313 {offsets = [7], sizes = [1], strides = [1]} : vector<16xf32> to vector<1xf32>
      %squeeze3A_2503 = vector.extract %slice3A_2502[0] : f32 from vector<1xf32>
      %mul3A_2504 = vector.broadcast %squeeze3A_2503 : f32 to vector<16xf32>
      %mul3A_2505 = arith.mulf %mul3A_2504, %get3A_2491 : vector<16xf32>
      %add3A_2506 = arith.addf %add3A_2410, %mul3A_2505 : vector<16xf32>
      %slice3A_2507 = vector.extract_strided_slice %get3A_2319 {offsets = [7], sizes = [1], strides = [1]} : vector<16xf32> to vector<1xf32>
      %squeeze3A_2508 = vector.extract %slice3A_2507[0] : f32 from vector<1xf32>
      %mul3A_2509 = vector.broadcast %squeeze3A_2508 : f32 to vector<16xf32>
      %mul3A_2510 = arith.mulf %mul3A_2509, %get3A_2491 : vector<16xf32>
      %add3A_2511 = arith.addf %add3A_2415, %mul3A_2510 : vector<16xf32>
      %get3A_2512 = arith.constant 11 : i32
      %get3A_2513 = arith.index_cast %get3A_2512 : i32 to index
      %get3A_2514 = arith.constant 0 : index
      %get3A_2515 = tpu.vector_load %arg10[%get3A_2513, %get3A_2514] {strides = array<i32>} : memref<16x128xf32, #tpu.memory_space<vmem>>, vector<16xf32>,
      %slice3A_2516 = vector.extract_strided_slice %get3A_2301 {offsets = [8], sizes = [1], strides = [1]} : vector<16xf32> to vector<1xf32>
      %squeeze3A_2517 = vector.extract %slice3A_2516[0] : f32 from vector<1xf32>
      %mul3A_2518 = vector.broadcast %squeeze3A_2517 : f32 to vector<16xf32>
      %mul3A_2519 = arith.mulf %mul3A_2518, %get3A_2515 : vector<16xf32>
      %add3A_2520 = arith.addf %add3A_2424, %mul3A_2519 : vector<16xf32>
      %slice3A_2521 = vector.extract_strided_slice %get3A_2307 {offsets = [8], sizes = [1], strides = [1]} : vector<16xf32> to vector<1xf32>
      %squeeze3A_2522 = vector.extract %slice3A_2521[0] : f32 from vector<1xf32>
      %mul3A_2523 = vector.broadcast %squeeze3A_2522 : f32 to vector<16xf32>
      %mul3A_2524 = arith.mulf %mul3A_2523, %get3A_2515 : vector<16xf32>
      %add3A_2525 = arith.addf %add3A_2429, %mul3A_2524 : vector<16xf32>
      %slice3A_2526 = vector.extract_strided_slice %get3A_2313 {offsets = [8], sizes = [1], strides = [1]} : vector<16xf32> to vector<1xf32>
      %squeeze3A_2527 = vector.extract %slice3A_2526[0] : f32 from vector<1xf32>
      %mul3A_2528 = vector.broadcast %squeeze3A_2527 : f32 to vector<16xf32>
      %mul3A_2529 = arith.mulf %mul3A_2528, %get3A_2515 : vector<16xf32>
      %add3A_2530 = arith.addf %add3A_2434, %mul3A_2529 : vector<16xf32>
      %slice3A_2531 = vector.extract_strided_slice %get3A_2319 {offsets = [8], sizes = [1], strides = [1]} : vector<16xf32> to vector<1xf32>
      %squeeze3A_2532 = vector.extract %slice3A_2531[0] : f32 from vector<1xf32>
      %mul3A_2533 = vector.broadcast %squeeze3A_2532 : f32 to vector<16xf32>
      %mul3A_2534 = arith.mulf %mul3A_2533, %get3A_2515 : vector<16xf32>
      %add3A_2535 = arith.addf %add3A_2439, %mul3A_2534 : vector<16xf32>
      %get3A_2536 = arith.constant 11 : i32
      %get3A_2537 = arith.index_cast %get3A_2536 : i32 to index
      %get3A_2538 = arith.constant 16 : index
      %get3A_2539 = tpu.vector_load %arg10[%get3A_2537, %get3A_2538] {strides = array<i32>} : memref<16x128xf32, #tpu.memory_space<vmem>>, vector<16xf32>,
      %slice3A_2540 = vector.extract_strided_slice %get3A_2301 {offsets = [9], sizes = [1], strides = [1]} : vector<16xf32> to vector<1xf32>
      %squeeze3A_2541 = vector.extract %slice3A_2540[0] : f32 from vector<1xf32>
      %mul3A_2542 = vector.broadcast %squeeze3A_2541 : f32 to vector<16xf32>
      %mul3A_2543 = arith.mulf %mul3A_2542, %get3A_2539 : vector<16xf32>
      %add3A_2544 = arith.addf %add3A_2448, %mul3A_2543 : vector<16xf32>
      %slice3A_2545 = vector.extract_strided_slice %get3A_2307 {offsets = [9], sizes = [1], strides = [1]} : vector<16xf32> to vector<1xf32>
      %squeeze3A_2546 = vector.extract %slice3A_2545[0] : f32 from vector<1xf32>
      %mul3A_2547 = vector.broadcast %squeeze3A_2546 : f32 to vector<16xf32>
      %mul3A_2548 = arith.mulf %mul3A_2547, %get3A_2539 : vector<16xf32>
      %add3A_2549 = arith.addf %add3A_2453, %mul3A_2548 : vector<16xf32>
      %slice3A_2550 = vector.extract_strided_slice %get3A_2313 {offsets = [9], sizes = [1], strides = [1]} : vector<16xf32> to vector<1xf32>
      %squeeze3A_2551 = vector.extract %slice3A_2550[0] : f32 from vector<1xf32>
      %mul3A_2552 = vector.broadcast %squeeze3A_2551 : f32 to vector<16xf32>
      %mul3A_2553 = arith.mulf %mul3A_2552, %get3A_2539 : vector<16xf32>
      %add3A_2554 = arith.addf %add3A_2458, %mul3A_2553 : vector<16xf32>
      %slice3A_2555 = vector.extract_strided_slice %get3A_2319 {offsets = [9], sizes = [1], strides = [1]} : vector<16xf32> to vector<1xf32>
      %squeeze3A_2556 = vector.extract %slice3A_2555[0] : f32 from vector<1xf32>
      %mul3A_2557 = vector.broadcast %squeeze3A_2556 : f32 to vector<16xf32>
      %mul3A_2558 = arith.mulf %mul3A_2557, %get3A_2539 : vector<16xf32>
      %add3A_2559 = arith.addf %add3A_2463, %mul3A_2558 : vector<16xf32>
      %get3A_2560 = arith.constant 11 : i32
      %get3A_2561 = arith.index_cast %get3A_2560 : i32 to index
      %get3A_2562 = arith.constant 32 : index
      %get3A_2563 = tpu.vector_load %arg10[%get3A_2561, %get3A_2562] {strides = array<i32>} : memref<16x128xf32, #tpu.memory_space<vmem>>, vector<16xf32>,
      %slice3A_2564 = vector.extract_strided_slice %get3A_2301 {offsets = [10], sizes = [1], strides = [1]} : vector<16xf32> to vector<1xf32>
      %squeeze3A_2565 = vector.extract %slice3A_2564[0] : f32 from vector<1xf32>
      %mul3A_2566 = vector.broadcast %squeeze3A_2565 : f32 to vector<16xf32>
      %mul3A_2567 = arith.mulf %mul3A_2566, %get3A_2563 : vector<16xf32>
      %add3A_2568 = arith.addf %add3A_2472, %mul3A_2567 : vector<16xf32>
      %slice3A_2569 = vector.extract_strided_slice %get3A_2307 {offsets = [10], sizes = [1], strides = [1]} : vector<16xf32> to vector<1xf32>
      %squeeze3A_2570 = vector.extract %slice3A_2569[0] : f32 from vector<1xf32>
      %mul3A_2571 = vector.broadcast %squeeze3A_2570 : f32 to vector<16xf32>
      %mul3A_2572 = arith.mulf %mul3A_2571, %get3A_2563 : vector<16xf32>
      %add3A_2573 = arith.addf %add3A_2477, %mul3A_2572 : vector<16xf32>
      %slice3A_2574 = vector.extract_strided_slice %get3A_2313 {offsets = [10], sizes = [1], strides = [1]} : vector<16xf32> to vector<1xf32>
      %squeeze3A_2575 = vector.extract %slice3A_2574[0] : f32 from vector<1xf32>
      %mul3A_2576 = vector.broadcast %squeeze3A_2575 : f32 to vector<16xf32>
      %mul3A_2577 = arith.mulf %mul3A_2576, %get3A_2563 : vector<16xf32>
      %add3A_2578 = arith.addf %add3A_2482, %mul3A_2577 : vector<16xf32>
      %slice3A_2579 = vector.extract_strided_slice %get3A_2319 {offsets = [10], sizes = [1], strides = [1]} : vector<16xf32> to vector<1xf32>
      %squeeze3A_2580 = vector.extract %slice3A_2579[0] : f32 from vector<1xf32>
      %mul3A_2581 = vector.broadcast %squeeze3A_2580 : f32 to vector<16xf32>
      %mul3A_2582 = arith.mulf %mul3A_2581, %get3A_2563 : vector<16xf32>
      %add3A_2583 = arith.addf %add3A_2487, %mul3A_2582 : vector<16xf32>
      %get3A_2584 = arith.constant 11 : i32
      %get3A_2585 = arith.index_cast %get3A_2584 : i32 to index
      %get3A_2586 = arith.constant 48 : index
      %get3A_2587 = tpu.vector_load %arg10[%get3A_2585, %get3A_2586] {strides = array<i32>} : memref<16x128xf32, #tpu.memory_space<vmem>>, vector<16xf32>,
      %slice3A_2588 = vector.extract_strided_slice %get3A_2301 {offsets = [11], sizes = [1], strides = [1]} : vector<16xf32> to vector<1xf32>
      %squeeze3A_2589 = vector.extract %slice3A_2588[0] : f32 from vector<1xf32>
      %mul3A_2590 = vector.broadcast %squeeze3A_2589 : f32 to vector<16xf32>
      %mul3A_2591 = arith.mulf %mul3A_2590, %get3A_2587 : vector<16xf32>
      %add3A_2592 = arith.addf %add3A_2496, %mul3A_2591 : vector<16xf32>
      %slice3A_2593 = vector.extract_strided_slice %get3A_2307 {offsets = [11], sizes = [1], strides = [1]} : vector<16xf32> to vector<1xf32>
      %squeeze3A_2594 = vector.extract %slice3A_2593[0] : f32 from vector<1xf32>
      %mul3A_2595 = vector.broadcast %squeeze3A_2594 : f32 to vector<16xf32>
      %mul3A_2596 = arith.mulf %mul3A_2595, %get3A_2587 : vector<16xf32>
      %add3A_2597 = arith.addf %add3A_2501, %mul3A_2596 : vector<16xf32>
      %slice3A_2598 = vector.extract_strided_slice %get3A_2313 {offsets = [11], sizes = [1], strides = [1]} : vector<16xf32> to vector<1xf32>
      %squeeze3A_2599 = vector.extract %slice3A_2598[0] : f32 from vector<1xf32>
      %mul3A_2600 = vector.broadcast %squeeze3A_2599 : f32 to vector<16xf32>
      %mul3A_2601 = arith.mulf %mul3A_2600, %get3A_2587 : vector<16xf32>
      %add3A_2602 = arith.addf %add3A_2506, %mul3A_2601 : vector<16xf32>
      %slice3A_2603 = vector.extract_strided_slice %get3A_2319 {offsets = [11], sizes = [1], strides = [1]} : vector<16xf32> to vector<1xf32>
      %squeeze3A_2604 = vector.extract %slice3A_2603[0] : f32 from vector<1xf32>
      %mul3A_2605 = vector.broadcast %squeeze3A_2604 : f32 to vector<16xf32>
      %mul3A_2606 = arith.mulf %mul3A_2605, %get3A_2587 : vector<16xf32>
      %add3A_2607 = arith.addf %add3A_2511, %mul3A_2606 : vector<16xf32>
      %get3A_2608 = arith.constant 11 : i32
      %get3A_2609 = arith.index_cast %get3A_2608 : i32 to index
      %get3A_2610 = arith.constant 64 : index
      %get3A_2611 = tpu.vector_load %arg10[%get3A_2609, %get3A_2610] {strides = array<i32>} : memref<16x128xf32, #tpu.memory_space<vmem>>, vector<16xf32>,
      %slice3A_2612 = vector.extract_strided_slice %get3A_2301 {offsets = [12], sizes = [1], strides = [1]} : vector<16xf32> to vector<1xf32>
      %squeeze3A_2613 = vector.extract %slice3A_2612[0] : f32 from vector<1xf32>
      %mul3A_2614 = vector.broadcast %squeeze3A_2613 : f32 to vector<16xf32>
      %mul3A_2615 = arith.mulf %mul3A_2614, %get3A_2611 : vector<16xf32>
      %add3A_2616 = arith.addf %add3A_2520, %mul3A_2615 : vector<16xf32>
      %slice3A_2617 = vector.extract_strided_slice %get3A_2307 {offsets = [12], sizes = [1], strides = [1]} : vector<16xf32> to vector<1xf32>
      %squeeze3A_2618 = vector.extract %slice3A_2617[0] : f32 from vector<1xf32>
      %mul3A_2619 = vector.broadcast %squeeze3A_2618 : f32 to vector<16xf32>
      %mul3A_2620 = arith.mulf %mul3A_2619, %get3A_2611 : vector<16xf32>
      %add3A_2621 = arith.addf %add3A_2525, %mul3A_2620 : vector<16xf32>
      %slice3A_2622 = vector.extract_strided_slice %get3A_2313 {offsets = [12], sizes = [1], strides = [1]} : vector<16xf32> to vector<1xf32>
      %squeeze3A_2623 = vector.extract %slice3A_2622[0] : f32 from vector<1xf32>
      %mul3A_2624 = vector.broadcast %squeeze3A_2623 : f32 to vector<16xf32>
      %mul3A_2625 = arith.mulf %mul3A_2624, %get3A_2611 : vector<16xf32>
      %add3A_2626 = arith.addf %add3A_2530, %mul3A_2625 : vector<16xf32>
      %slice3A_2627 = vector.extract_strided_slice %get3A_2319 {offsets = [12], sizes = [1], strides = [1]} : vector<16xf32> to vector<1xf32>
      %squeeze3A_2628 = vector.extract %slice3A_2627[0] : f32 from vector<1xf32>
      %mul3A_2629 = vector.broadcast %squeeze3A_2628 : f32 to vector<16xf32>
      %mul3A_2630 = arith.mulf %mul3A_2629, %get3A_2611 : vector<16xf32>
      %add3A_2631 = arith.addf %add3A_2535, %mul3A_2630 : vector<16xf32>
      %get3A_2632 = arith.constant 11 : i32
      %get3A_2633 = arith.index_cast %get3A_2632 : i32 to index
      %get3A_2634 = arith.constant 80 : index
      %get3A_2635 = tpu.vector_load %arg10[%get3A_2633, %get3A_2634] {strides = array<i32>} : memref<16x128xf32, #tpu.memory_space<vmem>>, vector<16xf32>,
      %slice3A_2636 = vector.extract_strided_slice %get3A_2301 {offsets = [13], sizes = [1], strides = [1]} : vector<16xf32> to vector<1xf32>
      %squeeze3A_2637 = vector.extract %slice3A_2636[0] : f32 from vector<1xf32>
      %mul3A_2638 = vector.broadcast %squeeze3A_2637 : f32 to vector<16xf32>
      %mul3A_2639 = arith.mulf %mul3A_2638, %get3A_2635 : vector<16xf32>
      %add3A_2640 = arith.addf %add3A_2544, %mul3A_2639 : vector<16xf32>
      %slice3A_2641 = vector.extract_strided_slice %get3A_2307 {offsets = [13], sizes = [1], strides = [1]} : vector<16xf32> to vector<1xf32>
      %squeeze3A_2642 = vector.extract %slice3A_2641[0] : f32 from vector<1xf32>
      %mul3A_2643 = vector.broadcast %squeeze3A_2642 : f32 to vector<16xf32>
      %mul3A_2644 = arith.mulf %mul3A_2643, %get3A_2635 : vector<16xf32>
      %add3A_2645 = arith.addf %add3A_2549, %mul3A_2644 : vector<16xf32>
      %slice3A_2646 = vector.extract_strided_slice %get3A_2313 {offsets = [13], sizes = [1], strides = [1]} : vector<16xf32> to vector<1xf32>
      %squeeze3A_2647 = vector.extract %slice3A_2646[0] : f32 from vector<1xf32>
      %mul3A_2648 = vector.broadcast %squeeze3A_2647 : f32 to vector<16xf32>
      %mul3A_2649 = arith.mulf %mul3A_2648, %get3A_2635 : vector<16xf32>
      %add3A_2650 = arith.addf %add3A_2554, %mul3A_2649 : vector<16xf32>
      %slice3A_2651 = vector.extract_strided_slice %get3A_2319 {offsets = [13], sizes = [1], strides = [1]} : vector<16xf32> to vector<1xf32>
      %squeeze3A_2652 = vector.extract %slice3A_2651[0] : f32 from vector<1xf32>
      %mul3A_2653 = vector.broadcast %squeeze3A_2652 : f32 to vector<16xf32>
      %mul3A_2654 = arith.mulf %mul3A_2653, %get3A_2635 : vector<16xf32>
      %add3A_2655 = arith.addf %add3A_2559, %mul3A_2654 : vector<16xf32>
      %get3A_2656 = arith.constant 11 : i32
      %get3A_2657 = arith.index_cast %get3A_2656 : i32 to index
      %get3A_2658 = arith.constant 96 : index
      %get3A_2659 = tpu.vector_load %arg10[%get3A_2657, %get3A_2658] {strides = array<i32>} : memref<16x128xf32, #tpu.memory_space<vmem>>, vector<16xf32>,
      %slice3A_2660 = vector.extract_strided_slice %get3A_2301 {offsets = [14], sizes = [1], strides = [1]} : vector<16xf32> to vector<1xf32>
      %squeeze3A_2661 = vector.extract %slice3A_2660[0] : f32 from vector<1xf32>
      %mul3A_2662 = vector.broadcast %squeeze3A_2661 : f32 to vector<16xf32>
      %mul3A_2663 = arith.mulf %mul3A_2662, %get3A_2659 : vector<16xf32>
      %add3A_2664 = arith.addf %add3A_2568, %mul3A_2663 : vector<16xf32>
      %slice3A_2665 = vector.extract_strided_slice %get3A_2307 {offsets = [14], sizes = [1], strides = [1]} : vector<16xf32> to vector<1xf32>
      %squeeze3A_2666 = vector.extract %slice3A_2665[0] : f32 from vector<1xf32>
      %mul3A_2667 = vector.broadcast %squeeze3A_2666 : f32 to vector<16xf32>
      %mul3A_2668 = arith.mulf %mul3A_2667, %get3A_2659 : vector<16xf32>
      %add3A_2669 = arith.addf %add3A_2573, %mul3A_2668 : vector<16xf32>
      %slice3A_2670 = vector.extract_strided_slice %get3A_2313 {offsets = [14], sizes = [1], strides = [1]} : vector<16xf32> to vector<1xf32>
      %squeeze3A_2671 = vector.extract %slice3A_2670[0] : f32 from vector<1xf32>
      %mul3A_2672 = vector.broadcast %squeeze3A_2671 : f32 to vector<16xf32>
      %mul3A_2673 = arith.mulf %mul3A_2672, %get3A_2659 : vector<16xf32>
      %add3A_2674 = arith.addf %add3A_2578, %mul3A_2673 : vector<16xf32>
      %slice3A_2675 = vector.extract_strided_slice %get3A_2319 {offsets = [14], sizes = [1], strides = [1]} : vector<16xf32> to vector<1xf32>
      %squeeze3A_2676 = vector.extract %slice3A_2675[0] : f32 from vector<1xf32>
      %mul3A_2677 = vector.broadcast %squeeze3A_2676 : f32 to vector<16xf32>
      %mul3A_2678 = arith.mulf %mul3A_2677, %get3A_2659 : vector<16xf32>
      %add3A_2679 = arith.addf %add3A_2583, %mul3A_2678 : vector<16xf32>
      %get3A_2680 = arith.constant 11 : i32
      %get3A_2681 = arith.index_cast %get3A_2680 : i32 to index
      %get3A_2682 = arith.constant 112 : index
      %get3A_2683 = tpu.vector_load %arg10[%get3A_2681, %get3A_2682] {strides = array<i32>} : memref<16x128xf32, #tpu.memory_space<vmem>>, vector<16xf32>,
      %slice3A_2684 = vector.extract_strided_slice %get3A_2301 {offsets = [15], sizes = [1], strides = [1]} : vector<16xf32> to vector<1xf32>
      %squeeze3A_2685 = vector.extract %slice3A_2684[0] : f32 from vector<1xf32>
      %mul3A_2686 = vector.broadcast %squeeze3A_2685 : f32 to vector<16xf32>
      %mul3A_2687 = arith.mulf %mul3A_2686, %get3A_2683 : vector<16xf32>
      %add3A_2688 = arith.addf %add3A_2592, %mul3A_2687 : vector<16xf32>
      %slice3A_2689 = vector.extract_strided_slice %get3A_2307 {offsets = [15], sizes = [1], strides = [1]} : vector<16xf32> to vector<1xf32>
      %squeeze3A_2690 = vector.extract %slice3A_2689[0] : f32 from vector<1xf32>
      %mul3A_2691 = vector.broadcast %squeeze3A_2690 : f32 to vector<16xf32>
      %mul3A_2692 = arith.mulf %mul3A_2691, %get3A_2683 : vector<16xf32>
      %add3A_2693 = arith.addf %add3A_2597, %mul3A_2692 : vector<16xf32>
      %slice3A_2694 = vector.extract_strided_slice %get3A_2313 {offsets = [15], sizes = [1], strides = [1]} : vector<16xf32> to vector<1xf32>
      %squeeze3A_2695 = vector.extract %slice3A_2694[0] : f32 from vector<1xf32>
      %mul3A_2696 = vector.broadcast %squeeze3A_2695 : f32 to vector<16xf32>
      %mul3A_2697 = arith.mulf %mul3A_2696, %get3A_2683 : vector<16xf32>
      %add3A_2698 = arith.addf %add3A_2602, %mul3A_2697 : vector<16xf32>
      %slice3A_2699 = vector.extract_strided_slice %get3A_2319 {offsets = [15], sizes = [1], strides = [1]} : vector<16xf32> to vector<1xf32>
      %squeeze3A_2700 = vector.extract %slice3A_2699[0] : f32 from vector<1xf32>
      %mul3A_2701 = vector.broadcast %squeeze3A_2700 : f32 to vector<16xf32>
      %mul3A_2702 = arith.mulf %mul3A_2701, %get3A_2683 : vector<16xf32>
      %add3A_2703 = arith.addf %add3A_2607, %mul3A_2702 : vector<16xf32>
      %add3A_2704 = arith.constant 0 : i32
      %add3A_2705 = arith.addi %mul3A_226, %add3A_2704 : i32
      %add3A_2706 = arith.addi %add3A_2705, %sub3A : i32
      %get3A_2707 = arith.index_cast %add3A_2706 : i32 to index
      %get3A_2708 = arith.constant 96 : index
      %get3A_2709 = tpu.vector_load %arg9[%get3A_2707, %get3A_2708] {strides = array<i32>} : memref<64x128xf32, #tpu.memory_space<vmem>>, vector<16xf32>,
      %add3A_2710 = arith.constant 1 : i32
      %add3A_2711 = arith.addi %mul3A_226, %add3A_2710 : i32
      %add3A_2712 = arith.addi %add3A_2711, %sub3A : i32
      %get3A_2713 = arith.index_cast %add3A_2712 : i32 to index
      %get3A_2714 = arith.constant 96 : index
      %get3A_2715 = tpu.vector_load %arg9[%get3A_2713, %get3A_2714] {strides = array<i32>} : memref<64x128xf32, #tpu.memory_space<vmem>>, vector<16xf32>,
      %add3A_2716 = arith.constant 2 : i32
      %add3A_2717 = arith.addi %mul3A_226, %add3A_2716 : i32
      %add3A_2718 = arith.addi %add3A_2717, %sub3A : i32
      %get3A_2719 = arith.index_cast %add3A_2718 : i32 to index
      %get3A_2720 = arith.constant 96 : index
      %get3A_2721 = tpu.vector_load %arg9[%get3A_2719, %get3A_2720] {strides = array<i32>} : memref<64x128xf32, #tpu.memory_space<vmem>>, vector<16xf32>,
      %add3A_2722 = arith.constant 3 : i32
      %add3A_2723 = arith.addi %mul3A_226, %add3A_2722 : i32
      %add3A_2724 = arith.addi %add3A_2723, %sub3A : i32
      %get3A_2725 = arith.index_cast %add3A_2724 : i32 to index
      %get3A_2726 = arith.constant 96 : index
      %get3A_2727 = tpu.vector_load %arg9[%get3A_2725, %get3A_2726] {strides = array<i32>} : memref<64x128xf32, #tpu.memory_space<vmem>>, vector<16xf32>,
      %get3A_2728 = arith.constant 12 : i32
      %get3A_2729 = arith.index_cast %get3A_2728 : i32 to index
      %get3A_2730 = arith.constant 0 : index
      %get3A_2731 = tpu.vector_load %arg10[%get3A_2729, %get3A_2730] {strides = array<i32>} : memref<16x128xf32, #tpu.memory_space<vmem>>, vector<16xf32>,
      %slice3A_2732 = vector.extract_strided_slice %get3A_2709 {offsets = [0], sizes = [1], strides = [1]} : vector<16xf32> to vector<1xf32>
      %squeeze3A_2733 = vector.extract %slice3A_2732[0] : f32 from vector<1xf32>
      %mul3A_2734 = vector.broadcast %squeeze3A_2733 : f32 to vector<16xf32>
      %mul3A_2735 = arith.mulf %mul3A_2734, %get3A_2731 : vector<16xf32>
      %add3A_2736 = arith.addf %add3A_2616, %mul3A_2735 : vector<16xf32>
      %slice3A_2737 = vector.extract_strided_slice %get3A_2715 {offsets = [0], sizes = [1], strides = [1]} : vector<16xf32> to vector<1xf32>
      %squeeze3A_2738 = vector.extract %slice3A_2737[0] : f32 from vector<1xf32>
      %mul3A_2739 = vector.broadcast %squeeze3A_2738 : f32 to vector<16xf32>
      %mul3A_2740 = arith.mulf %mul3A_2739, %get3A_2731 : vector<16xf32>
      %add3A_2741 = arith.addf %add3A_2621, %mul3A_2740 : vector<16xf32>
      %slice3A_2742 = vector.extract_strided_slice %get3A_2721 {offsets = [0], sizes = [1], strides = [1]} : vector<16xf32> to vector<1xf32>
      %squeeze3A_2743 = vector.extract %slice3A_2742[0] : f32 from vector<1xf32>
      %mul3A_2744 = vector.broadcast %squeeze3A_2743 : f32 to vector<16xf32>
      %mul3A_2745 = arith.mulf %mul3A_2744, %get3A_2731 : vector<16xf32>
      %add3A_2746 = arith.addf %add3A_2626, %mul3A_2745 : vector<16xf32>
      %slice3A_2747 = vector.extract_strided_slice %get3A_2727 {offsets = [0], sizes = [1], strides = [1]} : vector<16xf32> to vector<1xf32>
      %squeeze3A_2748 = vector.extract %slice3A_2747[0] : f32 from vector<1xf32>
      %mul3A_2749 = vector.broadcast %squeeze3A_2748 : f32 to vector<16xf32>
      %mul3A_2750 = arith.mulf %mul3A_2749, %get3A_2731 : vector<16xf32>
      %add3A_2751 = arith.addf %add3A_2631, %mul3A_2750 : vector<16xf32>
      %get3A_2752 = arith.constant 12 : i32
      %get3A_2753 = arith.index_cast %get3A_2752 : i32 to index
      %get3A_2754 = arith.constant 16 : index
      %get3A_2755 = tpu.vector_load %arg10[%get3A_2753, %get3A_2754] {strides = array<i32>} : memref<16x128xf32, #tpu.memory_space<vmem>>, vector<16xf32>,
      %slice3A_2756 = vector.extract_strided_slice %get3A_2709 {offsets = [1], sizes = [1], strides = [1]} : vector<16xf32> to vector<1xf32>
      %squeeze3A_2757 = vector.extract %slice3A_2756[0] : f32 from vector<1xf32>
      %mul3A_2758 = vector.broadcast %squeeze3A_2757 : f32 to vector<16xf32>
      %mul3A_2759 = arith.mulf %mul3A_2758, %get3A_2755 : vector<16xf32>
      %add3A_2760 = arith.addf %add3A_2640, %mul3A_2759 : vector<16xf32>
      %slice3A_2761 = vector.extract_strided_slice %get3A_2715 {offsets = [1], sizes = [1], strides = [1]} : vector<16xf32> to vector<1xf32>
      %squeeze3A_2762 = vector.extract %slice3A_2761[0] : f32 from vector<1xf32>
      %mul3A_2763 = vector.broadcast %squeeze3A_2762 : f32 to vector<16xf32>
      %mul3A_2764 = arith.mulf %mul3A_2763, %get3A_2755 : vector<16xf32>
      %add3A_2765 = arith.addf %add3A_2645, %mul3A_2764 : vector<16xf32>
      %slice3A_2766 = vector.extract_strided_slice %get3A_2721 {offsets = [1], sizes = [1], strides = [1]} : vector<16xf32> to vector<1xf32>
      %squeeze3A_2767 = vector.extract %slice3A_2766[0] : f32 from vector<1xf32>
      %mul3A_2768 = vector.broadcast %squeeze3A_2767 : f32 to vector<16xf32>
      %mul3A_2769 = arith.mulf %mul3A_2768, %get3A_2755 : vector<16xf32>
      %add3A_2770 = arith.addf %add3A_2650, %mul3A_2769 : vector<16xf32>
      %slice3A_2771 = vector.extract_strided_slice %get3A_2727 {offsets = [1], sizes = [1], strides = [1]} : vector<16xf32> to vector<1xf32>
      %squeeze3A_2772 = vector.extract %slice3A_2771[0] : f32 from vector<1xf32>
      %mul3A_2773 = vector.broadcast %squeeze3A_2772 : f32 to vector<16xf32>
      %mul3A_2774 = arith.mulf %mul3A_2773, %get3A_2755 : vector<16xf32>
      %add3A_2775 = arith.addf %add3A_2655, %mul3A_2774 : vector<16xf32>
      %get3A_2776 = arith.constant 12 : i32
      %get3A_2777 = arith.index_cast %get3A_2776 : i32 to index
      %get3A_2778 = arith.constant 32 : index
      %get3A_2779 = tpu.vector_load %arg10[%get3A_2777, %get3A_2778] {strides = array<i32>} : memref<16x128xf32, #tpu.memory_space<vmem>>, vector<16xf32>,
      %slice3A_2780 = vector.extract_strided_slice %get3A_2709 {offsets = [2], sizes = [1], strides = [1]} : vector<16xf32> to vector<1xf32>
      %squeeze3A_2781 = vector.extract %slice3A_2780[0] : f32 from vector<1xf32>
      %mul3A_2782 = vector.broadcast %squeeze3A_2781 : f32 to vector<16xf32>
      %mul3A_2783 = arith.mulf %mul3A_2782, %get3A_2779 : vector<16xf32>
      %add3A_2784 = arith.addf %add3A_2664, %mul3A_2783 : vector<16xf32>
      %slice3A_2785 = vector.extract_strided_slice %get3A_2715 {offsets = [2], sizes = [1], strides = [1]} : vector<16xf32> to vector<1xf32>
      %squeeze3A_2786 = vector.extract %slice3A_2785[0] : f32 from vector<1xf32>
      %mul3A_2787 = vector.broadcast %squeeze3A_2786 : f32 to vector<16xf32>
      %mul3A_2788 = arith.mulf %mul3A_2787, %get3A_2779 : vector<16xf32>
      %add3A_2789 = arith.addf %add3A_2669, %mul3A_2788 : vector<16xf32>
      %slice3A_2790 = vector.extract_strided_slice %get3A_2721 {offsets = [2], sizes = [1], strides = [1]} : vector<16xf32> to vector<1xf32>
      %squeeze3A_2791 = vector.extract %slice3A_2790[0] : f32 from vector<1xf32>
      %mul3A_2792 = vector.broadcast %squeeze3A_2791 : f32 to vector<16xf32>
      %mul3A_2793 = arith.mulf %mul3A_2792, %get3A_2779 : vector<16xf32>
      %add3A_2794 = arith.addf %add3A_2674, %mul3A_2793 : vector<16xf32>
      %slice3A_2795 = vector.extract_strided_slice %get3A_2727 {offsets = [2], sizes = [1], strides = [1]} : vector<16xf32> to vector<1xf32>
      %squeeze3A_2796 = vector.extract %slice3A_2795[0] : f32 from vector<1xf32>
      %mul3A_2797 = vector.broadcast %squeeze3A_2796 : f32 to vector<16xf32>
      %mul3A_2798 = arith.mulf %mul3A_2797, %get3A_2779 : vector<16xf32>
      %add3A_2799 = arith.addf %add3A_2679, %mul3A_2798 : vector<16xf32>
      %get3A_2800 = arith.constant 12 : i32
      %get3A_2801 = arith.index_cast %get3A_2800 : i32 to index
      %get3A_2802 = arith.constant 48 : index
      %get3A_2803 = tpu.vector_load %arg10[%get3A_2801, %get3A_2802] {strides = array<i32>} : memref<16x128xf32, #tpu.memory_space<vmem>>, vector<16xf32>,
      %slice3A_2804 = vector.extract_strided_slice %get3A_2709 {offsets = [3], sizes = [1], strides = [1]} : vector<16xf32> to vector<1xf32>
      %squeeze3A_2805 = vector.extract %slice3A_2804[0] : f32 from vector<1xf32>
      %mul3A_2806 = vector.broadcast %squeeze3A_2805 : f32 to vector<16xf32>
      %mul3A_2807 = arith.mulf %mul3A_2806, %get3A_2803 : vector<16xf32>
      %add3A_2808 = arith.addf %add3A_2688, %mul3A_2807 : vector<16xf32>
      %slice3A_2809 = vector.extract_strided_slice %get3A_2715 {offsets = [3], sizes = [1], strides = [1]} : vector<16xf32> to vector<1xf32>
      %squeeze3A_2810 = vector.extract %slice3A_2809[0] : f32 from vector<1xf32>
      %mul3A_2811 = vector.broadcast %squeeze3A_2810 : f32 to vector<16xf32>
      %mul3A_2812 = arith.mulf %mul3A_2811, %get3A_2803 : vector<16xf32>
      %add3A_2813 = arith.addf %add3A_2693, %mul3A_2812 : vector<16xf32>
      %slice3A_2814 = vector.extract_strided_slice %get3A_2721 {offsets = [3], sizes = [1], strides = [1]} : vector<16xf32> to vector<1xf32>
      %squeeze3A_2815 = vector.extract %slice3A_2814[0] : f32 from vector<1xf32>
      %mul3A_2816 = vector.broadcast %squeeze3A_2815 : f32 to vector<16xf32>
      %mul3A_2817 = arith.mulf %mul3A_2816, %get3A_2803 : vector<16xf32>
      %add3A_2818 = arith.addf %add3A_2698, %mul3A_2817 : vector<16xf32>
      %slice3A_2819 = vector.extract_strided_slice %get3A_2727 {offsets = [3], sizes = [1], strides = [1]} : vector<16xf32> to vector<1xf32>
      %squeeze3A_2820 = vector.extract %slice3A_2819[0] : f32 from vector<1xf32>
      %mul3A_2821 = vector.broadcast %squeeze3A_2820 : f32 to vector<16xf32>
      %mul3A_2822 = arith.mulf %mul3A_2821, %get3A_2803 : vector<16xf32>
      %add3A_2823 = arith.addf %add3A_2703, %mul3A_2822 : vector<16xf32>
      %get3A_2824 = arith.constant 12 : i32
      %get3A_2825 = arith.index_cast %get3A_2824 : i32 to index
      %get3A_2826 = arith.constant 64 : index
      %get3A_2827 = tpu.vector_load %arg10[%get3A_2825, %get3A_2826] {strides = array<i32>} : memref<16x128xf32, #tpu.memory_space<vmem>>, vector<16xf32>,
      %slice3A_2828 = vector.extract_strided_slice %get3A_2709 {offsets = [4], sizes = [1], strides = [1]} : vector<16xf32> to vector<1xf32>
      %squeeze3A_2829 = vector.extract %slice3A_2828[0] : f32 from vector<1xf32>
      %mul3A_2830 = vector.broadcast %squeeze3A_2829 : f32 to vector<16xf32>
      %mul3A_2831 = arith.mulf %mul3A_2830, %get3A_2827 : vector<16xf32>
      %add3A_2832 = arith.addf %add3A_2736, %mul3A_2831 : vector<16xf32>
      %slice3A_2833 = vector.extract_strided_slice %get3A_2715 {offsets = [4], sizes = [1], strides = [1]} : vector<16xf32> to vector<1xf32>
      %squeeze3A_2834 = vector.extract %slice3A_2833[0] : f32 from vector<1xf32>
      %mul3A_2835 = vector.broadcast %squeeze3A_2834 : f32 to vector<16xf32>
      %mul3A_2836 = arith.mulf %mul3A_2835, %get3A_2827 : vector<16xf32>
      %add3A_2837 = arith.addf %add3A_2741, %mul3A_2836 : vector<16xf32>
      %slice3A_2838 = vector.extract_strided_slice %get3A_2721 {offsets = [4], sizes = [1], strides = [1]} : vector<16xf32> to vector<1xf32>
      %squeeze3A_2839 = vector.extract %slice3A_2838[0] : f32 from vector<1xf32>
      %mul3A_2840 = vector.broadcast %squeeze3A_2839 : f32 to vector<16xf32>
      %mul3A_2841 = arith.mulf %mul3A_2840, %get3A_2827 : vector<16xf32>
      %add3A_2842 = arith.addf %add3A_2746, %mul3A_2841 : vector<16xf32>
      %slice3A_2843 = vector.extract_strided_slice %get3A_2727 {offsets = [4], sizes = [1], strides = [1]} : vector<16xf32> to vector<1xf32>
      %squeeze3A_2844 = vector.extract %slice3A_2843[0] : f32 from vector<1xf32>
      %mul3A_2845 = vector.broadcast %squeeze3A_2844 : f32 to vector<16xf32>
      %mul3A_2846 = arith.mulf %mul3A_2845, %get3A_2827 : vector<16xf32>
      %add3A_2847 = arith.addf %add3A_2751, %mul3A_2846 : vector<16xf32>
      %get3A_2848 = arith.constant 12 : i32
      %get3A_2849 = arith.index_cast %get3A_2848 : i32 to index
      %get3A_2850 = arith.constant 80 : index
      %get3A_2851 = tpu.vector_load %arg10[%get3A_2849, %get3A_2850] {strides = array<i32>} : memref<16x128xf32, #tpu.memory_space<vmem>>, vector<16xf32>,
      %slice3A_2852 = vector.extract_strided_slice %get3A_2709 {offsets = [5], sizes = [1], strides = [1]} : vector<16xf32> to vector<1xf32>
      %squeeze3A_2853 = vector.extract %slice3A_2852[0] : f32 from vector<1xf32>
      %mul3A_2854 = vector.broadcast %squeeze3A_2853 : f32 to vector<16xf32>
      %mul3A_2855 = arith.mulf %mul3A_2854, %get3A_2851 : vector<16xf32>
      %add3A_2856 = arith.addf %add3A_2760, %mul3A_2855 : vector<16xf32>
      %slice3A_2857 = vector.extract_strided_slice %get3A_2715 {offsets = [5], sizes = [1], strides = [1]} : vector<16xf32> to vector<1xf32>
      %squeeze3A_2858 = vector.extract %slice3A_2857[0] : f32 from vector<1xf32>
      %mul3A_2859 = vector.broadcast %squeeze3A_2858 : f32 to vector<16xf32>
      %mul3A_2860 = arith.mulf %mul3A_2859, %get3A_2851 : vector<16xf32>
      %add3A_2861 = arith.addf %add3A_2765, %mul3A_2860 : vector<16xf32>
      %slice3A_2862 = vector.extract_strided_slice %get3A_2721 {offsets = [5], sizes = [1], strides = [1]} : vector<16xf32> to vector<1xf32>
      %squeeze3A_2863 = vector.extract %slice3A_2862[0] : f32 from vector<1xf32>
      %mul3A_2864 = vector.broadcast %squeeze3A_2863 : f32 to vector<16xf32>
      %mul3A_2865 = arith.mulf %mul3A_2864, %get3A_2851 : vector<16xf32>
      %add3A_2866 = arith.addf %add3A_2770, %mul3A_2865 : vector<16xf32>
      %slice3A_2867 = vector.extract_strided_slice %get3A_2727 {offsets = [5], sizes = [1], strides = [1]} : vector<16xf32> to vector<1xf32>
      %squeeze3A_2868 = vector.extract %slice3A_2867[0] : f32 from vector<1xf32>
      %mul3A_2869 = vector.broadcast %squeeze3A_2868 : f32 to vector<16xf32>
      %mul3A_2870 = arith.mulf %mul3A_2869, %get3A_2851 : vector<16xf32>
      %add3A_2871 = arith.addf %add3A_2775, %mul3A_2870 : vector<16xf32>
      %get3A_2872 = arith.constant 12 : i32
      %get3A_2873 = arith.index_cast %get3A_2872 : i32 to index
      %get3A_2874 = arith.constant 96 : index
      %get3A_2875 = tpu.vector_load %arg10[%get3A_2873, %get3A_2874] {strides = array<i32>} : memref<16x128xf32, #tpu.memory_space<vmem>>, vector<16xf32>,
      %slice3A_2876 = vector.extract_strided_slice %get3A_2709 {offsets = [6], sizes = [1], strides = [1]} : vector<16xf32> to vector<1xf32>
      %squeeze3A_2877 = vector.extract %slice3A_2876[0] : f32 from vector<1xf32>
      %mul3A_2878 = vector.broadcast %squeeze3A_2877 : f32 to vector<16xf32>
      %mul3A_2879 = arith.mulf %mul3A_2878, %get3A_2875 : vector<16xf32>
      %add3A_2880 = arith.addf %add3A_2784, %mul3A_2879 : vector<16xf32>
      %slice3A_2881 = vector.extract_strided_slice %get3A_2715 {offsets = [6], sizes = [1], strides = [1]} : vector<16xf32> to vector<1xf32>
      %squeeze3A_2882 = vector.extract %slice3A_2881[0] : f32 from vector<1xf32>
      %mul3A_2883 = vector.broadcast %squeeze3A_2882 : f32 to vector<16xf32>
      %mul3A_2884 = arith.mulf %mul3A_2883, %get3A_2875 : vector<16xf32>
      %add3A_2885 = arith.addf %add3A_2789, %mul3A_2884 : vector<16xf32>
      %slice3A_2886 = vector.extract_strided_slice %get3A_2721 {offsets = [6], sizes = [1], strides = [1]} : vector<16xf32> to vector<1xf32>
      %squeeze3A_2887 = vector.extract %slice3A_2886[0] : f32 from vector<1xf32>
      %mul3A_2888 = vector.broadcast %squeeze3A_2887 : f32 to vector<16xf32>
      %mul3A_2889 = arith.mulf %mul3A_2888, %get3A_2875 : vector<16xf32>
      %add3A_2890 = arith.addf %add3A_2794, %mul3A_2889 : vector<16xf32>
      %slice3A_2891 = vector.extract_strided_slice %get3A_2727 {offsets = [6], sizes = [1], strides = [1]} : vector<16xf32> to vector<1xf32>
      %squeeze3A_2892 = vector.extract %slice3A_2891[0] : f32 from vector<1xf32>
      %mul3A_2893 = vector.broadcast %squeeze3A_2892 : f32 to vector<16xf32>
      %mul3A_2894 = arith.mulf %mul3A_2893, %get3A_2875 : vector<16xf32>
      %add3A_2895 = arith.addf %add3A_2799, %mul3A_2894 : vector<16xf32>
      %get3A_2896 = arith.constant 12 : i32
      %get3A_2897 = arith.index_cast %get3A_2896 : i32 to index
      %get3A_2898 = arith.constant 112 : index
      %get3A_2899 = tpu.vector_load %arg10[%get3A_2897, %get3A_2898] {strides = array<i32>} : memref<16x128xf32, #tpu.memory_space<vmem>>, vector<16xf32>,
      %slice3A_2900 = vector.extract_strided_slice %get3A_2709 {offsets = [7], sizes = [1], strides = [1]} : vector<16xf32> to vector<1xf32>
      %squeeze3A_2901 = vector.extract %slice3A_2900[0] : f32 from vector<1xf32>
      %mul3A_2902 = vector.broadcast %squeeze3A_2901 : f32 to vector<16xf32>
      %mul3A_2903 = arith.mulf %mul3A_2902, %get3A_2899 : vector<16xf32>
      %add3A_2904 = arith.addf %add3A_2808, %mul3A_2903 : vector<16xf32>
      %slice3A_2905 = vector.extract_strided_slice %get3A_2715 {offsets = [7], sizes = [1], strides = [1]} : vector<16xf32> to vector<1xf32>
      %squeeze3A_2906 = vector.extract %slice3A_2905[0] : f32 from vector<1xf32>
      %mul3A_2907 = vector.broadcast %squeeze3A_2906 : f32 to vector<16xf32>
      %mul3A_2908 = arith.mulf %mul3A_2907, %get3A_2899 : vector<16xf32>
      %add3A_2909 = arith.addf %add3A_2813, %mul3A_2908 : vector<16xf32>
      %slice3A_2910 = vector.extract_strided_slice %get3A_2721 {offsets = [7], sizes = [1], strides = [1]} : vector<16xf32> to vector<1xf32>
      %squeeze3A_2911 = vector.extract %slice3A_2910[0] : f32 from vector<1xf32>
      %mul3A_2912 = vector.broadcast %squeeze3A_2911 : f32 to vector<16xf32>
      %mul3A_2913 = arith.mulf %mul3A_2912, %get3A_2899 : vector<16xf32>
      %add3A_2914 = arith.addf %add3A_2818, %mul3A_2913 : vector<16xf32>
      %slice3A_2915 = vector.extract_strided_slice %get3A_2727 {offsets = [7], sizes = [1], strides = [1]} : vector<16xf32> to vector<1xf32>
      %squeeze3A_2916 = vector.extract %slice3A_2915[0] : f32 from vector<1xf32>
      %mul3A_2917 = vector.broadcast %squeeze3A_2916 : f32 to vector<16xf32>
      %mul3A_2918 = arith.mulf %mul3A_2917, %get3A_2899 : vector<16xf32>
      %add3A_2919 = arith.addf %add3A_2823, %mul3A_2918 : vector<16xf32>
      %get3A_2920 = arith.constant 13 : i32
      %get3A_2921 = arith.index_cast %get3A_2920 : i32 to index
      %get3A_2922 = arith.constant 0 : index
      %get3A_2923 = tpu.vector_load %arg10[%get3A_2921, %get3A_2922] {strides = array<i32>} : memref<16x128xf32, #tpu.memory_space<vmem>>, vector<16xf32>,
      %slice3A_2924 = vector.extract_strided_slice %get3A_2709 {offsets = [8], sizes = [1], strides = [1]} : vector<16xf32> to vector<1xf32>
      %squeeze3A_2925 = vector.extract %slice3A_2924[0] : f32 from vector<1xf32>
      %mul3A_2926 = vector.broadcast %squeeze3A_2925 : f32 to vector<16xf32>
      %mul3A_2927 = arith.mulf %mul3A_2926, %get3A_2923 : vector<16xf32>
      %add3A_2928 = arith.addf %add3A_2832, %mul3A_2927 : vector<16xf32>
      %slice3A_2929 = vector.extract_strided_slice %get3A_2715 {offsets = [8], sizes = [1], strides = [1]} : vector<16xf32> to vector<1xf32>
      %squeeze3A_2930 = vector.extract %slice3A_2929[0] : f32 from vector<1xf32>
      %mul3A_2931 = vector.broadcast %squeeze3A_2930 : f32 to vector<16xf32>
      %mul3A_2932 = arith.mulf %mul3A_2931, %get3A_2923 : vector<16xf32>
      %add3A_2933 = arith.addf %add3A_2837, %mul3A_2932 : vector<16xf32>
      %slice3A_2934 = vector.extract_strided_slice %get3A_2721 {offsets = [8], sizes = [1], strides = [1]} : vector<16xf32> to vector<1xf32>
      %squeeze3A_2935 = vector.extract %slice3A_2934[0] : f32 from vector<1xf32>
      %mul3A_2936 = vector.broadcast %squeeze3A_2935 : f32 to vector<16xf32>
      %mul3A_2937 = arith.mulf %mul3A_2936, %get3A_2923 : vector<16xf32>
      %add3A_2938 = arith.addf %add3A_2842, %mul3A_2937 : vector<16xf32>
      %slice3A_2939 = vector.extract_strided_slice %get3A_2727 {offsets = [8], sizes = [1], strides = [1]} : vector<16xf32> to vector<1xf32>
      %squeeze3A_2940 = vector.extract %slice3A_2939[0] : f32 from vector<1xf32>
      %mul3A_2941 = vector.broadcast %squeeze3A_2940 : f32 to vector<16xf32>
      %mul3A_2942 = arith.mulf %mul3A_2941, %get3A_2923 : vector<16xf32>
      %add3A_2943 = arith.addf %add3A_2847, %mul3A_2942 : vector<16xf32>
      %get3A_2944 = arith.constant 13 : i32
      %get3A_2945 = arith.index_cast %get3A_2944 : i32 to index
      %get3A_2946 = arith.constant 16 : index
      %get3A_2947 = tpu.vector_load %arg10[%get3A_2945, %get3A_2946] {strides = array<i32>} : memref<16x128xf32, #tpu.memory_space<vmem>>, vector<16xf32>,
      %slice3A_2948 = vector.extract_strided_slice %get3A_2709 {offsets = [9], sizes = [1], strides = [1]} : vector<16xf32> to vector<1xf32>
      %squeeze3A_2949 = vector.extract %slice3A_2948[0] : f32 from vector<1xf32>
      %mul3A_2950 = vector.broadcast %squeeze3A_2949 : f32 to vector<16xf32>
      %mul3A_2951 = arith.mulf %mul3A_2950, %get3A_2947 : vector<16xf32>
      %add3A_2952 = arith.addf %add3A_2856, %mul3A_2951 : vector<16xf32>
      %slice3A_2953 = vector.extract_strided_slice %get3A_2715 {offsets = [9], sizes = [1], strides = [1]} : vector<16xf32> to vector<1xf32>
      %squeeze3A_2954 = vector.extract %slice3A_2953[0] : f32 from vector<1xf32>
      %mul3A_2955 = vector.broadcast %squeeze3A_2954 : f32 to vector<16xf32>
      %mul3A_2956 = arith.mulf %mul3A_2955, %get3A_2947 : vector<16xf32>
      %add3A_2957 = arith.addf %add3A_2861, %mul3A_2956 : vector<16xf32>
      %slice3A_2958 = vector.extract_strided_slice %get3A_2721 {offsets = [9], sizes = [1], strides = [1]} : vector<16xf32> to vector<1xf32>
      %squeeze3A_2959 = vector.extract %slice3A_2958[0] : f32 from vector<1xf32>
      %mul3A_2960 = vector.broadcast %squeeze3A_2959 : f32 to vector<16xf32>
      %mul3A_2961 = arith.mulf %mul3A_2960, %get3A_2947 : vector<16xf32>
      %add3A_2962 = arith.addf %add3A_2866, %mul3A_2961 : vector<16xf32>
      %slice3A_2963 = vector.extract_strided_slice %get3A_2727 {offsets = [9], sizes = [1], strides = [1]} : vector<16xf32> to vector<1xf32>
      %squeeze3A_2964 = vector.extract %slice3A_2963[0] : f32 from vector<1xf32>
      %mul3A_2965 = vector.broadcast %squeeze3A_2964 : f32 to vector<16xf32>
      %mul3A_2966 = arith.mulf %mul3A_2965, %get3A_2947 : vector<16xf32>
      %add3A_2967 = arith.addf %add3A_2871, %mul3A_2966 : vector<16xf32>
      %get3A_2968 = arith.constant 13 : i32
      %get3A_2969 = arith.index_cast %get3A_2968 : i32 to index
      %get3A_2970 = arith.constant 32 : index
      %get3A_2971 = tpu.vector_load %arg10[%get3A_2969, %get3A_2970] {strides = array<i32>} : memref<16x128xf32, #tpu.memory_space<vmem>>, vector<16xf32>,
      %slice3A_2972 = vector.extract_strided_slice %get3A_2709 {offsets = [10], sizes = [1], strides = [1]} : vector<16xf32> to vector<1xf32>
      %squeeze3A_2973 = vector.extract %slice3A_2972[0] : f32 from vector<1xf32>
      %mul3A_2974 = vector.broadcast %squeeze3A_2973 : f32 to vector<16xf32>
      %mul3A_2975 = arith.mulf %mul3A_2974, %get3A_2971 : vector<16xf32>
      %add3A_2976 = arith.addf %add3A_2880, %mul3A_2975 : vector<16xf32>
      %slice3A_2977 = vector.extract_strided_slice %get3A_2715 {offsets = [10], sizes = [1], strides = [1]} : vector<16xf32> to vector<1xf32>
      %squeeze3A_2978 = vector.extract %slice3A_2977[0] : f32 from vector<1xf32>
      %mul3A_2979 = vector.broadcast %squeeze3A_2978 : f32 to vector<16xf32>
      %mul3A_2980 = arith.mulf %mul3A_2979, %get3A_2971 : vector<16xf32>
      %add3A_2981 = arith.addf %add3A_2885, %mul3A_2980 : vector<16xf32>
      %slice3A_2982 = vector.extract_strided_slice %get3A_2721 {offsets = [10], sizes = [1], strides = [1]} : vector<16xf32> to vector<1xf32>
      %squeeze3A_2983 = vector.extract %slice3A_2982[0] : f32 from vector<1xf32>
      %mul3A_2984 = vector.broadcast %squeeze3A_2983 : f32 to vector<16xf32>
      %mul3A_2985 = arith.mulf %mul3A_2984, %get3A_2971 : vector<16xf32>
      %add3A_2986 = arith.addf %add3A_2890, %mul3A_2985 : vector<16xf32>
      %slice3A_2987 = vector.extract_strided_slice %get3A_2727 {offsets = [10], sizes = [1], strides = [1]} : vector<16xf32> to vector<1xf32>
      %squeeze3A_2988 = vector.extract %slice3A_2987[0] : f32 from vector<1xf32>
      %mul3A_2989 = vector.broadcast %squeeze3A_2988 : f32 to vector<16xf32>
      %mul3A_2990 = arith.mulf %mul3A_2989, %get3A_2971 : vector<16xf32>
      %add3A_2991 = arith.addf %add3A_2895, %mul3A_2990 : vector<16xf32>
      %get3A_2992 = arith.constant 13 : i32
      %get3A_2993 = arith.index_cast %get3A_2992 : i32 to index
      %get3A_2994 = arith.constant 48 : index
      %get3A_2995 = tpu.vector_load %arg10[%get3A_2993, %get3A_2994] {strides = array<i32>} : memref<16x128xf32, #tpu.memory_space<vmem>>, vector<16xf32>,
      %slice3A_2996 = vector.extract_strided_slice %get3A_2709 {offsets = [11], sizes = [1], strides = [1]} : vector<16xf32> to vector<1xf32>
      %squeeze3A_2997 = vector.extract %slice3A_2996[0] : f32 from vector<1xf32>
      %mul3A_2998 = vector.broadcast %squeeze3A_2997 : f32 to vector<16xf32>
      %mul3A_2999 = arith.mulf %mul3A_2998, %get3A_2995 : vector<16xf32>
      %add3A_3000 = arith.addf %add3A_2904, %mul3A_2999 : vector<16xf32>
      %slice3A_3001 = vector.extract_strided_slice %get3A_2715 {offsets = [11], sizes = [1], strides = [1]} : vector<16xf32> to vector<1xf32>
      %squeeze3A_3002 = vector.extract %slice3A_3001[0] : f32 from vector<1xf32>
      %mul3A_3003 = vector.broadcast %squeeze3A_3002 : f32 to vector<16xf32>
      %mul3A_3004 = arith.mulf %mul3A_3003, %get3A_2995 : vector<16xf32>
      %add3A_3005 = arith.addf %add3A_2909, %mul3A_3004 : vector<16xf32>
      %slice3A_3006 = vector.extract_strided_slice %get3A_2721 {offsets = [11], sizes = [1], strides = [1]} : vector<16xf32> to vector<1xf32>
      %squeeze3A_3007 = vector.extract %slice3A_3006[0] : f32 from vector<1xf32>
      %mul3A_3008 = vector.broadcast %squeeze3A_3007 : f32 to vector<16xf32>
      %mul3A_3009 = arith.mulf %mul3A_3008, %get3A_2995 : vector<16xf32>
      %add3A_3010 = arith.addf %add3A_2914, %mul3A_3009 : vector<16xf32>
      %slice3A_3011 = vector.extract_strided_slice %get3A_2727 {offsets = [11], sizes = [1], strides = [1]} : vector<16xf32> to vector<1xf32>
      %squeeze3A_3012 = vector.extract %slice3A_3011[0] : f32 from vector<1xf32>
      %mul3A_3013 = vector.broadcast %squeeze3A_3012 : f32 to vector<16xf32>
      %mul3A_3014 = arith.mulf %mul3A_3013, %get3A_2995 : vector<16xf32>
      %add3A_3015 = arith.addf %add3A_2919, %mul3A_3014 : vector<16xf32>
      %get3A_3016 = arith.constant 13 : i32
      %get3A_3017 = arith.index_cast %get3A_3016 : i32 to index
      %get3A_3018 = arith.constant 64 : index
      %get3A_3019 = tpu.vector_load %arg10[%get3A_3017, %get3A_3018] {strides = array<i32>} : memref<16x128xf32, #tpu.memory_space<vmem>>, vector<16xf32>,
      %slice3A_3020 = vector.extract_strided_slice %get3A_2709 {offsets = [12], sizes = [1], strides = [1]} : vector<16xf32> to vector<1xf32>
      %squeeze3A_3021 = vector.extract %slice3A_3020[0] : f32 from vector<1xf32>
      %mul3A_3022 = vector.broadcast %squeeze3A_3021 : f32 to vector<16xf32>
      %mul3A_3023 = arith.mulf %mul3A_3022, %get3A_3019 : vector<16xf32>
      %add3A_3024 = arith.addf %add3A_2928, %mul3A_3023 : vector<16xf32>
      %slice3A_3025 = vector.extract_strided_slice %get3A_2715 {offsets = [12], sizes = [1], strides = [1]} : vector<16xf32> to vector<1xf32>
      %squeeze3A_3026 = vector.extract %slice3A_3025[0] : f32 from vector<1xf32>
      %mul3A_3027 = vector.broadcast %squeeze3A_3026 : f32 to vector<16xf32>
      %mul3A_3028 = arith.mulf %mul3A_3027, %get3A_3019 : vector<16xf32>
      %add3A_3029 = arith.addf %add3A_2933, %mul3A_3028 : vector<16xf32>
      %slice3A_3030 = vector.extract_strided_slice %get3A_2721 {offsets = [12], sizes = [1], strides = [1]} : vector<16xf32> to vector<1xf32>
      %squeeze3A_3031 = vector.extract %slice3A_3030[0] : f32 from vector<1xf32>
      %mul3A_3032 = vector.broadcast %squeeze3A_3031 : f32 to vector<16xf32>
      %mul3A_3033 = arith.mulf %mul3A_3032, %get3A_3019 : vector<16xf32>
      %add3A_3034 = arith.addf %add3A_2938, %mul3A_3033 : vector<16xf32>
      %slice3A_3035 = vector.extract_strided_slice %get3A_2727 {offsets = [12], sizes = [1], strides = [1]} : vector<16xf32> to vector<1xf32>
      %squeeze3A_3036 = vector.extract %slice3A_3035[0] : f32 from vector<1xf32>
      %mul3A_3037 = vector.broadcast %squeeze3A_3036 : f32 to vector<16xf32>
      %mul3A_3038 = arith.mulf %mul3A_3037, %get3A_3019 : vector<16xf32>
      %add3A_3039 = arith.addf %add3A_2943, %mul3A_3038 : vector<16xf32>
      %get3A_3040 = arith.constant 13 : i32
      %get3A_3041 = arith.index_cast %get3A_3040 : i32 to index
      %get3A_3042 = arith.constant 80 : index
      %get3A_3043 = tpu.vector_load %arg10[%get3A_3041, %get3A_3042] {strides = array<i32>} : memref<16x128xf32, #tpu.memory_space<vmem>>, vector<16xf32>,
      %slice3A_3044 = vector.extract_strided_slice %get3A_2709 {offsets = [13], sizes = [1], strides = [1]} : vector<16xf32> to vector<1xf32>
      %squeeze3A_3045 = vector.extract %slice3A_3044[0] : f32 from vector<1xf32>
      %mul3A_3046 = vector.broadcast %squeeze3A_3045 : f32 to vector<16xf32>
      %mul3A_3047 = arith.mulf %mul3A_3046, %get3A_3043 : vector<16xf32>
      %add3A_3048 = arith.addf %add3A_2952, %mul3A_3047 : vector<16xf32>
      %slice3A_3049 = vector.extract_strided_slice %get3A_2715 {offsets = [13], sizes = [1], strides = [1]} : vector<16xf32> to vector<1xf32>
      %squeeze3A_3050 = vector.extract %slice3A_3049[0] : f32 from vector<1xf32>
      %mul3A_3051 = vector.broadcast %squeeze3A_3050 : f32 to vector<16xf32>
      %mul3A_3052 = arith.mulf %mul3A_3051, %get3A_3043 : vector<16xf32>
      %add3A_3053 = arith.addf %add3A_2957, %mul3A_3052 : vector<16xf32>
      %slice3A_3054 = vector.extract_strided_slice %get3A_2721 {offsets = [13], sizes = [1], strides = [1]} : vector<16xf32> to vector<1xf32>
      %squeeze3A_3055 = vector.extract %slice3A_3054[0] : f32 from vector<1xf32>
      %mul3A_3056 = vector.broadcast %squeeze3A_3055 : f32 to vector<16xf32>
      %mul3A_3057 = arith.mulf %mul3A_3056, %get3A_3043 : vector<16xf32>
      %add3A_3058 = arith.addf %add3A_2962, %mul3A_3057 : vector<16xf32>
      %slice3A_3059 = vector.extract_strided_slice %get3A_2727 {offsets = [13], sizes = [1], strides = [1]} : vector<16xf32> to vector<1xf32>
      %squeeze3A_3060 = vector.extract %slice3A_3059[0] : f32 from vector<1xf32>
      %mul3A_3061 = vector.broadcast %squeeze3A_3060 : f32 to vector<16xf32>
      %mul3A_3062 = arith.mulf %mul3A_3061, %get3A_3043 : vector<16xf32>
      %add3A_3063 = arith.addf %add3A_2967, %mul3A_3062 : vector<16xf32>
      %get3A_3064 = arith.constant 13 : i32
      %get3A_3065 = arith.index_cast %get3A_3064 : i32 to index
      %get3A_3066 = arith.constant 96 : index
      %get3A_3067 = tpu.vector_load %arg10[%get3A_3065, %get3A_3066] {strides = array<i32>} : memref<16x128xf32, #tpu.memory_space<vmem>>, vector<16xf32>,
      %slice3A_3068 = vector.extract_strided_slice %get3A_2709 {offsets = [14], sizes = [1], strides = [1]} : vector<16xf32> to vector<1xf32>
      %squeeze3A_3069 = vector.extract %slice3A_3068[0] : f32 from vector<1xf32>
      %mul3A_3070 = vector.broadcast %squeeze3A_3069 : f32 to vector<16xf32>
      %mul3A_3071 = arith.mulf %mul3A_3070, %get3A_3067 : vector<16xf32>
      %add3A_3072 = arith.addf %add3A_2976, %mul3A_3071 : vector<16xf32>
      %slice3A_3073 = vector.extract_strided_slice %get3A_2715 {offsets = [14], sizes = [1], strides = [1]} : vector<16xf32> to vector<1xf32>
      %squeeze3A_3074 = vector.extract %slice3A_3073[0] : f32 from vector<1xf32>
      %mul3A_3075 = vector.broadcast %squeeze3A_3074 : f32 to vector<16xf32>
      %mul3A_3076 = arith.mulf %mul3A_3075, %get3A_3067 : vector<16xf32>
      %add3A_3077 = arith.addf %add3A_2981, %mul3A_3076 : vector<16xf32>
      %slice3A_3078 = vector.extract_strided_slice %get3A_2721 {offsets = [14], sizes = [1], strides = [1]} : vector<16xf32> to vector<1xf32>
      %squeeze3A_3079 = vector.extract %slice3A_3078[0] : f32 from vector<1xf32>
      %mul3A_3080 = vector.broadcast %squeeze3A_3079 : f32 to vector<16xf32>
      %mul3A_3081 = arith.mulf %mul3A_3080, %get3A_3067 : vector<16xf32>
      %add3A_3082 = arith.addf %add3A_2986, %mul3A_3081 : vector<16xf32>
      %slice3A_3083 = vector.extract_strided_slice %get3A_2727 {offsets = [14], sizes = [1], strides = [1]} : vector<16xf32> to vector<1xf32>
      %squeeze3A_3084 = vector.extract %slice3A_3083[0] : f32 from vector<1xf32>
      %mul3A_3085 = vector.broadcast %squeeze3A_3084 : f32 to vector<16xf32>
      %mul3A_3086 = arith.mulf %mul3A_3085, %get3A_3067 : vector<16xf32>
      %add3A_3087 = arith.addf %add3A_2991, %mul3A_3086 : vector<16xf32>
      %get3A_3088 = arith.constant 13 : i32
      %get3A_3089 = arith.index_cast %get3A_3088 : i32 to index
      %get3A_3090 = arith.constant 112 : index
      %get3A_3091 = tpu.vector_load %arg10[%get3A_3089, %get3A_3090] {strides = array<i32>} : memref<16x128xf32, #tpu.memory_space<vmem>>, vector<16xf32>,
      %slice3A_3092 = vector.extract_strided_slice %get3A_2709 {offsets = [15], sizes = [1], strides = [1]} : vector<16xf32> to vector<1xf32>
      %squeeze3A_3093 = vector.extract %slice3A_3092[0] : f32 from vector<1xf32>
      %mul3A_3094 = vector.broadcast %squeeze3A_3093 : f32 to vector<16xf32>
      %mul3A_3095 = arith.mulf %mul3A_3094, %get3A_3091 : vector<16xf32>
      %add3A_3096 = arith.addf %add3A_3000, %mul3A_3095 : vector<16xf32>
      %slice3A_3097 = vector.extract_strided_slice %get3A_2715 {offsets = [15], sizes = [1], strides = [1]} : vector<16xf32> to vector<1xf32>
      %squeeze3A_3098 = vector.extract %slice3A_3097[0] : f32 from vector<1xf32>
      %mul3A_3099 = vector.broadcast %squeeze3A_3098 : f32 to vector<16xf32>
      %mul3A_3100 = arith.mulf %mul3A_3099, %get3A_3091 : vector<16xf32>
      %add3A_3101 = arith.addf %add3A_3005, %mul3A_3100 : vector<16xf32>
      %slice3A_3102 = vector.extract_strided_slice %get3A_2721 {offsets = [15], sizes = [1], strides = [1]} : vector<16xf32> to vector<1xf32>
      %squeeze3A_3103 = vector.extract %slice3A_3102[0] : f32 from vector<1xf32>
      %mul3A_3104 = vector.broadcast %squeeze3A_3103 : f32 to vector<16xf32>
      %mul3A_3105 = arith.mulf %mul3A_3104, %get3A_3091 : vector<16xf32>
      %add3A_3106 = arith.addf %add3A_3010, %mul3A_3105 : vector<16xf32>
      %slice3A_3107 = vector.extract_strided_slice %get3A_2727 {offsets = [15], sizes = [1], strides = [1]} : vector<16xf32> to vector<1xf32>
      %squeeze3A_3108 = vector.extract %slice3A_3107[0] : f32 from vector<1xf32>
      %mul3A_3109 = vector.broadcast %squeeze3A_3108 : f32 to vector<16xf32>
      %mul3A_3110 = arith.mulf %mul3A_3109, %get3A_3091 : vector<16xf32>
      %add3A_3111 = arith.addf %add3A_3015, %mul3A_3110 : vector<16xf32>
      %add3A_3112 = arith.constant 0 : i32
      %add3A_3113 = arith.addi %mul3A_226, %add3A_3112 : i32
      %add3A_3114 = arith.addi %add3A_3113, %sub3A : i32
      %get3A_3115 = arith.index_cast %add3A_3114 : i32 to index
      %get3A_3116 = arith.constant 112 : index
      %get3A_3117 = tpu.vector_load %arg9[%get3A_3115, %get3A_3116] {strides = array<i32>} : memref<64x128xf32, #tpu.memory_space<vmem>>, vector<16xf32>,
      %add3A_3118 = arith.constant 1 : i32
      %add3A_3119 = arith.addi %mul3A_226, %add3A_3118 : i32
      %add3A_3120 = arith.addi %add3A_3119, %sub3A : i32
      %get3A_3121 = arith.index_cast %add3A_3120 : i32 to index
      %get3A_3122 = arith.constant 112 : index
      %get3A_3123 = tpu.vector_load %arg9[%get3A_3121, %get3A_3122] {strides = array<i32>} : memref<64x128xf32, #tpu.memory_space<vmem>>, vector<16xf32>,
      %add3A_3124 = arith.constant 2 : i32
      %add3A_3125 = arith.addi %mul3A_226, %add3A_3124 : i32
      %add3A_3126 = arith.addi %add3A_3125, %sub3A : i32
      %get3A_3127 = arith.index_cast %add3A_3126 : i32 to index
      %get3A_3128 = arith.constant 112 : index
      %get3A_3129 = tpu.vector_load %arg9[%get3A_3127, %get3A_3128] {strides = array<i32>} : memref<64x128xf32, #tpu.memory_space<vmem>>, vector<16xf32>,
      %add3A_3130 = arith.constant 3 : i32
      %add3A_3131 = arith.addi %mul3A_226, %add3A_3130 : i32
      %add3A_3132 = arith.addi %add3A_3131, %sub3A : i32
      %get3A_3133 = arith.index_cast %add3A_3132 : i32 to index
      %get3A_3134 = arith.constant 112 : index
      %get3A_3135 = tpu.vector_load %arg9[%get3A_3133, %get3A_3134] {strides = array<i32>} : memref<64x128xf32, #tpu.memory_space<vmem>>, vector<16xf32>,
      %get3A_3136 = arith.constant 14 : i32
      %get3A_3137 = arith.index_cast %get3A_3136 : i32 to index
      %get3A_3138 = arith.constant 0 : index
      %get3A_3139 = tpu.vector_load %arg10[%get3A_3137, %get3A_3138] {strides = array<i32>} : memref<16x128xf32, #tpu.memory_space<vmem>>, vector<16xf32>,
      %slice3A_3140 = vector.extract_strided_slice %get3A_3117 {offsets = [0], sizes = [1], strides = [1]} : vector<16xf32> to vector<1xf32>
      %squeeze3A_3141 = vector.extract %slice3A_3140[0] : f32 from vector<1xf32>
      %mul3A_3142 = vector.broadcast %squeeze3A_3141 : f32 to vector<16xf32>
      %mul3A_3143 = arith.mulf %mul3A_3142, %get3A_3139 : vector<16xf32>
      %add3A_3144 = arith.addf %add3A_3024, %mul3A_3143 : vector<16xf32>
      %slice3A_3145 = vector.extract_strided_slice %get3A_3123 {offsets = [0], sizes = [1], strides = [1]} : vector<16xf32> to vector<1xf32>
      %squeeze3A_3146 = vector.extract %slice3A_3145[0] : f32 from vector<1xf32>
      %mul3A_3147 = vector.broadcast %squeeze3A_3146 : f32 to vector<16xf32>
      %mul3A_3148 = arith.mulf %mul3A_3147, %get3A_3139 : vector<16xf32>
      %add3A_3149 = arith.addf %add3A_3029, %mul3A_3148 : vector<16xf32>
      %slice3A_3150 = vector.extract_strided_slice %get3A_3129 {offsets = [0], sizes = [1], strides = [1]} : vector<16xf32> to vector<1xf32>
      %squeeze3A_3151 = vector.extract %slice3A_3150[0] : f32 from vector<1xf32>
      %mul3A_3152 = vector.broadcast %squeeze3A_3151 : f32 to vector<16xf32>
      %mul3A_3153 = arith.mulf %mul3A_3152, %get3A_3139 : vector<16xf32>
      %add3A_3154 = arith.addf %add3A_3034, %mul3A_3153 : vector<16xf32>
      %slice3A_3155 = vector.extract_strided_slice %get3A_3135 {offsets = [0], sizes = [1], strides = [1]} : vector<16xf32> to vector<1xf32>
      %squeeze3A_3156 = vector.extract %slice3A_3155[0] : f32 from vector<1xf32>
      %mul3A_3157 = vector.broadcast %squeeze3A_3156 : f32 to vector<16xf32>
      %mul3A_3158 = arith.mulf %mul3A_3157, %get3A_3139 : vector<16xf32>
      %add3A_3159 = arith.addf %add3A_3039, %mul3A_3158 : vector<16xf32>
      %get3A_3160 = arith.constant 14 : i32
      %get3A_3161 = arith.index_cast %get3A_3160 : i32 to index
      %get3A_3162 = arith.constant 16 : index
      %get3A_3163 = tpu.vector_load %arg10[%get3A_3161, %get3A_3162] {strides = array<i32>} : memref<16x128xf32, #tpu.memory_space<vmem>>, vector<16xf32>,
      %slice3A_3164 = vector.extract_strided_slice %get3A_3117 {offsets = [1], sizes = [1], strides = [1]} : vector<16xf32> to vector<1xf32>
      %squeeze3A_3165 = vector.extract %slice3A_3164[0] : f32 from vector<1xf32>
      %mul3A_3166 = vector.broadcast %squeeze3A_3165 : f32 to vector<16xf32>
      %mul3A_3167 = arith.mulf %mul3A_3166, %get3A_3163 : vector<16xf32>
      %add3A_3168 = arith.addf %add3A_3048, %mul3A_3167 : vector<16xf32>
      %slice3A_3169 = vector.extract_strided_slice %get3A_3123 {offsets = [1], sizes = [1], strides = [1]} : vector<16xf32> to vector<1xf32>
      %squeeze3A_3170 = vector.extract %slice3A_3169[0] : f32 from vector<1xf32>
      %mul3A_3171 = vector.broadcast %squeeze3A_3170 : f32 to vector<16xf32>
      %mul3A_3172 = arith.mulf %mul3A_3171, %get3A_3163 : vector<16xf32>
      %add3A_3173 = arith.addf %add3A_3053, %mul3A_3172 : vector<16xf32>
      %slice3A_3174 = vector.extract_strided_slice %get3A_3129 {offsets = [1], sizes = [1], strides = [1]} : vector<16xf32> to vector<1xf32>
      %squeeze3A_3175 = vector.extract %slice3A_3174[0] : f32 from vector<1xf32>
      %mul3A_3176 = vector.broadcast %squeeze3A_3175 : f32 to vector<16xf32>
      %mul3A_3177 = arith.mulf %mul3A_3176, %get3A_3163 : vector<16xf32>
      %add3A_3178 = arith.addf %add3A_3058, %mul3A_3177 : vector<16xf32>
      %slice3A_3179 = vector.extract_strided_slice %get3A_3135 {offsets = [1], sizes = [1], strides = [1]} : vector<16xf32> to vector<1xf32>
      %squeeze3A_3180 = vector.extract %slice3A_3179[0] : f32 from vector<1xf32>
      %mul3A_3181 = vector.broadcast %squeeze3A_3180 : f32 to vector<16xf32>
      %mul3A_3182 = arith.mulf %mul3A_3181, %get3A_3163 : vector<16xf32>
      %add3A_3183 = arith.addf %add3A_3063, %mul3A_3182 : vector<16xf32>
      %get3A_3184 = arith.constant 14 : i32
      %get3A_3185 = arith.index_cast %get3A_3184 : i32 to index
      %get3A_3186 = arith.constant 32 : index
      %get3A_3187 = tpu.vector_load %arg10[%get3A_3185, %get3A_3186] {strides = array<i32>} : memref<16x128xf32, #tpu.memory_space<vmem>>, vector<16xf32>,
      %slice3A_3188 = vector.extract_strided_slice %get3A_3117 {offsets = [2], sizes = [1], strides = [1]} : vector<16xf32> to vector<1xf32>
      %squeeze3A_3189 = vector.extract %slice3A_3188[0] : f32 from vector<1xf32>
      %mul3A_3190 = vector.broadcast %squeeze3A_3189 : f32 to vector<16xf32>
      %mul3A_3191 = arith.mulf %mul3A_3190, %get3A_3187 : vector<16xf32>
      %add3A_3192 = arith.addf %add3A_3072, %mul3A_3191 : vector<16xf32>
      %slice3A_3193 = vector.extract_strided_slice %get3A_3123 {offsets = [2], sizes = [1], strides = [1]} : vector<16xf32> to vector<1xf32>
      %squeeze3A_3194 = vector.extract %slice3A_3193[0] : f32 from vector<1xf32>
      %mul3A_3195 = vector.broadcast %squeeze3A_3194 : f32 to vector<16xf32>
      %mul3A_3196 = arith.mulf %mul3A_3195, %get3A_3187 : vector<16xf32>
      %add3A_3197 = arith.addf %add3A_3077, %mul3A_3196 : vector<16xf32>
      %slice3A_3198 = vector.extract_strided_slice %get3A_3129 {offsets = [2], sizes = [1], strides = [1]} : vector<16xf32> to vector<1xf32>
      %squeeze3A_3199 = vector.extract %slice3A_3198[0] : f32 from vector<1xf32>
      %mul3A_3200 = vector.broadcast %squeeze3A_3199 : f32 to vector<16xf32>
      %mul3A_3201 = arith.mulf %mul3A_3200, %get3A_3187 : vector<16xf32>
      %add3A_3202 = arith.addf %add3A_3082, %mul3A_3201 : vector<16xf32>
      %slice3A_3203 = vector.extract_strided_slice %get3A_3135 {offsets = [2], sizes = [1], strides = [1]} : vector<16xf32> to vector<1xf32>
      %squeeze3A_3204 = vector.extract %slice3A_3203[0] : f32 from vector<1xf32>
      %mul3A_3205 = vector.broadcast %squeeze3A_3204 : f32 to vector<16xf32>
      %mul3A_3206 = arith.mulf %mul3A_3205, %get3A_3187 : vector<16xf32>
      %add3A_3207 = arith.addf %add3A_3087, %mul3A_3206 : vector<16xf32>
      %get3A_3208 = arith.constant 14 : i32
      %get3A_3209 = arith.index_cast %get3A_3208 : i32 to index
      %get3A_3210 = arith.constant 48 : index
      %get3A_3211 = tpu.vector_load %arg10[%get3A_3209, %get3A_3210] {strides = array<i32>} : memref<16x128xf32, #tpu.memory_space<vmem>>, vector<16xf32>,
      %slice3A_3212 = vector.extract_strided_slice %get3A_3117 {offsets = [3], sizes = [1], strides = [1]} : vector<16xf32> to vector<1xf32>
      %squeeze3A_3213 = vector.extract %slice3A_3212[0] : f32 from vector<1xf32>
      %mul3A_3214 = vector.broadcast %squeeze3A_3213 : f32 to vector<16xf32>
      %mul3A_3215 = arith.mulf %mul3A_3214, %get3A_3211 : vector<16xf32>
      %add3A_3216 = arith.addf %add3A_3096, %mul3A_3215 : vector<16xf32>
      %slice3A_3217 = vector.extract_strided_slice %get3A_3123 {offsets = [3], sizes = [1], strides = [1]} : vector<16xf32> to vector<1xf32>
      %squeeze3A_3218 = vector.extract %slice3A_3217[0] : f32 from vector<1xf32>
      %mul3A_3219 = vector.broadcast %squeeze3A_3218 : f32 to vector<16xf32>
      %mul3A_3220 = arith.mulf %mul3A_3219, %get3A_3211 : vector<16xf32>
      %add3A_3221 = arith.addf %add3A_3101, %mul3A_3220 : vector<16xf32>
      %slice3A_3222 = vector.extract_strided_slice %get3A_3129 {offsets = [3], sizes = [1], strides = [1]} : vector<16xf32> to vector<1xf32>
      %squeeze3A_3223 = vector.extract %slice3A_3222[0] : f32 from vector<1xf32>
      %mul3A_3224 = vector.broadcast %squeeze3A_3223 : f32 to vector<16xf32>
      %mul3A_3225 = arith.mulf %mul3A_3224, %get3A_3211 : vector<16xf32>
      %add3A_3226 = arith.addf %add3A_3106, %mul3A_3225 : vector<16xf32>
      %slice3A_3227 = vector.extract_strided_slice %get3A_3135 {offsets = [3], sizes = [1], strides = [1]} : vector<16xf32> to vector<1xf32>
      %squeeze3A_3228 = vector.extract %slice3A_3227[0] : f32 from vector<1xf32>
      %mul3A_3229 = vector.broadcast %squeeze3A_3228 : f32 to vector<16xf32>
      %mul3A_3230 = arith.mulf %mul3A_3229, %get3A_3211 : vector<16xf32>
      %add3A_3231 = arith.addf %add3A_3111, %mul3A_3230 : vector<16xf32>
      %get3A_3232 = arith.constant 14 : i32
      %get3A_3233 = arith.index_cast %get3A_3232 : i32 to index
      %get3A_3234 = arith.constant 64 : index
      %get3A_3235 = tpu.vector_load %arg10[%get3A_3233, %get3A_3234] {strides = array<i32>} : memref<16x128xf32, #tpu.memory_space<vmem>>, vector<16xf32>,
      %slice3A_3236 = vector.extract_strided_slice %get3A_3117 {offsets = [4], sizes = [1], strides = [1]} : vector<16xf32> to vector<1xf32>
      %squeeze3A_3237 = vector.extract %slice3A_3236[0] : f32 from vector<1xf32>
      %mul3A_3238 = vector.broadcast %squeeze3A_3237 : f32 to vector<16xf32>
      %mul3A_3239 = arith.mulf %mul3A_3238, %get3A_3235 : vector<16xf32>
      %add3A_3240 = arith.addf %add3A_3144, %mul3A_3239 : vector<16xf32>
      %slice3A_3241 = vector.extract_strided_slice %get3A_3123 {offsets = [4], sizes = [1], strides = [1]} : vector<16xf32> to vector<1xf32>
      %squeeze3A_3242 = vector.extract %slice3A_3241[0] : f32 from vector<1xf32>
      %mul3A_3243 = vector.broadcast %squeeze3A_3242 : f32 to vector<16xf32>
      %mul3A_3244 = arith.mulf %mul3A_3243, %get3A_3235 : vector<16xf32>
      %add3A_3245 = arith.addf %add3A_3149, %mul3A_3244 : vector<16xf32>
      %slice3A_3246 = vector.extract_strided_slice %get3A_3129 {offsets = [4], sizes = [1], strides = [1]} : vector<16xf32> to vector<1xf32>
      %squeeze3A_3247 = vector.extract %slice3A_3246[0] : f32 from vector<1xf32>
      %mul3A_3248 = vector.broadcast %squeeze3A_3247 : f32 to vector<16xf32>
      %mul3A_3249 = arith.mulf %mul3A_3248, %get3A_3235 : vector<16xf32>
      %add3A_3250 = arith.addf %add3A_3154, %mul3A_3249 : vector<16xf32>
      %slice3A_3251 = vector.extract_strided_slice %get3A_3135 {offsets = [4], sizes = [1], strides = [1]} : vector<16xf32> to vector<1xf32>
      %squeeze3A_3252 = vector.extract %slice3A_3251[0] : f32 from vector<1xf32>
      %mul3A_3253 = vector.broadcast %squeeze3A_3252 : f32 to vector<16xf32>
      %mul3A_3254 = arith.mulf %mul3A_3253, %get3A_3235 : vector<16xf32>
      %add3A_3255 = arith.addf %add3A_3159, %mul3A_3254 : vector<16xf32>
      %get3A_3256 = arith.constant 14 : i32
      %get3A_3257 = arith.index_cast %get3A_3256 : i32 to index
      %get3A_3258 = arith.constant 80 : index
      %get3A_3259 = tpu.vector_load %arg10[%get3A_3257, %get3A_3258] {strides = array<i32>} : memref<16x128xf32, #tpu.memory_space<vmem>>, vector<16xf32>,
      %slice3A_3260 = vector.extract_strided_slice %get3A_3117 {offsets = [5], sizes = [1], strides = [1]} : vector<16xf32> to vector<1xf32>
      %squeeze3A_3261 = vector.extract %slice3A_3260[0] : f32 from vector<1xf32>
      %mul3A_3262 = vector.broadcast %squeeze3A_3261 : f32 to vector<16xf32>
      %mul3A_3263 = arith.mulf %mul3A_3262, %get3A_3259 : vector<16xf32>
      %add3A_3264 = arith.addf %add3A_3168, %mul3A_3263 : vector<16xf32>
      %slice3A_3265 = vector.extract_strided_slice %get3A_3123 {offsets = [5], sizes = [1], strides = [1]} : vector<16xf32> to vector<1xf32>
      %squeeze3A_3266 = vector.extract %slice3A_3265[0] : f32 from vector<1xf32>
      %mul3A_3267 = vector.broadcast %squeeze3A_3266 : f32 to vector<16xf32>
      %mul3A_3268 = arith.mulf %mul3A_3267, %get3A_3259 : vector<16xf32>
      %add3A_3269 = arith.addf %add3A_3173, %mul3A_3268 : vector<16xf32>
      %slice3A_3270 = vector.extract_strided_slice %get3A_3129 {offsets = [5], sizes = [1], strides = [1]} : vector<16xf32> to vector<1xf32>
      %squeeze3A_3271 = vector.extract %slice3A_3270[0] : f32 from vector<1xf32>
      %mul3A_3272 = vector.broadcast %squeeze3A_3271 : f32 to vector<16xf32>
      %mul3A_3273 = arith.mulf %mul3A_3272, %get3A_3259 : vector<16xf32>
      %add3A_3274 = arith.addf %add3A_3178, %mul3A_3273 : vector<16xf32>
      %slice3A_3275 = vector.extract_strided_slice %get3A_3135 {offsets = [5], sizes = [1], strides = [1]} : vector<16xf32> to vector<1xf32>
      %squeeze3A_3276 = vector.extract %slice3A_3275[0] : f32 from vector<1xf32>
      %mul3A_3277 = vector.broadcast %squeeze3A_3276 : f32 to vector<16xf32>
      %mul3A_3278 = arith.mulf %mul3A_3277, %get3A_3259 : vector<16xf32>
      %add3A_3279 = arith.addf %add3A_3183, %mul3A_3278 : vector<16xf32>
      %get3A_3280 = arith.constant 14 : i32
      %get3A_3281 = arith.index_cast %get3A_3280 : i32 to index
      %get3A_3282 = arith.constant 96 : index
      %get3A_3283 = tpu.vector_load %arg10[%get3A_3281, %get3A_3282] {strides = array<i32>} : memref<16x128xf32, #tpu.memory_space<vmem>>, vector<16xf32>,
      %slice3A_3284 = vector.extract_strided_slice %get3A_3117 {offsets = [6], sizes = [1], strides = [1]} : vector<16xf32> to vector<1xf32>
      %squeeze3A_3285 = vector.extract %slice3A_3284[0] : f32 from vector<1xf32>
      %mul3A_3286 = vector.broadcast %squeeze3A_3285 : f32 to vector<16xf32>
      %mul3A_3287 = arith.mulf %mul3A_3286, %get3A_3283 : vector<16xf32>
      %add3A_3288 = arith.addf %add3A_3192, %mul3A_3287 : vector<16xf32>
      %slice3A_3289 = vector.extract_strided_slice %get3A_3123 {offsets = [6], sizes = [1], strides = [1]} : vector<16xf32> to vector<1xf32>
      %squeeze3A_3290 = vector.extract %slice3A_3289[0] : f32 from vector<1xf32>
      %mul3A_3291 = vector.broadcast %squeeze3A_3290 : f32 to vector<16xf32>
      %mul3A_3292 = arith.mulf %mul3A_3291, %get3A_3283 : vector<16xf32>
      %add3A_3293 = arith.addf %add3A_3197, %mul3A_3292 : vector<16xf32>
      %slice3A_3294 = vector.extract_strided_slice %get3A_3129 {offsets = [6], sizes = [1], strides = [1]} : vector<16xf32> to vector<1xf32>
      %squeeze3A_3295 = vector.extract %slice3A_3294[0] : f32 from vector<1xf32>
      %mul3A_3296 = vector.broadcast %squeeze3A_3295 : f32 to vector<16xf32>
      %mul3A_3297 = arith.mulf %mul3A_3296, %get3A_3283 : vector<16xf32>
      %add3A_3298 = arith.addf %add3A_3202, %mul3A_3297 : vector<16xf32>
      %slice3A_3299 = vector.extract_strided_slice %get3A_3135 {offsets = [6], sizes = [1], strides = [1]} : vector<16xf32> to vector<1xf32>
      %squeeze3A_3300 = vector.extract %slice3A_3299[0] : f32 from vector<1xf32>
      %mul3A_3301 = vector.broadcast %squeeze3A_3300 : f32 to vector<16xf32>
      %mul3A_3302 = arith.mulf %mul3A_3301, %get3A_3283 : vector<16xf32>
      %add3A_3303 = arith.addf %add3A_3207, %mul3A_3302 : vector<16xf32>
      %get3A_3304 = arith.constant 14 : i32
      %get3A_3305 = arith.index_cast %get3A_3304 : i32 to index
      %get3A_3306 = arith.constant 112 : index
      %get3A_3307 = tpu.vector_load %arg10[%get3A_3305, %get3A_3306] {strides = array<i32>} : memref<16x128xf32, #tpu.memory_space<vmem>>, vector<16xf32>,
      %slice3A_3308 = vector.extract_strided_slice %get3A_3117 {offsets = [7], sizes = [1], strides = [1]} : vector<16xf32> to vector<1xf32>
      %squeeze3A_3309 = vector.extract %slice3A_3308[0] : f32 from vector<1xf32>
      %mul3A_3310 = vector.broadcast %squeeze3A_3309 : f32 to vector<16xf32>
      %mul3A_3311 = arith.mulf %mul3A_3310, %get3A_3307 : vector<16xf32>
      %add3A_3312 = arith.addf %add3A_3216, %mul3A_3311 : vector<16xf32>
      %slice3A_3313 = vector.extract_strided_slice %get3A_3123 {offsets = [7], sizes = [1], strides = [1]} : vector<16xf32> to vector<1xf32>
      %squeeze3A_3314 = vector.extract %slice3A_3313[0] : f32 from vector<1xf32>
      %mul3A_3315 = vector.broadcast %squeeze3A_3314 : f32 to vector<16xf32>
      %mul3A_3316 = arith.mulf %mul3A_3315, %get3A_3307 : vector<16xf32>
      %add3A_3317 = arith.addf %add3A_3221, %mul3A_3316 : vector<16xf32>
      %slice3A_3318 = vector.extract_strided_slice %get3A_3129 {offsets = [7], sizes = [1], strides = [1]} : vector<16xf32> to vector<1xf32>
      %squeeze3A_3319 = vector.extract %slice3A_3318[0] : f32 from vector<1xf32>
      %mul3A_3320 = vector.broadcast %squeeze3A_3319 : f32 to vector<16xf32>
      %mul3A_3321 = arith.mulf %mul3A_3320, %get3A_3307 : vector<16xf32>
      %add3A_3322 = arith.addf %add3A_3226, %mul3A_3321 : vector<16xf32>
      %slice3A_3323 = vector.extract_strided_slice %get3A_3135 {offsets = [7], sizes = [1], strides = [1]} : vector<16xf32> to vector<1xf32>
      %squeeze3A_3324 = vector.extract %slice3A_3323[0] : f32 from vector<1xf32>
      %mul3A_3325 = vector.broadcast %squeeze3A_3324 : f32 to vector<16xf32>
      %mul3A_3326 = arith.mulf %mul3A_3325, %get3A_3307 : vector<16xf32>
      %add3A_3327 = arith.addf %add3A_3231, %mul3A_3326 : vector<16xf32>
      %get3A_3328 = arith.constant 15 : i32
      %get3A_3329 = arith.index_cast %get3A_3328 : i32 to index
      %get3A_3330 = arith.constant 0 : index
      %get3A_3331 = tpu.vector_load %arg10[%get3A_3329, %get3A_3330] {strides = array<i32>} : memref<16x128xf32, #tpu.memory_space<vmem>>, vector<16xf32>,
      %slice3A_3332 = vector.extract_strided_slice %get3A_3117 {offsets = [8], sizes = [1], strides = [1]} : vector<16xf32> to vector<1xf32>
      %squeeze3A_3333 = vector.extract %slice3A_3332[0] : f32 from vector<1xf32>
      %mul3A_3334 = vector.broadcast %squeeze3A_3333 : f32 to vector<16xf32>
      %mul3A_3335 = arith.mulf %mul3A_3334, %get3A_3331 : vector<16xf32>
      %add3A_3336 = arith.addf %add3A_3240, %mul3A_3335 : vector<16xf32>
      %slice3A_3337 = vector.extract_strided_slice %get3A_3123 {offsets = [8], sizes = [1], strides = [1]} : vector<16xf32> to vector<1xf32>
      %squeeze3A_3338 = vector.extract %slice3A_3337[0] : f32 from vector<1xf32>
      %mul3A_3339 = vector.broadcast %squeeze3A_3338 : f32 to vector<16xf32>
      %mul3A_3340 = arith.mulf %mul3A_3339, %get3A_3331 : vector<16xf32>
      %add3A_3341 = arith.addf %add3A_3245, %mul3A_3340 : vector<16xf32>
      %slice3A_3342 = vector.extract_strided_slice %get3A_3129 {offsets = [8], sizes = [1], strides = [1]} : vector<16xf32> to vector<1xf32>
      %squeeze3A_3343 = vector.extract %slice3A_3342[0] : f32 from vector<1xf32>
      %mul3A_3344 = vector.broadcast %squeeze3A_3343 : f32 to vector<16xf32>
      %mul3A_3345 = arith.mulf %mul3A_3344, %get3A_3331 : vector<16xf32>
      %add3A_3346 = arith.addf %add3A_3250, %mul3A_3345 : vector<16xf32>
      %slice3A_3347 = vector.extract_strided_slice %get3A_3135 {offsets = [8], sizes = [1], strides = [1]} : vector<16xf32> to vector<1xf32>
      %squeeze3A_3348 = vector.extract %slice3A_3347[0] : f32 from vector<1xf32>
      %mul3A_3349 = vector.broadcast %squeeze3A_3348 : f32 to vector<16xf32>
      %mul3A_3350 = arith.mulf %mul3A_3349, %get3A_3331 : vector<16xf32>
      %add3A_3351 = arith.addf %add3A_3255, %mul3A_3350 : vector<16xf32>
      %get3A_3352 = arith.constant 15 : i32
      %get3A_3353 = arith.index_cast %get3A_3352 : i32 to index
      %get3A_3354 = arith.constant 16 : index
      %get3A_3355 = tpu.vector_load %arg10[%get3A_3353, %get3A_3354] {strides = array<i32>} : memref<16x128xf32, #tpu.memory_space<vmem>>, vector<16xf32>,
      %slice3A_3356 = vector.extract_strided_slice %get3A_3117 {offsets = [9], sizes = [1], strides = [1]} : vector<16xf32> to vector<1xf32>
      %squeeze3A_3357 = vector.extract %slice3A_3356[0] : f32 from vector<1xf32>
      %mul3A_3358 = vector.broadcast %squeeze3A_3357 : f32 to vector<16xf32>
      %mul3A_3359 = arith.mulf %mul3A_3358, %get3A_3355 : vector<16xf32>
      %add3A_3360 = arith.addf %add3A_3264, %mul3A_3359 : vector<16xf32>
      %slice3A_3361 = vector.extract_strided_slice %get3A_3123 {offsets = [9], sizes = [1], strides = [1]} : vector<16xf32> to vector<1xf32>
      %squeeze3A_3362 = vector.extract %slice3A_3361[0] : f32 from vector<1xf32>
      %mul3A_3363 = vector.broadcast %squeeze3A_3362 : f32 to vector<16xf32>
      %mul3A_3364 = arith.mulf %mul3A_3363, %get3A_3355 : vector<16xf32>
      %add3A_3365 = arith.addf %add3A_3269, %mul3A_3364 : vector<16xf32>
      %slice3A_3366 = vector.extract_strided_slice %get3A_3129 {offsets = [9], sizes = [1], strides = [1]} : vector<16xf32> to vector<1xf32>
      %squeeze3A_3367 = vector.extract %slice3A_3366[0] : f32 from vector<1xf32>
      %mul3A_3368 = vector.broadcast %squeeze3A_3367 : f32 to vector<16xf32>
      %mul3A_3369 = arith.mulf %mul3A_3368, %get3A_3355 : vector<16xf32>
      %add3A_3370 = arith.addf %add3A_3274, %mul3A_3369 : vector<16xf32>
      %slice3A_3371 = vector.extract_strided_slice %get3A_3135 {offsets = [9], sizes = [1], strides = [1]} : vector<16xf32> to vector<1xf32>
      %squeeze3A_3372 = vector.extract %slice3A_3371[0] : f32 from vector<1xf32>
      %mul3A_3373 = vector.broadcast %squeeze3A_3372 : f32 to vector<16xf32>
      %mul3A_3374 = arith.mulf %mul3A_3373, %get3A_3355 : vector<16xf32>
      %add3A_3375 = arith.addf %add3A_3279, %mul3A_3374 : vector<16xf32>
      %get3A_3376 = arith.constant 15 : i32
      %get3A_3377 = arith.index_cast %get3A_3376 : i32 to index
      %get3A_3378 = arith.constant 32 : index
      %get3A_3379 = tpu.vector_load %arg10[%get3A_3377, %get3A_3378] {strides = array<i32>} : memref<16x128xf32, #tpu.memory_space<vmem>>, vector<16xf32>,
      %slice3A_3380 = vector.extract_strided_slice %get3A_3117 {offsets = [10], sizes = [1], strides = [1]} : vector<16xf32> to vector<1xf32>
      %squeeze3A_3381 = vector.extract %slice3A_3380[0] : f32 from vector<1xf32>
      %mul3A_3382 = vector.broadcast %squeeze3A_3381 : f32 to vector<16xf32>
      %mul3A_3383 = arith.mulf %mul3A_3382, %get3A_3379 : vector<16xf32>
      %add3A_3384 = arith.addf %add3A_3288, %mul3A_3383 : vector<16xf32>
      %slice3A_3385 = vector.extract_strided_slice %get3A_3123 {offsets = [10], sizes = [1], strides = [1]} : vector<16xf32> to vector<1xf32>
      %squeeze3A_3386 = vector.extract %slice3A_3385[0] : f32 from vector<1xf32>
      %mul3A_3387 = vector.broadcast %squeeze3A_3386 : f32 to vector<16xf32>
      %mul3A_3388 = arith.mulf %mul3A_3387, %get3A_3379 : vector<16xf32>
      %add3A_3389 = arith.addf %add3A_3293, %mul3A_3388 : vector<16xf32>
      %slice3A_3390 = vector.extract_strided_slice %get3A_3129 {offsets = [10], sizes = [1], strides = [1]} : vector<16xf32> to vector<1xf32>
      %squeeze3A_3391 = vector.extract %slice3A_3390[0] : f32 from vector<1xf32>
      %mul3A_3392 = vector.broadcast %squeeze3A_3391 : f32 to vector<16xf32>
      %mul3A_3393 = arith.mulf %mul3A_3392, %get3A_3379 : vector<16xf32>
      %add3A_3394 = arith.addf %add3A_3298, %mul3A_3393 : vector<16xf32>
      %slice3A_3395 = vector.extract_strided_slice %get3A_3135 {offsets = [10], sizes = [1], strides = [1]} : vector<16xf32> to vector<1xf32>
      %squeeze3A_3396 = vector.extract %slice3A_3395[0] : f32 from vector<1xf32>
      %mul3A_3397 = vector.broadcast %squeeze3A_3396 : f32 to vector<16xf32>
      %mul3A_3398 = arith.mulf %mul3A_3397, %get3A_3379 : vector<16xf32>
      %add3A_3399 = arith.addf %add3A_3303, %mul3A_3398 : vector<16xf32>
      %get3A_3400 = arith.constant 15 : i32
      %get3A_3401 = arith.index_cast %get3A_3400 : i32 to index
      %get3A_3402 = arith.constant 48 : index
      %get3A_3403 = tpu.vector_load %arg10[%get3A_3401, %get3A_3402] {strides = array<i32>} : memref<16x128xf32, #tpu.memory_space<vmem>>, vector<16xf32>,
      %slice3A_3404 = vector.extract_strided_slice %get3A_3117 {offsets = [11], sizes = [1], strides = [1]} : vector<16xf32> to vector<1xf32>
      %squeeze3A_3405 = vector.extract %slice3A_3404[0] : f32 from vector<1xf32>
      %mul3A_3406 = vector.broadcast %squeeze3A_3405 : f32 to vector<16xf32>
      %mul3A_3407 = arith.mulf %mul3A_3406, %get3A_3403 : vector<16xf32>
      %add3A_3408 = arith.addf %add3A_3312, %mul3A_3407 : vector<16xf32>
      %slice3A_3409 = vector.extract_strided_slice %get3A_3123 {offsets = [11], sizes = [1], strides = [1]} : vector<16xf32> to vector<1xf32>
      %squeeze3A_3410 = vector.extract %slice3A_3409[0] : f32 from vector<1xf32>
      %mul3A_3411 = vector.broadcast %squeeze3A_3410 : f32 to vector<16xf32>
      %mul3A_3412 = arith.mulf %mul3A_3411, %get3A_3403 : vector<16xf32>
      %add3A_3413 = arith.addf %add3A_3317, %mul3A_3412 : vector<16xf32>
      %slice3A_3414 = vector.extract_strided_slice %get3A_3129 {offsets = [11], sizes = [1], strides = [1]} : vector<16xf32> to vector<1xf32>
      %squeeze3A_3415 = vector.extract %slice3A_3414[0] : f32 from vector<1xf32>
      %mul3A_3416 = vector.broadcast %squeeze3A_3415 : f32 to vector<16xf32>
      %mul3A_3417 = arith.mulf %mul3A_3416, %get3A_3403 : vector<16xf32>
      %add3A_3418 = arith.addf %add3A_3322, %mul3A_3417 : vector<16xf32>
      %slice3A_3419 = vector.extract_strided_slice %get3A_3135 {offsets = [11], sizes = [1], strides = [1]} : vector<16xf32> to vector<1xf32>
      %squeeze3A_3420 = vector.extract %slice3A_3419[0] : f32 from vector<1xf32>
      %mul3A_3421 = vector.broadcast %squeeze3A_3420 : f32 to vector<16xf32>
      %mul3A_3422 = arith.mulf %mul3A_3421, %get3A_3403 : vector<16xf32>
      %add3A_3423 = arith.addf %add3A_3327, %mul3A_3422 : vector<16xf32>
      %get3A_3424 = arith.constant 15 : i32
      %get3A_3425 = arith.index_cast %get3A_3424 : i32 to index
      %get3A_3426 = arith.constant 64 : index
      %get3A_3427 = tpu.vector_load %arg10[%get3A_3425, %get3A_3426] {strides = array<i32>} : memref<16x128xf32, #tpu.memory_space<vmem>>, vector<16xf32>,
      %slice3A_3428 = vector.extract_strided_slice %get3A_3117 {offsets = [12], sizes = [1], strides = [1]} : vector<16xf32> to vector<1xf32>
      %squeeze3A_3429 = vector.extract %slice3A_3428[0] : f32 from vector<1xf32>
      %mul3A_3430 = vector.broadcast %squeeze3A_3429 : f32 to vector<16xf32>
      %mul3A_3431 = arith.mulf %mul3A_3430, %get3A_3427 : vector<16xf32>
      %add3A_3432 = arith.addf %add3A_3336, %mul3A_3431 : vector<16xf32>
      %slice3A_3433 = vector.extract_strided_slice %get3A_3123 {offsets = [12], sizes = [1], strides = [1]} : vector<16xf32> to vector<1xf32>
      %squeeze3A_3434 = vector.extract %slice3A_3433[0] : f32 from vector<1xf32>
      %mul3A_3435 = vector.broadcast %squeeze3A_3434 : f32 to vector<16xf32>
      %mul3A_3436 = arith.mulf %mul3A_3435, %get3A_3427 : vector<16xf32>
      %add3A_3437 = arith.addf %add3A_3341, %mul3A_3436 : vector<16xf32>
      %slice3A_3438 = vector.extract_strided_slice %get3A_3129 {offsets = [12], sizes = [1], strides = [1]} : vector<16xf32> to vector<1xf32>
      %squeeze3A_3439 = vector.extract %slice3A_3438[0] : f32 from vector<1xf32>
      %mul3A_3440 = vector.broadcast %squeeze3A_3439 : f32 to vector<16xf32>
      %mul3A_3441 = arith.mulf %mul3A_3440, %get3A_3427 : vector<16xf32>
      %add3A_3442 = arith.addf %add3A_3346, %mul3A_3441 : vector<16xf32>
      %slice3A_3443 = vector.extract_strided_slice %get3A_3135 {offsets = [12], sizes = [1], strides = [1]} : vector<16xf32> to vector<1xf32>
      %squeeze3A_3444 = vector.extract %slice3A_3443[0] : f32 from vector<1xf32>
      %mul3A_3445 = vector.broadcast %squeeze3A_3444 : f32 to vector<16xf32>
      %mul3A_3446 = arith.mulf %mul3A_3445, %get3A_3427 : vector<16xf32>
      %add3A_3447 = arith.addf %add3A_3351, %mul3A_3446 : vector<16xf32>
      %get3A_3448 = arith.constant 15 : i32
      %get3A_3449 = arith.index_cast %get3A_3448 : i32 to index
      %get3A_3450 = arith.constant 80 : index
      %get3A_3451 = tpu.vector_load %arg10[%get3A_3449, %get3A_3450] {strides = array<i32>} : memref<16x128xf32, #tpu.memory_space<vmem>>, vector<16xf32>,
      %slice3A_3452 = vector.extract_strided_slice %get3A_3117 {offsets = [13], sizes = [1], strides = [1]} : vector<16xf32> to vector<1xf32>
      %squeeze3A_3453 = vector.extract %slice3A_3452[0] : f32 from vector<1xf32>
      %mul3A_3454 = vector.broadcast %squeeze3A_3453 : f32 to vector<16xf32>
      %mul3A_3455 = arith.mulf %mul3A_3454, %get3A_3451 : vector<16xf32>
      %add3A_3456 = arith.addf %add3A_3360, %mul3A_3455 : vector<16xf32>
      %slice3A_3457 = vector.extract_strided_slice %get3A_3123 {offsets = [13], sizes = [1], strides = [1]} : vector<16xf32> to vector<1xf32>
      %squeeze3A_3458 = vector.extract %slice3A_3457[0] : f32 from vector<1xf32>
      %mul3A_3459 = vector.broadcast %squeeze3A_3458 : f32 to vector<16xf32>
      %mul3A_3460 = arith.mulf %mul3A_3459, %get3A_3451 : vector<16xf32>
      %add3A_3461 = arith.addf %add3A_3365, %mul3A_3460 : vector<16xf32>
      %slice3A_3462 = vector.extract_strided_slice %get3A_3129 {offsets = [13], sizes = [1], strides = [1]} : vector<16xf32> to vector<1xf32>
      %squeeze3A_3463 = vector.extract %slice3A_3462[0] : f32 from vector<1xf32>
      %mul3A_3464 = vector.broadcast %squeeze3A_3463 : f32 to vector<16xf32>
      %mul3A_3465 = arith.mulf %mul3A_3464, %get3A_3451 : vector<16xf32>
      %add3A_3466 = arith.addf %add3A_3370, %mul3A_3465 : vector<16xf32>
      %slice3A_3467 = vector.extract_strided_slice %get3A_3135 {offsets = [13], sizes = [1], strides = [1]} : vector<16xf32> to vector<1xf32>
      %squeeze3A_3468 = vector.extract %slice3A_3467[0] : f32 from vector<1xf32>
      %mul3A_3469 = vector.broadcast %squeeze3A_3468 : f32 to vector<16xf32>
      %mul3A_3470 = arith.mulf %mul3A_3469, %get3A_3451 : vector<16xf32>
      %add3A_3471 = arith.addf %add3A_3375, %mul3A_3470 : vector<16xf32>
      %get3A_3472 = arith.constant 15 : i32
      %get3A_3473 = arith.index_cast %get3A_3472 : i32 to index
      %get3A_3474 = arith.constant 96 : index
      %get3A_3475 = tpu.vector_load %arg10[%get3A_3473, %get3A_3474] {strides = array<i32>} : memref<16x128xf32, #tpu.memory_space<vmem>>, vector<16xf32>,
      %slice3A_3476 = vector.extract_strided_slice %get3A_3117 {offsets = [14], sizes = [1], strides = [1]} : vector<16xf32> to vector<1xf32>
      %squeeze3A_3477 = vector.extract %slice3A_3476[0] : f32 from vector<1xf32>
      %mul3A_3478 = vector.broadcast %squeeze3A_3477 : f32 to vector<16xf32>
      %mul3A_3479 = arith.mulf %mul3A_3478, %get3A_3475 : vector<16xf32>
      %add3A_3480 = arith.addf %add3A_3384, %mul3A_3479 : vector<16xf32>
      %slice3A_3481 = vector.extract_strided_slice %get3A_3123 {offsets = [14], sizes = [1], strides = [1]} : vector<16xf32> to vector<1xf32>
      %squeeze3A_3482 = vector.extract %slice3A_3481[0] : f32 from vector<1xf32>
      %mul3A_3483 = vector.broadcast %squeeze3A_3482 : f32 to vector<16xf32>
      %mul3A_3484 = arith.mulf %mul3A_3483, %get3A_3475 : vector<16xf32>
      %add3A_3485 = arith.addf %add3A_3389, %mul3A_3484 : vector<16xf32>
      %slice3A_3486 = vector.extract_strided_slice %get3A_3129 {offsets = [14], sizes = [1], strides = [1]} : vector<16xf32> to vector<1xf32>
      %squeeze3A_3487 = vector.extract %slice3A_3486[0] : f32 from vector<1xf32>
      %mul3A_3488 = vector.broadcast %squeeze3A_3487 : f32 to vector<16xf32>
      %mul3A_3489 = arith.mulf %mul3A_3488, %get3A_3475 : vector<16xf32>
      %add3A_3490 = arith.addf %add3A_3394, %mul3A_3489 : vector<16xf32>
      %slice3A_3491 = vector.extract_strided_slice %get3A_3135 {offsets = [14], sizes = [1], strides = [1]} : vector<16xf32> to vector<1xf32>
      %squeeze3A_3492 = vector.extract %slice3A_3491[0] : f32 from vector<1xf32>
      %mul3A_3493 = vector.broadcast %squeeze3A_3492 : f32 to vector<16xf32>
      %mul3A_3494 = arith.mulf %mul3A_3493, %get3A_3475 : vector<16xf32>
      %add3A_3495 = arith.addf %add3A_3399, %mul3A_3494 : vector<16xf32>
      %get3A_3496 = arith.constant 15 : i32
      %get3A_3497 = arith.index_cast %get3A_3496 : i32 to index
      %get3A_3498 = arith.constant 112 : index
      %get3A_3499 = tpu.vector_load %arg10[%get3A_3497, %get3A_3498] {strides = array<i32>} : memref<16x128xf32, #tpu.memory_space<vmem>>, vector<16xf32>,
      %slice3A_3500 = vector.extract_strided_slice %get3A_3117 {offsets = [15], sizes = [1], strides = [1]} : vector<16xf32> to vector<1xf32>
      %squeeze3A_3501 = vector.extract %slice3A_3500[0] : f32 from vector<1xf32>
      %mul3A_3502 = vector.broadcast %squeeze3A_3501 : f32 to vector<16xf32>
      %mul3A_3503 = arith.mulf %mul3A_3502, %get3A_3499 : vector<16xf32>
      %add3A_3504 = arith.addf %add3A_3408, %mul3A_3503 : vector<16xf32>
      %slice3A_3505 = vector.extract_strided_slice %get3A_3123 {offsets = [15], sizes = [1], strides = [1]} : vector<16xf32> to vector<1xf32>
      %squeeze3A_3506 = vector.extract %slice3A_3505[0] : f32 from vector<1xf32>
      %mul3A_3507 = vector.broadcast %squeeze3A_3506 : f32 to vector<16xf32>
      %mul3A_3508 = arith.mulf %mul3A_3507, %get3A_3499 : vector<16xf32>
      %add3A_3509 = arith.addf %add3A_3413, %mul3A_3508 : vector<16xf32>
      %slice3A_3510 = vector.extract_strided_slice %get3A_3129 {offsets = [15], sizes = [1], strides = [1]} : vector<16xf32> to vector<1xf32>
      %squeeze3A_3511 = vector.extract %slice3A_3510[0] : f32 from vector<1xf32>
      %mul3A_3512 = vector.broadcast %squeeze3A_3511 : f32 to vector<16xf32>
      %mul3A_3513 = arith.mulf %mul3A_3512, %get3A_3499 : vector<16xf32>
      %add3A_3514 = arith.addf %add3A_3418, %mul3A_3513 : vector<16xf32>
      %slice3A_3515 = vector.extract_strided_slice %get3A_3135 {offsets = [15], sizes = [1], strides = [1]} : vector<16xf32> to vector<1xf32>
      %squeeze3A_3516 = vector.extract %slice3A_3515[0] : f32 from vector<1xf32>
      %mul3A_3517 = vector.broadcast %squeeze3A_3516 : f32 to vector<16xf32>
      %mul3A_3518 = arith.mulf %mul3A_3517, %get3A_3499 : vector<16xf32>
      %add3A_3519 = arith.addf %add3A_3423, %mul3A_3518 : vector<16xf32>
      %add3A_3520 = arith.constant 0 : i32
      %add3A_3521 = arith.addi %mul3A_226, %add3A_3520 : i32
      %add3A_3522 = arith.addf %add3A_3432, %add3A_3456 : vector<16xf32>
      %add3A_3523 = arith.addf %add3A_3480, %add3A_3504 : vector<16xf32>
      %add3A_3524 = arith.addf %add3A_3522, %add3A_3523 : vector<16xf32>
      %shift_right_arithmetic3A = arith.constant 3 : i32
      %shift_right_arithmetic3A_3525 = arith.shrsi %add3A_3521, %shift_right_arithmetic3A : i32
      %and3A = arith.constant 7 : i32
      %and3A_3526 = arith.andi %add3A_3521, %and3A : i32
      %mul3A_3527 = arith.constant 16 : i32
      %mul3A_3528 = arith.muli %and3A_3526, %mul3A_3527 : i32
      %swap3A_3529 = arith.index_cast %shift_right_arithmetic3A_3525 : i32 to index
      %swap3A_3530 = arith.index_cast %mul3A_3528 : i32 to index
      %swap3A_3531 = tpu.vector_load %arg15[%swap3A_3529, %swap3A_3530] {strides = array<i32>} : memref<8x128xf32, #tpu.memory_space<vmem>>, vector<16xf32>,
      tpu.vector_store %arg15[%swap3A_3529, %swap3A_3530], %add3A_3524 {strides = array<i32>} : memref<8x128xf32, #tpu.memory_space<vmem>>, vector<16xf32>,
      %add3A_3532 = arith.constant 1 : i32
      %add3A_3533 = arith.addi %mul3A_226, %add3A_3532 : i32
      %add3A_3534 = arith.addf %add3A_3437, %add3A_3461 : vector<16xf32>
      %add3A_3535 = arith.addf %add3A_3485, %add3A_3509 : vector<16xf32>
      %add3A_3536 = arith.addf %add3A_3534, %add3A_3535 : vector<16xf32>
      %shift_right_arithmetic3A_3537 = arith.constant 3 : i32
      %shift_right_arithmetic3A_3538 = arith.shrsi %add3A_3533, %shift_right_arithmetic3A_3537 : i32
      %and3A_3539 = arith.constant 7 : i32
      %and3A_3540 = arith.andi %add3A_3533, %and3A_3539 : i32
      %mul3A_3541 = arith.constant 16 : i32
      %mul3A_3542 = arith.muli %and3A_3540, %mul3A_3541 : i32
      %swap3A_3543 = arith.index_cast %shift_right_arithmetic3A_3538 : i32 to index
      %swap3A_3544 = arith.index_cast %mul3A_3542 : i32 to index
      %swap3A_3545 = tpu.vector_load %arg15[%swap3A_3543, %swap3A_3544] {strides = array<i32>} : memref<8x128xf32, #tpu.memory_space<vmem>>, vector<16xf32>,
      tpu.vector_store %arg15[%swap3A_3543, %swap3A_3544], %add3A_3536 {strides = array<i32>} : memref<8x128xf32, #tpu.memory_space<vmem>>, vector<16xf32>,
      %add3A_3546 = arith.constant 2 : i32
      %add3A_3547 = arith.addi %mul3A_226, %add3A_3546 : i32
      %add3A_3548 = arith.addf %add3A_3442, %add3A_3466 : vector<16xf32>
      %add3A_3549 = arith.addf %add3A_3490, %add3A_3514 : vector<16xf32>
      %add3A_3550 = arith.addf %add3A_3548, %add3A_3549 : vector<16xf32>
      %shift_right_arithmetic3A_3551 = arith.constant 3 : i32
      %shift_right_arithmetic3A_3552 = arith.shrsi %add3A_3547, %shift_right_arithmetic3A_3551 : i32
      %and3A_3553 = arith.constant 7 : i32
      %and3A_3554 = arith.andi %add3A_3547, %and3A_3553 : i32
      %mul3A_3555 = arith.constant 16 : i32
      %mul3A_3556 = arith.muli %and3A_3554, %mul3A_3555 : i32
      %swap3A_3557 = arith.index_cast %shift_right_arithmetic3A_3552 : i32 to index
      %swap3A_3558 = arith.index_cast %mul3A_3556 : i32 to index
      %swap3A_3559 = tpu.vector_load %arg15[%swap3A_3557, %swap3A_3558] {strides = array<i32>} : memref<8x128xf32, #tpu.memory_space<vmem>>, vector<16xf32>,
      tpu.vector_store %arg15[%swap3A_3557, %swap3A_3558], %add3A_3550 {strides = array<i32>} : memref<8x128xf32, #tpu.memory_space<vmem>>, vector<16xf32>,
      %add3A_3560 = arith.constant 3 : i32
      %add3A_3561 = arith.addi %mul3A_226, %add3A_3560 : i32
      %add3A_3562 = arith.addf %add3A_3447, %add3A_3471 : vector<16xf32>
      %add3A_3563 = arith.addf %add3A_3495, %add3A_3519 : vector<16xf32>
      %add3A_3564 = arith.addf %add3A_3562, %add3A_3563 : vector<16xf32>
      %shift_right_arithmetic3A_3565 = arith.constant 3 : i32
      %shift_right_arithmetic3A_3566 = arith.shrsi %add3A_3561, %shift_right_arithmetic3A_3565 : i32
      %and3A_3567 = arith.constant 7 : i32
      %and3A_3568 = arith.andi %add3A_3561, %and3A_3567 : i32
      %mul3A_3569 = arith.constant 16 : i32
      %mul3A_3570 = arith.muli %and3A_3568, %mul3A_3569 : i32
      %swap3A_3571 = arith.index_cast %shift_right_arithmetic3A_3566 : i32 to index
      %swap3A_3572 = arith.index_cast %mul3A_3570 : i32 to index
      %swap3A_3573 = tpu.vector_load %arg15[%swap3A_3571, %swap3A_3572] {strides = array<i32>} : memref<8x128xf32, #tpu.memory_space<vmem>>, vector<16xf32>,
      tpu.vector_store %arg15[%swap3A_3571, %swap3A_3572], %add3A_3564 {strides = array<i32>} : memref<8x128xf32, #tpu.memory_space<vmem>>, vector<16xf32>,
    }
    %scan3A_201 = arith.constant 16 : i32
    %mul3A_202 = arith.constant 8 : i32
    %mul3A_203 = arith.muli %arg1, %mul3A_202 : i32
    "tpu.region"() ({
      %run_scoped3A = tpu.sem_alloc : memref<!tpu.dma_semaphore, #tpu.memory_space<semaphore_mem>>
      %dma_start3A_224 = arith.constant 0 : i32
      %dma_start3A_225 = tpu.memref_slice %arg8[%mul3A_203, %dma_start3A_224] : memref<128x128xf32, #tpu.memory_space<hbm>> -> memref<8x128xf32, #tpu.memory_space<hbm>>
      %dma_start3A_226 = arith.constant 0 : i32
      %dma_start3A_227 = tpu.memref_slice %arg8[%mul3A_203, %dma_start3A_226] : memref<128x128xf32, #tpu.memory_space<hbm>> -> memref<8x128xf32, #tpu.memory_space<hbm>>
      tpu.enqueue_dma source(%arg15 : memref<8x128xf32, #tpu.memory_space<vmem>>) target(%dma_start3A_227 : memref<8x128xf32, #tpu.memory_space<hbm>>) target_semaphore(%run_scoped3A : memref<!tpu.dma_semaphore, #tpu.memory_space<semaphore_mem>>)
      %dma_wait3A_228 = arith.constant 0 : i32
      %dma_wait3A_229 = tpu.memref_slice %arg8[%mul3A_203, %dma_wait3A_228] : memref<128x128xf32, #tpu.memory_space<hbm>> -> memref<8x128xf32, #tpu.memory_space<hbm>>
      %dma_wait3A_230 = arith.constant 0 : i32
      %dma_wait3A_231 = tpu.memref_slice %arg8[%mul3A_203, %dma_wait3A_230] : memref<128x128xf32, #tpu.memory_space<hbm>> -> memref<8x128xf32, #tpu.memory_space<hbm>>
      tpu.wait_dma2 semaphore(%run_scoped3A : memref<!tpu.dma_semaphore, #tpu.memory_space<semaphore_mem>>) src(%arg15 : memref<8x128xf32, #tpu.memory_space<vmem>>) dst(%dma_wait3A_231 : memref<8x128xf32, #tpu.memory_space<hbm>>)
      tpu.yield
    }) : () -> ()
    %barrier3A = arith.constant 0 : index
    tpu.barrier barrier_id(%barrier3A)
    tpu.enqueue_dma source(%arg8 : memref<128x128xf32, #tpu.memory_space<hbm>>) target(%arg17 : memref<128x128xf32, #tpu.memory_space<vmem>>) target_semaphore(%arg20 : memref<!tpu.dma_semaphore, #tpu.memory_space<semaphore_mem>>)
    %get3A_204 = arith.constant 0 : index
    %get3A_205 = tpu.vector_load %arg11[%get3A_204] {strides = array<i32>} : memref<16xf32, #tpu.memory_space<vmem>>, vector<16xf32>,
    %scan3A_206 = arith.constant 0 : i32
    %scan3A_207 = arith.constant 0 : i32
    %scan3A_208 = arith.constant 4 : i32
    %scan3A_209 = arith.addi %scan3A_207, %scan3A_208 : i32
    %scan3A_210 = arith.constant 1 : i32
    scf.for %scan3A_224 = %scan3A_207 to %scan3A_209 step %scan3A_210  : i32 {
      %mul3A_225 = arith.constant 16 : i32
      %mul3A_226 = arith.muli %scan3A_224, %mul3A_225 : i32
      %add3A = arith.addi %mul3A_0, %mul3A_226 : i32
      %get3A_227 = arith.index_cast %add3A : i32 to index
      %get3A_228 = tpu.vector_load %arg14[%get3A_227] {strides = array<i32>} : memref<1024xf32, #tpu.memory_space<vmem>>, vector<16xf32>,
      %div3A = arith.constant 1.000000e+00 : f32
      %div3A_229 = vector.broadcast %div3A : f32 to vector<16xf32>
      %div3A_230 = arith.divf %div3A_229, %get3A_228 : vector<16xf32>
      %add3A_231 = arith.constant 0 : i32
      %add3A_232 = arith.addi %mul3A_226, %add3A_231 : i32
      %shift_right_arithmetic3A = arith.constant 3 : i32
      %shift_right_arithmetic3A_233 = arith.shrsi %add3A_232, %shift_right_arithmetic3A : i32
      %and3A = arith.constant 7 : i32
      %and3A_234 = arith.andi %add3A_232, %and3A : i32
      %mul3A_235 = arith.constant 16 : i32
      %mul3A_236 = arith.muli %and3A_234, %mul3A_235 : i32
      %get3A_237 = arith.index_cast %shift_right_arithmetic3A_233 : i32 to index
      %get3A_238 = arith.index_cast %mul3A_236 : i32 to index
      %get3A_239 = tpu.vector_load %arg15[%get3A_237, %get3A_238] {strides = array<i32>} : memref<8x128xf32, #tpu.memory_space<vmem>>, vector<16xf32>,
      %slice3A = vector.extract_strided_slice %div3A_230 {offsets = [0], sizes = [1], strides = [1]} : vector<16xf32> to vector<1xf32>
      %squeeze3A = vector.extract %slice3A[0] : f32 from vector<1xf32>
      %mul3A_240 = vector.broadcast %squeeze3A : f32 to vector<16xf32>
      %mul3A_241 = arith.mulf %get3A_239, %mul3A_240 : vector<16xf32>
      %add3A_242 = arith.addf %mul3A_241, %get3A_205 : vector<16xf32>
      %shift_right_arithmetic3A_243 = arith.constant 3 : i32
      %shift_right_arithmetic3A_244 = arith.shrsi %add3A_232, %shift_right_arithmetic3A_243 : i32
      %and3A_245 = arith.constant 7 : i32
      %and3A_246 = arith.andi %add3A_232, %and3A_245 : i32
      %mul3A_247 = arith.constant 16 : i32
      %mul3A_248 = arith.muli %and3A_246, %mul3A_247 : i32
      %swap3A_249 = arith.index_cast %shift_right_arithmetic3A_244 : i32 to index
      %swap3A_250 = arith.index_cast %mul3A_248 : i32 to index
      %swap3A_251 = tpu.vector_load %arg16[%swap3A_249, %swap3A_250] {strides = array<i32>} : memref<8x128xf32, #tpu.memory_space<vmem>>, vector<16xf32>,
      tpu.vector_store %arg16[%swap3A_249, %swap3A_250], %add3A_242 {strides = array<i32>} : memref<8x128xf32, #tpu.memory_space<vmem>>, vector<16xf32>,
      %add3A_252 = arith.constant 1 : i32
      %add3A_253 = arith.addi %mul3A_226, %add3A_252 : i32
      %shift_right_arithmetic3A_254 = arith.constant 3 : i32
      %shift_right_arithmetic3A_255 = arith.shrsi %add3A_253, %shift_right_arithmetic3A_254 : i32
      %and3A_256 = arith.constant 7 : i32
      %and3A_257 = arith.andi %add3A_253, %and3A_256 : i32
      %mul3A_258 = arith.constant 16 : i32
      %mul3A_259 = arith.muli %and3A_257, %mul3A_258 : i32
      %get3A_260 = arith.index_cast %shift_right_arithmetic3A_255 : i32 to index
      %get3A_261 = arith.index_cast %mul3A_259 : i32 to index
      %get3A_262 = tpu.vector_load %arg15[%get3A_260, %get3A_261] {strides = array<i32>} : memref<8x128xf32, #tpu.memory_space<vmem>>, vector<16xf32>,
      %slice3A_263 = vector.extract_strided_slice %div3A_230 {offsets = [1], sizes = [1], strides = [1]} : vector<16xf32> to vector<1xf32>
      %squeeze3A_264 = vector.extract %slice3A_263[0] : f32 from vector<1xf32>
      %mul3A_265 = vector.broadcast %squeeze3A_264 : f32 to vector<16xf32>
      %mul3A_266 = arith.mulf %get3A_262, %mul3A_265 : vector<16xf32>
      %add3A_267 = arith.addf %mul3A_266, %get3A_205 : vector<16xf32>
      %shift_right_arithmetic3A_268 = arith.constant 3 : i32
      %shift_right_arithmetic3A_269 = arith.shrsi %add3A_253, %shift_right_arithmetic3A_268 : i32
      %and3A_270 = arith.constant 7 : i32
      %and3A_271 = arith.andi %add3A_253, %and3A_270 : i32
      %mul3A_272 = arith.constant 16 : i32
      %mul3A_273 = arith.muli %and3A_271, %mul3A_272 : i32
      %swap3A_274 = arith.index_cast %shift_right_arithmetic3A_269 : i32 to index
      %swap3A_275 = arith.index_cast %mul3A_273 : i32 to index
      %swap3A_276 = tpu.vector_load %arg16[%swap3A_274, %swap3A_275] {strides = array<i32>} : memref<8x128xf32, #tpu.memory_space<vmem>>, vector<16xf32>,
      tpu.vector_store %arg16[%swap3A_274, %swap3A_275], %add3A_267 {strides = array<i32>} : memref<8x128xf32, #tpu.memory_space<vmem>>, vector<16xf32>,
      %add3A_277 = arith.constant 2 : i32
      %add3A_278 = arith.addi %mul3A_226, %add3A_277 : i32
      %shift_right_arithmetic3A_279 = arith.constant 3 : i32
      %shift_right_arithmetic3A_280 = arith.shrsi %add3A_278, %shift_right_arithmetic3A_279 : i32
      %and3A_281 = arith.constant 7 : i32
      %and3A_282 = arith.andi %add3A_278, %and3A_281 : i32
      %mul3A_283 = arith.constant 16 : i32
      %mul3A_284 = arith.muli %and3A_282, %mul3A_283 : i32
      %get3A_285 = arith.index_cast %shift_right_arithmetic3A_280 : i32 to index
      %get3A_286 = arith.index_cast %mul3A_284 : i32 to index
      %get3A_287 = tpu.vector_load %arg15[%get3A_285, %get3A_286] {strides = array<i32>} : memref<8x128xf32, #tpu.memory_space<vmem>>, vector<16xf32>,
      %slice3A_288 = vector.extract_strided_slice %div3A_230 {offsets = [2], sizes = [1], strides = [1]} : vector<16xf32> to vector<1xf32>
      %squeeze3A_289 = vector.extract %slice3A_288[0] : f32 from vector<1xf32>
      %mul3A_290 = vector.broadcast %squeeze3A_289 : f32 to vector<16xf32>
      %mul3A_291 = arith.mulf %get3A_287, %mul3A_290 : vector<16xf32>
      %add3A_292 = arith.addf %mul3A_291, %get3A_205 : vector<16xf32>
      %shift_right_arithmetic3A_293 = arith.constant 3 : i32
      %shift_right_arithmetic3A_294 = arith.shrsi %add3A_278, %shift_right_arithmetic3A_293 : i32
      %and3A_295 = arith.constant 7 : i32
      %and3A_296 = arith.andi %add3A_278, %and3A_295 : i32
      %mul3A_297 = arith.constant 16 : i32
      %mul3A_298 = arith.muli %and3A_296, %mul3A_297 : i32
      %swap3A_299 = arith.index_cast %shift_right_arithmetic3A_294 : i32 to index
      %swap3A_300 = arith.index_cast %mul3A_298 : i32 to index
      %swap3A_301 = tpu.vector_load %arg16[%swap3A_299, %swap3A_300] {strides = array<i32>} : memref<8x128xf32, #tpu.memory_space<vmem>>, vector<16xf32>,
      tpu.vector_store %arg16[%swap3A_299, %swap3A_300], %add3A_292 {strides = array<i32>} : memref<8x128xf32, #tpu.memory_space<vmem>>, vector<16xf32>,
      %add3A_302 = arith.constant 3 : i32
      %add3A_303 = arith.addi %mul3A_226, %add3A_302 : i32
      %shift_right_arithmetic3A_304 = arith.constant 3 : i32
      %shift_right_arithmetic3A_305 = arith.shrsi %add3A_303, %shift_right_arithmetic3A_304 : i32
      %and3A_306 = arith.constant 7 : i32
      %and3A_307 = arith.andi %add3A_303, %and3A_306 : i32
      %mul3A_308 = arith.constant 16 : i32
      %mul3A_309 = arith.muli %and3A_307, %mul3A_308 : i32
      %get3A_310 = arith.index_cast %shift_right_arithmetic3A_305 : i32 to index
      %get3A_311 = arith.index_cast %mul3A_309 : i32 to index
      %get3A_312 = tpu.vector_load %arg15[%get3A_310, %get3A_311] {strides = array<i32>} : memref<8x128xf32, #tpu.memory_space<vmem>>, vector<16xf32>,
      %slice3A_313 = vector.extract_strided_slice %div3A_230 {offsets = [3], sizes = [1], strides = [1]} : vector<16xf32> to vector<1xf32>
      %squeeze3A_314 = vector.extract %slice3A_313[0] : f32 from vector<1xf32>
      %mul3A_315 = vector.broadcast %squeeze3A_314 : f32 to vector<16xf32>
      %mul3A_316 = arith.mulf %get3A_312, %mul3A_315 : vector<16xf32>
      %add3A_317 = arith.addf %mul3A_316, %get3A_205 : vector<16xf32>
      %shift_right_arithmetic3A_318 = arith.constant 3 : i32
      %shift_right_arithmetic3A_319 = arith.shrsi %add3A_303, %shift_right_arithmetic3A_318 : i32
      %and3A_320 = arith.constant 7 : i32
      %and3A_321 = arith.andi %add3A_303, %and3A_320 : i32
      %mul3A_322 = arith.constant 16 : i32
      %mul3A_323 = arith.muli %and3A_321, %mul3A_322 : i32
      %swap3A_324 = arith.index_cast %shift_right_arithmetic3A_319 : i32 to index
      %swap3A_325 = arith.index_cast %mul3A_323 : i32 to index
      %swap3A_326 = tpu.vector_load %arg16[%swap3A_324, %swap3A_325] {strides = array<i32>} : memref<8x128xf32, #tpu.memory_space<vmem>>, vector<16xf32>,
      tpu.vector_store %arg16[%swap3A_324, %swap3A_325], %add3A_317 {strides = array<i32>} : memref<8x128xf32, #tpu.memory_space<vmem>>, vector<16xf32>,
      %add3A_327 = arith.constant 4 : i32
      %add3A_328 = arith.addi %mul3A_226, %add3A_327 : i32
      %shift_right_arithmetic3A_329 = arith.constant 3 : i32
      %shift_right_arithmetic3A_330 = arith.shrsi %add3A_328, %shift_right_arithmetic3A_329 : i32
      %and3A_331 = arith.constant 7 : i32
      %and3A_332 = arith.andi %add3A_328, %and3A_331 : i32
      %mul3A_333 = arith.constant 16 : i32
      %mul3A_334 = arith.muli %and3A_332, %mul3A_333 : i32
      %get3A_335 = arith.index_cast %shift_right_arithmetic3A_330 : i32 to index
      %get3A_336 = arith.index_cast %mul3A_334 : i32 to index
      %get3A_337 = tpu.vector_load %arg15[%get3A_335, %get3A_336] {strides = array<i32>} : memref<8x128xf32, #tpu.memory_space<vmem>>, vector<16xf32>,
      %slice3A_338 = vector.extract_strided_slice %div3A_230 {offsets = [4], sizes = [1], strides = [1]} : vector<16xf32> to vector<1xf32>
      %squeeze3A_339 = vector.extract %slice3A_338[0] : f32 from vector<1xf32>
      %mul3A_340 = vector.broadcast %squeeze3A_339 : f32 to vector<16xf32>
      %mul3A_341 = arith.mulf %get3A_337, %mul3A_340 : vector<16xf32>
      %add3A_342 = arith.addf %mul3A_341, %get3A_205 : vector<16xf32>
      %shift_right_arithmetic3A_343 = arith.constant 3 : i32
      %shift_right_arithmetic3A_344 = arith.shrsi %add3A_328, %shift_right_arithmetic3A_343 : i32
      %and3A_345 = arith.constant 7 : i32
      %and3A_346 = arith.andi %add3A_328, %and3A_345 : i32
      %mul3A_347 = arith.constant 16 : i32
      %mul3A_348 = arith.muli %and3A_346, %mul3A_347 : i32
      %swap3A_349 = arith.index_cast %shift_right_arithmetic3A_344 : i32 to index
      %swap3A_350 = arith.index_cast %mul3A_348 : i32 to index
      %swap3A_351 = tpu.vector_load %arg16[%swap3A_349, %swap3A_350] {strides = array<i32>} : memref<8x128xf32, #tpu.memory_space<vmem>>, vector<16xf32>,
      tpu.vector_store %arg16[%swap3A_349, %swap3A_350], %add3A_342 {strides = array<i32>} : memref<8x128xf32, #tpu.memory_space<vmem>>, vector<16xf32>,
      %add3A_352 = arith.constant 5 : i32
      %add3A_353 = arith.addi %mul3A_226, %add3A_352 : i32
      %shift_right_arithmetic3A_354 = arith.constant 3 : i32
      %shift_right_arithmetic3A_355 = arith.shrsi %add3A_353, %shift_right_arithmetic3A_354 : i32
      %and3A_356 = arith.constant 7 : i32
      %and3A_357 = arith.andi %add3A_353, %and3A_356 : i32
      %mul3A_358 = arith.constant 16 : i32
      %mul3A_359 = arith.muli %and3A_357, %mul3A_358 : i32
      %get3A_360 = arith.index_cast %shift_right_arithmetic3A_355 : i32 to index
      %get3A_361 = arith.index_cast %mul3A_359 : i32 to index
      %get3A_362 = tpu.vector_load %arg15[%get3A_360, %get3A_361] {strides = array<i32>} : memref<8x128xf32, #tpu.memory_space<vmem>>, vector<16xf32>,
      %slice3A_363 = vector.extract_strided_slice %div3A_230 {offsets = [5], sizes = [1], strides = [1]} : vector<16xf32> to vector<1xf32>
      %squeeze3A_364 = vector.extract %slice3A_363[0] : f32 from vector<1xf32>
      %mul3A_365 = vector.broadcast %squeeze3A_364 : f32 to vector<16xf32>
      %mul3A_366 = arith.mulf %get3A_362, %mul3A_365 : vector<16xf32>
      %add3A_367 = arith.addf %mul3A_366, %get3A_205 : vector<16xf32>
      %shift_right_arithmetic3A_368 = arith.constant 3 : i32
      %shift_right_arithmetic3A_369 = arith.shrsi %add3A_353, %shift_right_arithmetic3A_368 : i32
      %and3A_370 = arith.constant 7 : i32
      %and3A_371 = arith.andi %add3A_353, %and3A_370 : i32
      %mul3A_372 = arith.constant 16 : i32
      %mul3A_373 = arith.muli %and3A_371, %mul3A_372 : i32
      %swap3A_374 = arith.index_cast %shift_right_arithmetic3A_369 : i32 to index
      %swap3A_375 = arith.index_cast %mul3A_373 : i32 to index
      %swap3A_376 = tpu.vector_load %arg16[%swap3A_374, %swap3A_375] {strides = array<i32>} : memref<8x128xf32, #tpu.memory_space<vmem>>, vector<16xf32>,
      tpu.vector_store %arg16[%swap3A_374, %swap3A_375], %add3A_367 {strides = array<i32>} : memref<8x128xf32, #tpu.memory_space<vmem>>, vector<16xf32>,
      %add3A_377 = arith.constant 6 : i32
      %add3A_378 = arith.addi %mul3A_226, %add3A_377 : i32
      %shift_right_arithmetic3A_379 = arith.constant 3 : i32
      %shift_right_arithmetic3A_380 = arith.shrsi %add3A_378, %shift_right_arithmetic3A_379 : i32
      %and3A_381 = arith.constant 7 : i32
      %and3A_382 = arith.andi %add3A_378, %and3A_381 : i32
      %mul3A_383 = arith.constant 16 : i32
      %mul3A_384 = arith.muli %and3A_382, %mul3A_383 : i32
      %get3A_385 = arith.index_cast %shift_right_arithmetic3A_380 : i32 to index
      %get3A_386 = arith.index_cast %mul3A_384 : i32 to index
      %get3A_387 = tpu.vector_load %arg15[%get3A_385, %get3A_386] {strides = array<i32>} : memref<8x128xf32, #tpu.memory_space<vmem>>, vector<16xf32>,
      %slice3A_388 = vector.extract_strided_slice %div3A_230 {offsets = [6], sizes = [1], strides = [1]} : vector<16xf32> to vector<1xf32>
      %squeeze3A_389 = vector.extract %slice3A_388[0] : f32 from vector<1xf32>
      %mul3A_390 = vector.broadcast %squeeze3A_389 : f32 to vector<16xf32>
      %mul3A_391 = arith.mulf %get3A_387, %mul3A_390 : vector<16xf32>
      %add3A_392 = arith.addf %mul3A_391, %get3A_205 : vector<16xf32>
      %shift_right_arithmetic3A_393 = arith.constant 3 : i32
      %shift_right_arithmetic3A_394 = arith.shrsi %add3A_378, %shift_right_arithmetic3A_393 : i32
      %and3A_395 = arith.constant 7 : i32
      %and3A_396 = arith.andi %add3A_378, %and3A_395 : i32
      %mul3A_397 = arith.constant 16 : i32
      %mul3A_398 = arith.muli %and3A_396, %mul3A_397 : i32
      %swap3A_399 = arith.index_cast %shift_right_arithmetic3A_394 : i32 to index
      %swap3A_400 = arith.index_cast %mul3A_398 : i32 to index
      %swap3A_401 = tpu.vector_load %arg16[%swap3A_399, %swap3A_400] {strides = array<i32>} : memref<8x128xf32, #tpu.memory_space<vmem>>, vector<16xf32>,
      tpu.vector_store %arg16[%swap3A_399, %swap3A_400], %add3A_392 {strides = array<i32>} : memref<8x128xf32, #tpu.memory_space<vmem>>, vector<16xf32>,
      %add3A_402 = arith.constant 7 : i32
      %add3A_403 = arith.addi %mul3A_226, %add3A_402 : i32
      %shift_right_arithmetic3A_404 = arith.constant 3 : i32
      %shift_right_arithmetic3A_405 = arith.shrsi %add3A_403, %shift_right_arithmetic3A_404 : i32
      %and3A_406 = arith.constant 7 : i32
      %and3A_407 = arith.andi %add3A_403, %and3A_406 : i32
      %mul3A_408 = arith.constant 16 : i32
      %mul3A_409 = arith.muli %and3A_407, %mul3A_408 : i32
      %get3A_410 = arith.index_cast %shift_right_arithmetic3A_405 : i32 to index
      %get3A_411 = arith.index_cast %mul3A_409 : i32 to index
      %get3A_412 = tpu.vector_load %arg15[%get3A_410, %get3A_411] {strides = array<i32>} : memref<8x128xf32, #tpu.memory_space<vmem>>, vector<16xf32>,
      %slice3A_413 = vector.extract_strided_slice %div3A_230 {offsets = [7], sizes = [1], strides = [1]} : vector<16xf32> to vector<1xf32>
      %squeeze3A_414 = vector.extract %slice3A_413[0] : f32 from vector<1xf32>
      %mul3A_415 = vector.broadcast %squeeze3A_414 : f32 to vector<16xf32>
      %mul3A_416 = arith.mulf %get3A_412, %mul3A_415 : vector<16xf32>
      %add3A_417 = arith.addf %mul3A_416, %get3A_205 : vector<16xf32>
      %shift_right_arithmetic3A_418 = arith.constant 3 : i32
      %shift_right_arithmetic3A_419 = arith.shrsi %add3A_403, %shift_right_arithmetic3A_418 : i32
      %and3A_420 = arith.constant 7 : i32
      %and3A_421 = arith.andi %add3A_403, %and3A_420 : i32
      %mul3A_422 = arith.constant 16 : i32
      %mul3A_423 = arith.muli %and3A_421, %mul3A_422 : i32
      %swap3A_424 = arith.index_cast %shift_right_arithmetic3A_419 : i32 to index
      %swap3A_425 = arith.index_cast %mul3A_423 : i32 to index
      %swap3A_426 = tpu.vector_load %arg16[%swap3A_424, %swap3A_425] {strides = array<i32>} : memref<8x128xf32, #tpu.memory_space<vmem>>, vector<16xf32>,
      tpu.vector_store %arg16[%swap3A_424, %swap3A_425], %add3A_417 {strides = array<i32>} : memref<8x128xf32, #tpu.memory_space<vmem>>, vector<16xf32>,
      %add3A_427 = arith.constant 8 : i32
      %add3A_428 = arith.addi %mul3A_226, %add3A_427 : i32
      %shift_right_arithmetic3A_429 = arith.constant 3 : i32
      %shift_right_arithmetic3A_430 = arith.shrsi %add3A_428, %shift_right_arithmetic3A_429 : i32
      %and3A_431 = arith.constant 7 : i32
      %and3A_432 = arith.andi %add3A_428, %and3A_431 : i32
      %mul3A_433 = arith.constant 16 : i32
      %mul3A_434 = arith.muli %and3A_432, %mul3A_433 : i32
      %get3A_435 = arith.index_cast %shift_right_arithmetic3A_430 : i32 to index
      %get3A_436 = arith.index_cast %mul3A_434 : i32 to index
      %get3A_437 = tpu.vector_load %arg15[%get3A_435, %get3A_436] {strides = array<i32>} : memref<8x128xf32, #tpu.memory_space<vmem>>, vector<16xf32>,
      %slice3A_438 = vector.extract_strided_slice %div3A_230 {offsets = [8], sizes = [1], strides = [1]} : vector<16xf32> to vector<1xf32>
      %squeeze3A_439 = vector.extract %slice3A_438[0] : f32 from vector<1xf32>
      %mul3A_440 = vector.broadcast %squeeze3A_439 : f32 to vector<16xf32>
      %mul3A_441 = arith.mulf %get3A_437, %mul3A_440 : vector<16xf32>
      %add3A_442 = arith.addf %mul3A_441, %get3A_205 : vector<16xf32>
      %shift_right_arithmetic3A_443 = arith.constant 3 : i32
      %shift_right_arithmetic3A_444 = arith.shrsi %add3A_428, %shift_right_arithmetic3A_443 : i32
      %and3A_445 = arith.constant 7 : i32
      %and3A_446 = arith.andi %add3A_428, %and3A_445 : i32
      %mul3A_447 = arith.constant 16 : i32
      %mul3A_448 = arith.muli %and3A_446, %mul3A_447 : i32
      %swap3A_449 = arith.index_cast %shift_right_arithmetic3A_444 : i32 to index
      %swap3A_450 = arith.index_cast %mul3A_448 : i32 to index
      %swap3A_451 = tpu.vector_load %arg16[%swap3A_449, %swap3A_450] {strides = array<i32>} : memref<8x128xf32, #tpu.memory_space<vmem>>, vector<16xf32>,
      tpu.vector_store %arg16[%swap3A_449, %swap3A_450], %add3A_442 {strides = array<i32>} : memref<8x128xf32, #tpu.memory_space<vmem>>, vector<16xf32>,
      %add3A_452 = arith.constant 9 : i32
      %add3A_453 = arith.addi %mul3A_226, %add3A_452 : i32
      %shift_right_arithmetic3A_454 = arith.constant 3 : i32
      %shift_right_arithmetic3A_455 = arith.shrsi %add3A_453, %shift_right_arithmetic3A_454 : i32
      %and3A_456 = arith.constant 7 : i32
      %and3A_457 = arith.andi %add3A_453, %and3A_456 : i32
      %mul3A_458 = arith.constant 16 : i32
      %mul3A_459 = arith.muli %and3A_457, %mul3A_458 : i32
      %get3A_460 = arith.index_cast %shift_right_arithmetic3A_455 : i32 to index
      %get3A_461 = arith.index_cast %mul3A_459 : i32 to index
      %get3A_462 = tpu.vector_load %arg15[%get3A_460, %get3A_461] {strides = array<i32>} : memref<8x128xf32, #tpu.memory_space<vmem>>, vector<16xf32>,
      %slice3A_463 = vector.extract_strided_slice %div3A_230 {offsets = [9], sizes = [1], strides = [1]} : vector<16xf32> to vector<1xf32>
      %squeeze3A_464 = vector.extract %slice3A_463[0] : f32 from vector<1xf32>
      %mul3A_465 = vector.broadcast %squeeze3A_464 : f32 to vector<16xf32>
      %mul3A_466 = arith.mulf %get3A_462, %mul3A_465 : vector<16xf32>
      %add3A_467 = arith.addf %mul3A_466, %get3A_205 : vector<16xf32>
      %shift_right_arithmetic3A_468 = arith.constant 3 : i32
      %shift_right_arithmetic3A_469 = arith.shrsi %add3A_453, %shift_right_arithmetic3A_468 : i32
      %and3A_470 = arith.constant 7 : i32
      %and3A_471 = arith.andi %add3A_453, %and3A_470 : i32
      %mul3A_472 = arith.constant 16 : i32
      %mul3A_473 = arith.muli %and3A_471, %mul3A_472 : i32
      %swap3A_474 = arith.index_cast %shift_right_arithmetic3A_469 : i32 to index
      %swap3A_475 = arith.index_cast %mul3A_473 : i32 to index
      %swap3A_476 = tpu.vector_load %arg16[%swap3A_474, %swap3A_475] {strides = array<i32>} : memref<8x128xf32, #tpu.memory_space<vmem>>, vector<16xf32>,
      tpu.vector_store %arg16[%swap3A_474, %swap3A_475], %add3A_467 {strides = array<i32>} : memref<8x128xf32, #tpu.memory_space<vmem>>, vector<16xf32>,
      %add3A_477 = arith.constant 10 : i32
      %add3A_478 = arith.addi %mul3A_226, %add3A_477 : i32
      %shift_right_arithmetic3A_479 = arith.constant 3 : i32
      %shift_right_arithmetic3A_480 = arith.shrsi %add3A_478, %shift_right_arithmetic3A_479 : i32
      %and3A_481 = arith.constant 7 : i32
      %and3A_482 = arith.andi %add3A_478, %and3A_481 : i32
      %mul3A_483 = arith.constant 16 : i32
      %mul3A_484 = arith.muli %and3A_482, %mul3A_483 : i32
      %get3A_485 = arith.index_cast %shift_right_arithmetic3A_480 : i32 to index
      %get3A_486 = arith.index_cast %mul3A_484 : i32 to index
      %get3A_487 = tpu.vector_load %arg15[%get3A_485, %get3A_486] {strides = array<i32>} : memref<8x128xf32, #tpu.memory_space<vmem>>, vector<16xf32>,
      %slice3A_488 = vector.extract_strided_slice %div3A_230 {offsets = [10], sizes = [1], strides = [1]} : vector<16xf32> to vector<1xf32>
      %squeeze3A_489 = vector.extract %slice3A_488[0] : f32 from vector<1xf32>
      %mul3A_490 = vector.broadcast %squeeze3A_489 : f32 to vector<16xf32>
      %mul3A_491 = arith.mulf %get3A_487, %mul3A_490 : vector<16xf32>
      %add3A_492 = arith.addf %mul3A_491, %get3A_205 : vector<16xf32>
      %shift_right_arithmetic3A_493 = arith.constant 3 : i32
      %shift_right_arithmetic3A_494 = arith.shrsi %add3A_478, %shift_right_arithmetic3A_493 : i32
      %and3A_495 = arith.constant 7 : i32
      %and3A_496 = arith.andi %add3A_478, %and3A_495 : i32
      %mul3A_497 = arith.constant 16 : i32
      %mul3A_498 = arith.muli %and3A_496, %mul3A_497 : i32
      %swap3A_499 = arith.index_cast %shift_right_arithmetic3A_494 : i32 to index
      %swap3A_500 = arith.index_cast %mul3A_498 : i32 to index
      %swap3A_501 = tpu.vector_load %arg16[%swap3A_499, %swap3A_500] {strides = array<i32>} : memref<8x128xf32, #tpu.memory_space<vmem>>, vector<16xf32>,
      tpu.vector_store %arg16[%swap3A_499, %swap3A_500], %add3A_492 {strides = array<i32>} : memref<8x128xf32, #tpu.memory_space<vmem>>, vector<16xf32>,
      %add3A_502 = arith.constant 11 : i32
      %add3A_503 = arith.addi %mul3A_226, %add3A_502 : i32
      %shift_right_arithmetic3A_504 = arith.constant 3 : i32
      %shift_right_arithmetic3A_505 = arith.shrsi %add3A_503, %shift_right_arithmetic3A_504 : i32
      %and3A_506 = arith.constant 7 : i32
      %and3A_507 = arith.andi %add3A_503, %and3A_506 : i32
      %mul3A_508 = arith.constant 16 : i32
      %mul3A_509 = arith.muli %and3A_507, %mul3A_508 : i32
      %get3A_510 = arith.index_cast %shift_right_arithmetic3A_505 : i32 to index
      %get3A_511 = arith.index_cast %mul3A_509 : i32 to index
      %get3A_512 = tpu.vector_load %arg15[%get3A_510, %get3A_511] {strides = array<i32>} : memref<8x128xf32, #tpu.memory_space<vmem>>, vector<16xf32>,
      %slice3A_513 = vector.extract_strided_slice %div3A_230 {offsets = [11], sizes = [1], strides = [1]} : vector<16xf32> to vector<1xf32>
      %squeeze3A_514 = vector.extract %slice3A_513[0] : f32 from vector<1xf32>
      %mul3A_515 = vector.broadcast %squeeze3A_514 : f32 to vector<16xf32>
      %mul3A_516 = arith.mulf %get3A_512, %mul3A_515 : vector<16xf32>
      %add3A_517 = arith.addf %mul3A_516, %get3A_205 : vector<16xf32>
      %shift_right_arithmetic3A_518 = arith.constant 3 : i32
      %shift_right_arithmetic3A_519 = arith.shrsi %add3A_503, %shift_right_arithmetic3A_518 : i32
      %and3A_520 = arith.constant 7 : i32
      %and3A_521 = arith.andi %add3A_503, %and3A_520 : i32
      %mul3A_522 = arith.constant 16 : i32
      %mul3A_523 = arith.muli %and3A_521, %mul3A_522 : i32
      %swap3A_524 = arith.index_cast %shift_right_arithmetic3A_519 : i32 to index
      %swap3A_525 = arith.index_cast %mul3A_523 : i32 to index
      %swap3A_526 = tpu.vector_load %arg16[%swap3A_524, %swap3A_525] {strides = array<i32>} : memref<8x128xf32, #tpu.memory_space<vmem>>, vector<16xf32>,
      tpu.vector_store %arg16[%swap3A_524, %swap3A_525], %add3A_517 {strides = array<i32>} : memref<8x128xf32, #tpu.memory_space<vmem>>, vector<16xf32>,
      %add3A_527 = arith.constant 12 : i32
      %add3A_528 = arith.addi %mul3A_226, %add3A_527 : i32
      %shift_right_arithmetic3A_529 = arith.constant 3 : i32
      %shift_right_arithmetic3A_530 = arith.shrsi %add3A_528, %shift_right_arithmetic3A_529 : i32
      %and3A_531 = arith.constant 7 : i32
      %and3A_532 = arith.andi %add3A_528, %and3A_531 : i32
      %mul3A_533 = arith.constant 16 : i32
      %mul3A_534 = arith.muli %and3A_532, %mul3A_533 : i32
      %get3A_535 = arith.index_cast %shift_right_arithmetic3A_530 : i32 to index
      %get3A_536 = arith.index_cast %mul3A_534 : i32 to index
      %get3A_537 = tpu.vector_load %arg15[%get3A_535, %get3A_536] {strides = array<i32>} : memref<8x128xf32, #tpu.memory_space<vmem>>, vector<16xf32>,
      %slice3A_538 = vector.extract_strided_slice %div3A_230 {offsets = [12], sizes = [1], strides = [1]} : vector<16xf32> to vector<1xf32>
      %squeeze3A_539 = vector.extract %slice3A_538[0] : f32 from vector<1xf32>
      %mul3A_540 = vector.broadcast %squeeze3A_539 : f32 to vector<16xf32>
      %mul3A_541 = arith.mulf %get3A_537, %mul3A_540 : vector<16xf32>
      %add3A_542 = arith.addf %mul3A_541, %get3A_205 : vector<16xf32>
      %shift_right_arithmetic3A_543 = arith.constant 3 : i32
      %shift_right_arithmetic3A_544 = arith.shrsi %add3A_528, %shift_right_arithmetic3A_543 : i32
      %and3A_545 = arith.constant 7 : i32
      %and3A_546 = arith.andi %add3A_528, %and3A_545 : i32
      %mul3A_547 = arith.constant 16 : i32
      %mul3A_548 = arith.muli %and3A_546, %mul3A_547 : i32
      %swap3A_549 = arith.index_cast %shift_right_arithmetic3A_544 : i32 to index
      %swap3A_550 = arith.index_cast %mul3A_548 : i32 to index
      %swap3A_551 = tpu.vector_load %arg16[%swap3A_549, %swap3A_550] {strides = array<i32>} : memref<8x128xf32, #tpu.memory_space<vmem>>, vector<16xf32>,
      tpu.vector_store %arg16[%swap3A_549, %swap3A_550], %add3A_542 {strides = array<i32>} : memref<8x128xf32, #tpu.memory_space<vmem>>, vector<16xf32>,
      %add3A_552 = arith.constant 13 : i32
      %add3A_553 = arith.addi %mul3A_226, %add3A_552 : i32
      %shift_right_arithmetic3A_554 = arith.constant 3 : i32
      %shift_right_arithmetic3A_555 = arith.shrsi %add3A_553, %shift_right_arithmetic3A_554 : i32
      %and3A_556 = arith.constant 7 : i32
      %and3A_557 = arith.andi %add3A_553, %and3A_556 : i32
      %mul3A_558 = arith.constant 16 : i32
      %mul3A_559 = arith.muli %and3A_557, %mul3A_558 : i32
      %get3A_560 = arith.index_cast %shift_right_arithmetic3A_555 : i32 to index
      %get3A_561 = arith.index_cast %mul3A_559 : i32 to index
      %get3A_562 = tpu.vector_load %arg15[%get3A_560, %get3A_561] {strides = array<i32>} : memref<8x128xf32, #tpu.memory_space<vmem>>, vector<16xf32>,
      %slice3A_563 = vector.extract_strided_slice %div3A_230 {offsets = [13], sizes = [1], strides = [1]} : vector<16xf32> to vector<1xf32>
      %squeeze3A_564 = vector.extract %slice3A_563[0] : f32 from vector<1xf32>
      %mul3A_565 = vector.broadcast %squeeze3A_564 : f32 to vector<16xf32>
      %mul3A_566 = arith.mulf %get3A_562, %mul3A_565 : vector<16xf32>
      %add3A_567 = arith.addf %mul3A_566, %get3A_205 : vector<16xf32>
      %shift_right_arithmetic3A_568 = arith.constant 3 : i32
      %shift_right_arithmetic3A_569 = arith.shrsi %add3A_553, %shift_right_arithmetic3A_568 : i32
      %and3A_570 = arith.constant 7 : i32
      %and3A_571 = arith.andi %add3A_553, %and3A_570 : i32
      %mul3A_572 = arith.constant 16 : i32
      %mul3A_573 = arith.muli %and3A_571, %mul3A_572 : i32
      %swap3A_574 = arith.index_cast %shift_right_arithmetic3A_569 : i32 to index
      %swap3A_575 = arith.index_cast %mul3A_573 : i32 to index
      %swap3A_576 = tpu.vector_load %arg16[%swap3A_574, %swap3A_575] {strides = array<i32>} : memref<8x128xf32, #tpu.memory_space<vmem>>, vector<16xf32>,
      tpu.vector_store %arg16[%swap3A_574, %swap3A_575], %add3A_567 {strides = array<i32>} : memref<8x128xf32, #tpu.memory_space<vmem>>, vector<16xf32>,
      %add3A_577 = arith.constant 14 : i32
      %add3A_578 = arith.addi %mul3A_226, %add3A_577 : i32
      %shift_right_arithmetic3A_579 = arith.constant 3 : i32
      %shift_right_arithmetic3A_580 = arith.shrsi %add3A_578, %shift_right_arithmetic3A_579 : i32
      %and3A_581 = arith.constant 7 : i32
      %and3A_582 = arith.andi %add3A_578, %and3A_581 : i32
      %mul3A_583 = arith.constant 16 : i32
      %mul3A_584 = arith.muli %and3A_582, %mul3A_583 : i32
      %get3A_585 = arith.index_cast %shift_right_arithmetic3A_580 : i32 to index
      %get3A_586 = arith.index_cast %mul3A_584 : i32 to index
      %get3A_587 = tpu.vector_load %arg15[%get3A_585, %get3A_586] {strides = array<i32>} : memref<8x128xf32, #tpu.memory_space<vmem>>, vector<16xf32>,
      %slice3A_588 = vector.extract_strided_slice %div3A_230 {offsets = [14], sizes = [1], strides = [1]} : vector<16xf32> to vector<1xf32>
      %squeeze3A_589 = vector.extract %slice3A_588[0] : f32 from vector<1xf32>
      %mul3A_590 = vector.broadcast %squeeze3A_589 : f32 to vector<16xf32>
      %mul3A_591 = arith.mulf %get3A_587, %mul3A_590 : vector<16xf32>
      %add3A_592 = arith.addf %mul3A_591, %get3A_205 : vector<16xf32>
      %shift_right_arithmetic3A_593 = arith.constant 3 : i32
      %shift_right_arithmetic3A_594 = arith.shrsi %add3A_578, %shift_right_arithmetic3A_593 : i32
      %and3A_595 = arith.constant 7 : i32
      %and3A_596 = arith.andi %add3A_578, %and3A_595 : i32
      %mul3A_597 = arith.constant 16 : i32
      %mul3A_598 = arith.muli %and3A_596, %mul3A_597 : i32
      %swap3A_599 = arith.index_cast %shift_right_arithmetic3A_594 : i32 to index
      %swap3A_600 = arith.index_cast %mul3A_598 : i32 to index
      %swap3A_601 = tpu.vector_load %arg16[%swap3A_599, %swap3A_600] {strides = array<i32>} : memref<8x128xf32, #tpu.memory_space<vmem>>, vector<16xf32>,
      tpu.vector_store %arg16[%swap3A_599, %swap3A_600], %add3A_592 {strides = array<i32>} : memref<8x128xf32, #tpu.memory_space<vmem>>, vector<16xf32>,
      %add3A_602 = arith.constant 15 : i32
      %add3A_603 = arith.addi %mul3A_226, %add3A_602 : i32
      %shift_right_arithmetic3A_604 = arith.constant 3 : i32
      %shift_right_arithmetic3A_605 = arith.shrsi %add3A_603, %shift_right_arithmetic3A_604 : i32
      %and3A_606 = arith.constant 7 : i32
      %and3A_607 = arith.andi %add3A_603, %and3A_606 : i32
      %mul3A_608 = arith.constant 16 : i32
      %mul3A_609 = arith.muli %and3A_607, %mul3A_608 : i32
      %get3A_610 = arith.index_cast %shift_right_arithmetic3A_605 : i32 to index
      %get3A_611 = arith.index_cast %mul3A_609 : i32 to index
      %get3A_612 = tpu.vector_load %arg15[%get3A_610, %get3A_611] {strides = array<i32>} : memref<8x128xf32, #tpu.memory_space<vmem>>, vector<16xf32>,
      %slice3A_613 = vector.extract_strided_slice %div3A_230 {offsets = [15], sizes = [1], strides = [1]} : vector<16xf32> to vector<1xf32>
      %squeeze3A_614 = vector.extract %slice3A_613[0] : f32 from vector<1xf32>
      %mul3A_615 = vector.broadcast %squeeze3A_614 : f32 to vector<16xf32>
      %mul3A_616 = arith.mulf %get3A_612, %mul3A_615 : vector<16xf32>
      %add3A_617 = arith.addf %mul3A_616, %get3A_205 : vector<16xf32>
      %shift_right_arithmetic3A_618 = arith.constant 3 : i32
      %shift_right_arithmetic3A_619 = arith.shrsi %add3A_603, %shift_right_arithmetic3A_618 : i32
      %and3A_620 = arith.constant 7 : i32
      %and3A_621 = arith.andi %add3A_603, %and3A_620 : i32
      %mul3A_622 = arith.constant 16 : i32
      %mul3A_623 = arith.muli %and3A_621, %mul3A_622 : i32
      %swap3A_624 = arith.index_cast %shift_right_arithmetic3A_619 : i32 to index
      %swap3A_625 = arith.index_cast %mul3A_623 : i32 to index
      %swap3A_626 = tpu.vector_load %arg16[%swap3A_624, %swap3A_625] {strides = array<i32>} : memref<8x128xf32, #tpu.memory_space<vmem>>, vector<16xf32>,
      tpu.vector_store %arg16[%swap3A_624, %swap3A_625], %add3A_617 {strides = array<i32>} : memref<8x128xf32, #tpu.memory_space<vmem>>, vector<16xf32>,
    }
    %scan3A_211 = arith.constant 4 : i32
    tpu.wait_dma2 semaphore(%arg20 : memref<!tpu.dma_semaphore, #tpu.memory_space<semaphore_mem>>) src(%arg8 : memref<128x128xf32, #tpu.memory_space<hbm>>) dst(%arg17 : memref<128x128xf32, #tpu.memory_space<vmem>>)
    %scan3A_212 = arith.constant 0 : i32
    %scan3A_213 = arith.constant 0 : i32
    %scan3A_214 = arith.constant 7 : i32
    %scan3A_215 = arith.addi %scan3A_213, %scan3A_214 : i32
    %scan3A_216 = arith.constant 1 : i32
    scf.for %scan3A_224 = %scan3A_213 to %scan3A_215 step %scan3A_216  : i32 {
      %get3A_225 = arith.index_cast %scan3A_224 : i32 to index
      %get3A_226 = arith.constant 0 : index
      %get3A_227 = tpu.vector_load %arg12[%get3A_225, %get3A_226] {strides = array<i32>} : memref<7x16xi32, #tpu.memory_space<vmem>>, vector<16xi32>,
      %get3A_228 = arith.index_cast %scan3A_224 : i32 to index
      %get3A_229 = arith.constant 0 : index
      %get3A_230 = tpu.vector_load %arg13[%get3A_228, %get3A_229] {strides = array<i32>} : memref<7x16xi32, #tpu.memory_space<vmem>>, vector<16xi32>,
      %gather3A = tpu.vector_load_idx %arg14[%get3A_227] : memref<1024xf32, #tpu.memory_space<vmem>>[vector<16xi32>], vector<16xf32>,
      %gather3A_231 = tpu.vector_load_idx %arg14[%get3A_230] : memref<1024xf32, #tpu.memory_space<vmem>>[vector<16xi32>], vector<16xf32>,
      %mul3A_232 = arith.mulf %gather3A, %gather3A_231 : vector<16xf32>
      %bitcast3A = vector.bitcast %mul3A_232 : vector<16xf32> to vector<16xi32>
      %shift_right_arithmetic3A = arith.constant 1 : i32
      %shift_right_arithmetic3A_233 = vector.broadcast %shift_right_arithmetic3A : i32 to vector<16xi32>
      %shift_right_arithmetic3A_234 = arith.shrsi %bitcast3A, %shift_right_arithmetic3A_233 : vector<16xi32>
      %sub3A_235 = arith.constant 1597463007 : i32
      %sub3A_236 = vector.broadcast %sub3A_235 : i32 to vector<16xi32>
      %sub3A_237 = arith.subi %sub3A_236, %shift_right_arithmetic3A_234 : vector<16xi32>
      %bitcast3A_238 = vector.bitcast %sub3A_237 : vector<16xi32> to vector<16xf32>
      %mul3A_239 = arith.constant 5.000000e-01 : f32
      %mul3A_240 = vector.broadcast %mul3A_239 : f32 to vector<16xf32>
      %mul3A_241 = arith.mulf %mul3A_240, %mul3A_232 : vector<16xf32>
      %mul3A_242 = arith.mulf %mul3A_241, %bitcast3A_238 : vector<16xf32>
      %mul3A_243 = arith.mulf %mul3A_242, %bitcast3A_238 : vector<16xf32>
      %sub3A_244 = arith.constant 1.500000e+00 : f32
      %sub3A_245 = vector.broadcast %sub3A_244 : f32 to vector<16xf32>
      %sub3A_246 = arith.subf %sub3A_245, %mul3A_243 : vector<16xf32>
      %mul3A_247 = arith.mulf %bitcast3A_238, %sub3A_246 : vector<16xf32>
      %mul3A_248 = arith.constant 5.000000e-01 : f32
      %mul3A_249 = vector.broadcast %mul3A_248 : f32 to vector<16xf32>
      %mul3A_250 = arith.mulf %mul3A_249, %mul3A_232 : vector<16xf32>
      %mul3A_251 = arith.mulf %mul3A_250, %mul3A_247 : vector<16xf32>
      %mul3A_252 = arith.mulf %mul3A_251, %mul3A_247 : vector<16xf32>
      %sub3A_253 = arith.constant 1.500000e+00 : f32
      %sub3A_254 = vector.broadcast %sub3A_253 : f32 to vector<16xf32>
      %sub3A_255 = arith.subf %sub3A_254, %mul3A_252 : vector<16xf32>
      %mul3A_256 = arith.mulf %mul3A_247, %sub3A_255 : vector<16xf32>
      %mul3A_257 = arith.constant 5.000000e-01 : f32
      %mul3A_258 = vector.broadcast %mul3A_257 : f32 to vector<16xf32>
      %mul3A_259 = arith.mulf %mul3A_258, %mul3A_232 : vector<16xf32>
      %mul3A_260 = arith.mulf %mul3A_259, %mul3A_256 : vector<16xf32>
      %mul3A_261 = arith.mulf %mul3A_260, %mul3A_256 : vector<16xf32>
      %sub3A_262 = arith.constant 1.500000e+00 : f32
      %sub3A_263 = vector.broadcast %sub3A_262 : f32 to vector<16xf32>
      %sub3A_264 = arith.subf %sub3A_263, %mul3A_261 : vector<16xf32>
      %mul3A_265 = arith.mulf %mul3A_256, %sub3A_264 : vector<16xf32>
      %sub3A_266 = vector.broadcast %mul3A_0 : i32 to vector<16xi32>
      %sub3A_267 = arith.subi %get3A_230, %sub3A_266 : vector<16xi32>
      %slice3A = vector.extract_strided_slice %sub3A_267 {offsets = [0], sizes = [1], strides = [1]} : vector<16xi32> to vector<1xi32>
      %squeeze3A = vector.extract %slice3A[0] : i32 from vector<1xi32>
      %slice3A_268 = vector.extract_strided_slice %get3A_227 {offsets = [0], sizes = [1], strides = [1]} : vector<16xi32> to vector<1xi32>
      %squeeze3A_269 = vector.extract %slice3A_268[0] : i32 from vector<1xi32>
      %slice3A_270 = vector.extract_strided_slice %get3A_230 {offsets = [0], sizes = [1], strides = [1]} : vector<16xi32> to vector<1xi32>
      %squeeze3A_271 = vector.extract %slice3A_270[0] : i32 from vector<1xi32>
      %slice3A_272 = vector.extract_strided_slice %mul3A_265 {offsets = [0], sizes = [1], strides = [1]} : vector<16xf32> to vector<1xf32>
      %squeeze3A_273 = vector.extract %slice3A_272[0] : f32 from vector<1xf32>
      %ge3A = arith.constant 0 : i32
      %ge3A_274 = arith.cmpi sge, %squeeze3A, %ge3A : i32
      %lt3A_275 = arith.constant 64 : i32
      %lt3A_276 = arith.cmpi slt, %squeeze3A, %lt3A_275 : i32
      %and3A = arith.andi %ge3A_274, %lt3A_276 : i1
      %ne3A_277 = arith.cmpi ne, %squeeze3A_269, %squeeze3A_271 : i32
      %and3A_278 = arith.andi %and3A, %ne3A_277 : i1
      %convert_element_type3A_279 = arith.extui %and3A_278 : i1 to i32
      %cond3A_280 = arith.constant 0 : i32
      %cond3A_281 = arith.cmpi ne, %convert_element_type3A_279, %cond3A_280 : i32
      scf.if %cond3A_281 {
        %shift_right_arithmetic3A_552 = arith.constant 3 : i32
        %shift_right_arithmetic3A_553 = arith.shrsi %squeeze3A_269, %shift_right_arithmetic3A_552 : i32
        %and3A_554 = arith.constant 7 : i32
        %and3A_555 = arith.andi %squeeze3A_269, %and3A_554 : i32
        %mul3A_556 = arith.constant 16 : i32
        %mul3A_557 = arith.muli %and3A_555, %mul3A_556 : i32
        %get3A_558 = arith.index_cast %shift_right_arithmetic3A_553 : i32 to index
        %get3A_559 = arith.index_cast %mul3A_557 : i32 to index
        %get3A_560 = tpu.vector_load %arg17[%get3A_558, %get3A_559] {strides = array<i32>} : memref<128x128xf32, #tpu.memory_space<vmem>>, vector<16xf32>,
        %shift_right_arithmetic3A_561 = arith.constant 3 : i32
        %shift_right_arithmetic3A_562 = arith.shrsi %squeeze3A, %shift_right_arithmetic3A_561 : i32
        %and3A_563 = arith.constant 7 : i32
        %and3A_564 = arith.andi %squeeze3A, %and3A_563 : i32
        %mul3A_565 = arith.constant 16 : i32
        %mul3A_566 = arith.muli %and3A_564, %mul3A_565 : i32
        %get3A_567 = arith.index_cast %shift_right_arithmetic3A_562 : i32 to index
        %get3A_568 = arith.index_cast %mul3A_566 : i32 to index
        %get3A_569 = tpu.vector_load %arg16[%get3A_567, %get3A_568] {strides = array<i32>} : memref<8x128xf32, #tpu.memory_space<vmem>>, vector<16xf32>,
        %mul3A_570 = vector.broadcast %squeeze3A_273 : f32 to vector<16xf32>
        %mul3A_571 = arith.mulf %get3A_560, %mul3A_570 : vector<16xf32>
        %add3A = arith.addf %get3A_569, %mul3A_571 : vector<16xf32>
        %shift_right_arithmetic3A_572 = arith.constant 3 : i32
        %shift_right_arithmetic3A_573 = arith.shrsi %squeeze3A, %shift_right_arithmetic3A_572 : i32
        %and3A_574 = arith.constant 7 : i32
        %and3A_575 = arith.andi %squeeze3A, %and3A_574 : i32
        %mul3A_576 = arith.constant 16 : i32
        %mul3A_577 = arith.muli %and3A_575, %mul3A_576 : i32
        %swap3A_578 = arith.index_cast %shift_right_arithmetic3A_573 : i32 to index
        %swap3A_579 = arith.index_cast %mul3A_577 : i32 to index
        %swap3A_580 = tpu.vector_load %arg16[%swap3A_578, %swap3A_579] {strides = array<i32>} : memref<8x128xf32, #tpu.memory_space<vmem>>, vector<16xf32>,
        tpu.vector_store %arg16[%swap3A_578, %swap3A_579], %add3A {strides = array<i32>} : memref<8x128xf32, #tpu.memory_space<vmem>>, vector<16xf32>,
      } else {
      }
      %slice3A_282 = vector.extract_strided_slice %sub3A_267 {offsets = [1], sizes = [1], strides = [1]} : vector<16xi32> to vector<1xi32>
      %squeeze3A_283 = vector.extract %slice3A_282[0] : i32 from vector<1xi32>
      %slice3A_284 = vector.extract_strided_slice %get3A_227 {offsets = [1], sizes = [1], strides = [1]} : vector<16xi32> to vector<1xi32>
      %squeeze3A_285 = vector.extract %slice3A_284[0] : i32 from vector<1xi32>
      %slice3A_286 = vector.extract_strided_slice %get3A_230 {offsets = [1], sizes = [1], strides = [1]} : vector<16xi32> to vector<1xi32>
      %squeeze3A_287 = vector.extract %slice3A_286[0] : i32 from vector<1xi32>
      %slice3A_288 = vector.extract_strided_slice %mul3A_265 {offsets = [1], sizes = [1], strides = [1]} : vector<16xf32> to vector<1xf32>
      %squeeze3A_289 = vector.extract %slice3A_288[0] : f32 from vector<1xf32>
      %ge3A_290 = arith.constant 0 : i32
      %ge3A_291 = arith.cmpi sge, %squeeze3A_283, %ge3A_290 : i32
      %lt3A_292 = arith.constant 64 : i32
      %lt3A_293 = arith.cmpi slt, %squeeze3A_283, %lt3A_292 : i32
      %and3A_294 = arith.andi %ge3A_291, %lt3A_293 : i1
      %ne3A_295 = arith.cmpi ne, %squeeze3A_285, %squeeze3A_287 : i32
      %and3A_296 = arith.andi %and3A_294, %ne3A_295 : i1
      %convert_element_type3A_297 = arith.extui %and3A_296 : i1 to i32
      %cond3A_298 = arith.constant 0 : i32
      %cond3A_299 = arith.cmpi ne, %convert_element_type3A_297, %cond3A_298 : i32
      scf.if %cond3A_299 {
        %shift_right_arithmetic3A_552 = arith.constant 3 : i32
        %shift_right_arithmetic3A_553 = arith.shrsi %squeeze3A_285, %shift_right_arithmetic3A_552 : i32
        %and3A_554 = arith.constant 7 : i32
        %and3A_555 = arith.andi %squeeze3A_285, %and3A_554 : i32
        %mul3A_556 = arith.constant 16 : i32
        %mul3A_557 = arith.muli %and3A_555, %mul3A_556 : i32
        %get3A_558 = arith.index_cast %shift_right_arithmetic3A_553 : i32 to index
        %get3A_559 = arith.index_cast %mul3A_557 : i32 to index
        %get3A_560 = tpu.vector_load %arg17[%get3A_558, %get3A_559] {strides = array<i32>} : memref<128x128xf32, #tpu.memory_space<vmem>>, vector<16xf32>,
        %shift_right_arithmetic3A_561 = arith.constant 3 : i32
        %shift_right_arithmetic3A_562 = arith.shrsi %squeeze3A_283, %shift_right_arithmetic3A_561 : i32
        %and3A_563 = arith.constant 7 : i32
        %and3A_564 = arith.andi %squeeze3A_283, %and3A_563 : i32
        %mul3A_565 = arith.constant 16 : i32
        %mul3A_566 = arith.muli %and3A_564, %mul3A_565 : i32
        %get3A_567 = arith.index_cast %shift_right_arithmetic3A_562 : i32 to index
        %get3A_568 = arith.index_cast %mul3A_566 : i32 to index
        %get3A_569 = tpu.vector_load %arg16[%get3A_567, %get3A_568] {strides = array<i32>} : memref<8x128xf32, #tpu.memory_space<vmem>>, vector<16xf32>,
        %mul3A_570 = vector.broadcast %squeeze3A_289 : f32 to vector<16xf32>
        %mul3A_571 = arith.mulf %get3A_560, %mul3A_570 : vector<16xf32>
        %add3A = arith.addf %get3A_569, %mul3A_571 : vector<16xf32>
        %shift_right_arithmetic3A_572 = arith.constant 3 : i32
        %shift_right_arithmetic3A_573 = arith.shrsi %squeeze3A_283, %shift_right_arithmetic3A_572 : i32
        %and3A_574 = arith.constant 7 : i32
        %and3A_575 = arith.andi %squeeze3A_283, %and3A_574 : i32
        %mul3A_576 = arith.constant 16 : i32
        %mul3A_577 = arith.muli %and3A_575, %mul3A_576 : i32
        %swap3A_578 = arith.index_cast %shift_right_arithmetic3A_573 : i32 to index
        %swap3A_579 = arith.index_cast %mul3A_577 : i32 to index
        %swap3A_580 = tpu.vector_load %arg16[%swap3A_578, %swap3A_579] {strides = array<i32>} : memref<8x128xf32, #tpu.memory_space<vmem>>, vector<16xf32>,
        tpu.vector_store %arg16[%swap3A_578, %swap3A_579], %add3A {strides = array<i32>} : memref<8x128xf32, #tpu.memory_space<vmem>>, vector<16xf32>,
      } else {
      }
      %slice3A_300 = vector.extract_strided_slice %sub3A_267 {offsets = [2], sizes = [1], strides = [1]} : vector<16xi32> to vector<1xi32>
      %squeeze3A_301 = vector.extract %slice3A_300[0] : i32 from vector<1xi32>
      %slice3A_302 = vector.extract_strided_slice %get3A_227 {offsets = [2], sizes = [1], strides = [1]} : vector<16xi32> to vector<1xi32>
      %squeeze3A_303 = vector.extract %slice3A_302[0] : i32 from vector<1xi32>
      %slice3A_304 = vector.extract_strided_slice %get3A_230 {offsets = [2], sizes = [1], strides = [1]} : vector<16xi32> to vector<1xi32>
      %squeeze3A_305 = vector.extract %slice3A_304[0] : i32 from vector<1xi32>
      %slice3A_306 = vector.extract_strided_slice %mul3A_265 {offsets = [2], sizes = [1], strides = [1]} : vector<16xf32> to vector<1xf32>
      %squeeze3A_307 = vector.extract %slice3A_306[0] : f32 from vector<1xf32>
      %ge3A_308 = arith.constant 0 : i32
      %ge3A_309 = arith.cmpi sge, %squeeze3A_301, %ge3A_308 : i32
      %lt3A_310 = arith.constant 64 : i32
      %lt3A_311 = arith.cmpi slt, %squeeze3A_301, %lt3A_310 : i32
      %and3A_312 = arith.andi %ge3A_309, %lt3A_311 : i1
      %ne3A_313 = arith.cmpi ne, %squeeze3A_303, %squeeze3A_305 : i32
      %and3A_314 = arith.andi %and3A_312, %ne3A_313 : i1
      %convert_element_type3A_315 = arith.extui %and3A_314 : i1 to i32
      %cond3A_316 = arith.constant 0 : i32
      %cond3A_317 = arith.cmpi ne, %convert_element_type3A_315, %cond3A_316 : i32
      scf.if %cond3A_317 {
        %shift_right_arithmetic3A_552 = arith.constant 3 : i32
        %shift_right_arithmetic3A_553 = arith.shrsi %squeeze3A_303, %shift_right_arithmetic3A_552 : i32
        %and3A_554 = arith.constant 7 : i32
        %and3A_555 = arith.andi %squeeze3A_303, %and3A_554 : i32
        %mul3A_556 = arith.constant 16 : i32
        %mul3A_557 = arith.muli %and3A_555, %mul3A_556 : i32
        %get3A_558 = arith.index_cast %shift_right_arithmetic3A_553 : i32 to index
        %get3A_559 = arith.index_cast %mul3A_557 : i32 to index
        %get3A_560 = tpu.vector_load %arg17[%get3A_558, %get3A_559] {strides = array<i32>} : memref<128x128xf32, #tpu.memory_space<vmem>>, vector<16xf32>,
        %shift_right_arithmetic3A_561 = arith.constant 3 : i32
        %shift_right_arithmetic3A_562 = arith.shrsi %squeeze3A_301, %shift_right_arithmetic3A_561 : i32
        %and3A_563 = arith.constant 7 : i32
        %and3A_564 = arith.andi %squeeze3A_301, %and3A_563 : i32
        %mul3A_565 = arith.constant 16 : i32
        %mul3A_566 = arith.muli %and3A_564, %mul3A_565 : i32
        %get3A_567 = arith.index_cast %shift_right_arithmetic3A_562 : i32 to index
        %get3A_568 = arith.index_cast %mul3A_566 : i32 to index
        %get3A_569 = tpu.vector_load %arg16[%get3A_567, %get3A_568] {strides = array<i32>} : memref<8x128xf32, #tpu.memory_space<vmem>>, vector<16xf32>,
        %mul3A_570 = vector.broadcast %squeeze3A_307 : f32 to vector<16xf32>
        %mul3A_571 = arith.mulf %get3A_560, %mul3A_570 : vector<16xf32>
        %add3A = arith.addf %get3A_569, %mul3A_571 : vector<16xf32>
        %shift_right_arithmetic3A_572 = arith.constant 3 : i32
        %shift_right_arithmetic3A_573 = arith.shrsi %squeeze3A_301, %shift_right_arithmetic3A_572 : i32
        %and3A_574 = arith.constant 7 : i32
        %and3A_575 = arith.andi %squeeze3A_301, %and3A_574 : i32
        %mul3A_576 = arith.constant 16 : i32
        %mul3A_577 = arith.muli %and3A_575, %mul3A_576 : i32
        %swap3A_578 = arith.index_cast %shift_right_arithmetic3A_573 : i32 to index
        %swap3A_579 = arith.index_cast %mul3A_577 : i32 to index
        %swap3A_580 = tpu.vector_load %arg16[%swap3A_578, %swap3A_579] {strides = array<i32>} : memref<8x128xf32, #tpu.memory_space<vmem>>, vector<16xf32>,
        tpu.vector_store %arg16[%swap3A_578, %swap3A_579], %add3A {strides = array<i32>} : memref<8x128xf32, #tpu.memory_space<vmem>>, vector<16xf32>,
      } else {
      }
      %slice3A_318 = vector.extract_strided_slice %sub3A_267 {offsets = [3], sizes = [1], strides = [1]} : vector<16xi32> to vector<1xi32>
      %squeeze3A_319 = vector.extract %slice3A_318[0] : i32 from vector<1xi32>
      %slice3A_320 = vector.extract_strided_slice %get3A_227 {offsets = [3], sizes = [1], strides = [1]} : vector<16xi32> to vector<1xi32>
      %squeeze3A_321 = vector.extract %slice3A_320[0] : i32 from vector<1xi32>
      %slice3A_322 = vector.extract_strided_slice %get3A_230 {offsets = [3], sizes = [1], strides = [1]} : vector<16xi32> to vector<1xi32>
      %squeeze3A_323 = vector.extract %slice3A_322[0] : i32 from vector<1xi32>
      %slice3A_324 = vector.extract_strided_slice %mul3A_265 {offsets = [3], sizes = [1], strides = [1]} : vector<16xf32> to vector<1xf32>
      %squeeze3A_325 = vector.extract %slice3A_324[0] : f32 from vector<1xf32>
      %ge3A_326 = arith.constant 0 : i32
      %ge3A_327 = arith.cmpi sge, %squeeze3A_319, %ge3A_326 : i32
      %lt3A_328 = arith.constant 64 : i32
      %lt3A_329 = arith.cmpi slt, %squeeze3A_319, %lt3A_328 : i32
      %and3A_330 = arith.andi %ge3A_327, %lt3A_329 : i1
      %ne3A_331 = arith.cmpi ne, %squeeze3A_321, %squeeze3A_323 : i32
      %and3A_332 = arith.andi %and3A_330, %ne3A_331 : i1
      %convert_element_type3A_333 = arith.extui %and3A_332 : i1 to i32
      %cond3A_334 = arith.constant 0 : i32
      %cond3A_335 = arith.cmpi ne, %convert_element_type3A_333, %cond3A_334 : i32
      scf.if %cond3A_335 {
        %shift_right_arithmetic3A_552 = arith.constant 3 : i32
        %shift_right_arithmetic3A_553 = arith.shrsi %squeeze3A_321, %shift_right_arithmetic3A_552 : i32
        %and3A_554 = arith.constant 7 : i32
        %and3A_555 = arith.andi %squeeze3A_321, %and3A_554 : i32
        %mul3A_556 = arith.constant 16 : i32
        %mul3A_557 = arith.muli %and3A_555, %mul3A_556 : i32
        %get3A_558 = arith.index_cast %shift_right_arithmetic3A_553 : i32 to index
        %get3A_559 = arith.index_cast %mul3A_557 : i32 to index
        %get3A_560 = tpu.vector_load %arg17[%get3A_558, %get3A_559] {strides = array<i32>} : memref<128x128xf32, #tpu.memory_space<vmem>>, vector<16xf32>,
        %shift_right_arithmetic3A_561 = arith.constant 3 : i32
        %shift_right_arithmetic3A_562 = arith.shrsi %squeeze3A_319, %shift_right_arithmetic3A_561 : i32
        %and3A_563 = arith.constant 7 : i32
        %and3A_564 = arith.andi %squeeze3A_319, %and3A_563 : i32
        %mul3A_565 = arith.constant 16 : i32
        %mul3A_566 = arith.muli %and3A_564, %mul3A_565 : i32
        %get3A_567 = arith.index_cast %shift_right_arithmetic3A_562 : i32 to index
        %get3A_568 = arith.index_cast %mul3A_566 : i32 to index
        %get3A_569 = tpu.vector_load %arg16[%get3A_567, %get3A_568] {strides = array<i32>} : memref<8x128xf32, #tpu.memory_space<vmem>>, vector<16xf32>,
        %mul3A_570 = vector.broadcast %squeeze3A_325 : f32 to vector<16xf32>
        %mul3A_571 = arith.mulf %get3A_560, %mul3A_570 : vector<16xf32>
        %add3A = arith.addf %get3A_569, %mul3A_571 : vector<16xf32>
        %shift_right_arithmetic3A_572 = arith.constant 3 : i32
        %shift_right_arithmetic3A_573 = arith.shrsi %squeeze3A_319, %shift_right_arithmetic3A_572 : i32
        %and3A_574 = arith.constant 7 : i32
        %and3A_575 = arith.andi %squeeze3A_319, %and3A_574 : i32
        %mul3A_576 = arith.constant 16 : i32
        %mul3A_577 = arith.muli %and3A_575, %mul3A_576 : i32
        %swap3A_578 = arith.index_cast %shift_right_arithmetic3A_573 : i32 to index
        %swap3A_579 = arith.index_cast %mul3A_577 : i32 to index
        %swap3A_580 = tpu.vector_load %arg16[%swap3A_578, %swap3A_579] {strides = array<i32>} : memref<8x128xf32, #tpu.memory_space<vmem>>, vector<16xf32>,
        tpu.vector_store %arg16[%swap3A_578, %swap3A_579], %add3A {strides = array<i32>} : memref<8x128xf32, #tpu.memory_space<vmem>>, vector<16xf32>,
      } else {
      }
      %slice3A_336 = vector.extract_strided_slice %sub3A_267 {offsets = [4], sizes = [1], strides = [1]} : vector<16xi32> to vector<1xi32>
      %squeeze3A_337 = vector.extract %slice3A_336[0] : i32 from vector<1xi32>
      %slice3A_338 = vector.extract_strided_slice %get3A_227 {offsets = [4], sizes = [1], strides = [1]} : vector<16xi32> to vector<1xi32>
      %squeeze3A_339 = vector.extract %slice3A_338[0] : i32 from vector<1xi32>
      %slice3A_340 = vector.extract_strided_slice %get3A_230 {offsets = [4], sizes = [1], strides = [1]} : vector<16xi32> to vector<1xi32>
      %squeeze3A_341 = vector.extract %slice3A_340[0] : i32 from vector<1xi32>
      %slice3A_342 = vector.extract_strided_slice %mul3A_265 {offsets = [4], sizes = [1], strides = [1]} : vector<16xf32> to vector<1xf32>
      %squeeze3A_343 = vector.extract %slice3A_342[0] : f32 from vector<1xf32>
      %ge3A_344 = arith.constant 0 : i32
      %ge3A_345 = arith.cmpi sge, %squeeze3A_337, %ge3A_344 : i32
      %lt3A_346 = arith.constant 64 : i32
      %lt3A_347 = arith.cmpi slt, %squeeze3A_337, %lt3A_346 : i32
      %and3A_348 = arith.andi %ge3A_345, %lt3A_347 : i1
      %ne3A_349 = arith.cmpi ne, %squeeze3A_339, %squeeze3A_341 : i32
      %and3A_350 = arith.andi %and3A_348, %ne3A_349 : i1
      %convert_element_type3A_351 = arith.extui %and3A_350 : i1 to i32
      %cond3A_352 = arith.constant 0 : i32
      %cond3A_353 = arith.cmpi ne, %convert_element_type3A_351, %cond3A_352 : i32
      scf.if %cond3A_353 {
        %shift_right_arithmetic3A_552 = arith.constant 3 : i32
        %shift_right_arithmetic3A_553 = arith.shrsi %squeeze3A_339, %shift_right_arithmetic3A_552 : i32
        %and3A_554 = arith.constant 7 : i32
        %and3A_555 = arith.andi %squeeze3A_339, %and3A_554 : i32
        %mul3A_556 = arith.constant 16 : i32
        %mul3A_557 = arith.muli %and3A_555, %mul3A_556 : i32
        %get3A_558 = arith.index_cast %shift_right_arithmetic3A_553 : i32 to index
        %get3A_559 = arith.index_cast %mul3A_557 : i32 to index
        %get3A_560 = tpu.vector_load %arg17[%get3A_558, %get3A_559] {strides = array<i32>} : memref<128x128xf32, #tpu.memory_space<vmem>>, vector<16xf32>,
        %shift_right_arithmetic3A_561 = arith.constant 3 : i32
        %shift_right_arithmetic3A_562 = arith.shrsi %squeeze3A_337, %shift_right_arithmetic3A_561 : i32
        %and3A_563 = arith.constant 7 : i32
        %and3A_564 = arith.andi %squeeze3A_337, %and3A_563 : i32
        %mul3A_565 = arith.constant 16 : i32
        %mul3A_566 = arith.muli %and3A_564, %mul3A_565 : i32
        %get3A_567 = arith.index_cast %shift_right_arithmetic3A_562 : i32 to index
        %get3A_568 = arith.index_cast %mul3A_566 : i32 to index
        %get3A_569 = tpu.vector_load %arg16[%get3A_567, %get3A_568] {strides = array<i32>} : memref<8x128xf32, #tpu.memory_space<vmem>>, vector<16xf32>,
        %mul3A_570 = vector.broadcast %squeeze3A_343 : f32 to vector<16xf32>
        %mul3A_571 = arith.mulf %get3A_560, %mul3A_570 : vector<16xf32>
        %add3A = arith.addf %get3A_569, %mul3A_571 : vector<16xf32>
        %shift_right_arithmetic3A_572 = arith.constant 3 : i32
        %shift_right_arithmetic3A_573 = arith.shrsi %squeeze3A_337, %shift_right_arithmetic3A_572 : i32
        %and3A_574 = arith.constant 7 : i32
        %and3A_575 = arith.andi %squeeze3A_337, %and3A_574 : i32
        %mul3A_576 = arith.constant 16 : i32
        %mul3A_577 = arith.muli %and3A_575, %mul3A_576 : i32
        %swap3A_578 = arith.index_cast %shift_right_arithmetic3A_573 : i32 to index
        %swap3A_579 = arith.index_cast %mul3A_577 : i32 to index
        %swap3A_580 = tpu.vector_load %arg16[%swap3A_578, %swap3A_579] {strides = array<i32>} : memref<8x128xf32, #tpu.memory_space<vmem>>, vector<16xf32>,
        tpu.vector_store %arg16[%swap3A_578, %swap3A_579], %add3A {strides = array<i32>} : memref<8x128xf32, #tpu.memory_space<vmem>>, vector<16xf32>,
      } else {
      }
      %slice3A_354 = vector.extract_strided_slice %sub3A_267 {offsets = [5], sizes = [1], strides = [1]} : vector<16xi32> to vector<1xi32>
      %squeeze3A_355 = vector.extract %slice3A_354[0] : i32 from vector<1xi32>
      %slice3A_356 = vector.extract_strided_slice %get3A_227 {offsets = [5], sizes = [1], strides = [1]} : vector<16xi32> to vector<1xi32>
      %squeeze3A_357 = vector.extract %slice3A_356[0] : i32 from vector<1xi32>
      %slice3A_358 = vector.extract_strided_slice %get3A_230 {offsets = [5], sizes = [1], strides = [1]} : vector<16xi32> to vector<1xi32>
      %squeeze3A_359 = vector.extract %slice3A_358[0] : i32 from vector<1xi32>
      %slice3A_360 = vector.extract_strided_slice %mul3A_265 {offsets = [5], sizes = [1], strides = [1]} : vector<16xf32> to vector<1xf32>
      %squeeze3A_361 = vector.extract %slice3A_360[0] : f32 from vector<1xf32>
      %ge3A_362 = arith.constant 0 : i32
      %ge3A_363 = arith.cmpi sge, %squeeze3A_355, %ge3A_362 : i32
      %lt3A_364 = arith.constant 64 : i32
      %lt3A_365 = arith.cmpi slt, %squeeze3A_355, %lt3A_364 : i32
      %and3A_366 = arith.andi %ge3A_363, %lt3A_365 : i1
      %ne3A_367 = arith.cmpi ne, %squeeze3A_357, %squeeze3A_359 : i32
      %and3A_368 = arith.andi %and3A_366, %ne3A_367 : i1
      %convert_element_type3A_369 = arith.extui %and3A_368 : i1 to i32
      %cond3A_370 = arith.constant 0 : i32
      %cond3A_371 = arith.cmpi ne, %convert_element_type3A_369, %cond3A_370 : i32
      scf.if %cond3A_371 {
        %shift_right_arithmetic3A_552 = arith.constant 3 : i32
        %shift_right_arithmetic3A_553 = arith.shrsi %squeeze3A_357, %shift_right_arithmetic3A_552 : i32
        %and3A_554 = arith.constant 7 : i32
        %and3A_555 = arith.andi %squeeze3A_357, %and3A_554 : i32
        %mul3A_556 = arith.constant 16 : i32
        %mul3A_557 = arith.muli %and3A_555, %mul3A_556 : i32
        %get3A_558 = arith.index_cast %shift_right_arithmetic3A_553 : i32 to index
        %get3A_559 = arith.index_cast %mul3A_557 : i32 to index
        %get3A_560 = tpu.vector_load %arg17[%get3A_558, %get3A_559] {strides = array<i32>} : memref<128x128xf32, #tpu.memory_space<vmem>>, vector<16xf32>,
        %shift_right_arithmetic3A_561 = arith.constant 3 : i32
        %shift_right_arithmetic3A_562 = arith.shrsi %squeeze3A_355, %shift_right_arithmetic3A_561 : i32
        %and3A_563 = arith.constant 7 : i32
        %and3A_564 = arith.andi %squeeze3A_355, %and3A_563 : i32
        %mul3A_565 = arith.constant 16 : i32
        %mul3A_566 = arith.muli %and3A_564, %mul3A_565 : i32
        %get3A_567 = arith.index_cast %shift_right_arithmetic3A_562 : i32 to index
        %get3A_568 = arith.index_cast %mul3A_566 : i32 to index
        %get3A_569 = tpu.vector_load %arg16[%get3A_567, %get3A_568] {strides = array<i32>} : memref<8x128xf32, #tpu.memory_space<vmem>>, vector<16xf32>,
        %mul3A_570 = vector.broadcast %squeeze3A_361 : f32 to vector<16xf32>
        %mul3A_571 = arith.mulf %get3A_560, %mul3A_570 : vector<16xf32>
        %add3A = arith.addf %get3A_569, %mul3A_571 : vector<16xf32>
        %shift_right_arithmetic3A_572 = arith.constant 3 : i32
        %shift_right_arithmetic3A_573 = arith.shrsi %squeeze3A_355, %shift_right_arithmetic3A_572 : i32
        %and3A_574 = arith.constant 7 : i32
        %and3A_575 = arith.andi %squeeze3A_355, %and3A_574 : i32
        %mul3A_576 = arith.constant 16 : i32
        %mul3A_577 = arith.muli %and3A_575, %mul3A_576 : i32
        %swap3A_578 = arith.index_cast %shift_right_arithmetic3A_573 : i32 to index
        %swap3A_579 = arith.index_cast %mul3A_577 : i32 to index
        %swap3A_580 = tpu.vector_load %arg16[%swap3A_578, %swap3A_579] {strides = array<i32>} : memref<8x128xf32, #tpu.memory_space<vmem>>, vector<16xf32>,
        tpu.vector_store %arg16[%swap3A_578, %swap3A_579], %add3A {strides = array<i32>} : memref<8x128xf32, #tpu.memory_space<vmem>>, vector<16xf32>,
      } else {
      }
      %slice3A_372 = vector.extract_strided_slice %sub3A_267 {offsets = [6], sizes = [1], strides = [1]} : vector<16xi32> to vector<1xi32>
      %squeeze3A_373 = vector.extract %slice3A_372[0] : i32 from vector<1xi32>
      %slice3A_374 = vector.extract_strided_slice %get3A_227 {offsets = [6], sizes = [1], strides = [1]} : vector<16xi32> to vector<1xi32>
      %squeeze3A_375 = vector.extract %slice3A_374[0] : i32 from vector<1xi32>
      %slice3A_376 = vector.extract_strided_slice %get3A_230 {offsets = [6], sizes = [1], strides = [1]} : vector<16xi32> to vector<1xi32>
      %squeeze3A_377 = vector.extract %slice3A_376[0] : i32 from vector<1xi32>
      %slice3A_378 = vector.extract_strided_slice %mul3A_265 {offsets = [6], sizes = [1], strides = [1]} : vector<16xf32> to vector<1xf32>
      %squeeze3A_379 = vector.extract %slice3A_378[0] : f32 from vector<1xf32>
      %ge3A_380 = arith.constant 0 : i32
      %ge3A_381 = arith.cmpi sge, %squeeze3A_373, %ge3A_380 : i32
      %lt3A_382 = arith.constant 64 : i32
      %lt3A_383 = arith.cmpi slt, %squeeze3A_373, %lt3A_382 : i32
      %and3A_384 = arith.andi %ge3A_381, %lt3A_383 : i1
      %ne3A_385 = arith.cmpi ne, %squeeze3A_375, %squeeze3A_377 : i32
      %and3A_386 = arith.andi %and3A_384, %ne3A_385 : i1
      %convert_element_type3A_387 = arith.extui %and3A_386 : i1 to i32
      %cond3A_388 = arith.constant 0 : i32
      %cond3A_389 = arith.cmpi ne, %convert_element_type3A_387, %cond3A_388 : i32
      scf.if %cond3A_389 {
        %shift_right_arithmetic3A_552 = arith.constant 3 : i32
        %shift_right_arithmetic3A_553 = arith.shrsi %squeeze3A_375, %shift_right_arithmetic3A_552 : i32
        %and3A_554 = arith.constant 7 : i32
        %and3A_555 = arith.andi %squeeze3A_375, %and3A_554 : i32
        %mul3A_556 = arith.constant 16 : i32
        %mul3A_557 = arith.muli %and3A_555, %mul3A_556 : i32
        %get3A_558 = arith.index_cast %shift_right_arithmetic3A_553 : i32 to index
        %get3A_559 = arith.index_cast %mul3A_557 : i32 to index
        %get3A_560 = tpu.vector_load %arg17[%get3A_558, %get3A_559] {strides = array<i32>} : memref<128x128xf32, #tpu.memory_space<vmem>>, vector<16xf32>,
        %shift_right_arithmetic3A_561 = arith.constant 3 : i32
        %shift_right_arithmetic3A_562 = arith.shrsi %squeeze3A_373, %shift_right_arithmetic3A_561 : i32
        %and3A_563 = arith.constant 7 : i32
        %and3A_564 = arith.andi %squeeze3A_373, %and3A_563 : i32
        %mul3A_565 = arith.constant 16 : i32
        %mul3A_566 = arith.muli %and3A_564, %mul3A_565 : i32
        %get3A_567 = arith.index_cast %shift_right_arithmetic3A_562 : i32 to index
        %get3A_568 = arith.index_cast %mul3A_566 : i32 to index
        %get3A_569 = tpu.vector_load %arg16[%get3A_567, %get3A_568] {strides = array<i32>} : memref<8x128xf32, #tpu.memory_space<vmem>>, vector<16xf32>,
        %mul3A_570 = vector.broadcast %squeeze3A_379 : f32 to vector<16xf32>
        %mul3A_571 = arith.mulf %get3A_560, %mul3A_570 : vector<16xf32>
        %add3A = arith.addf %get3A_569, %mul3A_571 : vector<16xf32>
        %shift_right_arithmetic3A_572 = arith.constant 3 : i32
        %shift_right_arithmetic3A_573 = arith.shrsi %squeeze3A_373, %shift_right_arithmetic3A_572 : i32
        %and3A_574 = arith.constant 7 : i32
        %and3A_575 = arith.andi %squeeze3A_373, %and3A_574 : i32
        %mul3A_576 = arith.constant 16 : i32
        %mul3A_577 = arith.muli %and3A_575, %mul3A_576 : i32
        %swap3A_578 = arith.index_cast %shift_right_arithmetic3A_573 : i32 to index
        %swap3A_579 = arith.index_cast %mul3A_577 : i32 to index
        %swap3A_580 = tpu.vector_load %arg16[%swap3A_578, %swap3A_579] {strides = array<i32>} : memref<8x128xf32, #tpu.memory_space<vmem>>, vector<16xf32>,
        tpu.vector_store %arg16[%swap3A_578, %swap3A_579], %add3A {strides = array<i32>} : memref<8x128xf32, #tpu.memory_space<vmem>>, vector<16xf32>,
      } else {
      }
      %slice3A_390 = vector.extract_strided_slice %sub3A_267 {offsets = [7], sizes = [1], strides = [1]} : vector<16xi32> to vector<1xi32>
      %squeeze3A_391 = vector.extract %slice3A_390[0] : i32 from vector<1xi32>
      %slice3A_392 = vector.extract_strided_slice %get3A_227 {offsets = [7], sizes = [1], strides = [1]} : vector<16xi32> to vector<1xi32>
      %squeeze3A_393 = vector.extract %slice3A_392[0] : i32 from vector<1xi32>
      %slice3A_394 = vector.extract_strided_slice %get3A_230 {offsets = [7], sizes = [1], strides = [1]} : vector<16xi32> to vector<1xi32>
      %squeeze3A_395 = vector.extract %slice3A_394[0] : i32 from vector<1xi32>
      %slice3A_396 = vector.extract_strided_slice %mul3A_265 {offsets = [7], sizes = [1], strides = [1]} : vector<16xf32> to vector<1xf32>
      %squeeze3A_397 = vector.extract %slice3A_396[0] : f32 from vector<1xf32>
      %ge3A_398 = arith.constant 0 : i32
      %ge3A_399 = arith.cmpi sge, %squeeze3A_391, %ge3A_398 : i32
      %lt3A_400 = arith.constant 64 : i32
      %lt3A_401 = arith.cmpi slt, %squeeze3A_391, %lt3A_400 : i32
      %and3A_402 = arith.andi %ge3A_399, %lt3A_401 : i1
      %ne3A_403 = arith.cmpi ne, %squeeze3A_393, %squeeze3A_395 : i32
      %and3A_404 = arith.andi %and3A_402, %ne3A_403 : i1
      %convert_element_type3A_405 = arith.extui %and3A_404 : i1 to i32
      %cond3A_406 = arith.constant 0 : i32
      %cond3A_407 = arith.cmpi ne, %convert_element_type3A_405, %cond3A_406 : i32
      scf.if %cond3A_407 {
        %shift_right_arithmetic3A_552 = arith.constant 3 : i32
        %shift_right_arithmetic3A_553 = arith.shrsi %squeeze3A_393, %shift_right_arithmetic3A_552 : i32
        %and3A_554 = arith.constant 7 : i32
        %and3A_555 = arith.andi %squeeze3A_393, %and3A_554 : i32
        %mul3A_556 = arith.constant 16 : i32
        %mul3A_557 = arith.muli %and3A_555, %mul3A_556 : i32
        %get3A_558 = arith.index_cast %shift_right_arithmetic3A_553 : i32 to index
        %get3A_559 = arith.index_cast %mul3A_557 : i32 to index
        %get3A_560 = tpu.vector_load %arg17[%get3A_558, %get3A_559] {strides = array<i32>} : memref<128x128xf32, #tpu.memory_space<vmem>>, vector<16xf32>,
        %shift_right_arithmetic3A_561 = arith.constant 3 : i32
        %shift_right_arithmetic3A_562 = arith.shrsi %squeeze3A_391, %shift_right_arithmetic3A_561 : i32
        %and3A_563 = arith.constant 7 : i32
        %and3A_564 = arith.andi %squeeze3A_391, %and3A_563 : i32
        %mul3A_565 = arith.constant 16 : i32
        %mul3A_566 = arith.muli %and3A_564, %mul3A_565 : i32
        %get3A_567 = arith.index_cast %shift_right_arithmetic3A_562 : i32 to index
        %get3A_568 = arith.index_cast %mul3A_566 : i32 to index
        %get3A_569 = tpu.vector_load %arg16[%get3A_567, %get3A_568] {strides = array<i32>} : memref<8x128xf32, #tpu.memory_space<vmem>>, vector<16xf32>,
        %mul3A_570 = vector.broadcast %squeeze3A_397 : f32 to vector<16xf32>
        %mul3A_571 = arith.mulf %get3A_560, %mul3A_570 : vector<16xf32>
        %add3A = arith.addf %get3A_569, %mul3A_571 : vector<16xf32>
        %shift_right_arithmetic3A_572 = arith.constant 3 : i32
        %shift_right_arithmetic3A_573 = arith.shrsi %squeeze3A_391, %shift_right_arithmetic3A_572 : i32
        %and3A_574 = arith.constant 7 : i32
        %and3A_575 = arith.andi %squeeze3A_391, %and3A_574 : i32
        %mul3A_576 = arith.constant 16 : i32
        %mul3A_577 = arith.muli %and3A_575, %mul3A_576 : i32
        %swap3A_578 = arith.index_cast %shift_right_arithmetic3A_573 : i32 to index
        %swap3A_579 = arith.index_cast %mul3A_577 : i32 to index
        %swap3A_580 = tpu.vector_load %arg16[%swap3A_578, %swap3A_579] {strides = array<i32>} : memref<8x128xf32, #tpu.memory_space<vmem>>, vector<16xf32>,
        tpu.vector_store %arg16[%swap3A_578, %swap3A_579], %add3A {strides = array<i32>} : memref<8x128xf32, #tpu.memory_space<vmem>>, vector<16xf32>,
      } else {
      }
      %slice3A_408 = vector.extract_strided_slice %sub3A_267 {offsets = [8], sizes = [1], strides = [1]} : vector<16xi32> to vector<1xi32>
      %squeeze3A_409 = vector.extract %slice3A_408[0] : i32 from vector<1xi32>
      %slice3A_410 = vector.extract_strided_slice %get3A_227 {offsets = [8], sizes = [1], strides = [1]} : vector<16xi32> to vector<1xi32>
      %squeeze3A_411 = vector.extract %slice3A_410[0] : i32 from vector<1xi32>
      %slice3A_412 = vector.extract_strided_slice %get3A_230 {offsets = [8], sizes = [1], strides = [1]} : vector<16xi32> to vector<1xi32>
      %squeeze3A_413 = vector.extract %slice3A_412[0] : i32 from vector<1xi32>
      %slice3A_414 = vector.extract_strided_slice %mul3A_265 {offsets = [8], sizes = [1], strides = [1]} : vector<16xf32> to vector<1xf32>
      %squeeze3A_415 = vector.extract %slice3A_414[0] : f32 from vector<1xf32>
      %ge3A_416 = arith.constant 0 : i32
      %ge3A_417 = arith.cmpi sge, %squeeze3A_409, %ge3A_416 : i32
      %lt3A_418 = arith.constant 64 : i32
      %lt3A_419 = arith.cmpi slt, %squeeze3A_409, %lt3A_418 : i32
      %and3A_420 = arith.andi %ge3A_417, %lt3A_419 : i1
      %ne3A_421 = arith.cmpi ne, %squeeze3A_411, %squeeze3A_413 : i32
      %and3A_422 = arith.andi %and3A_420, %ne3A_421 : i1
      %convert_element_type3A_423 = arith.extui %and3A_422 : i1 to i32
      %cond3A_424 = arith.constant 0 : i32
      %cond3A_425 = arith.cmpi ne, %convert_element_type3A_423, %cond3A_424 : i32
      scf.if %cond3A_425 {
        %shift_right_arithmetic3A_552 = arith.constant 3 : i32
        %shift_right_arithmetic3A_553 = arith.shrsi %squeeze3A_411, %shift_right_arithmetic3A_552 : i32
        %and3A_554 = arith.constant 7 : i32
        %and3A_555 = arith.andi %squeeze3A_411, %and3A_554 : i32
        %mul3A_556 = arith.constant 16 : i32
        %mul3A_557 = arith.muli %and3A_555, %mul3A_556 : i32
        %get3A_558 = arith.index_cast %shift_right_arithmetic3A_553 : i32 to index
        %get3A_559 = arith.index_cast %mul3A_557 : i32 to index
        %get3A_560 = tpu.vector_load %arg17[%get3A_558, %get3A_559] {strides = array<i32>} : memref<128x128xf32, #tpu.memory_space<vmem>>, vector<16xf32>,
        %shift_right_arithmetic3A_561 = arith.constant 3 : i32
        %shift_right_arithmetic3A_562 = arith.shrsi %squeeze3A_409, %shift_right_arithmetic3A_561 : i32
        %and3A_563 = arith.constant 7 : i32
        %and3A_564 = arith.andi %squeeze3A_409, %and3A_563 : i32
        %mul3A_565 = arith.constant 16 : i32
        %mul3A_566 = arith.muli %and3A_564, %mul3A_565 : i32
        %get3A_567 = arith.index_cast %shift_right_arithmetic3A_562 : i32 to index
        %get3A_568 = arith.index_cast %mul3A_566 : i32 to index
        %get3A_569 = tpu.vector_load %arg16[%get3A_567, %get3A_568] {strides = array<i32>} : memref<8x128xf32, #tpu.memory_space<vmem>>, vector<16xf32>,
        %mul3A_570 = vector.broadcast %squeeze3A_415 : f32 to vector<16xf32>
        %mul3A_571 = arith.mulf %get3A_560, %mul3A_570 : vector<16xf32>
        %add3A = arith.addf %get3A_569, %mul3A_571 : vector<16xf32>
        %shift_right_arithmetic3A_572 = arith.constant 3 : i32
        %shift_right_arithmetic3A_573 = arith.shrsi %squeeze3A_409, %shift_right_arithmetic3A_572 : i32
        %and3A_574 = arith.constant 7 : i32
        %and3A_575 = arith.andi %squeeze3A_409, %and3A_574 : i32
        %mul3A_576 = arith.constant 16 : i32
        %mul3A_577 = arith.muli %and3A_575, %mul3A_576 : i32
        %swap3A_578 = arith.index_cast %shift_right_arithmetic3A_573 : i32 to index
        %swap3A_579 = arith.index_cast %mul3A_577 : i32 to index
        %swap3A_580 = tpu.vector_load %arg16[%swap3A_578, %swap3A_579] {strides = array<i32>} : memref<8x128xf32, #tpu.memory_space<vmem>>, vector<16xf32>,
        tpu.vector_store %arg16[%swap3A_578, %swap3A_579], %add3A {strides = array<i32>} : memref<8x128xf32, #tpu.memory_space<vmem>>, vector<16xf32>,
      } else {
      }
      %slice3A_426 = vector.extract_strided_slice %sub3A_267 {offsets = [9], sizes = [1], strides = [1]} : vector<16xi32> to vector<1xi32>
      %squeeze3A_427 = vector.extract %slice3A_426[0] : i32 from vector<1xi32>
      %slice3A_428 = vector.extract_strided_slice %get3A_227 {offsets = [9], sizes = [1], strides = [1]} : vector<16xi32> to vector<1xi32>
      %squeeze3A_429 = vector.extract %slice3A_428[0] : i32 from vector<1xi32>
      %slice3A_430 = vector.extract_strided_slice %get3A_230 {offsets = [9], sizes = [1], strides = [1]} : vector<16xi32> to vector<1xi32>
      %squeeze3A_431 = vector.extract %slice3A_430[0] : i32 from vector<1xi32>
      %slice3A_432 = vector.extract_strided_slice %mul3A_265 {offsets = [9], sizes = [1], strides = [1]} : vector<16xf32> to vector<1xf32>
      %squeeze3A_433 = vector.extract %slice3A_432[0] : f32 from vector<1xf32>
      %ge3A_434 = arith.constant 0 : i32
      %ge3A_435 = arith.cmpi sge, %squeeze3A_427, %ge3A_434 : i32
      %lt3A_436 = arith.constant 64 : i32
      %lt3A_437 = arith.cmpi slt, %squeeze3A_427, %lt3A_436 : i32
      %and3A_438 = arith.andi %ge3A_435, %lt3A_437 : i1
      %ne3A_439 = arith.cmpi ne, %squeeze3A_429, %squeeze3A_431 : i32
      %and3A_440 = arith.andi %and3A_438, %ne3A_439 : i1
      %convert_element_type3A_441 = arith.extui %and3A_440 : i1 to i32
      %cond3A_442 = arith.constant 0 : i32
      %cond3A_443 = arith.cmpi ne, %convert_element_type3A_441, %cond3A_442 : i32
      scf.if %cond3A_443 {
        %shift_right_arithmetic3A_552 = arith.constant 3 : i32
        %shift_right_arithmetic3A_553 = arith.shrsi %squeeze3A_429, %shift_right_arithmetic3A_552 : i32
        %and3A_554 = arith.constant 7 : i32
        %and3A_555 = arith.andi %squeeze3A_429, %and3A_554 : i32
        %mul3A_556 = arith.constant 16 : i32
        %mul3A_557 = arith.muli %and3A_555, %mul3A_556 : i32
        %get3A_558 = arith.index_cast %shift_right_arithmetic3A_553 : i32 to index
        %get3A_559 = arith.index_cast %mul3A_557 : i32 to index
        %get3A_560 = tpu.vector_load %arg17[%get3A_558, %get3A_559] {strides = array<i32>} : memref<128x128xf32, #tpu.memory_space<vmem>>, vector<16xf32>,
        %shift_right_arithmetic3A_561 = arith.constant 3 : i32
        %shift_right_arithmetic3A_562 = arith.shrsi %squeeze3A_427, %shift_right_arithmetic3A_561 : i32
        %and3A_563 = arith.constant 7 : i32
        %and3A_564 = arith.andi %squeeze3A_427, %and3A_563 : i32
        %mul3A_565 = arith.constant 16 : i32
        %mul3A_566 = arith.muli %and3A_564, %mul3A_565 : i32
        %get3A_567 = arith.index_cast %shift_right_arithmetic3A_562 : i32 to index
        %get3A_568 = arith.index_cast %mul3A_566 : i32 to index
        %get3A_569 = tpu.vector_load %arg16[%get3A_567, %get3A_568] {strides = array<i32>} : memref<8x128xf32, #tpu.memory_space<vmem>>, vector<16xf32>,
        %mul3A_570 = vector.broadcast %squeeze3A_433 : f32 to vector<16xf32>
        %mul3A_571 = arith.mulf %get3A_560, %mul3A_570 : vector<16xf32>
        %add3A = arith.addf %get3A_569, %mul3A_571 : vector<16xf32>
        %shift_right_arithmetic3A_572 = arith.constant 3 : i32
        %shift_right_arithmetic3A_573 = arith.shrsi %squeeze3A_427, %shift_right_arithmetic3A_572 : i32
        %and3A_574 = arith.constant 7 : i32
        %and3A_575 = arith.andi %squeeze3A_427, %and3A_574 : i32
        %mul3A_576 = arith.constant 16 : i32
        %mul3A_577 = arith.muli %and3A_575, %mul3A_576 : i32
        %swap3A_578 = arith.index_cast %shift_right_arithmetic3A_573 : i32 to index
        %swap3A_579 = arith.index_cast %mul3A_577 : i32 to index
        %swap3A_580 = tpu.vector_load %arg16[%swap3A_578, %swap3A_579] {strides = array<i32>} : memref<8x128xf32, #tpu.memory_space<vmem>>, vector<16xf32>,
        tpu.vector_store %arg16[%swap3A_578, %swap3A_579], %add3A {strides = array<i32>} : memref<8x128xf32, #tpu.memory_space<vmem>>, vector<16xf32>,
      } else {
      }
      %slice3A_444 = vector.extract_strided_slice %sub3A_267 {offsets = [10], sizes = [1], strides = [1]} : vector<16xi32> to vector<1xi32>
      %squeeze3A_445 = vector.extract %slice3A_444[0] : i32 from vector<1xi32>
      %slice3A_446 = vector.extract_strided_slice %get3A_227 {offsets = [10], sizes = [1], strides = [1]} : vector<16xi32> to vector<1xi32>
      %squeeze3A_447 = vector.extract %slice3A_446[0] : i32 from vector<1xi32>
      %slice3A_448 = vector.extract_strided_slice %get3A_230 {offsets = [10], sizes = [1], strides = [1]} : vector<16xi32> to vector<1xi32>
      %squeeze3A_449 = vector.extract %slice3A_448[0] : i32 from vector<1xi32>
      %slice3A_450 = vector.extract_strided_slice %mul3A_265 {offsets = [10], sizes = [1], strides = [1]} : vector<16xf32> to vector<1xf32>
      %squeeze3A_451 = vector.extract %slice3A_450[0] : f32 from vector<1xf32>
      %ge3A_452 = arith.constant 0 : i32
      %ge3A_453 = arith.cmpi sge, %squeeze3A_445, %ge3A_452 : i32
      %lt3A_454 = arith.constant 64 : i32
      %lt3A_455 = arith.cmpi slt, %squeeze3A_445, %lt3A_454 : i32
      %and3A_456 = arith.andi %ge3A_453, %lt3A_455 : i1
      %ne3A_457 = arith.cmpi ne, %squeeze3A_447, %squeeze3A_449 : i32
      %and3A_458 = arith.andi %and3A_456, %ne3A_457 : i1
      %convert_element_type3A_459 = arith.extui %and3A_458 : i1 to i32
      %cond3A_460 = arith.constant 0 : i32
      %cond3A_461 = arith.cmpi ne, %convert_element_type3A_459, %cond3A_460 : i32
      scf.if %cond3A_461 {
        %shift_right_arithmetic3A_552 = arith.constant 3 : i32
        %shift_right_arithmetic3A_553 = arith.shrsi %squeeze3A_447, %shift_right_arithmetic3A_552 : i32
        %and3A_554 = arith.constant 7 : i32
        %and3A_555 = arith.andi %squeeze3A_447, %and3A_554 : i32
        %mul3A_556 = arith.constant 16 : i32
        %mul3A_557 = arith.muli %and3A_555, %mul3A_556 : i32
        %get3A_558 = arith.index_cast %shift_right_arithmetic3A_553 : i32 to index
        %get3A_559 = arith.index_cast %mul3A_557 : i32 to index
        %get3A_560 = tpu.vector_load %arg17[%get3A_558, %get3A_559] {strides = array<i32>} : memref<128x128xf32, #tpu.memory_space<vmem>>, vector<16xf32>,
        %shift_right_arithmetic3A_561 = arith.constant 3 : i32
        %shift_right_arithmetic3A_562 = arith.shrsi %squeeze3A_445, %shift_right_arithmetic3A_561 : i32
        %and3A_563 = arith.constant 7 : i32
        %and3A_564 = arith.andi %squeeze3A_445, %and3A_563 : i32
        %mul3A_565 = arith.constant 16 : i32
        %mul3A_566 = arith.muli %and3A_564, %mul3A_565 : i32
        %get3A_567 = arith.index_cast %shift_right_arithmetic3A_562 : i32 to index
        %get3A_568 = arith.index_cast %mul3A_566 : i32 to index
        %get3A_569 = tpu.vector_load %arg16[%get3A_567, %get3A_568] {strides = array<i32>} : memref<8x128xf32, #tpu.memory_space<vmem>>, vector<16xf32>,
        %mul3A_570 = vector.broadcast %squeeze3A_451 : f32 to vector<16xf32>
        %mul3A_571 = arith.mulf %get3A_560, %mul3A_570 : vector<16xf32>
        %add3A = arith.addf %get3A_569, %mul3A_571 : vector<16xf32>
        %shift_right_arithmetic3A_572 = arith.constant 3 : i32
        %shift_right_arithmetic3A_573 = arith.shrsi %squeeze3A_445, %shift_right_arithmetic3A_572 : i32
        %and3A_574 = arith.constant 7 : i32
        %and3A_575 = arith.andi %squeeze3A_445, %and3A_574 : i32
        %mul3A_576 = arith.constant 16 : i32
        %mul3A_577 = arith.muli %and3A_575, %mul3A_576 : i32
        %swap3A_578 = arith.index_cast %shift_right_arithmetic3A_573 : i32 to index
        %swap3A_579 = arith.index_cast %mul3A_577 : i32 to index
        %swap3A_580 = tpu.vector_load %arg16[%swap3A_578, %swap3A_579] {strides = array<i32>} : memref<8x128xf32, #tpu.memory_space<vmem>>, vector<16xf32>,
        tpu.vector_store %arg16[%swap3A_578, %swap3A_579], %add3A {strides = array<i32>} : memref<8x128xf32, #tpu.memory_space<vmem>>, vector<16xf32>,
      } else {
      }
      %slice3A_462 = vector.extract_strided_slice %sub3A_267 {offsets = [11], sizes = [1], strides = [1]} : vector<16xi32> to vector<1xi32>
      %squeeze3A_463 = vector.extract %slice3A_462[0] : i32 from vector<1xi32>
      %slice3A_464 = vector.extract_strided_slice %get3A_227 {offsets = [11], sizes = [1], strides = [1]} : vector<16xi32> to vector<1xi32>
      %squeeze3A_465 = vector.extract %slice3A_464[0] : i32 from vector<1xi32>
      %slice3A_466 = vector.extract_strided_slice %get3A_230 {offsets = [11], sizes = [1], strides = [1]} : vector<16xi32> to vector<1xi32>
      %squeeze3A_467 = vector.extract %slice3A_466[0] : i32 from vector<1xi32>
      %slice3A_468 = vector.extract_strided_slice %mul3A_265 {offsets = [11], sizes = [1], strides = [1]} : vector<16xf32> to vector<1xf32>
      %squeeze3A_469 = vector.extract %slice3A_468[0] : f32 from vector<1xf32>
      %ge3A_470 = arith.constant 0 : i32
      %ge3A_471 = arith.cmpi sge, %squeeze3A_463, %ge3A_470 : i32
      %lt3A_472 = arith.constant 64 : i32
      %lt3A_473 = arith.cmpi slt, %squeeze3A_463, %lt3A_472 : i32
      %and3A_474 = arith.andi %ge3A_471, %lt3A_473 : i1
      %ne3A_475 = arith.cmpi ne, %squeeze3A_465, %squeeze3A_467 : i32
      %and3A_476 = arith.andi %and3A_474, %ne3A_475 : i1
      %convert_element_type3A_477 = arith.extui %and3A_476 : i1 to i32
      %cond3A_478 = arith.constant 0 : i32
      %cond3A_479 = arith.cmpi ne, %convert_element_type3A_477, %cond3A_478 : i32
      scf.if %cond3A_479 {
        %shift_right_arithmetic3A_552 = arith.constant 3 : i32
        %shift_right_arithmetic3A_553 = arith.shrsi %squeeze3A_465, %shift_right_arithmetic3A_552 : i32
        %and3A_554 = arith.constant 7 : i32
        %and3A_555 = arith.andi %squeeze3A_465, %and3A_554 : i32
        %mul3A_556 = arith.constant 16 : i32
        %mul3A_557 = arith.muli %and3A_555, %mul3A_556 : i32
        %get3A_558 = arith.index_cast %shift_right_arithmetic3A_553 : i32 to index
        %get3A_559 = arith.index_cast %mul3A_557 : i32 to index
        %get3A_560 = tpu.vector_load %arg17[%get3A_558, %get3A_559] {strides = array<i32>} : memref<128x128xf32, #tpu.memory_space<vmem>>, vector<16xf32>,
        %shift_right_arithmetic3A_561 = arith.constant 3 : i32
        %shift_right_arithmetic3A_562 = arith.shrsi %squeeze3A_463, %shift_right_arithmetic3A_561 : i32
        %and3A_563 = arith.constant 7 : i32
        %and3A_564 = arith.andi %squeeze3A_463, %and3A_563 : i32
        %mul3A_565 = arith.constant 16 : i32
        %mul3A_566 = arith.muli %and3A_564, %mul3A_565 : i32
        %get3A_567 = arith.index_cast %shift_right_arithmetic3A_562 : i32 to index
        %get3A_568 = arith.index_cast %mul3A_566 : i32 to index
        %get3A_569 = tpu.vector_load %arg16[%get3A_567, %get3A_568] {strides = array<i32>} : memref<8x128xf32, #tpu.memory_space<vmem>>, vector<16xf32>,
        %mul3A_570 = vector.broadcast %squeeze3A_469 : f32 to vector<16xf32>
        %mul3A_571 = arith.mulf %get3A_560, %mul3A_570 : vector<16xf32>
        %add3A = arith.addf %get3A_569, %mul3A_571 : vector<16xf32>
        %shift_right_arithmetic3A_572 = arith.constant 3 : i32
        %shift_right_arithmetic3A_573 = arith.shrsi %squeeze3A_463, %shift_right_arithmetic3A_572 : i32
        %and3A_574 = arith.constant 7 : i32
        %and3A_575 = arith.andi %squeeze3A_463, %and3A_574 : i32
        %mul3A_576 = arith.constant 16 : i32
        %mul3A_577 = arith.muli %and3A_575, %mul3A_576 : i32
        %swap3A_578 = arith.index_cast %shift_right_arithmetic3A_573 : i32 to index
        %swap3A_579 = arith.index_cast %mul3A_577 : i32 to index
        %swap3A_580 = tpu.vector_load %arg16[%swap3A_578, %swap3A_579] {strides = array<i32>} : memref<8x128xf32, #tpu.memory_space<vmem>>, vector<16xf32>,
        tpu.vector_store %arg16[%swap3A_578, %swap3A_579], %add3A {strides = array<i32>} : memref<8x128xf32, #tpu.memory_space<vmem>>, vector<16xf32>,
      } else {
      }
      %slice3A_480 = vector.extract_strided_slice %sub3A_267 {offsets = [12], sizes = [1], strides = [1]} : vector<16xi32> to vector<1xi32>
      %squeeze3A_481 = vector.extract %slice3A_480[0] : i32 from vector<1xi32>
      %slice3A_482 = vector.extract_strided_slice %get3A_227 {offsets = [12], sizes = [1], strides = [1]} : vector<16xi32> to vector<1xi32>
      %squeeze3A_483 = vector.extract %slice3A_482[0] : i32 from vector<1xi32>
      %slice3A_484 = vector.extract_strided_slice %get3A_230 {offsets = [12], sizes = [1], strides = [1]} : vector<16xi32> to vector<1xi32>
      %squeeze3A_485 = vector.extract %slice3A_484[0] : i32 from vector<1xi32>
      %slice3A_486 = vector.extract_strided_slice %mul3A_265 {offsets = [12], sizes = [1], strides = [1]} : vector<16xf32> to vector<1xf32>
      %squeeze3A_487 = vector.extract %slice3A_486[0] : f32 from vector<1xf32>
      %ge3A_488 = arith.constant 0 : i32
      %ge3A_489 = arith.cmpi sge, %squeeze3A_481, %ge3A_488 : i32
      %lt3A_490 = arith.constant 64 : i32
      %lt3A_491 = arith.cmpi slt, %squeeze3A_481, %lt3A_490 : i32
      %and3A_492 = arith.andi %ge3A_489, %lt3A_491 : i1
      %ne3A_493 = arith.cmpi ne, %squeeze3A_483, %squeeze3A_485 : i32
      %and3A_494 = arith.andi %and3A_492, %ne3A_493 : i1
      %convert_element_type3A_495 = arith.extui %and3A_494 : i1 to i32
      %cond3A_496 = arith.constant 0 : i32
      %cond3A_497 = arith.cmpi ne, %convert_element_type3A_495, %cond3A_496 : i32
      scf.if %cond3A_497 {
        %shift_right_arithmetic3A_552 = arith.constant 3 : i32
        %shift_right_arithmetic3A_553 = arith.shrsi %squeeze3A_483, %shift_right_arithmetic3A_552 : i32
        %and3A_554 = arith.constant 7 : i32
        %and3A_555 = arith.andi %squeeze3A_483, %and3A_554 : i32
        %mul3A_556 = arith.constant 16 : i32
        %mul3A_557 = arith.muli %and3A_555, %mul3A_556 : i32
        %get3A_558 = arith.index_cast %shift_right_arithmetic3A_553 : i32 to index
        %get3A_559 = arith.index_cast %mul3A_557 : i32 to index
        %get3A_560 = tpu.vector_load %arg17[%get3A_558, %get3A_559] {strides = array<i32>} : memref<128x128xf32, #tpu.memory_space<vmem>>, vector<16xf32>,
        %shift_right_arithmetic3A_561 = arith.constant 3 : i32
        %shift_right_arithmetic3A_562 = arith.shrsi %squeeze3A_481, %shift_right_arithmetic3A_561 : i32
        %and3A_563 = arith.constant 7 : i32
        %and3A_564 = arith.andi %squeeze3A_481, %and3A_563 : i32
        %mul3A_565 = arith.constant 16 : i32
        %mul3A_566 = arith.muli %and3A_564, %mul3A_565 : i32
        %get3A_567 = arith.index_cast %shift_right_arithmetic3A_562 : i32 to index
        %get3A_568 = arith.index_cast %mul3A_566 : i32 to index
        %get3A_569 = tpu.vector_load %arg16[%get3A_567, %get3A_568] {strides = array<i32>} : memref<8x128xf32, #tpu.memory_space<vmem>>, vector<16xf32>,
        %mul3A_570 = vector.broadcast %squeeze3A_487 : f32 to vector<16xf32>
        %mul3A_571 = arith.mulf %get3A_560, %mul3A_570 : vector<16xf32>
        %add3A = arith.addf %get3A_569, %mul3A_571 : vector<16xf32>
        %shift_right_arithmetic3A_572 = arith.constant 3 : i32
        %shift_right_arithmetic3A_573 = arith.shrsi %squeeze3A_481, %shift_right_arithmetic3A_572 : i32
        %and3A_574 = arith.constant 7 : i32
        %and3A_575 = arith.andi %squeeze3A_481, %and3A_574 : i32
        %mul3A_576 = arith.constant 16 : i32
        %mul3A_577 = arith.muli %and3A_575, %mul3A_576 : i32
        %swap3A_578 = arith.index_cast %shift_right_arithmetic3A_573 : i32 to index
        %swap3A_579 = arith.index_cast %mul3A_577 : i32 to index
        %swap3A_580 = tpu.vector_load %arg16[%swap3A_578, %swap3A_579] {strides = array<i32>} : memref<8x128xf32, #tpu.memory_space<vmem>>, vector<16xf32>,
        tpu.vector_store %arg16[%swap3A_578, %swap3A_579], %add3A {strides = array<i32>} : memref<8x128xf32, #tpu.memory_space<vmem>>, vector<16xf32>,
      } else {
      }
      %slice3A_498 = vector.extract_strided_slice %sub3A_267 {offsets = [13], sizes = [1], strides = [1]} : vector<16xi32> to vector<1xi32>
      %squeeze3A_499 = vector.extract %slice3A_498[0] : i32 from vector<1xi32>
      %slice3A_500 = vector.extract_strided_slice %get3A_227 {offsets = [13], sizes = [1], strides = [1]} : vector<16xi32> to vector<1xi32>
      %squeeze3A_501 = vector.extract %slice3A_500[0] : i32 from vector<1xi32>
      %slice3A_502 = vector.extract_strided_slice %get3A_230 {offsets = [13], sizes = [1], strides = [1]} : vector<16xi32> to vector<1xi32>
      %squeeze3A_503 = vector.extract %slice3A_502[0] : i32 from vector<1xi32>
      %slice3A_504 = vector.extract_strided_slice %mul3A_265 {offsets = [13], sizes = [1], strides = [1]} : vector<16xf32> to vector<1xf32>
      %squeeze3A_505 = vector.extract %slice3A_504[0] : f32 from vector<1xf32>
      %ge3A_506 = arith.constant 0 : i32
      %ge3A_507 = arith.cmpi sge, %squeeze3A_499, %ge3A_506 : i32
      %lt3A_508 = arith.constant 64 : i32
      %lt3A_509 = arith.cmpi slt, %squeeze3A_499, %lt3A_508 : i32
      %and3A_510 = arith.andi %ge3A_507, %lt3A_509 : i1
      %ne3A_511 = arith.cmpi ne, %squeeze3A_501, %squeeze3A_503 : i32
      %and3A_512 = arith.andi %and3A_510, %ne3A_511 : i1
      %convert_element_type3A_513 = arith.extui %and3A_512 : i1 to i32
      %cond3A_514 = arith.constant 0 : i32
      %cond3A_515 = arith.cmpi ne, %convert_element_type3A_513, %cond3A_514 : i32
      scf.if %cond3A_515 {
        %shift_right_arithmetic3A_552 = arith.constant 3 : i32
        %shift_right_arithmetic3A_553 = arith.shrsi %squeeze3A_501, %shift_right_arithmetic3A_552 : i32
        %and3A_554 = arith.constant 7 : i32
        %and3A_555 = arith.andi %squeeze3A_501, %and3A_554 : i32
        %mul3A_556 = arith.constant 16 : i32
        %mul3A_557 = arith.muli %and3A_555, %mul3A_556 : i32
        %get3A_558 = arith.index_cast %shift_right_arithmetic3A_553 : i32 to index
        %get3A_559 = arith.index_cast %mul3A_557 : i32 to index
        %get3A_560 = tpu.vector_load %arg17[%get3A_558, %get3A_559] {strides = array<i32>} : memref<128x128xf32, #tpu.memory_space<vmem>>, vector<16xf32>,
        %shift_right_arithmetic3A_561 = arith.constant 3 : i32
        %shift_right_arithmetic3A_562 = arith.shrsi %squeeze3A_499, %shift_right_arithmetic3A_561 : i32
        %and3A_563 = arith.constant 7 : i32
        %and3A_564 = arith.andi %squeeze3A_499, %and3A_563 : i32
        %mul3A_565 = arith.constant 16 : i32
        %mul3A_566 = arith.muli %and3A_564, %mul3A_565 : i32
        %get3A_567 = arith.index_cast %shift_right_arithmetic3A_562 : i32 to index
        %get3A_568 = arith.index_cast %mul3A_566 : i32 to index
        %get3A_569 = tpu.vector_load %arg16[%get3A_567, %get3A_568] {strides = array<i32>} : memref<8x128xf32, #tpu.memory_space<vmem>>, vector<16xf32>,
        %mul3A_570 = vector.broadcast %squeeze3A_505 : f32 to vector<16xf32>
        %mul3A_571 = arith.mulf %get3A_560, %mul3A_570 : vector<16xf32>
        %add3A = arith.addf %get3A_569, %mul3A_571 : vector<16xf32>
        %shift_right_arithmetic3A_572 = arith.constant 3 : i32
        %shift_right_arithmetic3A_573 = arith.shrsi %squeeze3A_499, %shift_right_arithmetic3A_572 : i32
        %and3A_574 = arith.constant 7 : i32
        %and3A_575 = arith.andi %squeeze3A_499, %and3A_574 : i32
        %mul3A_576 = arith.constant 16 : i32
        %mul3A_577 = arith.muli %and3A_575, %mul3A_576 : i32
        %swap3A_578 = arith.index_cast %shift_right_arithmetic3A_573 : i32 to index
        %swap3A_579 = arith.index_cast %mul3A_577 : i32 to index
        %swap3A_580 = tpu.vector_load %arg16[%swap3A_578, %swap3A_579] {strides = array<i32>} : memref<8x128xf32, #tpu.memory_space<vmem>>, vector<16xf32>,
        tpu.vector_store %arg16[%swap3A_578, %swap3A_579], %add3A {strides = array<i32>} : memref<8x128xf32, #tpu.memory_space<vmem>>, vector<16xf32>,
      } else {
      }
      %slice3A_516 = vector.extract_strided_slice %sub3A_267 {offsets = [14], sizes = [1], strides = [1]} : vector<16xi32> to vector<1xi32>
      %squeeze3A_517 = vector.extract %slice3A_516[0] : i32 from vector<1xi32>
      %slice3A_518 = vector.extract_strided_slice %get3A_227 {offsets = [14], sizes = [1], strides = [1]} : vector<16xi32> to vector<1xi32>
      %squeeze3A_519 = vector.extract %slice3A_518[0] : i32 from vector<1xi32>
      %slice3A_520 = vector.extract_strided_slice %get3A_230 {offsets = [14], sizes = [1], strides = [1]} : vector<16xi32> to vector<1xi32>
      %squeeze3A_521 = vector.extract %slice3A_520[0] : i32 from vector<1xi32>
      %slice3A_522 = vector.extract_strided_slice %mul3A_265 {offsets = [14], sizes = [1], strides = [1]} : vector<16xf32> to vector<1xf32>
      %squeeze3A_523 = vector.extract %slice3A_522[0] : f32 from vector<1xf32>
      %ge3A_524 = arith.constant 0 : i32
      %ge3A_525 = arith.cmpi sge, %squeeze3A_517, %ge3A_524 : i32
      %lt3A_526 = arith.constant 64 : i32
      %lt3A_527 = arith.cmpi slt, %squeeze3A_517, %lt3A_526 : i32
      %and3A_528 = arith.andi %ge3A_525, %lt3A_527 : i1
      %ne3A_529 = arith.cmpi ne, %squeeze3A_519, %squeeze3A_521 : i32
      %and3A_530 = arith.andi %and3A_528, %ne3A_529 : i1
      %convert_element_type3A_531 = arith.extui %and3A_530 : i1 to i32
      %cond3A_532 = arith.constant 0 : i32
      %cond3A_533 = arith.cmpi ne, %convert_element_type3A_531, %cond3A_532 : i32
      scf.if %cond3A_533 {
        %shift_right_arithmetic3A_552 = arith.constant 3 : i32
        %shift_right_arithmetic3A_553 = arith.shrsi %squeeze3A_519, %shift_right_arithmetic3A_552 : i32
        %and3A_554 = arith.constant 7 : i32
        %and3A_555 = arith.andi %squeeze3A_519, %and3A_554 : i32
        %mul3A_556 = arith.constant 16 : i32
        %mul3A_557 = arith.muli %and3A_555, %mul3A_556 : i32
        %get3A_558 = arith.index_cast %shift_right_arithmetic3A_553 : i32 to index
        %get3A_559 = arith.index_cast %mul3A_557 : i32 to index
        %get3A_560 = tpu.vector_load %arg17[%get3A_558, %get3A_559] {strides = array<i32>} : memref<128x128xf32, #tpu.memory_space<vmem>>, vector<16xf32>,
        %shift_right_arithmetic3A_561 = arith.constant 3 : i32
        %shift_right_arithmetic3A_562 = arith.shrsi %squeeze3A_517, %shift_right_arithmetic3A_561 : i32
        %and3A_563 = arith.constant 7 : i32
        %and3A_564 = arith.andi %squeeze3A_517, %and3A_563 : i32
        %mul3A_565 = arith.constant 16 : i32
        %mul3A_566 = arith.muli %and3A_564, %mul3A_565 : i32
        %get3A_567 = arith.index_cast %shift_right_arithmetic3A_562 : i32 to index
        %get3A_568 = arith.index_cast %mul3A_566 : i32 to index
        %get3A_569 = tpu.vector_load %arg16[%get3A_567, %get3A_568] {strides = array<i32>} : memref<8x128xf32, #tpu.memory_space<vmem>>, vector<16xf32>,
        %mul3A_570 = vector.broadcast %squeeze3A_523 : f32 to vector<16xf32>
        %mul3A_571 = arith.mulf %get3A_560, %mul3A_570 : vector<16xf32>
        %add3A = arith.addf %get3A_569, %mul3A_571 : vector<16xf32>
        %shift_right_arithmetic3A_572 = arith.constant 3 : i32
        %shift_right_arithmetic3A_573 = arith.shrsi %squeeze3A_517, %shift_right_arithmetic3A_572 : i32
        %and3A_574 = arith.constant 7 : i32
        %and3A_575 = arith.andi %squeeze3A_517, %and3A_574 : i32
        %mul3A_576 = arith.constant 16 : i32
        %mul3A_577 = arith.muli %and3A_575, %mul3A_576 : i32
        %swap3A_578 = arith.index_cast %shift_right_arithmetic3A_573 : i32 to index
        %swap3A_579 = arith.index_cast %mul3A_577 : i32 to index
        %swap3A_580 = tpu.vector_load %arg16[%swap3A_578, %swap3A_579] {strides = array<i32>} : memref<8x128xf32, #tpu.memory_space<vmem>>, vector<16xf32>,
        tpu.vector_store %arg16[%swap3A_578, %swap3A_579], %add3A {strides = array<i32>} : memref<8x128xf32, #tpu.memory_space<vmem>>, vector<16xf32>,
      } else {
      }
      %slice3A_534 = vector.extract_strided_slice %sub3A_267 {offsets = [15], sizes = [1], strides = [1]} : vector<16xi32> to vector<1xi32>
      %squeeze3A_535 = vector.extract %slice3A_534[0] : i32 from vector<1xi32>
      %slice3A_536 = vector.extract_strided_slice %get3A_227 {offsets = [15], sizes = [1], strides = [1]} : vector<16xi32> to vector<1xi32>
      %squeeze3A_537 = vector.extract %slice3A_536[0] : i32 from vector<1xi32>
      %slice3A_538 = vector.extract_strided_slice %get3A_230 {offsets = [15], sizes = [1], strides = [1]} : vector<16xi32> to vector<1xi32>
      %squeeze3A_539 = vector.extract %slice3A_538[0] : i32 from vector<1xi32>
      %slice3A_540 = vector.extract_strided_slice %mul3A_265 {offsets = [15], sizes = [1], strides = [1]} : vector<16xf32> to vector<1xf32>
      %squeeze3A_541 = vector.extract %slice3A_540[0] : f32 from vector<1xf32>
      %ge3A_542 = arith.constant 0 : i32
      %ge3A_543 = arith.cmpi sge, %squeeze3A_535, %ge3A_542 : i32
      %lt3A_544 = arith.constant 64 : i32
      %lt3A_545 = arith.cmpi slt, %squeeze3A_535, %lt3A_544 : i32
      %and3A_546 = arith.andi %ge3A_543, %lt3A_545 : i1
      %ne3A_547 = arith.cmpi ne, %squeeze3A_537, %squeeze3A_539 : i32
      %and3A_548 = arith.andi %and3A_546, %ne3A_547 : i1
      %convert_element_type3A_549 = arith.extui %and3A_548 : i1 to i32
      %cond3A_550 = arith.constant 0 : i32
      %cond3A_551 = arith.cmpi ne, %convert_element_type3A_549, %cond3A_550 : i32
      scf.if %cond3A_551 {
        %shift_right_arithmetic3A_552 = arith.constant 3 : i32
        %shift_right_arithmetic3A_553 = arith.shrsi %squeeze3A_537, %shift_right_arithmetic3A_552 : i32
        %and3A_554 = arith.constant 7 : i32
        %and3A_555 = arith.andi %squeeze3A_537, %and3A_554 : i32
        %mul3A_556 = arith.constant 16 : i32
        %mul3A_557 = arith.muli %and3A_555, %mul3A_556 : i32
        %get3A_558 = arith.index_cast %shift_right_arithmetic3A_553 : i32 to index
        %get3A_559 = arith.index_cast %mul3A_557 : i32 to index
        %get3A_560 = tpu.vector_load %arg17[%get3A_558, %get3A_559] {strides = array<i32>} : memref<128x128xf32, #tpu.memory_space<vmem>>, vector<16xf32>,
        %shift_right_arithmetic3A_561 = arith.constant 3 : i32
        %shift_right_arithmetic3A_562 = arith.shrsi %squeeze3A_535, %shift_right_arithmetic3A_561 : i32
        %and3A_563 = arith.constant 7 : i32
        %and3A_564 = arith.andi %squeeze3A_535, %and3A_563 : i32
        %mul3A_565 = arith.constant 16 : i32
        %mul3A_566 = arith.muli %and3A_564, %mul3A_565 : i32
        %get3A_567 = arith.index_cast %shift_right_arithmetic3A_562 : i32 to index
        %get3A_568 = arith.index_cast %mul3A_566 : i32 to index
        %get3A_569 = tpu.vector_load %arg16[%get3A_567, %get3A_568] {strides = array<i32>} : memref<8x128xf32, #tpu.memory_space<vmem>>, vector<16xf32>,
        %mul3A_570 = vector.broadcast %squeeze3A_541 : f32 to vector<16xf32>
        %mul3A_571 = arith.mulf %get3A_560, %mul3A_570 : vector<16xf32>
        %add3A = arith.addf %get3A_569, %mul3A_571 : vector<16xf32>
        %shift_right_arithmetic3A_572 = arith.constant 3 : i32
        %shift_right_arithmetic3A_573 = arith.shrsi %squeeze3A_535, %shift_right_arithmetic3A_572 : i32
        %and3A_574 = arith.constant 7 : i32
        %and3A_575 = arith.andi %squeeze3A_535, %and3A_574 : i32
        %mul3A_576 = arith.constant 16 : i32
        %mul3A_577 = arith.muli %and3A_575, %mul3A_576 : i32
        %swap3A_578 = arith.index_cast %shift_right_arithmetic3A_573 : i32 to index
        %swap3A_579 = arith.index_cast %mul3A_577 : i32 to index
        %swap3A_580 = tpu.vector_load %arg16[%swap3A_578, %swap3A_579] {strides = array<i32>} : memref<8x128xf32, #tpu.memory_space<vmem>>, vector<16xf32>,
        tpu.vector_store %arg16[%swap3A_578, %swap3A_579], %add3A {strides = array<i32>} : memref<8x128xf32, #tpu.memory_space<vmem>>, vector<16xf32>,
      } else {
      }
    }
    %scan3A_217 = arith.constant 7 : i32
    %lt3A = arith.constant 15 : i32
    %lt3A_218 = arith.cmpi slt, %arg1, %lt3A : i32
    %convert_element_type3A = arith.extui %lt3A_218 : i1 to i32
    %cond3A = arith.constant 0 : i32
    %cond3A_219 = arith.cmpi ne, %convert_element_type3A, %cond3A : i32
    scf.if %cond3A_219 {
      %mul3A_224 = arith.constant 8 : i32
      %mul3A_225 = arith.muli %arg1, %mul3A_224 : i32
      "tpu.region"() ({
        %run_scoped3A = tpu.sem_alloc : memref<!tpu.dma_semaphore, #tpu.memory_space<semaphore_mem>>
        %dma_start3A_226 = arith.constant 0 : i32
        %dma_start3A_227 = tpu.memref_slice %arg7[%mul3A_225, %dma_start3A_226] : memref<125x128xf32, #tpu.memory_space<hbm>> -> memref<8x128xf32, #tpu.memory_space<hbm>>
        %dma_start3A_228 = arith.constant 0 : i32
        %dma_start3A_229 = tpu.memref_slice %arg7[%mul3A_225, %dma_start3A_228] : memref<125x128xf32, #tpu.memory_space<hbm>> -> memref<8x128xf32, #tpu.memory_space<hbm>>
        tpu.enqueue_dma source(%arg16 : memref<8x128xf32, #tpu.memory_space<vmem>>) target(%dma_start3A_229 : memref<8x128xf32, #tpu.memory_space<hbm>>) target_semaphore(%run_scoped3A : memref<!tpu.dma_semaphore, #tpu.memory_space<semaphore_mem>>)
        %dma_wait3A_230 = arith.constant 0 : i32
        %dma_wait3A_231 = tpu.memref_slice %arg7[%mul3A_225, %dma_wait3A_230] : memref<125x128xf32, #tpu.memory_space<hbm>> -> memref<8x128xf32, #tpu.memory_space<hbm>>
        %dma_wait3A_232 = arith.constant 0 : i32
        %dma_wait3A_233 = tpu.memref_slice %arg7[%mul3A_225, %dma_wait3A_232] : memref<125x128xf32, #tpu.memory_space<hbm>> -> memref<8x128xf32, #tpu.memory_space<hbm>>
        tpu.wait_dma2 semaphore(%run_scoped3A : memref<!tpu.dma_semaphore, #tpu.memory_space<semaphore_mem>>) src(%arg16 : memref<8x128xf32, #tpu.memory_space<vmem>>) dst(%dma_wait3A_233 : memref<8x128xf32, #tpu.memory_space<hbm>>)
        tpu.yield
      }) : () -> ()
    } else {
    }
    %eq3A = arith.constant 15 : i32
    %eq3A_220 = arith.cmpi eq, %arg1, %eq3A : i32
    %convert_element_type3A_221 = arith.extui %eq3A_220 : i1 to i32
    %cond3A_222 = arith.constant 0 : i32
    %cond3A_223 = arith.cmpi ne, %convert_element_type3A_221, %cond3A_222 : i32
    scf.if %cond3A_223 {
      "tpu.region"() ({
        %run_scoped3A = tpu.sem_alloc : memref<!tpu.dma_semaphore, #tpu.memory_space<semaphore_mem>>
        %dma_start3A_224 = arith.constant 0 : i32
        %dma_start3A_225 = arith.constant 0 : i32
        %dma_start3A_226 = tpu.memref_slice %arg16[%dma_start3A_224, %dma_start3A_225] : memref<8x128xf32, #tpu.memory_space<vmem>> -> memref<5x128xf32, #tpu.memory_space<vmem>>
        %dma_start3A_227 = arith.constant 120 : i32
        %dma_start3A_228 = arith.constant 0 : i32
        %dma_start3A_229 = tpu.memref_slice %arg7[%dma_start3A_227, %dma_start3A_228] : memref<125x128xf32, #tpu.memory_space<hbm>> -> memref<5x128xf32, #tpu.memory_space<hbm>>
        %dma_start3A_230 = arith.constant 120 : i32
        %dma_start3A_231 = arith.constant 0 : i32
        %dma_start3A_232 = tpu.memref_slice %arg7[%dma_start3A_230, %dma_start3A_231] : memref<125x128xf32, #tpu.memory_space<hbm>> -> memref<5x128xf32, #tpu.memory_space<hbm>>
        %dma_start3A_233 = arith.constant 0 : i32
        %dma_start3A_234 = arith.constant 0 : i32
        %dma_start3A_235 = tpu.memref_slice %arg16[%dma_start3A_233, %dma_start3A_234] : memref<8x128xf32, #tpu.memory_space<vmem>> -> memref<5x128xf32, #tpu.memory_space<vmem>>
        tpu.enqueue_dma source(%dma_start3A_235 : memref<5x128xf32, #tpu.memory_space<vmem>>) target(%dma_start3A_232 : memref<5x128xf32, #tpu.memory_space<hbm>>) target_semaphore(%run_scoped3A : memref<!tpu.dma_semaphore, #tpu.memory_space<semaphore_mem>>)
        %dma_wait3A_236 = arith.constant 0 : i32
        %dma_wait3A_237 = arith.constant 0 : i32
        %dma_wait3A_238 = tpu.memref_slice %arg16[%dma_wait3A_236, %dma_wait3A_237] : memref<8x128xf32, #tpu.memory_space<vmem>> -> memref<5x128xf32, #tpu.memory_space<vmem>>
        %dma_wait3A_239 = arith.constant 120 : i32
        %dma_wait3A_240 = arith.constant 0 : i32
        %dma_wait3A_241 = tpu.memref_slice %arg7[%dma_wait3A_239, %dma_wait3A_240] : memref<125x128xf32, #tpu.memory_space<hbm>> -> memref<5x128xf32, #tpu.memory_space<hbm>>
        %dma_wait3A_242 = arith.constant 120 : i32
        %dma_wait3A_243 = arith.constant 0 : i32
        %dma_wait3A_244 = tpu.memref_slice %arg7[%dma_wait3A_242, %dma_wait3A_243] : memref<125x128xf32, #tpu.memory_space<hbm>> -> memref<5x128xf32, #tpu.memory_space<hbm>>
        %dma_wait3A_245 = arith.constant 0 : i32
        %dma_wait3A_246 = arith.constant 0 : i32
        %dma_wait3A_247 = tpu.memref_slice %arg16[%dma_wait3A_245, %dma_wait3A_246] : memref<8x128xf32, #tpu.memory_space<vmem>> -> memref<5x128xf32, #tpu.memory_space<vmem>>
        tpu.wait_dma2 semaphore(%run_scoped3A : memref<!tpu.dma_semaphore, #tpu.memory_space<semaphore_mem>>) src(%dma_wait3A_247 : memref<5x128xf32, #tpu.memory_space<vmem>>) dst(%dma_wait3A_244 : memref<5x128xf32, #tpu.memory_space<hbm>>)
        tpu.yield
      }) : () -> ()
    } else {
    }
    return
  }
}

</mosaic_0001>

<sc_bundles>
// kernel: _run.3.cloned.1.call-start
scs
__scs_entry_jumppad:
0x0: {  	(pc) =	sbr.rel $0x88, $3  }
0x1: {  	(tag) =	ssettag $0x0;
	lr =	simm.s32 $0x1  }
0x2: {  	[smem:$0x3F9C] =	sst lr;
	_ =	strace $0xD0000000  }
0x3: {  	_ = 	snop  }
0x4: {  	_ = 	snop  }
0x5: {  	_ = 	snop  }
0x6: {  	_ = 	snop  }
0x7: {  	_ = 	snop  }
__scs_overlays_trampoline_lowered:
0x8: {  	[smem:$0x3FAB] =	sst s0  }
0x9: {  	[smem:$0x3FAC] =	sst s1  }
0xa: {  	[smem:$0x3FAD] =	sst s2  }
0xb: {  	[smem:$0x3FAE] =	sst s3  }
0xc: {  	[smem:$0x3FAF] =	sst s4  }
0xd: {  	[smem:$0x3FB0] =	sst s5  }
0xe: {  	[smem:$0x3FB1] =	sst s6  }
0xf: {  	[smem:$0x3FB2] =	sst s7  }
0x10: {  	[smem:$0x3FB3] =	sst s8  }
0x11: {  	[smem:$0x3FB4] =	sst s9;
	s0 =	simm.s32 @!p0 $0x0  }
0x12: {  	s1 =	sld [smem:$0x3F9A];
	s0 =	simm.s32 @p0 $0x1  }
0x13: {  	[smem:$0x3FB5] =	sst s0;
	s0 =	simm.s32 @!p1 $0x0  }
0x14: {  	s2 =	sld [smem:$0x3F99];
	s0 =	simm.s32 @p1 $0x1  }
0x15: {  	[smem:$0x3FB6] =	sst s0;
	s0 =	simm.s32 @!p2 $0x0  }
0x16: {  	s3 =	sld [smem:$0x3FDB];
	s0 =	simm.s32 @p2 $0x1  }
0x17: {  	s4 =	simm.s32 $0x1BF5;
	[smem:$0x3FB8] =	sst s0  }
0x18: {  	s0 =	sld [smem:$0x3F9B];
	_ =	swait.ge [sflag:s4], $0x0  }
0x19: {  	s7 =	sld [smem:$0x3F9C]  }
0x1a: {  	s8 =	sadd.s32 $0xFFFFE003, lr  }
0x1b: {  	s9 =	sadd.s32 $0xFFFFFEF7, lr;
	s5 =	simm.s32 $0xFFFFFFFF;
	p2 =	slt.u32 s8, $0xFFFFF086  }
0x1c: {  	p1 =	slt.u32 s9, $0xF7A;
	s5 =	simm.s32 @!p2 $0x0  }
0x1d: {  	s5 =	simm.s32 @p1 $0x1;
	p0 =	seq.s32 s7, s2  }
0x1e: {  	s7 =	smul.u32 @!p0 $0xF7A, s2;
	p2 =	seq.s32 @!p0 s5, $0x0  }
0x1f: {  	s9 =	smul.u32 $0xF7A, s1;
	s8 =	simm.s32 @!p0 $0x1BF5;
	p2 =	por !p2, p0  }
0x20: {  	[sflag:s8] =	ssyncset.s32 @!p0 $0xFFFFF086;
	s6 =	sadd.s32 @!p0 s3, s7;
	s7 =	simm.s32 @!p0 $0x108  }
0x21: {  	s3 =	sadd.s32 s3, s9;
	s6 =	sadd.s32 @!p0 $0x88, s6;
	s7 =	simm.s32 @p2 $0x1082  }
0x22: {  	[simem:s7], [sflag:s8] =	dma.local @!p0 [hbm:s6], $0xF7A  }
0x23: {  	s9 =	sor.u32 $0xD0000000, s2;
	s6 =	simm.s32 $0x108;
	_ =	swait.ge @!p0 [sflag:s8], $0x0  }
0x24: {  	s3 =	sadd.s32 $0x88, s3;
	s6 =	simm.s32 @!p1 $0x1082;
	[sflag:s4] =	ssyncset.s32 $0xFFFFF086  }
0x25: {  	[simem:s6], [sflag:s4] =	dma.local [hbm:s3], $0xF7A  }
0x26: {  	[smem:$0x3F9C] =	sst s1;
	(tag) =	ssettag s2;
	_ =	strace s9  }
0x27: {  	s1 =	sld [smem:$0x3FAC]  }
0x28: {  	s2 =	sld [smem:$0x3FAD]  }
0x29: {  	s4 =	sld [smem:$0x3FAF]  }
0x2a: {  	p0 =	seq.s32 s5, $0x0;
	s5 =	sld [smem:$0x3FB0]  }
0x2b: {  	s6 =	sld [smem:$0x3FB1]  }
0x2c: {  	s7 =	sld [smem:$0x3FB2]  }
0x2d: {  	s3 =	simm.s32 $0x108;
	s8 =	sld [smem:$0x3FB3]  }
0x2e: {  	s3 =	simm.s32 @!p0 $0x1082;
	s9 =	sld [smem:$0x3FB4]  }
0x2f: {  	lr =	sadd.s32 s0, s3;
	s0 =	sld [smem:$0x3FAB]  }
0x30: {  	s3 =	sld [smem:$0x3FAE]  }
0x31: {  	[smem:$0x3FB7] =	sst s10  }
0x32: {  	s10 =	sld [smem:$0x3FB5];
	_ =	sdelay $0x3  }
0x33: {  	p0 =	seq.s32 s10, $0x1;
	s10 =	sld [smem:$0x3FB7];
	_ =	sdelay $0x3  }
0x34: {  	[smem:$0x3FB7] =	sst s10  }
0x35: {  	s10 =	sld [smem:$0x3FB6];
	_ =	sdelay $0x3  }
0x36: {  	p1 =	seq.s32 s10, $0x1;
	s10 =	sld [smem:$0x3FB7];
	_ =	sdelay $0x3  }
0x37: {  	[smem:$0x3FB7] =	sst s10  }
0x38: {  	s10 =	sld [smem:$0x3FB8]  }
0x39: {  	_ = 	snop;
	(pc) =	sbr.ind lr, $3  }
0x3a: {  	_ = 	snop  }
0x3b: {  	_ = 	snop  }
0x3c: {  	p2 =	seq.s32 s10, $0x1;
	s10 =	sld [smem:$0x3FB7]  }
0x3d: {  	_ =	shalt  }
0x3e: {  	_ =	shalt  }
0x3f: {  	_ =	shalt  }
0x40: {  	_ =	shalt  }
0x41: {  	_ =	shalt  }
0x42: {  	_ =	shalt  }
0x43: {  	_ =	shalt  }
0x44: {  	_ =	shalt  }
0x45: {  	_ =	shalt  }
0x46: {  	_ =	shalt  }
0x47: {  	_ =	shalt  }
0x48: {  	_ =	shalt  }
0x49: {  	_ =	shalt  }
0x4a: {  	_ =	shalt  }
0x4b: {  	_ =	shalt  }
0x4c: {  	_ =	shalt  }
0x4d: {  	_ =	shalt  }
0x4e: {  	_ =	shalt  }
0x4f: {  	_ =	shalt  }
0x50: {  	_ =	shalt  }
0x51: {  	_ =	shalt  }
0x52: {  	_ =	shalt  }
0x53: {  	_ =	shalt  }
0x54: {  	_ =	shalt  }
0x55: {  	_ =	shalt  }
0x56: {  	_ =	shalt  }
0x57: {  	_ =	shalt  }
0x58: {  	_ =	shalt  }
0x59: {  	_ =	shalt  }
0x5a: {  	_ =	shalt  }
0x5b: {  	_ =	shalt  }
0x5c: {  	_ =	shalt  }
0x5d: {  	_ =	shalt  }
0x5e: {  	_ =	shalt  }
0x5f: {  	_ =	shalt  }
0x60: {  	_ =	shalt  }
0x61: {  	_ =	shalt  }
0x62: {  	_ =	shalt  }
0x63: {  	_ =	shalt  }
0x64: {  	_ =	shalt  }
0x65: {  	_ =	shalt  }
0x66: {  	_ =	shalt  }
0x67: {  	_ =	shalt  }
0x68: {  	_ =	shalt  }
0x69: {  	_ =	shalt  }
0x6a: {  	_ =	shalt  }
0x6b: {  	_ =	shalt  }
0x6c: {  	_ =	shalt  }
0x6d: {  	_ =	shalt  }
0x6e: {  	_ =	shalt  }
0x6f: {  	_ =	shalt  }
0x70: {  	_ =	shalt  }
0x71: {  	_ =	shalt  }
0x72: {  	_ =	shalt  }
0x73: {  	_ =	shalt  }
0x74: {  	_ =	shalt  }
0x75: {  	_ =	shalt  }
0x76: {  	_ =	shalt  }
0x77: {  	_ =	shalt  }
0x78: {  	_ =	shalt  }
0x79: {  	_ =	shalt  }
0x7a: {  	_ =	shalt  }
0x7b: {  	_ =	shalt  }
0x7c: {  	_ =	shalt  }
0x7d: {  	_ =	shalt  }
0x7e: {  	_ =	shalt  }
0x7f: {  	_ =	shalt  }
0x80: {  	_ =	shalt  }
0x81: {  	_ =	shalt  }
0x82: {  	_ =	shalt  }
0x83: {  	_ =	shalt  }
0x84: {  	_ =	shalt  }
0x85: {  	_ =	shalt  }
0x86: {  	_ =	shalt  }
0x87: {  	_ =	shalt  }
.Lfunc_end0:
.L_simem_size_0:
called_computation_lowered:
.L_overlay_start_0:
0x88: {  	s0 =	sld [smem:$0x3FD9]  }
0x89: {  	s1 =	sld [smem:$0x3FFE];
	_ =	sdelay $0x3  }
0x8a: {  	s0 =	sadd.s32 s1, s0  }
0x8b: {  	[smem:$0x3FC3] =	sst s0  }
0x8c: {  	_ = 	snop  }
0x8d: {  	s0 =	sld [smem:$0x3FC9]  }
0x8e: {  	s14 =	sld [smem:$0x3FC8]  }
0x8f: {  	s2 =	sld [smem:$0x3FD0]  }
0x90: {  	s3 =	sld [smem:$0x3FC7]  }
0x91: {  	s4 =	sld [smem:$0x3FC6]  }
0x92: {  	s6 =	simm.s32 $0xA;
	s7 =	simm.s32 $0x10;
	s5 =	sld [smem:$0x3FC5]  }
0x93: {  	[smem:s7], [sflag:s6] =	dma.local [hbm:s2], $0x1  }
0x94: {  	_ =	swait.eq [sflag:s6], $0x1  }
0x95: {  	[sflag:s6] =	ssyncset.done $0x0  }
0x96: {  	s15 =	sld [smem:$0x10];
	[sflag:s6] =	ssyncadd.s32 $0xFFFFFFFF  }
0x97: {  	s16 =	sld [smem:$0x11];
	(tm) =	ssettm $0x1  }
0x98: {  	s17 =	sld [smem:$0x3FFB];
	_ =	sdelay $0x3  }
0x99: {  	_ =	strace s17  }
0x9a: {  	s7 =	sld [smem:$0x3FFC];
	_ =	sdelay $0x3  }
0x9b: {  	_ =	strace s7  }
0x9c: {  	s7 =	sld [smem:$0x3FFD];
	_ =	sdelay $0x3  }
0x9d: {  	_ =	strace s7  }
0x9e: {  	_ =	strace $0x8FFFFFFF  }
0x9f: {  	s18 =	sld [smem:$0x3FDB];
	_ =	sdelay $0x1  }
0xa0: {  	s8 =	simm.s32 $_scs_section_size  }
0xa1: {  	s9 =	simm.s32 $_size__tile_overlayer_lowered;
	s10 =	simm.s32 $_tile_overlayer_lowered  }
0xa2: {  	s21 =	simm.s32 $0x1BFF;
	s20 =	sshll.u32 s10, $0x1;
	s7 =	sadd.s32 s8, s18  }
0xa3: {  	s11 =	simm.s32 $0x0;
	s19 =	sshll.u32 s9, $0x1;
	s9 =	sadd.s32 s20, s7  }
0xa4: {  	[timem:s11], [sflag:s21] =	dma.local [hbm:s9], s19  }
0xa5: {  	_ =	swait.ge [sflag:s21], s19  }
0xa6: {  	s8 =	ssub.s32 $0x0, s19;
	[sflag:s21] =	ssyncset.done $0x0  }
0xa7: {  	[sflag:s21] =	ssyncadd.s32 s8;
	_ =	sdelay $0x1  }
0xa8: {  	s22 =	simm.s32 $0x1B8B  }
0xa9: {  	_ =	swait.ge [sflag:s22], $0x1  }
0xaa: {  	[sflag:s22] =	ssyncset.done $0x0  }
0xab: {  	s23 =	simm.s32 $0x1B8E;
	[sflag:s22] =	ssyncadd.s32 $0xFFFFFFFF  }
0xac: {  	s24 =	simm.s32 $execute0_lowered;
	[smem:$0x3FD2] =	sst s23  }
0xad: {  	s8 =	sshll.u32 s24, $0x1;
	_ =	strace $0x80000046;
	[dreg:$0x1] =	wrdreg $0xFFFFFFFF  }
0xae: {  	s25 =	simm.s32 $_size_execute0_lowered;
	s7 =	sadd.s32 s7, s8;
	[dreg:$0x0] =	wrdreg $0x0  }
0xaf: {  	s8 =	sshll.u32 s25, $0x1;
	[dreg:$0x2] =	wrdreg s7  }
0xb0: {  	[dreg:$0x3] =	wrdreg s8  }
0xb1: {  	[dreg:$0x4] =	wrdreg $0xC0  }
0xb2: {  	_ =	task [dreg:s11], $0x5FFFF  }
0xb3: {  	[dreg:$0x1] =	wrdreg $0xFFFFFFFF  }
0xb4: {  	[dreg:$0x0] =	wrdreg $0x60  }
0xb5: {  	[dreg:$0x2] =	wrdreg s0  }
0xb6: {  	[dreg:$0x3] =	wrdreg s14  }
0xb7: {  	[dreg:$0x4] =	wrdreg s3  }
0xb8: {  	[dreg:$0x5] =	wrdreg s4  }
0xb9: {  	[dreg:$0x6] =	wrdreg s5  }
0xba: {  	[dreg:$0x7] =	wrdreg s15  }
0xbb: {  	[dreg:$0x8] =	wrdreg s16  }
0xbc: {  	[dreg:$0x9] =	wrdreg $0x9  }
0xbd: {  	_ =	task.clear_ibuf [dreg:s11], $0xAFFFF;
	_ =	strace $0x90000046  }
0xbe: {  	s26 =	simm.s32 $0x9;
	_ =	strace $0x80000048  }
0xbf: {  	_ =	swait.ge [sflag:s26], $0x1  }
0xc0: {  	[sflag:s26] =	ssyncadd.s32 $0xFFFFFFFF  }
0xc1: {  	_ =	strace $0x90000048  }
0xc2: {  	_ =	sfence  }
0xc3: {  	s28 =	sld [smem:$0x0];
	_ =	sdelay $0x1  }
0xc4: {  	s29 =	srdreg.scid  }
0xc5: {  	s30 =	sshll.u32 s29, $0xD;
	s31 =	sshrl.u32 s29, $0x2  }
0xc6: {  	s1 =	sand.u32 $0x1, s29;
	s2 =	sand.u32 $0x4000, s30;
	s0 =	sadd.s32 s31, s28  }
0xc7: {  	s1 =	sor.u32 s2, s1;
	s0 =	sshll.u32 s0, $0x11  }
0xc8: {  	s0 =	sor.u32 s0, s1  }
0xc9: {  	s0 =	sadd.s32 $0x8F2B, s0  }
0xca: {  	[sflag:s0] =	ssyncadd.remote.s32 $0x1  }
0xcb: {  	_ =	sfence.sel $0xFFFF  }
0xcc: {  	[dreg:$0x0] =	wrdreg $0xFFFFFFFF;
	(pc) =	sbr.abs _section_cstart, $3  }
0xcd: {  	[dreg:$0x1] =	wrdreg $0xFFFFFFFF  }
0xce: {  	_ =	task.clear_ibuf [dreg:s11], $0x2FFFF;
	_ =	strace $0x9FFFFFFF  }
0xcf: {  	(tm) =	ssettm $0x7FFFFFFF  }
tec
execute0_lowered:
.L_overlay_start_1:
0x0: {  	(tag) =	ssettag $0x1  }
0x1: {  	s7 =	rddreg [dreg:$0x0]  }
0x2: {  	s8 =	rddreg [dreg:$0x1]  }
0x3: {  	s9 =	rddreg [dreg:$0x2]  }
0x4: {  	s10 =	rddreg [dreg:$0x3]  }
0x5: {  	s11 =	rddreg [dreg:$0x4]  }
0x6: {  	s2 =	rddreg [dreg:$0x5]  }
0x7: {  	s4 =	rddreg [dreg:$0x6]  }
0x8: {  	s0 =	rddreg [dreg:$0x7];
	s5 =	simm.s32 $0x0;
	s1 =	stileid.u32  }
0x9: {  	[smem:$0x7FF] =	sst s5;
	s3 =	sshll.u32 s1, $0x6  }
0xa: {  	s12 =	simm.s32 $0x2880;
	_ =	strace $0x80000047;
	s6 =	smin.u32 s3, $0x3A8  }
0xb: {  	[tilespmem:s12], [sflag:$0x1] =	stream.linear.gather [hbm4b:s10+s5], $0x380, $0x38;
	[tilespmem:$0x7C80] =	vst v63  }
0xc: {  	s24 =	simm.s32 $0x2C80;
	s23 =	sshll.u32 s6, $0x4  }
0xd: {  	[tilespmem:s24], [sflag:$0x1] =	stream.linear.gather [hbm4b:s11+s5], $0x380, $0x38;
	[tilespmem:$0x7C80] =	vst v63  }
0xe: {  	s7 =	sadd.s32 s7, s23  }
0xf: {  	[tilespmem:s5], [sflag:$0x2] =	stream.linear.gather [hbm4b:s7+s5], $0x2000, $0x38;
	[tilespmem:$0x7C80] =	vst v63  }
0x10: {  	s25 =	simm.s32 $0x2000  }
0x11: {  	[tilespmem:s25], [sflag:$0x2] =	stream.linear.gather [hbm4b:s8+s5], $0x800, $0x38;
	[tilespmem:$0x7C80] =	vst v63  }
0x12: {  	s26 =	simm.s32 $0x2800;
	s28 =	simm.s32 $0x1  }
0x13: {  	[tilespmem:s26], [sflag:$0x2] =	stream.linear.gather [hbm4b:s9+s5], $0x80, $0x38;
	[tilespmem:$0x7C80] =	vst v63  }
0x14: {  	_ =	swait.ge [sflag:s28], $0x380  }
0x15: {  	[sflag:s28] =	ssyncset.done $0x0  }
0x16: {  	[sflag:s28] =	ssyncadd.s32 $0xFFFFFC80  }
0x17: {  	_ =	swait.ge [sflag:s28], $0x380  }
0x18: {  	[sflag:s28] =	ssyncset.done $0x0  }
0x19: {  	v0 =	vimm.f32 $1.000000000e+00;
	[sflag:s28] =	ssyncadd.s32 $0xFFFFFC80  }
0x1a: {  	[tilespmem:$0x3080] =	vst v0  }
0x1b: {  	[tilespmem:$0x3090] =	vst v0  }
0x1c: {  	[tilespmem:$0x30A0] =	vst v0  }
0x1d: {  	[tilespmem:$0x30B0] =	vst v0  }
0x1e: {  	[tilespmem:$0x30C0] =	vst v0  }
0x1f: {  	[tilespmem:$0x30D0] =	vst v0  }
0x20: {  	[tilespmem:$0x30E0] =	vst v0  }
0x21: {  	[tilespmem:$0x30F0] =	vst v0  }
0x22: {  	[tilespmem:$0x3100] =	vst v0  }
0x23: {  	[tilespmem:$0x3110] =	vst v0  }
0x24: {  	[tilespmem:$0x3120] =	vst v0  }
0x25: {  	[tilespmem:$0x3130] =	vst v0  }
0x26: {  	[tilespmem:$0x3140] =	vst v0  }
0x27: {  	[tilespmem:$0x3150] =	vst v0  }
0x28: {  	[tilespmem:$0x3160] =	vst v0  }
0x29: {  	[tilespmem:$0x3170] =	vst v0  }
0x2a: {  	[tilespmem:$0x3180] =	vst v0  }
0x2b: {  	[tilespmem:$0x3190] =	vst v0  }
0x2c: {  	[tilespmem:$0x31A0] =	vst v0  }
0x2d: {  	[tilespmem:$0x31B0] =	vst v0  }
0x2e: {  	[tilespmem:$0x31C0] =	vst v0  }
0x2f: {  	[tilespmem:$0x31D0] =	vst v0  }
0x30: {  	[tilespmem:$0x31E0] =	vst v0  }
0x31: {  	[tilespmem:$0x31F0] =	vst v0  }
0x32: {  	[tilespmem:$0x3200] =	vst v0  }
0x33: {  	[tilespmem:$0x3210] =	vst v0  }
0x34: {  	[tilespmem:$0x3220] =	vst v0  }
0x35: {  	[tilespmem:$0x3230] =	vst v0  }
0x36: {  	[tilespmem:$0x3240] =	vst v0  }
0x37: {  	[tilespmem:$0x3250] =	vst v0  }
0x38: {  	[tilespmem:$0x3260] =	vst v0  }
0x39: {  	[tilespmem:$0x3270] =	vst v0  }
0x3a: {  	[tilespmem:$0x3280] =	vst v0  }
0x3b: {  	[tilespmem:$0x3290] =	vst v0  }
0x3c: {  	[tilespmem:$0x32A0] =	vst v0  }
0x3d: {  	[tilespmem:$0x32B0] =	vst v0  }
0x3e: {  	[tilespmem:$0x32C0] =	vst v0  }
0x3f: {  	[tilespmem:$0x32D0] =	vst v0  }
0x40: {  	[tilespmem:$0x32E0] =	vst v0  }
0x41: {  	[tilespmem:$0x32F0] =	vst v0  }
0x42: {  	[tilespmem:$0x3300] =	vst v0  }
0x43: {  	[tilespmem:$0x3310] =	vst v0  }
0x44: {  	[tilespmem:$0x3320] =	vst v0  }
0x45: {  	[tilespmem:$0x3330] =	vst v0  }
0x46: {  	[tilespmem:$0x3340] =	vst v0  }
0x47: {  	[tilespmem:$0x3350] =	vst v0  }
0x48: {  	[tilespmem:$0x3360] =	vst v0  }
0x49: {  	[tilespmem:$0x3370] =	vst v0  }
0x4a: {  	[tilespmem:$0x3380] =	vst v0  }
0x4b: {  	[tilespmem:$0x3390] =	vst v0  }
0x4c: {  	[tilespmem:$0x33A0] =	vst v0  }
0x4d: {  	[tilespmem:$0x33B0] =	vst v0  }
0x4e: {  	[tilespmem:$0x33C0] =	vst v0;
	v1 =	vld [tilespmem:$0x2880]  }
0x4f: {  	[tilespmem:$0x33D0] =	vst v0;
	v2 =	vld [tilespmem:$0x2C80]  }
0x50: {  	[tilespmem:$0x33E0] =	vst v0  }
0x51: {  	[tilespmem:$0x33F0] =	vst v0  }
0x52: {  	[tilespmem:$0x3400] =	vst v0  }
0x53: {  	[tilespmem:$0x3410] =	vst v0  }
0x54: {  	[tilespmem:$0x3420] =	vst v0;
	vm0 =	vne.s32 v1, v2  }
0x55: {  	[tilespmem:$0x3430] =	vst v0  }
0x56: {  	[tilespmem:$0x3440] =	vst v0  }
0x57: {  	[tilespmem:$0x3450] =	vst v0  }
0x58: {  	[tilespmem:$0x3460] =	vst v0  }
0x59: {  	s29 =	simm.s32 $0x3080;
	[tilespmem:$0x3470] =	vst v0  }
0x5a: {  	[tilespmem:v2+s29+$0x0] =	vst.idx.add.f32.msk vm0, v0  }
0x5b: {  	v58 =	vld [tilespmem:$0x2900]  }
0x5c: {  	v2 =	vld [tilespmem:$0x2D00];
	_ =	sdelay $0x4  }
0x5d: {  	vm10 =	vne.s32 v58, v2;
	_ =	sdelay $0x5  }
0x5e: {  	[tilespmem:v2+s29+$0x0] =	vst.idx.add.f32.msk vm10, v0  }
0x5f: {  	v59 =	vld [tilespmem:$0x2980]  }
0x60: {  	v2 =	vld [tilespmem:$0x2D80];
	_ =	sdelay $0x4  }
0x61: {  	vm11 =	vne.s32 v59, v2;
	_ =	sdelay $0x5  }
0x62: {  	[tilespmem:v2+s29+$0x0] =	vst.idx.add.f32.msk vm11, v0  }
0x63: {  	v60 =	vld [tilespmem:$0x2A00]  }
0x64: {  	v2 =	vld [tilespmem:$0x2E00];
	_ =	sdelay $0x4  }
0x65: {  	vm12 =	vne.s32 v60, v2;
	_ =	sdelay $0x5  }
0x66: {  	[tilespmem:v2+s29+$0x0] =	vst.idx.add.f32.msk vm12, v0  }
0x67: {  	v61 =	vld [tilespmem:$0x2A80]  }
0x68: {  	v2 =	vld [tilespmem:$0x2E80];
	_ =	sdelay $0x4  }
0x69: {  	vm13 =	vne.s32 v61, v2;
	_ =	sdelay $0x5  }
0x6a: {  	[tilespmem:v2+s29+$0x0] =	vst.idx.add.f32.msk vm13, v0  }
0x6b: {  	v62 =	vld [tilespmem:$0x2B00]  }
0x6c: {  	v2 =	vld [tilespmem:$0x2F00];
	_ =	sdelay $0x4  }
0x6d: {  	vm14 =	vne.s32 v62, v2;
	_ =	sdelay $0x5  }
0x6e: {  	[tilespmem:v2+s29+$0x0] =	vst.idx.add.f32.msk vm14, v0  }
0x6f: {  	v63 =	vld [tilespmem:$0x2B80]  }
0x70: {  	v2 =	vld [tilespmem:$0x2F80];
	_ =	sdelay $0x4  }
0x71: {  	vm15 =	vne.s32 v63, v2;
	_ =	sdelay $0x5  }
0x72: {  	s30 =	simm.s32 $0x2;
	[tilespmem:v2+s29+$0x0] =	vst.idx.add.f32.msk vm15, v0  }
0x73: {  	_ =	swait.ge [sflag:s30], $0x2000  }
0x74: {  	[sflag:s30] =	ssyncset.done $0x0  }
0x75: {  	[sflag:s30] =	ssyncadd.s32 $0xFFFFE000  }
0x76: {  	_ =	swait.ge [sflag:s30], $0x800  }
0x77: {  	[sflag:s30] =	ssyncset.done $0x0  }
0x78: {  	s31 =	sshll.u32 s1, $0xF;
	s6 =	sshll.u32 s6, $0x9;
	[sflag:s30] =	ssyncadd.s32 $0xFFFFF800  }
0x79: {  	s6 =	ssub.s32 s31, s6;
	_ =	swait.ge [sflag:s30], $0x80  }
0x7a: {  	s6 =	sor.u32 $0x400, s6;
	[sflag:s30] =	ssyncset.done $0x0  }
0x7b: {  	s6 =	sshra.s32 s6, $0x2;
	[sflag:s30] =	ssyncadd.s32 $0xFFFFFF80  }
.LBB2_1:
0x7c: {  	v1 =	vld [tilespmem:s6+$0xFFFFFF00]  }
0x7d: {  	v2 =	vld [tilespmem:s6+$0xFFFFFF80]  }
0x7e: {  	v4 =	vld [tilespmem:s6+$0x0]  }
0x7f: {  	v3 =	vld [tilespmem:s6+$0x80];
	_ =	sdelay $0x3  }
0x80: {  	v5 =	vbroadcast v1, $0x0;
	v6 =	vbroadcast v2, $0x0  }
0x81: {  	v8 =	vbroadcast v4, $0x0;
	v9 =	vbroadcast v3, $0x0  }
0x82: {  	v10 =	vbroadcast v1, $0x1;
	v11 =	vbroadcast v2, $0x1  }
0x83: {  	v29 =	vbroadcast v4, $0x1;
	v13 =	vbroadcast v3, $0x1  }
0x84: {  	v14 =	vbroadcast v1, $0x2;
	v15 =	vbroadcast v2, $0x2  }
0x85: {  	v32 =	vbroadcast v4, $0x2;
	v17 =	vbroadcast v3, $0x2  }
0x86: {  	v18 =	vbroadcast v1, $0x3;
	v19 =	vbroadcast v2, $0x3  }
0x87: {  	v35 =	vbroadcast v4, $0x3;
	v21 =	vbroadcast v3, $0x3  }
0x88: {  	v22 =	vbroadcast v1, $0x4;
	v23 =	vbroadcast v2, $0x4  }
0x89: {  	v38 =	vbroadcast v4, $0x4;
	v25 =	vbroadcast v3, $0x4  }
0x8a: {  	v26 =	vbroadcast v1, $0x5;
	v41 =	vbroadcast v4, $0x5  }
0x8b: {  	v0 =	vld [tilespmem:$0x2000];
	v42 =	vbroadcast v3, $0x5;
	v43 =	vbroadcast v1, $0x6  }
0x8c: {  	v45 =	vbroadcast v2, $0x6;
	v50 =	vbroadcast v4, $0x6  }
0x8d: {  	v7 =	vld [tilespmem:$0x2010];
	v51 =	vbroadcast v3, $0x6;
	v52 =	vbroadcast v1, $0x7  }
0x8e: {  	v54 =	vbroadcast v2, $0x7;
	v58 =	vbroadcast v4, $0x7  }
0x8f: {  	v12 =	vld [tilespmem:$0x2020];
	v59 =	vbroadcast v3, $0x7;
	v60 =	vbroadcast v1, $0x8  }
0x90: {  	v62 =	vbroadcast v2, $0x8;
	v5 =	vmul.f32 v0, v5  }
0x91: {  	v16 =	vld [tilespmem:$0x2030];
	v6 =	vmul.f32 v0, v6;
	v8 =	vmul.f32 v0, v8  }
0x92: {  	v0 =	vmul.f32 v0, v9;
	v27 =	vmul.f32 v7, v10  }
0x93: {  	v20 =	vld [tilespmem:$0x2040];
	v28 =	vmul.f32 v7, v11;
	v11 =	vmul.f32 v7, v29  }
0x94: {  	v7 =	vmul.f32 v7, v13;
	v30 =	vmul.f32 v12, v14  }
0x95: {  	v24 =	vld [tilespmem:$0x2050];
	v31 =	vmul.f32 v12, v15;
	v15 =	vmul.f32 v12, v32  }
0x96: {  	v12 =	vmul.f32 v12, v17;
	v33 =	vmul.f32 v16, v18  }
0x97: {  	v46 =	vld [tilespmem:$0x2070];
	v34 =	vmul.f32 v16, v19;
	v19 =	vmul.f32 v16, v35  }
0x98: {  	v16 =	vmul.f32 v16, v21;
	v36 =	vmul.f32 v20, v22  }
0x99: {  	v37 =	vmul.f32 v20, v23;
	v23 =	vmul.f32 v20, v38  }
0x9a: {  	v20 =	vmul.f32 v20, v25;
	v39 =	vmul.f32 v24, v26  }
0x9b: {  	v44 =	vmul.f32 v24, v41;
	v47 =	vmul.f32 v24, v42  }
0x9c: {  	v56 =	vmul.f32 v46, v52;
	v57 =	vmul.f32 v46, v54  }
0x9d: {  	v61 =	vmul.f32 v46, v58;
	v21 =	vmul.f32 v46, v59  }
0x9e: {  	v32 =	vbroadcast v4, $0x8;
	v5 =	vadd.f32 $0.0e+00, v5;
	v6 =	vadd.f32 $0.0e+00, v6  }
0x9f: {  	v41 =	vbroadcast v3, $0x9;
	v8 =	vadd.f32 $0.0e+00, v8;
	v0 =	vadd.f32 $0.0e+00, v0  }
0xa0: {  	v55 =	vld [tilespmem:$0x2080];
	v42 =	vbroadcast v1, $0xA;
	v9 =	vadd.f32 $0.0e+00, v27;
	v10 =	vadd.f32 $0.0e+00, v28  }
0xa1: {  	v52 =	vbroadcast v2, $0xB;
	v11 =	vadd.f32 $0.0e+00, v11;
	v7 =	vadd.f32 $0.0e+00, v7  }
0xa2: {  	v58 =	vbroadcast v1, $0xC;
	v13 =	vadd.f32 $0.0e+00, v30;
	v14 =	vadd.f32 $0.0e+00, v31  }
0xa3: {  	v29 =	vbroadcast v4, $0xC;
	v12 =	vadd.f32 $0.0e+00, v12;
	v17 =	vadd.f32 $0.0e+00, v33  }
0xa4: {  	v18 =	vadd.f32 $0.0e+00, v34;
	v19 =	vadd.f32 $0.0e+00, v19;
	v27 =	vbroadcast v2, $0x5  }
0xa5: {  	v63 =	vld [tilespmem:$0x2090];
	v16 =	vadd.f32 $0.0e+00, v16;
	v30 =	vmul.f32 v55, v60;
	v31 =	vmul.f32 v55, v62  }
0xa6: {  	v33 =	vbroadcast v3, $0x8;
	v34 =	vbroadcast v1, $0x9;
	v5 =	vadd.f32 v36, v5  }
0xa7: {  	v35 =	vmul.f32 v55, v32;
	v6 =	vadd.f32 v37, v6;
	v8 =	vadd.f32 v23, v8  }
0xa8: {  	v60 =	vbroadcast v2, $0xC;
	v0 =	vadd.f32 v20, v0;
	v9 =	vadd.f32 v39, v9  }
0xa9: {  	v40 =	vmul.f32 v24, v27;
	v11 =	vadd.f32 v44, v11;
	v17 =	vadd.f32 v56, v17  }
0xaa: {  	v28 =	vld [tilespmem:$0x2060];
	v18 =	vadd.f32 v57, v18;
	v36 =	vbroadcast v2, $0x9;
	v38 =	vmul.f32 v63, v34  }
0xab: {  	v16 =	vadd.f32 v21, v16;
	v44 =	vbroadcast v2, $0xA;
	v21 =	vmul.f32 v63, v41  }
0xac: {  	v56 =	vbroadcast v4, $0xB;
	v57 =	vbroadcast v3, $0xB;
	v10 =	vadd.f32 v40, v10  }
0xad: {  	v5 =	vadd.f32 v30, v5;
	v39 =	vmul.f32 v63, v36;
	v40 =	vbroadcast v4, $0x9  }
0xae: {  	v6 =	vadd.f32 v31, v6;
	v30 =	vbroadcast v3, $0xC;
	v31 =	vbroadcast v1, $0xD  }
0xaf: {  	v37 =	vld [tilespmem:$0x20A0];
	v9 =	vadd.f32 v38, v9;
	v38 =	vbroadcast v3, $0xD;
	v48 =	vmul.f32 v28, v43  }
0xb0: {  	v7 =	vadd.f32 v47, v7;
	v49 =	vmul.f32 v28, v45;
	v53 =	vmul.f32 v28, v50  }
0xb1: {  	v19 =	vadd.f32 v61, v19;
	v61 =	vld [tilespmem:$0x20D0];
	v20 =	vmul.f32 v28, v51;
	v50 =	vbroadcast v1, $0xB  }
0xb2: {  	v34 =	vld [tilespmem:$0x20E0];
	v43 =	vmul.f32 v63, v40;
	v10 =	vadd.f32 v39, v10;
	v39 =	vbroadcast v1, $0xE  }
0xb3: {  	v40 =	vbroadcast v2, $0xE;
	v12 =	vadd.f32 v20, v12;
	v20 =	vmul.f32 v55, v33  }
0xb4: {  	v13 =	vadd.f32 v48, v13;
	v46 =	vmul.f32 v37, v42;
	v47 =	vmul.f32 v37, v44  }
0xb5: {  	v14 =	vadd.f32 v49, v14;
	v48 =	vbroadcast v4, $0xA;
	v49 =	vbroadcast v3, $0xA  }
0xb6: {  	v8 =	vadd.f32 v35, v8;
	v33 =	vbroadcast v2, $0xD;
	v35 =	vmul.f32 v61, v31  }
0xb7: {  	v15 =	vadd.f32 $0.0e+00, v15;
	v45 =	vld [tilespmem:$0x20B0];
	v44 =	vbroadcast v4, $0xE;
	v42 =	vmul.f32 v34, v39  }
0xb8: {  	v11 =	vadd.f32 v43, v11;
	v43 =	vmul.f32 v34, v40;
	v51 =	vmul.f32 v37, v48  }
0xb9: {  	v0 =	vadd.f32 v20, v0;
	v20 =	vmul.f32 v37, v49;
	v36 =	vmul.f32 v61, v33  }
0xba: {  	v13 =	vadd.f32 v46, v13;
	v37 =	vbroadcast v4, $0xD;
	v46 =	vbroadcast v1, $0xF  }
0xbb: {  	v41 =	vld [tilespmem:$0x20F0];
	v14 =	vadd.f32 v47, v14;
	v47 =	vmul.f32 v34, v44;
	v48 =	vbroadcast v2, $0xF  }
0xbc: {  	v15 =	vadd.f32 v53, v15;
	v53 =	vld [tilespmem:$0x20C0];
	v54 =	vmul.f32 v45, v50;
	v55 =	vmul.f32 v45, v52  }
0xbd: {  	v7 =	vadd.f32 v21, v7;
	v59 =	vmul.f32 v45, v56;
	v21 =	vmul.f32 v45, v57  }
0xbe: {  	v9 =	vadd.f32 v35, v9;
	v45 =	vbroadcast v3, $0xE;
	v52 =	vbroadcast v4, $0xF  }
0xbf: {  	v3 =	vbroadcast v3, $0xF;
	v15 =	vadd.f32 v51, v15;
	v12 =	vadd.f32 v20, v12  }
0xc0: {  	v1 =	vld [tilespmem:s6+$0xFFFFFF90];
	v24 =	vmul.f32 v61, v37;
	v10 =	vadd.f32 v36, v10;
	v50 =	vmul.f32 v41, v46  }
0xc1: {  	v2 =	vld [tilespmem:s6+$0x10];
	v13 =	vadd.f32 v42, v13;
	v51 =	vmul.f32 v41, v48;
	v62 =	vmul.f32 v53, v58  }
0xc2: {  	v14 =	vadd.f32 v43, v14;
	v63 =	vmul.f32 v53, v60;
	v32 =	vmul.f32 v53, v29  }
0xc3: {  	v16 =	vadd.f32 v21, v16;
	v20 =	vmul.f32 v53, v30;
	v21 =	vmul.f32 v61, v38  }
0xc4: {  	v17 =	vadd.f32 v54, v17;
	v49 =	vmul.f32 v34, v45;
	v54 =	vmul.f32 v41, v52  }
0xc5: {  	v4 =	vld [tilespmem:s6+$0x90];
	v18 =	vadd.f32 v55, v18;
	v3 =	vmul.f32 v41, v3;
	v55 =	vbroadcast v1, $0x0  }
0xc6: {  	v5 =	vadd.f32 v62, v5;
	v58 =	vbroadcast v2, $0x0;
	v62 =	vbroadcast v1, $0x1  }
0xc7: {  	v56 =	vld [tilespmem:$0x2110];
	v19 =	vadd.f32 v59, v19;
	v34 =	vbroadcast v2, $0x1;
	v38 =	vbroadcast v1, $0x2  }
0xc8: {  	v39 =	vld [tilespmem:$0x2130];
	v17 =	vadd.f32 v50, v17;
	v42 =	vbroadcast v2, $0x2;
	v46 =	vbroadcast v1, $0x3  }
0xc9: {  	v29 =	vld [tilespmem:$0x2100];
	v19 =	vadd.f32 v54, v19;
	v50 =	vbroadcast v2, $0x3;
	v54 =	vbroadcast v1, $0x4  }
0xca: {  	v15 =	vadd.f32 v47, v15;
	v59 =	vbroadcast v4, $0x0;
	v35 =	vbroadcast v4, $0x1  }
0xcb: {  	v18 =	vadd.f32 v51, v18;
	v43 =	vbroadcast v4, $0x2;
	v51 =	vbroadcast v4, $0x3  }
0xcc: {  	v20 =	vadd.f32 v20, v0;
	v33 =	vmul.f32 v56, v62;
	v37 =	vmul.f32 v56, v34  }
0xcd: {  	v0 =	vld [tilespmem:s6+$0xFFFFFF10];
	v12 =	vadd.f32 v49, v12;
	v49 =	vmul.f32 v39, v46;
	v62 =	vbroadcast v1, $0x5  }
0xce: {  	v6 =	vadd.f32 v63, v6;
	v63 =	vld [tilespmem:$0x2120];
	v57 =	vmul.f32 v29, v55;
	v61 =	vmul.f32 v29, v58  }
0xcf: {  	v3 =	vadd.f32 v3, v16;
	v31 =	vmul.f32 v29, v59;
	v16 =	vmul.f32 v56, v35  }
0xd0: {  	v58 =	vbroadcast v2, $0x4;
	v59 =	vbroadcast v4, $0x4;
	v10 =	vadd.f32 v33, v10  }
0xd1: {  	v47 =	vld [tilespmem:$0x2140];
	v18 =	vadd.f32 v49, v18;
	v33 =	vbroadcast v4, $0x5;
	v49 =	vbroadcast v4, $0x7  }
0xd2: {  	v8 =	vadd.f32 v32, v8;
	v53 =	vbroadcast v0, $0x0;
	v60 =	vbroadcast v0, $0x1  }
0xd3: {  	v7 =	vadd.f32 v21, v7;
	v36 =	vbroadcast v0, $0x2;
	v41 =	vmul.f32 v63, v38  }
0xd4: {  	v6 =	vadd.f32 v57, v6;
	v44 =	vbroadcast v0, $0x3;
	v45 =	vmul.f32 v63, v42  }
0xd5: {  	v7 =	vadd.f32 v16, v7;
	v52 =	vbroadcast v0, $0x4;
	v16 =	vmul.f32 v39, v51  }
0xd6: {  	v8 =	vadd.f32 v61, v8;
	v57 =	vmul.f32 v47, v54;
	v61 =	vmul.f32 v47, v58  }
0xd7: {  	v34 =	vbroadcast v0, $0x6;
	v42 =	vbroadcast v0, $0x7  }
0xd8: {  	v11 =	vadd.f32 v24, v11;
	v58 =	vbroadcast v0, $0x9;
	v21 =	vmul.f32 v29, v53  }
0xd9: {  	v32 =	vmul.f32 v56, v60;
	v40 =	vmul.f32 v63, v36  }
0xda: {  	v55 =	vld [tilespmem:$0x2150];
	v11 =	vadd.f32 v37, v11;
	v48 =	vmul.f32 v39, v44;
	v53 =	vmul.f32 v39, v50  }
0xdb: {  	v20 =	vadd.f32 v31, v20;
	v56 =	vmul.f32 v47, v52;
	v60 =	vbroadcast v0, $0x5  }
0xdc: {  	v14 =	vadd.f32 v41, v14;
	v36 =	vbroadcast v1, $0x6;
	v41 =	vbroadcast v4, $0x6  }
0xdd: {  	v15 =	vadd.f32 v45, v15;
	v44 =	vbroadcast v1, $0x7;
	v50 =	vbroadcast v0, $0x8  }
0xde: {  	v37 =	vld [tilespmem:$0x2170];
	v6 =	vadd.f32 v57, v6;
	v52 =	vbroadcast v1, $0x8;
	v57 =	vbroadcast v4, $0x8  }
0xdf: {  	v3 =	vadd.f32 v16, v3;
	v29 =	vbroadcast v2, $0x9;
	v31 =	vmul.f32 v55, v62  }
0xe0: {  	v8 =	vadd.f32 v61, v8;
	v16 =	vmul.f32 v55, v33;
	v33 =	vbroadcast v1, $0xA  }
0xe1: {  	v5 =	vadd.f32 v21, v5;
	v9 =	vadd.f32 v32, v9;
	v21 =	vmul.f32 v63, v43  }
0xe2: {  	v13 =	vadd.f32 v40, v13;
	v30 =	vmul.f32 v55, v60;
	v32 =	vbroadcast v2, $0x5  }
0xe3: {  	v17 =	vadd.f32 v48, v17;
	v40 =	vbroadcast v2, $0x6;
	v46 =	vmul.f32 v37, v42  }
0xe4: {  	v48 =	vbroadcast v2, $0x7;
	v60 =	vbroadcast v1, $0x9;
	v10 =	vadd.f32 v31, v10  }
0xe5: {  	v45 =	vld [tilespmem:$0x2180];
	v7 =	vadd.f32 v16, v7;
	v16 =	vmul.f32 v37, v49;
	v31 =	vbroadcast v0, $0xA  }
0xe6: {  	v49 =	vbroadcast v1, $0xC;
	v12 =	vadd.f32 v21, v12;
	v21 =	vmul.f32 v47, v59  }
0xe7: {  	v61 =	vld [tilespmem:$0x21A0];
	v19 =	vadd.f32 v53, v19;
	v35 =	vmul.f32 v55, v32;
	v47 =	vmul.f32 v37, v44  }
0xe8: {  	v63 =	vld [tilespmem:$0x2160];
	v5 =	vadd.f32 v56, v5;
	v51 =	vmul.f32 v37, v48;
	v56 =	vbroadcast v2, $0x8  }
0xe9: {  	v9 =	vadd.f32 v30, v9;
	v30 =	vbroadcast v4, $0x9;
	v37 =	vbroadcast v2, $0xA  }
0xea: {  	v53 =	vld [tilespmem:$0x2190];
	v17 =	vadd.f32 v46, v17;
	v46 =	vbroadcast v4, $0xB;
	v54 =	vmul.f32 v45, v50  }
0xeb: {  	v55 =	vmul.f32 v45, v52;
	v11 =	vadd.f32 v35, v11;
	v59 =	vmul.f32 v45, v56  }
0xec: {  	v18 =	vadd.f32 v47, v18;
	v35 =	vmul.f32 v61, v31;
	v47 =	vbroadcast v0, $0xC  }
0xed: {  	v42 =	vld [tilespmem:$0x21C0];
	v38 =	vmul.f32 v63, v34;
	v39 =	vmul.f32 v63, v36  }
0xee: {  	v20 =	vadd.f32 v21, v20;
	v43 =	vmul.f32 v63, v40;
	v21 =	vmul.f32 v63, v41  }
0xef: {  	v62 =	vmul.f32 v53, v58;
	v63 =	vmul.f32 v53, v60  }
0xf0: {  	v3 =	vadd.f32 v16, v3;
	v32 =	vmul.f32 v53, v29;
	v16 =	vmul.f32 v53, v30  }
0xf1: {  	v19 =	vadd.f32 v51, v19;
	v36 =	vmul.f32 v61, v33;
	v40 =	vmul.f32 v61, v37  }
0xf2: {  	v5 =	vadd.f32 v54, v5;
	v41 =	vbroadcast v1, $0xB;
	v52 =	vmul.f32 v42, v49  }
0xf3: {  	v6 =	vadd.f32 v55, v6;
	v53 =	vbroadcast v2, $0xC;
	v54 =	vbroadcast v4, $0xC  }
0xf4: {  	v55 =	vbroadcast v0, $0xD;
	v8 =	vadd.f32 v59, v8;
	v51 =	vmul.f32 v42, v47  }
0xf5: {  	v13 =	vadd.f32 v38, v13;
	v12 =	vadd.f32 v21, v12;
	v21 =	vmul.f32 v45, v57  }
0xf6: {  	v50 =	vld [tilespmem:$0x21D0];
	v14 =	vadd.f32 v39, v14;
	v38 =	vbroadcast v4, $0xA;
	v39 =	vbroadcast v0, $0xB  }
0xf7: {  	v15 =	vadd.f32 v43, v15;
	v45 =	vbroadcast v2, $0xB;
	v56 =	vmul.f32 v42, v53  }
0xf8: {  	v9 =	vadd.f32 v62, v9;
	v57 =	vbroadcast v1, $0xD;
	v59 =	vmul.f32 v42, v54  }
0xf9: {  	v10 =	vadd.f32 v63, v10;
	v62 =	vbroadcast v2, $0xD;
	v63 =	vbroadcast v4, $0xD  }
0xfa: {  	v34 =	vld [tilespmem:$0x21B0];
	v11 =	vadd.f32 v32, v11;
	v32 =	vbroadcast v0, $0xE;
	v42 =	vbroadcast v1, $0xF  }
0xfb: {  	v60 =	vmul.f32 v50, v55;
	v20 =	vadd.f32 v21, v20;
	v21 =	vmul.f32 v61, v38  }
0xfc: {  	v58 =	vld [tilespmem:$0x21E0];
	v7 =	vadd.f32 v16, v7;
	v61 =	vmul.f32 v50, v57;
	v33 =	vmul.f32 v50, v62  }
0xfd: {  	v14 =	vadd.f32 v36, v14;
	v36 =	vmul.f32 v50, v63;
	v38 =	vbroadcast v2, $0xE  }
0xfe: {  	v15 =	vadd.f32 v40, v15;
	v40 =	vbroadcast v0, $0xF;
	v2 =	vbroadcast v2, $0xF  }
0xff: {  	v23 =	vadd.f32 v51, v5;
	v5 =	vld [tilespmem:s6+$0xA0];
	v43 =	vmul.f32 v34, v39;
	v44 =	vmul.f32 v34, v41  }
0x100: {  	v6 =	vadd.f32 v52, v6;
	v48 =	vmul.f32 v34, v45;
	v16 =	vmul.f32 v34, v46  }
0x101: {  	v13 =	vadd.f32 v35, v13;
	v35 =	vld [tilespmem:$0x21F0];
	v34 =	vbroadcast v1, $0xE;
	v25 =	vmul.f32 v58, v32  }
0x102: {  	v39 =	vbroadcast v4, $0xE;
	v4 =	vbroadcast v4, $0xF;
	v12 =	vadd.f32 v21, v12  }
0x103: {  	v0 =	vld [tilespmem:s6+$0xFFFFFFA0];
	v20 =	vadd.f32 v59, v20;
	v41 =	vmul.f32 v58, v38;
	v37 =	vmul.f32 v58, v34  }
0x104: {  	v18 =	vadd.f32 v44, v18;
	v44 =	vmul.f32 v58, v39;
	v51 =	vbroadcast v5, $0x0  }
0x105: {  	v55 =	vld [tilespmem:$0x2220];
	v11 =	vadd.f32 v33, v11;
	v59 =	vbroadcast v5, $0x1;
	v33 =	vbroadcast v5, $0x2  }
0x106: {  	v1 =	vld [tilespmem:s6+$0x20];
	v15 =	vadd.f32 v41, v15;
	v41 =	vbroadcast v5, $0x3;
	v26 =	vmul.f32 v35, v40  }
0x107: {  	v63 =	vld [tilespmem:$0x2230];
	v7 =	vadd.f32 v36, v7;
	v45 =	vmul.f32 v35, v42;
	v2 =	vmul.f32 v35, v2  }
0x108: {  	v16 =	vadd.f32 v16, v3;
	v3 =	vld [tilespmem:s6+$0xFFFFFF20];
	v47 =	vbroadcast v0, $0x0;
	v4 =	vmul.f32 v35, v4  }
0x109: {  	v17 =	vadd.f32 v43, v17;
	v43 =	vld [tilespmem:$0x2200];
	v54 =	vbroadcast v0, $0x1;
	v62 =	vbroadcast v0, $0x2  }
0x10a: {  	v12 =	vadd.f32 v44, v12;
	v36 =	vbroadcast v0, $0x3;
	v44 =	vbroadcast v0, $0x4  }
0x10b: {  	v19 =	vadd.f32 v48, v19;
	v48 =	vld [tilespmem:$0x2210];
	v50 =	vbroadcast v1, $0x0;
	v58 =	vbroadcast v1, $0x1  }
0x10c: {  	v8 =	vadd.f32 v56, v8;
	v32 =	vbroadcast v1, $0x2;
	v40 =	vbroadcast v1, $0x3  }
0x10d: {  	v9 =	vadd.f32 v60, v9;
	v31 =	vmul.f32 v55, v62;
	v39 =	vmul.f32 v63, v36  }
0x10e: {  	v10 =	vadd.f32 v61, v10;
	v46 =	vbroadcast v3, $0x0;
	v49 =	vmul.f32 v43, v47  }
0x10f: {  	v13 =	vadd.f32 v25, v13;
	v52 =	vbroadcast v3, $0x1;
	v53 =	vmul.f32 v43, v50  }
0x110: {  	v2 =	vadd.f32 v2, v19;
	v19 =	vmul.f32 v43, v51;
	v57 =	vmul.f32 v48, v54  }
0x111: {  	v14 =	vadd.f32 v37, v14;
	v60 =	vbroadcast v3, $0x2;
	v61 =	vmul.f32 v48, v58  }
0x112: {  	v4 =	vadd.f32 v4, v16;
	v16 =	vmul.f32 v48, v59;
	v34 =	vbroadcast v3, $0x3  }
0x113: {  	v17 =	vadd.f32 v26, v17;
	v35 =	vmul.f32 v55, v32;
	v42 =	vbroadcast v3, $0x4  }
0x114: {  	v18 =	vadd.f32 v45, v18;
	v50 =	vbroadcast v3, $0x5;
	v58 =	vbroadcast v3, $0x6  }
0x115: {  	v37 =	vld [tilespmem:$0x2240];
	v32 =	vbroadcast v3, $0x7;
	v14 =	vadd.f32 v31, v14;
	v31 =	vbroadcast v5, $0x6  }
0x116: {  	v18 =	vadd.f32 v39, v18;
	v39 =	vbroadcast v5, $0x7;
	v21 =	vmul.f32 v43, v46  }
0x117: {  	v56 =	vmul.f32 v48, v52;
	v6 =	vadd.f32 v49, v6;
	v30 =	vmul.f32 v55, v60  }
0x118: {  	v19 =	vadd.f32 v19, v20;
	v20 =	vmul.f32 v55, v33;
	v38 =	vmul.f32 v63, v34  }
0x119: {  	v7 =	vadd.f32 v16, v7;
	v43 =	vmul.f32 v63, v40;
	v16 =	vmul.f32 v63, v41  }
0x11a: {  	v8 =	vadd.f32 v53, v8;
	v46 =	vmul.f32 v37, v42;
	v47 =	vmul.f32 v37, v44  }
0x11b: {  	v45 =	vld [tilespmem:$0x2250];
	v10 =	vadd.f32 v57, v10;
	v48 =	vbroadcast v1, $0x4;
	v49 =	vbroadcast v5, $0x4  }
0x11c: {  	v11 =	vadd.f32 v61, v11;
	v52 =	vbroadcast v0, $0x5;
	v57 =	vbroadcast v5, $0x5  }
0x11d: {  	v15 =	vadd.f32 v35, v15;
	v60 =	vbroadcast v0, $0x6;
	v34 =	vbroadcast v0, $0x7  }
0x11e: {  	v40 =	vbroadcast v3, $0x8;
	v42 =	vbroadcast v0, $0x8;
	v21 =	vadd.f32 v21, v23  }
0x11f: {  	v9 =	vadd.f32 v56, v9;
	v13 =	vadd.f32 v30, v13;
	v51 =	vmul.f32 v37, v48  }
0x120: {  	v12 =	vadd.f32 v20, v12;
	v20 =	vmul.f32 v37, v49;
	v54 =	vmul.f32 v45, v50  }
0x121: {  	v17 =	vadd.f32 v38, v17;
	v55 =	vmul.f32 v45, v52;
	v56 =	vbroadcast v1, $0x5  }
0x122: {  	v53 =	vld [tilespmem:$0x2260];
	v4 =	vadd.f32 v16, v4;
	v16 =	vmul.f32 v45, v57;
	v30 =	vbroadcast v1, $0x6  }
0x123: {  	v6 =	vadd.f32 v47, v6;
	v38 =	vbroadcast v1, $0x7;
	v47 =	vbroadcast v5, $0x8  }
0x124: {  	v61 =	vld [tilespmem:$0x2270];
	v48 =	vbroadcast v3, $0x9;
	v50 =	vbroadcast v0, $0x9;
	v21 =	vadd.f32 v46, v21  }
0x125: {  	v59 =	vmul.f32 v45, v56;
	v9 =	vadd.f32 v54, v9;
	v46 =	vbroadcast v1, $0x8  }
0x126: {  	v35 =	vld [tilespmem:$0x2280];
	v10 =	vadd.f32 v55, v10;
	v54 =	vbroadcast v1, $0x9;
	v55 =	vbroadcast v5, $0x9  }
0x127: {  	v56 =	vbroadcast v3, $0xA;
	v62 =	vmul.f32 v53, v58  }
0x128: {  	v63 =	vmul.f32 v53, v60;
	v33 =	vmul.f32 v53, v30  }
0x129: {  	v19 =	vadd.f32 v20, v19;
	v20 =	vmul.f32 v53, v31;
	v36 =	vmul.f32 v61, v32  }
0x12a: {  	v37 =	vmul.f32 v61, v34;
	v41 =	vmul.f32 v61, v38  }
0x12b: {  	v7 =	vadd.f32 v16, v7;
	v16 =	vmul.f32 v61, v39;
	v44 =	vmul.f32 v35, v40  }
0x12c: {  	v45 =	vmul.f32 v35, v42;
	v58 =	vbroadcast v0, $0xA  }
0x12d: {  	v2 =	vadd.f32 v43, v2;
	v43 =	vld [tilespmem:$0x2290];
	v32 =	vbroadcast v3, $0xB;
	v34 =	vbroadcast v0, $0xB  }
0x12e: {  	v8 =	vadd.f32 v51, v8;
	v38 =	vbroadcast v1, $0xB;
	v39 =	vbroadcast v5, $0xB  }
0x12f: {  	v40 =	vbroadcast v3, $0xC;
	v42 =	vbroadcast v0, $0xC;
	v11 =	vadd.f32 v59, v11  }
0x130: {  	v49 =	vmul.f32 v35, v46;
	v46 =	vbroadcast v1, $0xC;
	v13 =	vadd.f32 v62, v13  }
0x131: {  	v14 =	vadd.f32 v63, v14;
	v12 =	vadd.f32 v20, v12;
	v20 =	vmul.f32 v35, v47  }
0x132: {  	v51 =	vld [tilespmem:$0x22A0];
	v15 =	vadd.f32 v33, v15;
	v52 =	vmul.f32 v43, v48;
	v53 =	vmul.f32 v43, v50  }
0x133: {  	v4 =	vadd.f32 v16, v4;
	v57 =	vmul.f32 v43, v54;
	v16 =	vmul.f32 v43, v55  }
0x134: {  	v17 =	vadd.f32 v36, v17;
	v62 =	vbroadcast v1, $0xA;
	v63 =	vbroadcast v5, $0xA  }
0x135: {  	v18 =	vadd.f32 v37, v18;
	v47 =	vbroadcast v5, $0xC;
	v48 =	vbroadcast v3, $0xD  }
0x136: {  	v2 =	vadd.f32 v41, v2;
	v50 =	vbroadcast v0, $0xD;
	v54 =	vbroadcast v1, $0xD  }
0x137: {  	v59 =	vld [tilespmem:$0x22B0];
	v21 =	vadd.f32 v44, v21;
	v55 =	vbroadcast v5, $0xD;
	v60 =	vmul.f32 v51, v56  }
0x138: {  	v6 =	vadd.f32 v45, v6;
	v61 =	vmul.f32 v51, v58;
	v33 =	vmul.f32 v51, v62  }
0x139: {  	v19 =	vadd.f32 v20, v19;
	v20 =	vmul.f32 v51, v63;
	v56 =	vbroadcast v3, $0xE  }
0x13a: {  	v35 =	vld [tilespmem:$0x22C0];
	v11 =	vadd.f32 v57, v11;
	v57 =	vbroadcast v0, $0xE;
	v62 =	vbroadcast v5, $0xE  }
0x13b: {  	v8 =	vadd.f32 v49, v8;
	v63 =	vbroadcast v3, $0xF;
	v5 =	vbroadcast v5, $0xF  }
0x13c: {  	v43 =	vld [tilespmem:$0x22D0];
	v9 =	vadd.f32 v52, v9;
	v36 =	vmul.f32 v59, v32;
	v37 =	vmul.f32 v59, v34  }
0x13d: {  	v7 =	vadd.f32 v16, v7;
	v41 =	vmul.f32 v59, v38;
	v16 =	vmul.f32 v59, v39  }
0x13e: {  	v51 =	vld [tilespmem:$0x22E0];
	v14 =	vadd.f32 v61, v14;
	v61 =	vbroadcast v1, $0xE;
	v32 =	vbroadcast v0, $0xF  }
0x13f: {  	v10 =	vadd.f32 v53, v10;
	v1 =	vbroadcast v1, $0xF;
	v44 =	vmul.f32 v35, v40  }
0x140: {  	v58 =	vld [tilespmem:$0x22F0];
	v15 =	vadd.f32 v33, v15;
	v45 =	vmul.f32 v35, v42;
	v49 =	vmul.f32 v35, v46  }
0x141: {  	v12 =	vadd.f32 v20, v12;
	v52 =	vmul.f32 v43, v48;
	v53 =	vmul.f32 v43, v50  }
0x142: {  	v3 =	vld [tilespmem:s6+$0xFFFFFFB0];
	v24 =	vmul.f32 v43, v54;
	v20 =	vadd.f32 v41, v2;
	v2 =	vmul.f32 v35, v47  }
0x143: {  	v33 =	vld [tilespmem:$0x2300];
	v16 =	vadd.f32 v16, v4;
	v4 =	vmul.f32 v43, v55;
	v59 =	vmul.f32 v51, v56  }
0x144: {  	v13 =	vadd.f32 v60, v13;
	v0 =	vld [tilespmem:s6+$0x30];
	v60 =	vmul.f32 v51, v57;
	v25 =	vmul.f32 v51, v61  }
0x145: {  	v39 =	vld [tilespmem:$0x2310];
	v17 =	vadd.f32 v36, v17;
	v34 =	vmul.f32 v51, v62;
	v35 =	vmul.f32 v58, v63  }
0x146: {  	v18 =	vadd.f32 v37, v18;
	v36 =	vmul.f32 v58, v32;
	v1 =	vmul.f32 v58, v1  }
0x147: {  	v21 =	vadd.f32 v44, v21;
	v38 =	vbroadcast v3, $0x0;
	v5 =	vmul.f32 v58, v5  }
0x148: {  	v6 =	vadd.f32 v45, v6;
	v46 =	vbroadcast v3, $0x1;
	v54 =	vbroadcast v3, $0x2  }
0x149: {  	v8 =	vadd.f32 v49, v8;
	v62 =	vbroadcast v3, $0x3;
	v41 =	vmul.f32 v33, v38  }
0x14a: {  	v47 =	vld [tilespmem:$0x2320];
	v9 =	vadd.f32 v52, v9;
	v42 =	vbroadcast v0, $0x0;
	v49 =	vmul.f32 v39, v46  }
0x14b: {  	v10 =	vadd.f32 v53, v10;
	v50 =	vbroadcast v0, $0x1;
	v58 =	vbroadcast v0, $0x2  }
0x14c: {  	v63 =	vld [tilespmem:$0x2340];
	v12 =	vadd.f32 v34, v12;
	v34 =	vbroadcast v0, $0x3;
	v38 =	vbroadcast v3, $0x4  }
0x14d: {  	v19 =	vadd.f32 v2, v19;
	v2 =	vld [tilespmem:s6+$0xFFFFFF30];
	v46 =	vbroadcast v3, $0x5;
	v31 =	vbroadcast v0, $0xB  }
0x14e: {  	v7 =	vadd.f32 v4, v7;
	v4 =	vld [tilespmem:s6+$0xB0];
	v45 =	vmul.f32 v33, v42;
	v53 =	vmul.f32 v39, v50  }
0x14f: {  	v11 =	vadd.f32 v24, v11;
	v57 =	vmul.f32 v47, v54;
	v61 =	vmul.f32 v47, v58  }
0x150: {  	v13 =	vadd.f32 v59, v13;
	v42 =	vbroadcast v0, $0x4;
	v50 =	vbroadcast v0, $0x5  }
0x151: {  	v14 =	vadd.f32 v60, v14;
	v54 =	vbroadcast v3, $0x6;
	v58 =	vbroadcast v0, $0x6  }
0x152: {  	v6 =	vadd.f32 v41, v6;
	v41 =	vmul.f32 v63, v38;
	v38 =	vbroadcast v3, $0x8  }
0x153: {  	v15 =	vadd.f32 v25, v15;
	v37 =	vbroadcast v2, $0x0;
	v43 =	vbroadcast v4, $0x0  }
0x154: {  	v17 =	vadd.f32 v35, v17;
	v44 =	vbroadcast v2, $0x1;
	v51 =	vbroadcast v4, $0x1  }
0x155: {  	v18 =	vadd.f32 v36, v18;
	v52 =	vbroadcast v2, $0x2;
	v59 =	vbroadcast v4, $0x2  }
0x156: {  	v55 =	vld [tilespmem:$0x2330];
	v1 =	vadd.f32 v1, v20;
	v60 =	vbroadcast v2, $0x3;
	v35 =	vbroadcast v4, $0x3  }
0x157: {  	v8 =	vadd.f32 v45, v8;
	v36 =	vbroadcast v2, $0x4;
	v45 =	vmul.f32 v63, v42  }
0x158: {  	v5 =	vadd.f32 v5, v16;
	v42 =	vbroadcast v0, $0x8;
	v40 =	vmul.f32 v33, v37  }
0x159: {  	v10 =	vadd.f32 v49, v10;
	v20 =	vmul.f32 v33, v43;
	v48 =	vmul.f32 v39, v44  }
0x15a: {  	v11 =	vadd.f32 v53, v11;
	v16 =	vmul.f32 v39, v51;
	v56 =	vmul.f32 v47, v52  }
0x15b: {  	v14 =	vadd.f32 v57, v14;
	v32 =	vmul.f32 v55, v60;
	v33 =	vmul.f32 v55, v62  }
0x15c: {  	v15 =	vadd.f32 v61, v15;
	v37 =	vmul.f32 v55, v34;
	v43 =	vbroadcast v4, $0x4  }
0x15d: {  	v6 =	vadd.f32 v41, v6;
	v44 =	vbroadcast v2, $0x5;
	v51 =	vbroadcast v4, $0x5  }
0x15e: {  	v8 =	vadd.f32 v45, v8;
	v52 =	vbroadcast v2, $0x6;
	v60 =	vbroadcast v2, $0x7  }
0x15f: {  	v39 =	vld [tilespmem:$0x2350];
	v62 =	vbroadcast v3, $0x7;
	v34 =	vbroadcast v0, $0x7;
	v19 =	vadd.f32 v20, v19  }
0x160: {  	v7 =	vadd.f32 v16, v7;
	v20 =	vmul.f32 v47, v59;
	v16 =	vmul.f32 v55, v35  }
0x161: {  	v21 =	vadd.f32 v40, v21;
	v40 =	vmul.f32 v63, v36;
	v59 =	vbroadcast v4, $0x6  }
0x162: {  	v9 =	vadd.f32 v48, v9;
	v35 =	vbroadcast v4, $0x7;
	v36 =	vbroadcast v2, $0x8  }
0x163: {  	v47 =	vld [tilespmem:$0x2360];
	v12 =	vadd.f32 v20, v12;
	v20 =	vmul.f32 v63, v43;
	v43 =	vbroadcast v4, $0x8  }
0x164: {  	v13 =	vadd.f32 v56, v13;
	v48 =	vmul.f32 v39, v44;
	v49 =	vmul.f32 v39, v46  }
0x165: {  	v55 =	vld [tilespmem:$0x2370];
	v5 =	vadd.f32 v16, v5;
	v53 =	vmul.f32 v39, v50;
	v16 =	vmul.f32 v39, v51  }
0x166: {  	v17 =	vadd.f32 v32, v17;
	v44 =	vbroadcast v2, $0x9;
	v46 =	vbroadcast v3, $0x9  }
0x167: {  	v18 =	vadd.f32 v33, v18;
	v50 =	vbroadcast v0, $0x9;
	v51 =	vbroadcast v4, $0x9  }
0x168: {  	v1 =	vadd.f32 v37, v1;
	v56 =	vmul.f32 v47, v52;
	v57 =	vmul.f32 v47, v54  }
0x169: {  	v19 =	vadd.f32 v20, v19;
	v61 =	vmul.f32 v47, v58;
	v20 =	vmul.f32 v47, v59  }
0x16a: {  	v21 =	vadd.f32 v40, v21;
	v63 =	vld [tilespmem:$0x2380];
	v32 =	vmul.f32 v55, v60;
	v33 =	vmul.f32 v55, v62  }
0x16b: {  	v7 =	vadd.f32 v16, v7;
	v37 =	vmul.f32 v55, v34;
	v16 =	vmul.f32 v55, v35  }
0x16c: {  	v9 =	vadd.f32 v48, v9;
	v52 =	vbroadcast v2, $0xA;
	v54 =	vbroadcast v3, $0xA  }
0x16d: {  	v10 =	vadd.f32 v49, v10;
	v58 =	vbroadcast v0, $0xA;
	v59 =	vbroadcast v4, $0xA  }
0x16e: {  	v39 =	vld [tilespmem:$0x2390];
	v11 =	vadd.f32 v53, v11;
	v60 =	vbroadcast v2, $0xB;
	v62 =	vbroadcast v3, $0xB  }
0x16f: {  	v35 =	vbroadcast v3, $0xC;
	v13 =	vadd.f32 v56, v13;
	v40 =	vmul.f32 v63, v36  }
0x170: {  	v12 =	vadd.f32 v20, v12;
	v41 =	vmul.f32 v63, v38;
	v45 =	vmul.f32 v63, v42  }
0x171: {  	v17 =	vadd.f32 v32, v17;
	v20 =	vmul.f32 v63, v43;
	v32 =	vbroadcast v4, $0xB  }
0x172: {  	v47 =	vld [tilespmem:$0x23A0];
	v18 =	vadd.f32 v33, v18;
	v33 =	vbroadcast v2, $0xC;
	v43 =	vbroadcast v3, $0xD  }
0x173: {  	v14 =	vadd.f32 v57, v14;
	v48 =	vmul.f32 v39, v44;
	v49 =	vmul.f32 v39, v46  }
0x174: {  	v55 =	vld [tilespmem:$0x23B0];
	v5 =	vadd.f32 v16, v5;
	v53 =	vmul.f32 v39, v50;
	v16 =	vmul.f32 v39, v51  }
0x175: {  	v39 =	vbroadcast v0, $0xC;
	v50 =	vbroadcast v3, $0xE;
	v21 =	vadd.f32 v40, v21  }
0x176: {  	v6 =	vadd.f32 v41, v6;
	v40 =	vbroadcast v4, $0xC;
	v41 =	vbroadcast v2, $0xD  }
0x177: {  	v15 =	vadd.f32 v61, v15;
	v56 =	vmul.f32 v47, v52;
	v57 =	vmul.f32 v47, v54  }
0x178: {  	v19 =	vadd.f32 v20, v19;
	v61 =	vmul.f32 v47, v58;
	v20 =	vmul.f32 v47, v59  }
0x179: {  	v63 =	vld [tilespmem:$0x23C0];
	v29 =	vmul.f32 v55, v60;
	v30 =	vmul.f32 v55, v62  }
0x17a: {  	v7 =	vadd.f32 v16, v7;
	v34 =	vmul.f32 v55, v31;
	v16 =	vmul.f32 v55, v32  }
0x17b: {  	v36 =	vld [tilespmem:$0x23D0];
	v9 =	vadd.f32 v48, v9;
	v47 =	vbroadcast v0, $0xD;
	v48 =	vbroadcast v4, $0xD  }
0x17c: {  	v10 =	vadd.f32 v49, v10;
	v49 =	vbroadcast v2, $0xE;
	v54 =	vbroadcast v0, $0xE  }
0x17d: {  	v1 =	vadd.f32 v37, v1;
	v55 =	vbroadcast v4, $0xE;
	v0 =	vbroadcast v0, $0xF  }
0x17e: {  	v44 =	vld [tilespmem:$0x23E0];
	v8 =	vadd.f32 v45, v8;
	v4 =	vbroadcast v4, $0xF;
	v37 =	vmul.f32 v63, v33  }
0x17f: {  	v12 =	vadd.f32 v20, v12;
	v38 =	vmul.f32 v63, v35;
	v42 =	vmul.f32 v63, v39  }
0x180: {  	v51 =	vld [tilespmem:$0x23F0];
	v20 =	vadd.f32 v34, v1;
	v1 =	vmul.f32 v63, v40;
	v45 =	vmul.f32 v36, v41  }
0x181: {  	v13 =	vadd.f32 v56, v13;
	v46 =	vmul.f32 v36, v43;
	v23 =	vmul.f32 v36, v47  }
0x182: {  	v16 =	vadd.f32 v16, v5;
	v5 =	vmul.f32 v36, v48;
	v56 =	vbroadcast v2, $0xF;
	v2 =	vld [tilespmem:s6+$0xFFFFFFC0]  }
0x183: {  	v14 =	vadd.f32 v57, v14;
	v57 =	vbroadcast v3, $0xF;
	v3 =	vld [tilespmem:s6+$0x40];
	v52 =	vmul.f32 v44, v49  }
0x184: {  	v11 =	vadd.f32 v53, v11;
	v53 =	vmul.f32 v44, v50;
	v25 =	vmul.f32 v44, v54  }
0x185: {  	v0 =	vmul.f32 v51, v0;
	v4 =	vmul.f32 v51, v4  }
0x186: {  	v58 =	vld [tilespmem:$0x2400];
	v6 =	vadd.f32 v38, v6;
	v11 =	vadd.f32 v23, v11;
	v23 =	vmul.f32 v44, v55  }
0x187: {  	v19 =	vadd.f32 v1, v19;
	v1 =	vld [tilespmem:s6+$0xFFFFFF40];
	v59 =	vmul.f32 v51, v56;
	v60 =	vmul.f32 v51, v57  }
0x188: {  	v7 =	vadd.f32 v5, v7;
	v5 =	vld [tilespmem:s6+$0xC0];
	v62 =	vbroadcast v2, $0x0;
	v34 =	vbroadcast v3, $0x0  }
0x189: {  	v63 =	vld [tilespmem:$0x2410];
	v8 =	vadd.f32 v42, v8;
	v38 =	vbroadcast v2, $0x1;
	v42 =	vbroadcast v3, $0x1  }
0x18a: {  	v10 =	vadd.f32 v46, v10;
	v46 =	vbroadcast v2, $0x2;
	v50 =	vbroadcast v3, $0x2  }
0x18b: {  	v17 =	vadd.f32 v29, v17;
	v39 =	vld [tilespmem:$0x2420];
	v54 =	vbroadcast v2, $0x3;
	v29 =	vbroadcast v3, $0xC  }
0x18c: {  	v15 =	vadd.f32 v61, v15;
	v61 =	vbroadcast v1, $0x0;
	v33 =	vmul.f32 v58, v62  }
0x18d: {  	v18 =	vadd.f32 v30, v18;
	v47 =	vld [tilespmem:$0x2430];
	v35 =	vbroadcast v5, $0x0;
	v36 =	vbroadcast v1, $0x1  }
0x18e: {  	v21 =	vadd.f32 v37, v21;
	v37 =	vmul.f32 v58, v34;
	v41 =	vmul.f32 v63, v38  }
0x18f: {  	v9 =	vadd.f32 v45, v9;
	v43 =	vbroadcast v5, $0x1;
	v44 =	vbroadcast v1, $0x2  }
0x190: {  	v13 =	vadd.f32 v52, v13;
	v45 =	vmul.f32 v63, v42;
	v49 =	vmul.f32 v39, v46  }
0x191: {  	v14 =	vadd.f32 v53, v14;
	v51 =	vbroadcast v5, $0x2;
	v52 =	vbroadcast v1, $0x3  }
0x192: {  	v17 =	vadd.f32 v59, v17;
	v53 =	vmul.f32 v39, v50;
	v57 =	vmul.f32 v47, v54  }
0x193: {  	v18 =	vadd.f32 v60, v18;
	v59 =	vbroadcast v5, $0x3;
	v60 =	vbroadcast v1, $0x4  }
0x194: {  	v62 =	vbroadcast v2, $0x4;
	v34 =	vbroadcast v3, $0x4  }
0x195: {  	v15 =	vadd.f32 v25, v15;
	v38 =	vbroadcast v2, $0x5;
	v42 =	vbroadcast v3, $0x5  }
0x196: {  	v55 =	vld [tilespmem:$0x2440];
	v0 =	vadd.f32 v0, v20;
	v46 =	vbroadcast v2, $0x6;
	v50 =	vbroadcast v3, $0x6  }
0x197: {  	v4 =	vadd.f32 v4, v16;
	v54 =	vbroadcast v2, $0x7;
	v32 =	vmul.f32 v58, v61  }
0x198: {  	v12 =	vadd.f32 v23, v12;
	v20 =	vmul.f32 v58, v35;
	v40 =	vmul.f32 v63, v36  }
0x199: {  	v6 =	vadd.f32 v33, v6;
	v8 =	vadd.f32 v37, v8;
	v16 =	vmul.f32 v63, v43  }
0x19a: {  	v48 =	vmul.f32 v39, v44;
	v10 =	vadd.f32 v41, v10;
	v56 =	vmul.f32 v47, v52  }
0x19b: {  	v11 =	vadd.f32 v45, v11;
	v58 =	vbroadcast v3, $0x3;
	v33 =	vmul.f32 v55, v62  }
0x19c: {  	v14 =	vadd.f32 v49, v14;
	v35 =	vbroadcast v5, $0x4;
	v36 =	vbroadcast v1, $0x5  }
0x19d: {  	v15 =	vadd.f32 v53, v15;
	v37 =	vmul.f32 v55, v34;
	v43 =	vbroadcast v5, $0x5  }
0x19e: {  	v18 =	vadd.f32 v57, v18;
	v44 =	vbroadcast v1, $0x6;
	v52 =	vbroadcast v1, $0x7  }
0x19f: {  	v62 =	vbroadcast v2, $0x8;
	v34 =	vbroadcast v1, $0x9;
	v21 =	vadd.f32 v32, v21  }
0x1a0: {  	v19 =	vadd.f32 v20, v19;
	v9 =	vadd.f32 v40, v9;
	v20 =	vmul.f32 v39, v51  }
0x1a1: {  	v63 =	vld [tilespmem:$0x2450];
	v7 =	vadd.f32 v16, v7;
	v61 =	vmul.f32 v47, v58;
	v16 =	vmul.f32 v47, v59  }
0x1a2: {  	v13 =	vadd.f32 v48, v13;
	v32 =	vmul.f32 v55, v60;
	v51 =	vbroadcast v5, $0x6  }
0x1a3: {  	v6 =	vadd.f32 v33, v6;
	v58 =	vbroadcast v3, $0x7;
	v59 =	vbroadcast v5, $0x7  }
0x1a4: {  	v39 =	vld [tilespmem:$0x2460];
	v60 =	vbroadcast v1, $0x8;
	v33 =	vbroadcast v5, $0x8;
	v12 =	vadd.f32 v20, v12  }
0x1a5: {  	v21 =	vadd.f32 v32, v21;
	v20 =	vmul.f32 v55, v35;
	v32 =	vbroadcast v3, $0x8  }
0x1a6: {  	v17 =	vadd.f32 v56, v17;
	v47 =	vld [tilespmem:$0x2470];
	v40 =	vmul.f32 v63, v36;
	v41 =	vmul.f32 v63, v38  }
0x1a7: {  	v4 =	vadd.f32 v16, v4;
	v45 =	vmul.f32 v63, v42;
	v16 =	vmul.f32 v63, v43  }
0x1a8: {  	v8 =	vadd.f32 v37, v8;
	v36 =	vbroadcast v2, $0x9;
	v42 =	vbroadcast v1, $0xA  }
0x1a9: {  	v37 =	vld [tilespmem:$0x24A0];
	v0 =	vadd.f32 v61, v0;
	v48 =	vmul.f32 v39, v44;
	v49 =	vmul.f32 v39, v46  }
0x1aa: {  	v19 =	vadd.f32 v20, v19;
	v53 =	vmul.f32 v39, v50;
	v20 =	vmul.f32 v39, v51  }
0x1ab: {  	v55 =	vld [tilespmem:$0x2480];
	v9 =	vadd.f32 v40, v9;
	v56 =	vmul.f32 v47, v52;
	v57 =	vmul.f32 v47, v54  }
0x1ac: {  	v7 =	vadd.f32 v16, v7;
	v61 =	vmul.f32 v47, v58;
	v16 =	vmul.f32 v47, v59  }
0x1ad: {  	v10 =	vadd.f32 v41, v10;
	v40 =	vbroadcast v3, $0x9;
	v41 =	vbroadcast v5, $0x9  }
0x1ae: {  	v44 =	vbroadcast v2, $0xA;
	v46 =	vmul.f32 v37, v42  }
0x1af: {  	v11 =	vadd.f32 v45, v11;
	v50 =	vbroadcast v1, $0xB;
	v52 =	vbroadcast v2, $0xB  }
0x1b0: {  	v58 =	vbroadcast v1, $0xC;
	v13 =	vadd.f32 v48, v13;
	v30 =	vmul.f32 v55, v60  }
0x1b1: {  	v63 =	vld [tilespmem:$0x2490];
	v14 =	vadd.f32 v49, v14;
	v31 =	vmul.f32 v55, v62;
	v35 =	vmul.f32 v55, v32  }
0x1b2: {  	v12 =	vadd.f32 v20, v12;
	v20 =	vmul.f32 v55, v33;
	v47 =	vmul.f32 v37, v44  }
0x1b3: {  	v17 =	vadd.f32 v56, v17;
	v48 =	vbroadcast v3, $0xA;
	v49 =	vbroadcast v5, $0xA  }
0x1b4: {  	v18 =	vadd.f32 v57, v18;
	v56 =	vbroadcast v3, $0xB;
	v57 =	vbroadcast v5, $0xB  }
0x1b5: {  	v15 =	vadd.f32 v53, v15;
	v60 =	vbroadcast v2, $0xC;
	v33 =	vbroadcast v2, $0xD  }
0x1b6: {  	v0 =	vadd.f32 v61, v0;
	v44 =	vbroadcast v3, $0xE;
	v38 =	vmul.f32 v63, v34  }
0x1b7: {  	v4 =	vadd.f32 v16, v4;
	v39 =	vmul.f32 v63, v36;
	v43 =	vmul.f32 v63, v40  }
0x1b8: {  	v45 =	vld [tilespmem:$0x24B0];
	v16 =	vmul.f32 v63, v41;
	v40 =	vbroadcast v2, $0xE;
	v21 =	vadd.f32 v30, v21  }
0x1b9: {  	v19 =	vadd.f32 v20, v19;
	v51 =	vmul.f32 v37, v48;
	v20 =	vmul.f32 v37, v49  }
0x1ba: {  	v6 =	vadd.f32 v31, v6;
	v30 =	vbroadcast v5, $0xC;
	v31 =	vbroadcast v1, $0xD  }
0x1bb: {  	v13 =	vadd.f32 v46, v13;
	v37 =	vbroadcast v3, $0xD;
	v46 =	vbroadcast v1, $0xF  }
0x1bc: {  	v53 =	vld [tilespmem:$0x24C0];
	v14 =	vadd.f32 v47, v14;
	v47 =	vbroadcast v2, $0xF;
	v3 =	vbroadcast v3, $0xF  }
0x1bd: {  	v9 =	vadd.f32 v38, v9;
	v54 =	vmul.f32 v45, v50;
	v55 =	vmul.f32 v45, v52  }
0x1be: {  	v61 =	vld [tilespmem:$0x24D0];
	v7 =	vadd.f32 v16, v7;
	v59 =	vmul.f32 v45, v56;
	v16 =	vmul.f32 v45, v57  }
0x1bf: {  	v10 =	vadd.f32 v39, v10;
	v38 =	vbroadcast v5, $0xD;
	v39 =	vbroadcast v1, $0xE  }
0x1c0: {  	v34 =	vld [tilespmem:$0x24E0];
	v8 =	vadd.f32 v35, v8;
	v45 =	vbroadcast v5, $0xE;
	v5 =	vbroadcast v5, $0xF  }
0x1c1: {  	v41 =	vld [tilespmem:$0x24F0];
	v12 =	vadd.f32 v20, v12;
	v62 =	vmul.f32 v53, v58;
	v63 =	vmul.f32 v53, v60  }
0x1c2: {  	v20 =	vadd.f32 v59, v0;
	v32 =	vmul.f32 v53, v29;
	v0 =	vmul.f32 v53, v30  }
0x1c3: {  	v11 =	vadd.f32 v43, v11;
	v35 =	vmul.f32 v61, v31;
	v36 =	vmul.f32 v61, v33  }
0x1c4: {  	v2 =	vld [tilespmem:s6+$0x50];
	v16 =	vadd.f32 v16, v4;
	v23 =	vmul.f32 v61, v37;
	v4 =	vmul.f32 v61, v38  }
0x1c5: {  	v15 =	vadd.f32 v51, v15;
	v42 =	vmul.f32 v34, v39;
	v43 =	vmul.f32 v34, v40  }
0x1c6: {  	v1 =	vld [tilespmem:s6+$0xFFFFFFD0];
	v17 =	vadd.f32 v54, v17;
	v25 =	vmul.f32 v34, v44;
	v49 =	vmul.f32 v41, v46  }
0x1c7: {  	v18 =	vadd.f32 v55, v18;
	v50 =	vmul.f32 v41, v47;
	v3 =	vmul.f32 v41, v3  }
0x1c8: {  	v48 =	vld [tilespmem:$0x2500];
	v5 =	vmul.f32 v41, v5;
	v11 =	vadd.f32 v23, v11;
	v23 =	vmul.f32 v34, v45  }
0x1c9: {  	v53 =	vld [tilespmem:$0x2510];
	v8 =	vadd.f32 v32, v8;
	v56 =	vbroadcast v2, $0x0;
	v32 =	vbroadcast v2, $0x1  }
0x1ca: {  	v61 =	vld [tilespmem:$0x2520];
	v21 =	vadd.f32 v62, v21;
	v40 =	vbroadcast v2, $0x2;
	v29 =	vbroadcast v2, $0x5  }
0x1cb: {  	v37 =	vld [tilespmem:$0x2530];
	v19 =	vadd.f32 v0, v19;
	v52 =	vbroadcast v1, $0x0;
	v60 =	vbroadcast v1, $0x1  }
0x1cc: {  	v10 =	vadd.f32 v36, v10;
	v0 =	vld [tilespmem:s6+$0xFFFFFF50];
	v36 =	vbroadcast v1, $0x2;
	v44 =	vbroadcast v1, $0x3  }
0x1cd: {  	v7 =	vadd.f32 v4, v7;
	v4 =	vld [tilespmem:s6+$0xD0];
	v59 =	vmul.f32 v48, v56;
	v56 =	vbroadcast v2, $0x4  }
0x1ce: {  	v6 =	vadd.f32 v63, v6;
	v55 =	vmul.f32 v48, v52;
	v63 =	vmul.f32 v53, v60  }
0x1cf: {  	v9 =	vadd.f32 v35, v9;
	v35 =	vmul.f32 v53, v32;
	v39 =	vmul.f32 v61, v36  }
0x1d0: {  	v14 =	vadd.f32 v43, v14;
	v43 =	vmul.f32 v61, v40;
	v47 =	vmul.f32 v37, v44  }
0x1d1: {  	v45 =	vld [tilespmem:$0x2540];
	v13 =	vadd.f32 v42, v13;
	v52 =	vbroadcast v1, $0x4;
	v60 =	vbroadcast v1, $0x5  }
0x1d2: {  	v15 =	vadd.f32 v25, v15;
	v51 =	vbroadcast v0, $0x0;
	v57 =	vbroadcast v4, $0x0  }
0x1d3: {  	v17 =	vadd.f32 v49, v17;
	v58 =	vbroadcast v0, $0x1;
	v33 =	vbroadcast v4, $0x1  }
0x1d4: {  	v18 =	vadd.f32 v50, v18;
	v34 =	vbroadcast v0, $0x2;
	v41 =	vbroadcast v4, $0x2  }
0x1d5: {  	v3 =	vadd.f32 v3, v20;
	v42 =	vbroadcast v0, $0x3;
	v49 =	vbroadcast v4, $0x3  }
0x1d6: {  	v6 =	vadd.f32 v55, v6;
	v50 =	vbroadcast v0, $0x4;
	v55 =	vmul.f32 v45, v52  }
0x1d7: {  	v8 =	vadd.f32 v59, v8;
	v59 =	vmul.f32 v45, v56;
	v30 =	vbroadcast v4, $0x5  }
0x1d8: {  	v14 =	vadd.f32 v39, v14;
	v31 =	vbroadcast v0, $0x6;
	v39 =	vbroadcast v0, $0x7  }
0x1d9: {  	v18 =	vadd.f32 v47, v18;
	v47 =	vbroadcast v0, $0x8;
	v54 =	vmul.f32 v48, v51  }
0x1da: {  	v5 =	vadd.f32 v5, v16;
	v20 =	vmul.f32 v48, v57;
	v62 =	vmul.f32 v53, v58  }
0x1db: {  	v12 =	vadd.f32 v23, v12;
	v16 =	vmul.f32 v53, v33;
	v38 =	vmul.f32 v61, v34  }
0x1dc: {  	v10 =	vadd.f32 v63, v10;
	v46 =	vmul.f32 v37, v42;
	v48 =	vbroadcast v2, $0x3  }
0x1dd: {  	v57 =	vbroadcast v4, $0x4;
	v58 =	vbroadcast v0, $0x5;
	v6 =	vadd.f32 v55, v6  }
0x1de: {  	v33 =	vbroadcast v1, $0x6;
	v55 =	vbroadcast v0, $0x9;
	v21 =	vadd.f32 v54, v21  }
0x1df: {  	v19 =	vadd.f32 v20, v19;
	v20 =	vmul.f32 v61, v41;
	v51 =	vmul.f32 v37, v48  }
0x1e0: {  	v53 =	vld [tilespmem:$0x2550];
	v7 =	vadd.f32 v16, v7;
	v16 =	vmul.f32 v37, v49;
	v54 =	vmul.f32 v45, v50  }
0x1e1: {  	v13 =	vadd.f32 v38, v13;
	v37 =	vbroadcast v2, $0x6;
	v38 =	vbroadcast v4, $0x6  }
0x1e2: {  	v34 =	vld [tilespmem:$0x2570];
	v17 =	vadd.f32 v46, v17;
	v41 =	vbroadcast v1, $0x7;
	v46 =	vbroadcast v4, $0x7  }
0x1e3: {  	v42 =	vld [tilespmem:$0x2580];
	v49 =	vbroadcast v1, $0x8;
	v12 =	vadd.f32 v20, v12;
	v20 =	vmul.f32 v45, v57  }
0x1e4: {  	v21 =	vadd.f32 v54, v21;
	v45 =	vbroadcast v2, $0x7;
	v54 =	vbroadcast v4, $0x8  }
0x1e5: {  	v9 =	vadd.f32 v62, v9;
	v57 =	vbroadcast v1, $0x9;
	v62 =	vmul.f32 v53, v58  }
0x1e6: {  	v15 =	vadd.f32 v43, v15;
	v63 =	vmul.f32 v53, v60;
	v32 =	vmul.f32 v53, v29  }
0x1e7: {  	v61 =	vld [tilespmem:$0x2560];
	v5 =	vadd.f32 v16, v5;
	v16 =	vmul.f32 v53, v30;
	v43 =	vmul.f32 v34, v39  }
0x1e8: {  	v3 =	vadd.f32 v51, v3;
	v44 =	vmul.f32 v34, v41;
	v51 =	vmul.f32 v42, v47  }
0x1e9: {  	v52 =	vmul.f32 v42, v49;
	v53 =	vbroadcast v2, $0x8  }
0x1ea: {  	v11 =	vadd.f32 v35, v11;
	v50 =	vld [tilespmem:$0x2590];
	v39 =	vbroadcast v1, $0xB;
	v47 =	vbroadcast v1, $0xC  }
0x1eb: {  	v8 =	vadd.f32 v59, v8;
	v48 =	vmul.f32 v34, v45;
	v45 =	vbroadcast v0, $0xC  }
0x1ec: {  	v19 =	vadd.f32 v20, v19;
	v35 =	vmul.f32 v61, v31;
	v36 =	vmul.f32 v61, v33  }
0x1ed: {  	v9 =	vadd.f32 v62, v9;
	v40 =	vmul.f32 v61, v37;
	v20 =	vmul.f32 v61, v38  }
0x1ee: {  	v7 =	vadd.f32 v16, v7;
	v16 =	vmul.f32 v34, v46;
	v56 =	vmul.f32 v42, v53  }
0x1ef: {  	v10 =	vadd.f32 v63, v10;
	v59 =	vmul.f32 v50, v55;
	v60 =	vmul.f32 v50, v57  }
0x1f0: {  	v11 =	vadd.f32 v32, v11;
	v61 =	vbroadcast v2, $0x9;
	v62 =	vbroadcast v4, $0x9  }
0x1f1: {  	v17 =	vadd.f32 v43, v17;
	v63 =	vbroadcast v0, $0xA;
	v31 =	vbroadcast v1, $0xA  }
0x1f2: {  	v18 =	vadd.f32 v44, v18;
	v37 =	vbroadcast v0, $0xB;
	v43 =	vbroadcast v2, $0xB  }
0x1f3: {  	v21 =	vadd.f32 v51, v21;
	v44 =	vbroadcast v4, $0xB;
	v51 =	vbroadcast v2, $0xC  }
0x1f4: {  	v6 =	vadd.f32 v52, v6;
	v52 =	vbroadcast v4, $0xC;
	v53 =	vbroadcast v0, $0xD  }
0x1f5: {  	v58 =	vld [tilespmem:$0x25A0];
	v55 =	vbroadcast v1, $0xD;
	v13 =	vadd.f32 v35, v13;
	v14 =	vadd.f32 v36, v14  }
0x1f6: {  	v12 =	vadd.f32 v20, v12;
	v20 =	vmul.f32 v42, v54;
	v30 =	vmul.f32 v50, v61  }
0x1f7: {  	v5 =	vadd.f32 v16, v5;
	v16 =	vmul.f32 v50, v62;
	v35 =	vbroadcast v2, $0xA  }
0x1f8: {  	v9 =	vadd.f32 v59, v9;
	v36 =	vbroadcast v4, $0xA;
	v59 =	vbroadcast v2, $0xD  }
0x1f9: {  	v32 =	vld [tilespmem:$0x25B0];
	v10 =	vadd.f32 v60, v10;
	v60 =	vbroadcast v4, $0xD;
	v61 =	vbroadcast v0, $0xE  }
0x1fa: {  	v3 =	vadd.f32 v48, v3;
	v62 =	vbroadcast v1, $0xE;
	v33 =	vmul.f32 v58, v63  }
0x1fb: {  	v48 =	vld [tilespmem:$0x25D0];
	v15 =	vadd.f32 v40, v15;
	v34 =	vmul.f32 v58, v31;
	v38 =	vmul.f32 v58, v35  }
0x1fc: {  	v19 =	vadd.f32 v20, v19;
	v20 =	vmul.f32 v58, v36;
	v35 =	vbroadcast v4, $0xE  }
0x1fd: {  	v8 =	vadd.f32 v56, v8;
	v40 =	vld [tilespmem:$0x25C0];
	v36 =	vbroadcast v0, $0xF;
	v4 =	vbroadcast v4, $0xF  }
0x1fe: {  	v11 =	vadd.f32 v30, v11;
	v41 =	vmul.f32 v32, v37;
	v42 =	vmul.f32 v32, v39  }
0x1ff: {  	v7 =	vadd.f32 v16, v7;
	v46 =	vmul.f32 v32, v43;
	v16 =	vmul.f32 v32, v44  }
0x200: {  	v56 =	vld [tilespmem:$0x25E0];
	v14 =	vadd.f32 v34, v14;
	v34 =	vbroadcast v2, $0xE;
	v57 =	vmul.f32 v48, v53  }
0x201: {  	v15 =	vadd.f32 v38, v15;
	v58 =	vmul.f32 v48, v55;
	v23 =	vmul.f32 v48, v59  }
0x202: {  	v63 =	vld [tilespmem:$0x25F0];
	v12 =	vadd.f32 v20, v12;
	v38 =	vbroadcast v1, $0xF;
	v49 =	vmul.f32 v40, v45  }
0x203: {  	v50 =	vmul.f32 v40, v47;
	v20 =	vadd.f32 v46, v3;
	v54 =	vmul.f32 v40, v51  }
0x204: {  	v0 =	vld [tilespmem:s6+$0xFFFFFFE0];
	v5 =	vadd.f32 v16, v5;
	v3 =	vmul.f32 v40, v52;
	v16 =	vmul.f32 v48, v60  }
0x205: {  	v13 =	vadd.f32 v33, v13;
	v32 =	vmul.f32 v56, v61;
	v33 =	vmul.f32 v56, v62  }
0x206: {  	v39 =	vld [tilespmem:$0x2600];
	v18 =	vadd.f32 v42, v18;
	v37 =	vmul.f32 v56, v34;
	v42 =	vbroadcast v2, $0xF  }
0x207: {  	v1 =	vld [tilespmem:s6+$0x60];
	v11 =	vadd.f32 v23, v11;
	v23 =	vmul.f32 v56, v35;
	v40 =	vmul.f32 v63, v36  }
0x208: {  	v53 =	vld [tilespmem:$0x2620];
	v17 =	vadd.f32 v41, v17;
	v41 =	vmul.f32 v63, v38;
	v4 =	vmul.f32 v63, v4  }
0x209: {  	v2 =	vld [tilespmem:s6+$0xE0];
	v44 =	vmul.f32 v63, v42;
	v45 =	vbroadcast v0, $0x0  }
0x20a: {  	v46 =	vld [tilespmem:$0x2610];
	v9 =	vadd.f32 v57, v9;
	v52 =	vbroadcast v0, $0x1;
	v61 =	vbroadcast v0, $0x2  }
0x20b: {  	v10 =	vadd.f32 v58, v10;
	v34 =	vbroadcast v0, $0x3;
	v42 =	vbroadcast v0, $0x4  }
0x20c: {  	v62 =	vld [tilespmem:$0x2630];
	v21 =	vadd.f32 v49, v21;
	v47 =	vmul.f32 v39, v45;
	v48 =	vbroadcast v1, $0x0  }
0x20d: {  	v6 =	vadd.f32 v50, v6;
	v57 =	vbroadcast v1, $0x1;
	v29 =	vmul.f32 v53, v61  }
0x20e: {  	v35 =	vld [tilespmem:$0x2640];
	v8 =	vadd.f32 v54, v8;
	v30 =	vbroadcast v1, $0x2;
	v38 =	vbroadcast v1, $0x3  }
0x20f: {  	v19 =	vadd.f32 v3, v19;
	v3 =	vld [tilespmem:s6+$0xFFFFFF60];
	v49 =	vbroadcast v2, $0x0;
	v56 =	vmul.f32 v46, v52  }
0x210: {  	v7 =	vadd.f32 v16, v7;
	v58 =	vbroadcast v2, $0x1;
	v31 =	vbroadcast v2, $0x2  }
0x211: {  	v15 =	vadd.f32 v37, v15;
	v37 =	vmul.f32 v62, v34;
	v51 =	vmul.f32 v39, v48  }
0x212: {  	v14 =	vadd.f32 v33, v14;
	v60 =	vmul.f32 v46, v57;
	v33 =	vmul.f32 v53, v30  }
0x213: {  	v18 =	vadd.f32 v41, v18;
	v41 =	vmul.f32 v62, v38;
	v45 =	vmul.f32 v35, v42  }
0x214: {  	v6 =	vadd.f32 v47, v6;
	v47 =	vbroadcast v2, $0x4;
	v43 =	vbroadcast v3, $0x0  }
0x215: {  	v13 =	vadd.f32 v32, v13;
	v50 =	vbroadcast v3, $0x1;
	v54 =	vmul.f32 v39, v49  }
0x216: {  	v17 =	vadd.f32 v40, v17;
	v59 =	vbroadcast v3, $0x2;
	v32 =	vbroadcast v3, $0x3  }
0x217: {  	v4 =	vadd.f32 v4, v5;
	v40 =	vbroadcast v3, $0x4;
	v48 =	vbroadcast v3, $0x5  }
0x218: {  	v10 =	vadd.f32 v56, v10;
	v56 =	vbroadcast v3, $0x6;
	v30 =	vbroadcast v3, $0x7  }
0x219: {  	v18 =	vadd.f32 v37, v18;
	v37 =	vbroadcast v2, $0x7;
	v38 =	vbroadcast v3, $0x8  }
0x21a: {  	v5 =	vadd.f32 v51, v8;
	v8 =	vmul.f32 v46, v58;
	v58 =	vbroadcast v0, $0x6  }
0x21b: {  	v6 =	vadd.f32 v45, v6;
	v45 =	vbroadcast v2, $0x8;
	v16 =	vmul.f32 v39, v43  }
0x21c: {  	v55 =	vmul.f32 v46, v50;
	v63 =	vmul.f32 v53, v59  }
0x21d: {  	v12 =	vadd.f32 v23, v12;
	v36 =	vmul.f32 v62, v32;
	v39 =	vbroadcast v2, $0x3  }
0x21e: {  	v20 =	vadd.f32 v44, v20;
	v44 =	vmul.f32 v35, v40;
	v46 =	vbroadcast v1, $0x4  }
0x21f: {  	v19 =	vadd.f32 v54, v19;
	v50 =	vbroadcast v0, $0x5;
	v54 =	vbroadcast v1, $0x5  }
0x220: {  	v32 =	vbroadcast v0, $0x7;
	v40 =	vbroadcast v0, $0x8;
	v7 =	vadd.f32 v8, v7  }
0x221: {  	v51 =	vld [tilespmem:$0x2660];
	v8 =	vadd.f32 v33, v15;
	v16 =	vadd.f32 v16, v21;
	v21 =	vmul.f32 v53, v31  }
0x222: {  	v9 =	vadd.f32 v55, v9;
	v15 =	vmul.f32 v62, v39;
	v49 =	vmul.f32 v35, v46  }
0x223: {  	v13 =	vadd.f32 v63, v13;
	v55 =	vbroadcast v2, $0x5;
	v62 =	vbroadcast v1, $0x6  }
0x224: {  	v43 =	vld [tilespmem:$0x2650];
	v17 =	vadd.f32 v36, v17;
	v63 =	vbroadcast v2, $0x6;
	v36 =	vbroadcast v1, $0x7  }
0x225: {  	v46 =	vbroadcast v3, $0x9;
	v12 =	vadd.f32 v21, v12;
	v21 =	vmul.f32 v35, v47  }
0x226: {  	v11 =	vadd.f32 v60, v11;
	v59 =	vld [tilespmem:$0x2670];
	v60 =	vmul.f32 v51, v56;
	v61 =	vmul.f32 v51, v58  }
0x227: {  	v16 =	vadd.f32 v44, v16;
	v31 =	vmul.f32 v51, v62;
	v44 =	vbroadcast v1, $0x8  }
0x228: {  	v20 =	vadd.f32 v41, v20;
	v41 =	vld [tilespmem:$0x2690];
	v56 =	vbroadcast v0, $0xA;
	v62 =	vbroadcast v3, $0xB  }
0x229: {  	v52 =	vmul.f32 v43, v48;
	v53 =	vmul.f32 v43, v50  }
0x22a: {  	v4 =	vadd.f32 v15, v4;
	v57 =	vmul.f32 v43, v54;
	v15 =	vmul.f32 v43, v55  }
0x22b: {  	v33 =	vld [tilespmem:$0x2680];
	v34 =	vmul.f32 v59, v30;
	v35 =	vmul.f32 v59, v32  }
0x22c: {  	v39 =	vmul.f32 v59, v36;
	v48 =	vbroadcast v0, $0x9  }
0x22d: {  	v14 =	vadd.f32 v29, v14;
	v50 =	vmul.f32 v41, v46;
	v54 =	vbroadcast v3, $0xA  }
0x22e: {  	v5 =	vadd.f32 v49, v5;
	v32 =	vbroadcast v0, $0xB;
	v36 =	vbroadcast v1, $0xB  }
0x22f: {  	v46 =	vbroadcast v3, $0xD;
	v19 =	vadd.f32 v21, v19;
	v21 =	vmul.f32 v51, v63  }
0x230: {  	v13 =	vadd.f32 v60, v13;
	v42 =	vmul.f32 v33, v38;
	v43 =	vmul.f32 v33, v40  }
0x231: {  	v14 =	vadd.f32 v61, v14;
	v47 =	vmul.f32 v33, v44;
	v60 =	vbroadcast v1, $0xA  }
0x232: {  	v8 =	vadd.f32 v31, v8;
	v61 =	vbroadcast v2, $0xA;
	v38 =	vbroadcast v3, $0xC  }
0x233: {  	v40 =	vbroadcast v0, $0xC;
	v9 =	vadd.f32 v52, v9;
	v10 =	vadd.f32 v53, v10  }
0x234: {  	v44 =	vbroadcast v1, $0xC;
	v11 =	vadd.f32 v57, v11;
	v7 =	vadd.f32 v15, v7  }
0x235: {  	v49 =	vld [tilespmem:$0x26A0];
	v17 =	vadd.f32 v34, v17;
	v15 =	vmul.f32 v59, v37;
	v51 =	vmul.f32 v41, v48  }
0x236: {  	v18 =	vadd.f32 v35, v18;
	v52 =	vbroadcast v1, $0x9;
	v53 =	vbroadcast v2, $0x9  }
0x237: {  	v20 =	vadd.f32 v39, v20;
	v37 =	vbroadcast v2, $0xB;
	v48 =	vbroadcast v0, $0xD  }
0x238: {  	v12 =	vadd.f32 v21, v12;
	v16 =	vadd.f32 v42, v16;
	v21 =	vmul.f32 v33, v45  }
0x239: {  	v6 =	vadd.f32 v43, v6;
	v45 =	vbroadcast v2, $0xC;
	v55 =	vmul.f32 v41, v52  }
0x23a: {  	v4 =	vadd.f32 v15, v4;
	v15 =	vmul.f32 v41, v53;
	v58 =	vmul.f32 v49, v54  }
0x23b: {  	v57 =	vld [tilespmem:$0x26B0];
	v5 =	vadd.f32 v47, v5;
	v59 =	vmul.f32 v49, v56;
	v63 =	vmul.f32 v49, v60  }
0x23c: {  	v9 =	vadd.f32 v50, v9;
	v52 =	vbroadcast v1, $0xD;
	v53 =	vbroadcast v2, $0xD  }
0x23d: {  	v10 =	vadd.f32 v51, v10;
	v54 =	vbroadcast v3, $0xE;
	v56 =	vbroadcast v0, $0xE  }
0x23e: {  	v33 =	vld [tilespmem:$0x26C0];
	v60 =	vbroadcast v1, $0xE;
	v19 =	vadd.f32 v21, v19;
	v21 =	vmul.f32 v49, v61  }
0x23f: {  	v61 =	vbroadcast v2, $0xE;
	v2 =	vbroadcast v2, $0xF;
	v11 =	vadd.f32 v55, v11  }
0x240: {  	v41 =	vld [tilespmem:$0x26D0];
	v7 =	vadd.f32 v15, v7;
	v34 =	vmul.f32 v57, v62;
	v35 =	vmul.f32 v57, v32  }
0x241: {  	v13 =	vadd.f32 v58, v13;
	v39 =	vmul.f32 v57, v36;
	v15 =	vmul.f32 v57, v37  }
0x242: {  	v49 =	vld [tilespmem:$0x26E0];
	v14 =	vadd.f32 v59, v14;
	v62 =	vbroadcast v3, $0xF;
	v32 =	vbroadcast v0, $0xF  }
0x243: {  	v8 =	vadd.f32 v63, v8;
	v36 =	vbroadcast v1, $0xF;
	v42 =	vmul.f32 v33, v38  }
0x244: {  	v12 =	vadd.f32 v21, v12;
	v57 =	vld [tilespmem:$0x26F0];
	v43 =	vmul.f32 v33, v40;
	v47 =	vmul.f32 v33, v44  }
0x245: {  	v3 =	vld [tilespmem:s6+$0xFFFFFFF0];
	v21 =	vmul.f32 v33, v45;
	v17 =	vadd.f32 v34, v17;
	v50 =	vmul.f32 v41, v46  }
0x246: {  	v0 =	vld [tilespmem:s6+$0x70];
	v18 =	vadd.f32 v35, v18;
	v51 =	vmul.f32 v41, v48;
	v55 =	vmul.f32 v41, v52  }
0x247: {  	v1 =	vld [tilespmem:s6+$0xF0];
	v20 =	vadd.f32 v39, v20;
	v58 =	vmul.f32 v41, v53;
	v25 =	vmul.f32 v49, v54  }
0x248: {  	v15 =	vadd.f32 v15, v4;
	v59 =	vmul.f32 v49, v56;
	v63 =	vmul.f32 v49, v60  }
0x249: {  	v19 =	vadd.f32 v21, v19;
	v21 =	vmul.f32 v49, v61;
	v34 =	vmul.f32 v57, v62  }
0x24a: {  	v16 =	vadd.f32 v42, v16;
	v35 =	vmul.f32 v57, v32;
	v38 =	vmul.f32 v57, v36  }
0x24b: {  	v4 =	vld [tilespmem:s6+$0xFFFFFF70];
	v6 =	vadd.f32 v43, v6;
	v39 =	vbroadcast v3, $0x0;
	v2 =	vmul.f32 v57, v2  }
0x24c: {  	v33 =	vld [tilespmem:$0x2700];
	v9 =	vadd.f32 v50, v9;
	v42 =	vbroadcast v0, $0x0;
	v43 =	vbroadcast v1, $0x0  }
0x24d: {  	v10 =	vadd.f32 v51, v10;
	v46 =	vbroadcast v3, $0x1;
	v50 =	vbroadcast v0, $0x1  }
0x24e: {  	v40 =	vld [tilespmem:$0x2710];
	v7 =	vadd.f32 v58, v7;
	v51 =	vbroadcast v1, $0x1;
	v54 =	vbroadcast v3, $0x2  }
0x24f: {  	v14 =	vadd.f32 v59, v14;
	v58 =	vbroadcast v0, $0x2;
	v59 =	vbroadcast v1, $0x2  }
0x250: {  	v62 =	vbroadcast v3, $0x3;
	v37 =	vbroadcast v4, $0x0  }
0x251: {  	v41 =	vmul.f32 v33, v39;
	v44 =	vbroadcast v4, $0x1  }
0x252: {  	v12 =	vadd.f32 v21, v12;
	v45 =	vmul.f32 v33, v42;
	v21 =	vmul.f32 v33, v43  }
0x253: {  	v5 =	vadd.f32 v47, v5;
	v49 =	vmul.f32 v40, v46;
	v52 =	vbroadcast v4, $0x2  }
0x254: {  	v2 =	vadd.f32 v2, v15;
	v53 =	vmul.f32 v40, v50;
	v15 =	vmul.f32 v40, v51  }
0x255: {  	v47 =	vld [tilespmem:$0x2720];
	v17 =	vadd.f32 v34, v17;
	v60 =	vbroadcast v4, $0x3;
	v34 =	vbroadcast v0, $0x3  }
0x256: {  	v18 =	vadd.f32 v35, v18;
	v35 =	vbroadcast v1, $0x3;
	v36 =	vbroadcast v4, $0x4  }
0x257: {  	v20 =	vadd.f32 v38, v20;
	v38 =	vbroadcast v3, $0x4;
	v42 =	vbroadcast v0, $0x4  }
0x258: {  	v43 =	vbroadcast v1, $0x4;
	v46 =	vbroadcast v3, $0x5  }
0x259: {  	v11 =	vadd.f32 v55, v11;
	v55 =	vld [tilespmem:$0x2730];
	v50 =	vbroadcast v0, $0x5;
	v51 =	vbroadcast v1, $0x5  }
0x25a: {  	v57 =	vmul.f32 v47, v54;
	v61 =	vmul.f32 v47, v58  }
0x25b: {  	v54 =	vbroadcast v3, $0x6;
	v58 =	vbroadcast v0, $0x6  }
0x25c: {  	v13 =	vadd.f32 v25, v13;
	v23 =	vmul.f32 v33, v37;
	v48 =	vmul.f32 v40, v44  }
0x25d: {  	v19 =	vadd.f32 v21, v19;
	v56 =	vmul.f32 v47, v52;
	v21 =	vmul.f32 v47, v59  }
0x25e: {  	v8 =	vadd.f32 v63, v8;
	v63 =	vld [tilespmem:$0x2740];
	v32 =	vmul.f32 v55, v60;
	v33 =	vmul.f32 v55, v62  }
0x25f: {  	v7 =	vadd.f32 v15, v7;
	v37 =	vmul.f32 v55, v34;
	v15 =	vmul.f32 v55, v35  }
0x260: {  	v6 =	vadd.f32 v41, v6;
	v44 =	vbroadcast v4, $0x5;
	v52 =	vbroadcast v4, $0x6  }
0x261: {  	v5 =	vadd.f32 v45, v5;
	v59 =	vbroadcast v1, $0x6;
	v60 =	vbroadcast v4, $0x7  }
0x262: {  	v10 =	vadd.f32 v49, v10;
	v62 =	vbroadcast v3, $0x7;
	v34 =	vbroadcast v0, $0x7  }
0x263: {  	v39 =	vld [tilespmem:$0x2750];
	v11 =	vadd.f32 v53, v11;
	v35 =	vbroadcast v1, $0x7;
	v40 =	vmul.f32 v63, v36  }
0x264: {  	v14 =	vadd.f32 v57, v14;
	v41 =	vmul.f32 v63, v38;
	v45 =	vmul.f32 v63, v42  }
0x265: {  	v8 =	vadd.f32 v61, v8;
	v36 =	vbroadcast v4, $0x8;
	v38 =	vbroadcast v3, $0x8  }
0x266: {  	v42 =	vbroadcast v0, $0x8;
	v16 =	vadd.f32 v23, v16;
	v9 =	vadd.f32 v48, v9  }
0x267: {  	v47 =	vld [tilespmem:$0x2760];
	v13 =	vadd.f32 v56, v13;
	v12 =	vadd.f32 v21, v12;
	v21 =	vmul.f32 v63, v43  }
0x268: {  	v17 =	vadd.f32 v32, v17;
	v43 =	vbroadcast v1, $0x8;
	v48 =	vmul.f32 v39, v44  }
0x269: {  	v55 =	vld [tilespmem:$0x2770];
	v18 =	vadd.f32 v33, v18;
	v49 =	vmul.f32 v39, v46;
	v53 =	vmul.f32 v39, v50  }
0x26a: {  	v2 =	vadd.f32 v15, v2;
	v15 =	vmul.f32 v39, v51;
	v44 =	vbroadcast v4, $0x9  }
0x26b: {  	v20 =	vadd.f32 v37, v20;
	v46 =	vbroadcast v3, $0x9;
	v50 =	vbroadcast v0, $0x9  }
0x26c: {  	v6 =	vadd.f32 v41, v6;
	v51 =	vbroadcast v1, $0x9;
	v56 =	vmul.f32 v47, v52  }
0x26d: {  	v5 =	vadd.f32 v45, v5;
	v57 =	vmul.f32 v47, v54;
	v61 =	vmul.f32 v47, v58  }
0x26e: {  	v19 =	vadd.f32 v21, v19;
	v21 =	vmul.f32 v47, v59;
	v32 =	vmul.f32 v55, v60  }
0x26f: {  	v63 =	vld [tilespmem:$0x2780];
	v16 =	vadd.f32 v40, v16;
	v33 =	vmul.f32 v55, v62;
	v37 =	vmul.f32 v55, v34  }
0x270: {  	v7 =	vadd.f32 v15, v7;
	v15 =	vmul.f32 v55, v35;
	v52 =	vbroadcast v4, $0xA  }
0x271: {  	v9 =	vadd.f32 v48, v9;
	v54 =	vbroadcast v3, $0xA;
	v58 =	vbroadcast v0, $0xA  }
0x272: {  	v10 =	vadd.f32 v49, v10;
	v59 =	vbroadcast v1, $0xA;
	v60 =	vbroadcast v4, $0xB  }
0x273: {  	v39 =	vld [tilespmem:$0x2790];
	v11 =	vadd.f32 v53, v11;
	v62 =	vbroadcast v3, $0xB;
	v34 =	vbroadcast v0, $0xB  }
0x274: {  	v35 =	vbroadcast v1, $0xB;
	v13 =	vadd.f32 v56, v13;
	v40 =	vmul.f32 v63, v36  }
0x275: {  	v14 =	vadd.f32 v57, v14;
	v41 =	vmul.f32 v63, v38;
	v45 =	vmul.f32 v63, v42  }
0x276: {  	v12 =	vadd.f32 v21, v12;
	v21 =	vmul.f32 v63, v43;
	v36 =	vbroadcast v4, $0xC  }
0x277: {  	v8 =	vadd.f32 v61, v8;
	v38 =	vbroadcast v3, $0xC;
	v42 =	vbroadcast v0, $0xC  }
0x278: {  	v47 =	vld [tilespmem:$0x27A0];
	v17 =	vadd.f32 v32, v17;
	v43 =	vbroadcast v1, $0xC;
	v48 =	vmul.f32 v39, v44  }
0x279: {  	v18 =	vadd.f32 v33, v18;
	v49 =	vmul.f32 v39, v46;
	v53 =	vmul.f32 v39, v50  }
0x27a: {  	v55 =	vld [tilespmem:$0x27B0];
	v2 =	vadd.f32 v15, v2;
	v15 =	vmul.f32 v39, v51;
	v44 =	vbroadcast v4, $0xD  }
0x27b: {  	v20 =	vadd.f32 v37, v20;
	v46 =	vbroadcast v3, $0xD;
	v50 =	vbroadcast v0, $0xD  }
0x27c: {  	v51 =	vbroadcast v1, $0xD;
	v16 =	vadd.f32 v40, v16;
	v6 =	vadd.f32 v41, v6  }
0x27d: {  	v5 =	vadd.f32 v45, v5;
	v56 =	vmul.f32 v47, v52;
	v57 =	vmul.f32 v47, v54  }
0x27e: {  	v19 =	vadd.f32 v21, v19;
	v61 =	vmul.f32 v47, v58;
	v21 =	vmul.f32 v47, v59  }
0x27f: {  	v9 =	vadd.f32 v48, v9;
	v32 =	vmul.f32 v55, v60;
	v33 =	vmul.f32 v55, v62  }
0x280: {  	v7 =	vadd.f32 v15, v7;
	v37 =	vmul.f32 v55, v34;
	v15 =	vmul.f32 v55, v35  }
0x281: {  	v63 =	vld [tilespmem:$0x27C0];
	v10 =	vadd.f32 v49, v10;
	v52 =	vbroadcast v4, $0xE;
	v54 =	vbroadcast v3, $0xE  }
0x282: {  	v11 =	vadd.f32 v53, v11;
	v58 =	vbroadcast v0, $0xE;
	v59 =	vbroadcast v1, $0xE  }
0x283: {  	v39 =	vld [tilespmem:$0x27D0];
	v4 =	vbroadcast v4, $0xF;
	v3 =	vbroadcast v3, $0xF;
	v13 =	vadd.f32 v56, v13  }
0x284: {  	v0 =	vbroadcast v0, $0xF;
	v14 =	vadd.f32 v57, v14;
	v8 =	vadd.f32 v61, v8  }
0x285: {  	v1 =	vbroadcast v1, $0xF;
	v12 =	vadd.f32 v21, v12;
	v17 =	vadd.f32 v32, v17  }
0x286: {  	v47 =	vld [tilespmem:$0x27E0];
	v40 =	vmul.f32 v63, v36;
	v18 =	vadd.f32 v33, v18;
	v41 =	vmul.f32 v63, v38  }
0x287: {  	v20 =	vadd.f32 v37, v20;
	v45 =	vmul.f32 v63, v42;
	v21 =	vmul.f32 v63, v43  }
0x288: {  	v55 =	vld [tilespmem:$0x27F0];
	v2 =	vadd.f32 v15, v2;
	v48 =	vmul.f32 v39, v44;
	v49 =	vmul.f32 v39, v46  }
0x289: {  	v53 =	vmul.f32 v39, v50;
	v16 =	vadd.f32 v40, v16;
	v6 =	vadd.f32 v41, v6  }
0x28a: {  	v15 =	vmul.f32 v39, v51;
	v5 =	vadd.f32 v45, v5;
	v19 =	vadd.f32 v21, v19  }
0x28b: {  	v9 =	vadd.f32 v48, v9;
	v56 =	vmul.f32 v47, v52;
	v10 =	vadd.f32 v49, v10  }
0x28c: {  	v57 =	vmul.f32 v47, v54;
	v11 =	vadd.f32 v53, v11;
	v60 =	vmul.f32 v47, v58  }
0x28d: {  	v7 =	vadd.f32 v15, v7;
	v21 =	vmul.f32 v47, v59;
	v4 =	vmul.f32 v55, v4  }
0x28e: {  	v3 =	vmul.f32 v55, v3;
	v13 =	vadd.f32 v56, v13;
	v14 =	vadd.f32 v57, v14  }
0x28f: {  	v0 =	vmul.f32 v55, v0;
	v8 =	vadd.f32 v60, v8;
	v4 =	vadd.f32 v4, v17  }
0x290: {  	v1 =	vmul.f32 v55, v1;
	v12 =	vadd.f32 v21, v12;
	v3 =	vadd.f32 v3, v18  }
0x291: {  	v9 =	vadd.f32 v9, v16;
	v6 =	vadd.f32 v10, v6  }
0x292: {  	v0 =	vadd.f32 v0, v20;
	v1 =	vadd.f32 v1, v2  }
0x293: {  	v62 =	vadd.f32 v11, v5;
	v4 =	vadd.f32 v4, v13  }
0x294: {  	s7 =	sand.u32 $0x380, s5;
	s8 =	sand.u32 $0x40, s5;
	s9 =	sadd.s32 $0x10, s5;
	v63 =	vadd.f32 v7, v19;
	v3 =	vadd.f32 v3, v14  }
0x295: {  	s10 =	sadd.s32 $0x20, s5;
	p0 =	sne.s32 s5, $0x3C0;
	s7 =	sadd.s32 $0x3480, s7;
	v0 =	vadd.f32 v0, v8;
	v61 =	vadd.f32 v4, v9  }
.Ltmp0:
0x296: {  	s9 =	sand.u32 $0x50, s9;
	s8 =	sor.u32 s8, s7;
	v1 =	vadd.f32 v1, v12;
	v3 =	vadd.f32 v3, v6;
	(pc) =	sbr.rel @p0 .LBB2_1-.Ltmp0, $4  }
0x297: {  	s29 =	sadd.s32 $0x30, s5;
	s28 =	sand.u32 $0x60, s10;
	s26 =	sor.u32 s9, s7;
	v0 =	vadd.f32 v0, v62;
	[tilespmem:s8+$0x0] =	vst v61  }
0x298: {  	s31 =	sand.u32 $0x70, s29;
	s30 =	sor.u32 s28, s7;
	v1 =	vadd.f32 v1, v63;
	[tilespmem:s26+$0x0] =	vst v3  }
0x299: {  	s7 =	sor.u32 s31, s7;
	[tilespmem:s30+$0x0] =	vst v0  }
0x29a: {  	s5 =	sadd.s32 $0x40, s5;
	s6 =	sadd.s32 $0x200, s6;
	[tilespmem:s7+$0x0] =	vst v1  }
0x29b: {  	s5 =	sshll.u32 s1, $0x7;
	s6 =	simm.s32 $0x0  }
0x29c: {  	s8 =	simm.s32 $0x3480;
	s30 =	simm.s32 $0x4;
	s7 =	sadd.s32 s4, s5  }
0x29d: {  	[hbm4b:s7+s6] =	stream.linear.scatter [tilespmem:s8], [sflag:$0x4], $0x400, $0x38;
	[tilespmem:$0x7C80] =	vst v63  }
0x29e: {  	_ =	swait.ge [sflag:s30], $0x400  }
0x29f: {  	[sflag:s30] =	ssyncset.done $0x0  }
0x2a0: {  	[sflag:s30] =	ssyncadd.s32 $0xFFFFFC00  }
0x2a1: {  	s31 =	simm.s32 $0x3C80;
	[bflag:$0x0] =	sbarrier.arrive $0xFFFF  }
0x2a2: {  	[tilespmem:s31], [sflag:$0x3] =	stream.linear.gather [hbm4b:s4+s6], $0x4000, $0x38;
	[tilespmem:$0x7C80] =	vst v63  }
0x2a3: {  	s4 =	sadd.s32 $0x3080, s3;
	v0 =	vld [tilespmem:$0x2800]  }
0x2a4: {  	s7 =	simm.s32 $0x400;
	v1 =	vld [tilespmem:s4+$0x0]  }
.LBB2_3:
0x2a5: {  	p0 =	sne.s32 s7, $0xC00;
	_ =	sdelay $0x3  }
0x2a6: {  	(erf) = vrcp.f32 v1;
	_ =	sdelay $0x3  }
0x2a7: {  	s8 =	sshra.s32 s6, $0x2;
	s6 =	smov.u32 s7  }
0x2a8: {  	v1 =	vld [tilespmem:s8+$0x3480]  }
0x2a9: {  	v2 =	vld [tilespmem:s8+$0x3490]  }
0x2aa: {  	v3 =	vld [tilespmem:s8+$0x34A0]  }
0x2ab: {  	v4 =	vld [tilespmem:s8+$0x34B0]  }
0x2ac: {  	v5 =	vpop (erf)  }
0x2ad: {  	v6 =	vbroadcast v5, $0x0;
	v7 =	vbroadcast v5, $0x1  }
0x2ae: {  	v8 =	vbroadcast v5, $0x2;
	v9 =	vbroadcast v5, $0x3;
	v10 =	vld [tilespmem:s8+$0x34C0]  }
0x2af: {  	v1 =	vmul.f32 v6, v1;
	v2 =	vmul.f32 v2, v7;
	v6 =	vld [tilespmem:s8+$0x34D0]  }
0x2b0: {  	v3 =	vmul.f32 v3, v8;
	v4 =	vmul.f32 v4, v9;
	v7 =	vld [tilespmem:s8+$0x34E0]  }
0x2b1: {  	v8 =	vbroadcast v5, $0x4;
	v1 =	vadd.f32 v1, v0;
	v2 =	vadd.f32 v2, v0;
	v9 =	vld [tilespmem:s8+$0x34F0]  }
0x2b2: {  	v11 =	vbroadcast v5, $0x5;
	v3 =	vadd.f32 v3, v0;
	v4 =	vadd.f32 v4, v0;
	v12 =	vld [tilespmem:s8+$0x3500]  }
0x2b3: {  	[tilespmem:s8+$0x3880] =	vst v1;
	v1 =	vmul.f32 v10, v8;
	v8 =	vbroadcast v5, $0x6;
	v10 =	vld [tilespmem:s8+$0x3510]  }
0x2b4: {  	[tilespmem:s8+$0x3890] =	vst v2;
	v2 =	vmul.f32 v6, v11;
	v6 =	vbroadcast v5, $0x7;
	v11 =	vld [tilespmem:s8+$0x3520]  }
0x2b5: {  	[tilespmem:s8+$0x38A0] =	vst v3;
	v1 =	vadd.f32 v1, v0;
	v3 =	vmul.f32 v7, v8;
	v7 =	vbroadcast v5, $0x8;
	v8 =	vld [tilespmem:s8+$0x3530]  }
0x2b6: {  	[tilespmem:s8+$0x38B0] =	vst v4;
	v2 =	vadd.f32 v2, v0;
	v4 =	vmul.f32 v9, v6;
	v6 =	vbroadcast v5, $0x9;
	v9 =	vld [tilespmem:s8+$0x3540]  }
0x2b7: {  	[tilespmem:s8+$0x38C0] =	vst v1;
	v1 =	vadd.f32 v3, v0;
	v3 =	vmul.f32 v12, v7;
	v7 =	vbroadcast v5, $0xA;
	v12 =	vld [tilespmem:s8+$0x3550]  }
0x2b8: {  	[tilespmem:s8+$0x38D0] =	vst v2;
	v2 =	vadd.f32 v4, v0;
	v4 =	vmul.f32 v10, v6;
	v6 =	vbroadcast v5, $0xB;
	v10 =	vld [tilespmem:s8+$0x3560]  }
0x2b9: {  	[tilespmem:s8+$0x38E0] =	vst v1;
	v1 =	vadd.f32 v3, v0;
	v3 =	vmul.f32 v11, v7;
	v7 =	vbroadcast v5, $0xC;
	v11 =	vld [tilespmem:s8+$0x3570]  }
0x2ba: {  	[tilespmem:s8+$0x38F0] =	vst v2;
	v2 =	vadd.f32 v4, v0;
	v4 =	vmul.f32 v8, v6;
	v6 =	vbroadcast v5, $0xD  }
0x2bb: {  	[tilespmem:s8+$0x3900] =	vst v1;
	v1 =	vadd.f32 v3, v0;
	v3 =	vmul.f32 v9, v7;
	v7 =	vbroadcast v5, $0xE  }
0x2bc: {  	v5 =	vbroadcast v5, $0xF;
	[tilespmem:s8+$0x3910] =	vst v2;
	v2 =	vadd.f32 v4, v0;
	v4 =	vmul.f32 v12, v6  }
0x2bd: {  	[tilespmem:s8+$0x3920] =	vst v1;
	v1 =	vadd.f32 v3, v0;
	v3 =	vmul.f32 v10, v7  }
0x2be: {  	[tilespmem:s8+$0x3930] =	vst v2;
	v2 =	vadd.f32 v4, v0;
	v4 =	vmul.f32 v11, v5  }
.Ltmp1:
0x2bf: {  	[tilespmem:s8+$0x3940] =	vst v1;
	v1 =	vadd.f32 v3, v0;
	(pc) =	sbr.rel @p0 .LBB2_3-.Ltmp1, $4  }
0x2c0: {  	[tilespmem:s8+$0x3950] =	vst v2;
	v2 =	vadd.f32 v4, v0  }
0x2c1: {  	[tilespmem:s8+$0x3960] =	vst v1  }
0x2c2: {  	s4 =	sadd.s32 $0x10, s4;
	[tilespmem:s8+$0x3970] =	vst v2  }
0x2c3: {  	s7 =	sadd.s32 $0x400, s7;
	v1 =	vld [tilespmem:s4+$0x0]  }
0x2c4: {  	_ =	sdelay $0x3  }
0x2c5: {  	(erf) = vrcp.f32 v1;
	_ =	sdelay $0x5  }
0x2c6: {  	s4 =	sshra.s32 s6, $0x2  }
0x2c7: {  	v1 =	vld [tilespmem:s4+$0x3480]  }
0x2c8: {  	v2 =	vld [tilespmem:s4+$0x3490]  }
0x2c9: {  	v3 =	vld [tilespmem:s4+$0x34A0];
	v4 =	vpop (erf)  }
0x2ca: {  	v5 =	vld [tilespmem:s4+$0x34B0];
	v6 =	vbroadcast v4, $0x0  }
0x2cb: {  	v8 =	vld [tilespmem:s4+$0x34C0];
	v7 =	vbroadcast v4, $0x1  }
0x2cc: {  	v40 =	vld [tilespmem:s4+$0x34D0];
	v9 =	vbroadcast v4, $0x2;
	v1 =	vmul.f32 v6, v1  }
0x2cd: {  	v41 =	vld [tilespmem:s4+$0x34E0];
	v10 =	vbroadcast v4, $0x3;
	v2 =	vmul.f32 v2, v7  }
0x2ce: {  	v11 =	vld [tilespmem:s4+$0x34F0];
	v42 =	vbroadcast v4, $0x4;
	v3 =	vmul.f32 v3, v9;
	v1 =	vadd.f32 v1, v0  }
0x2cf: {  	v12 =	vld [tilespmem:s4+$0x3500];
	v43 =	vbroadcast v4, $0x5;
	v5 =	vmul.f32 v5, v10;
	v2 =	vadd.f32 v2, v0  }
0x2d0: {  	v45 =	vld [tilespmem:s4+$0x3510];
	v44 =	vbroadcast v4, $0x6;
	v3 =	vadd.f32 v3, v0;
	[tilespmem:s4+$0x3880] =	vst v1;
	v1 =	vmul.f32 v8, v42  }
0x2d1: {  	v47 =	vld [tilespmem:s4+$0x3520];
	v46 =	vbroadcast v4, $0x7;
	v5 =	vadd.f32 v5, v0;
	[tilespmem:s4+$0x3890] =	vst v2;
	v2 =	vmul.f32 v40, v43  }
0x2d2: {  	v49 =	vld [tilespmem:s4+$0x3530];
	v48 =	vbroadcast v4, $0x8;
	[tilespmem:s4+$0x38A0] =	vst v3;
	v3 =	vmul.f32 v41, v44;
	v1 =	vadd.f32 v1, v0  }
0x2d3: {  	v52 =	vld [tilespmem:s4+$0x3540];
	v51 =	vbroadcast v4, $0x9;
	v50 =	vmul.f32 v11, v46;
	[tilespmem:s4+$0x38B0] =	vst v5;
	v2 =	vadd.f32 v2, v0  }
0x2d4: {  	v54 =	vld [tilespmem:s4+$0x3550];
	v53 =	vbroadcast v4, $0xA;
	[tilespmem:s4+$0x38C0] =	vst v1;
	v1 =	vadd.f32 v3, v0;
	v3 =	vmul.f32 v12, v48  }
0x2d5: {  	v57 =	vld [tilespmem:s4+$0x3560];
	v56 =	vbroadcast v4, $0xB;
	v55 =	vmul.f32 v45, v51;
	[tilespmem:s4+$0x38D0] =	vst v2;
	v2 =	vadd.f32 v50, v0  }
0x2d6: {  	v59 =	vld [tilespmem:s4+$0x3570];
	v58 =	vbroadcast v4, $0xC;
	[tilespmem:s4+$0x38E0] =	vst v1;
	v1 =	vadd.f32 v3, v0;
	v3 =	vmul.f32 v47, v53  }
0x2d7: {  	v61 =	vbroadcast v4, $0xD;
	v60 =	vmul.f32 v49, v56;
	[tilespmem:s4+$0x38F0] =	vst v2;
	v2 =	vadd.f32 v55, v0  }
0x2d8: {  	v62 =	vbroadcast v4, $0xE;
	[tilespmem:s4+$0x3900] =	vst v1;
	v1 =	vadd.f32 v3, v0;
	v3 =	vmul.f32 v52, v58  }
0x2d9: {  	v4 =	vbroadcast v4, $0xF;
	v63 =	vmul.f32 v54, v61;
	[tilespmem:s4+$0x3910] =	vst v2;
	v2 =	vadd.f32 v60, v0  }
0x2da: {  	[tilespmem:s4+$0x3920] =	vst v1;
	v1 =	vadd.f32 v3, v0;
	v3 =	vmul.f32 v57, v62  }
0x2db: {  	v4 =	vmul.f32 v59, v4;
	[tilespmem:s4+$0x3930] =	vst v2;
	v2 =	vadd.f32 v63, v0  }
0x2dc: {  	[tilespmem:s4+$0x3940] =	vst v1;
	v1 =	vadd.f32 v3, v0  }
0x2dd: {  	[tilespmem:s4+$0x3950] =	vst v2;
	v0 =	vadd.f32 v4, v0  }
0x2de: {  	[tilespmem:s4+$0x3960] =	vst v1  }
0x2df: {  	s31 =	simm.s32 $0x3;
	[tilespmem:s4+$0x3970] =	vst v0  }
0x2e0: {  	_ =	swait.ge [sflag:s31], $0x4000  }
0x2e1: {  	[sflag:s31] =	ssyncset.done $0x0  }
0x2e2: {  	v0 =	vmov s3;
	s3 =	simm.s32 $0x0;
	s4 =	simm.s32 $0x3080;
	[sflag:s31] =	ssyncadd.s32 $0xFFFFC000  }
.LBB2_5:
0x2e3: {  	s6 =	sshra.s32 s3, $0x2  }
0x2e4: {  	v2 =	vld [tilespmem:s6+$0x2880]  }
0x2e5: {  	v1 =	vld [tilespmem:s6+$0x2C80];
	_ =	sdelay $0x6  }
0x2e6: {  	v3 =	vld.idx.msk [tilespmem:v2+s4+$0x0], $0xffff  }
0x2e7: {  	v4 =	vld.idx.msk [tilespmem:v1+s4+$0x0], $0xffff;
	_ =	sdelay $0x4  }
0x2e8: {  	v3 =	vmul.f32 v4, v3;
	_ =	sdelay $0x1  }
0x2e9: {  	v63 =	vsub.s32 v1, v0;
	v5 =	vshra.s32 v3, $0x1;
	v3 =	vmul.f32 $5.000000000e-01, v3  }
0x2ea: {  	(v2sf) =	vpush v63, $0x0;
	v5 =	vsub.s32 $0x5F3759DF, v5  }
0x2eb: {  	(v2sf) =	vpush v2, $0x0;
	v6 =	vmul.f32 v5, v3  }
0x2ec: {  	(v2sf) =	vpush v1, $0x0  }
0x2ed: {  	v6 =	vmul.f32 v5, v6;
	_ =	sdelay $0x1  }
0x2ee: {  	v6 =	vsub.f32 $1.500000000e+00, v6;
	_ =	sdelay $0x1  }
0x2ef: {  	v5 =	vmul.f32 v5, v6;
	_ =	sdelay $0x1  }
0x2f0: {  	v6 =	vmul.f32 v5, v3  }
0x2f1: {  	(v2sf) =	vpush v63, $0x1  }
0x2f2: {  	(v2sf) =	vpush v2, $0x1;
	v6 =	vmul.f32 v6, v5  }
0x2f3: {  	(v2sf) =	vpush v1, $0x1  }
0x2f4: {  	v6 =	vsub.f32 $1.500000000e+00, v6;
	_ =	sdelay $0x1  }
0x2f5: {  	s6 =	spop (v2sf);
	v5 =	vmul.f32 v6, v5  }
0x2f6: {  	s7 =	spop (v2sf)  }
0x2f7: {  	s8 =	spop (v2sf);
	v3 =	vmul.f32 v5, v3  }
0x2f8: {  	p0 =	seq.s32 s7, s8  }
0x2f9: {  	p1 =	sgt.u32 @!p0 s6, $0x3F;
	v3 =	vmul.f32 v3, v5  }
0x2fa: {  	(v2sf) =	vpush v63, $0x2;
	p0 =	por p1, p0  }
0x2fb: {  	(v2sf) =	vpush v2, $0x2;
	s7 =	sshll.u32 @!p0 s7, $0x4;
	v3 =	vsub.f32 $1.500000000e+00, v3  }
0x2fc: {  	(v2sf) =	vpush v1, $0x2;
	s6 =	sshll.u32 @!p0 s6, $0x4;
	v6 =	vld @!p0 [tilespmem:s7+$0x3C80]  }
0x2fd: {  	s6 =	sand.u32 @!p0 $0x3F0, s6;
	v3 =	vmul.f32 v3, v5  }
0x2fe: {  	v5 =	vld @!p0 [tilespmem:s6+$0x3880]  }
0x2ff: {  	s7 =	spop (v2sf);
	v7 =	vbroadcast @!p0 v3, $0x0  }
0x300: {  	s8 =	spop (v2sf)  }
0x301: {  	s9 =	spop (v2sf);
	v6 =	vmul.f32 @!p0 v6, v7  }
0x302: {  	p1 =	seq.s32 s8, s9  }
0x303: {  	p2 =	sgt.u32 @!p1 s7, $0x3F;
	v5 =	vadd.f32 @!p0 v6, v5  }
0x304: {  	(v2sf) =	vpush v63, $0x3;
	p1 =	por p2, p1  }
0x305: {  	(v2sf) =	vpush v2, $0x3;
	[tilespmem:s6+$0x3880] =	vst @!p0 v5;
	s6 =	sshll.u32 @!p1 s8, $0x4  }
0x306: {  	(v2sf) =	vpush v1, $0x3;
	v5 =	vld @!p1 [tilespmem:s6+$0x3C80];
	s6 =	sshll.u32 @!p1 s7, $0x4  }
0x307: {  	s6 =	sand.u32 @!p1 $0x3F0, s6  }
0x308: {  	v6 =	vld @!p1 [tilespmem:s6+$0x3880]  }
0x309: {  	v7 =	vbroadcast @!p1 v3, $0x1;
	s7 =	spop (v2sf)  }
0x30a: {  	s8 =	spop (v2sf)  }
0x30b: {  	s17 =	spop (v2sf);
	v5 =	vmul.f32 @!p1 v5, v7  }
0x30c: {  	p0 =	seq.s32 s8, s17  }
0x30d: {  	p2 =	sgt.u32 @!p0 s7, $0x3F;
	v5 =	vadd.f32 @!p1 v5, v6  }
0x30e: {  	(v2sf) =	vpush v63, $0x4;
	p0 =	por p2, p0  }
0x30f: {  	(v2sf) =	vpush v2, $0x4;
	[tilespmem:s6+$0x3880] =	vst @!p1 v5;
	s6 =	sshll.u32 @!p0 s8, $0x4  }
0x310: {  	(v2sf) =	vpush v1, $0x4;
	v5 =	vld @!p0 [tilespmem:s6+$0x3C80];
	s6 =	sshll.u32 @!p0 s7, $0x4  }
0x311: {  	s6 =	sand.u32 @!p0 $0x3F0, s6  }
0x312: {  	v6 =	vld @!p0 [tilespmem:s6+$0x3880]  }
0x313: {  	v7 =	vbroadcast @!p0 v3, $0x2;
	s7 =	spop (v2sf)  }
0x314: {  	s8 =	spop (v2sf)  }
0x315: {  	s18 =	spop (v2sf);
	v5 =	vmul.f32 @!p0 v5, v7  }
0x316: {  	p1 =	seq.s32 s8, s18  }
0x317: {  	p2 =	sgt.u32 @!p1 s7, $0x3F;
	v5 =	vadd.f32 @!p0 v5, v6  }
0x318: {  	(v2sf) =	vpush v63, $0x5;
	p1 =	por p2, p1  }
0x319: {  	(v2sf) =	vpush v2, $0x5;
	[tilespmem:s6+$0x3880] =	vst @!p0 v5;
	s6 =	sshll.u32 @!p1 s8, $0x4  }
0x31a: {  	(v2sf) =	vpush v1, $0x5;
	v5 =	vld @!p1 [tilespmem:s6+$0x3C80];
	s6 =	sshll.u32 @!p1 s7, $0x4  }
0x31b: {  	s6 =	sand.u32 @!p1 $0x3F0, s6  }
0x31c: {  	v6 =	vld @!p1 [tilespmem:s6+$0x3880]  }
0x31d: {  	v7 =	vbroadcast @!p1 v3, $0x3;
	s7 =	spop (v2sf)  }
0x31e: {  	s8 =	spop (v2sf)  }
0x31f: {  	s19 =	spop (v2sf);
	v5 =	vmul.f32 @!p1 v5, v7  }
0x320: {  	p0 =	seq.s32 s8, s19  }
0x321: {  	p2 =	sgt.u32 @!p0 s7, $0x3F;
	v5 =	vadd.f32 @!p1 v5, v6  }
0x322: {  	(v2sf) =	vpush v63, $0x6;
	p0 =	por p2, p0  }
0x323: {  	(v2sf) =	vpush v2, $0x6;
	[tilespmem:s6+$0x3880] =	vst @!p1 v5;
	s6 =	sshll.u32 @!p0 s8, $0x4  }
0x324: {  	(v2sf) =	vpush v1, $0x6;
	v5 =	vld @!p0 [tilespmem:s6+$0x3C80];
	s6 =	sshll.u32 @!p0 s7, $0x4  }
0x325: {  	s6 =	sand.u32 @!p0 $0x3F0, s6  }
0x326: {  	v6 =	vld @!p0 [tilespmem:s6+$0x3880]  }
0x327: {  	v7 =	vbroadcast @!p0 v3, $0x4;
	s7 =	spop (v2sf)  }
0x328: {  	s8 =	spop (v2sf)  }
0x329: {  	s20 =	spop (v2sf);
	v5 =	vmul.f32 @!p0 v5, v7  }
0x32a: {  	p1 =	seq.s32 s8, s20  }
0x32b: {  	p2 =	sgt.u32 @!p1 s7, $0x3F;
	v5 =	vadd.f32 @!p0 v5, v6  }
0x32c: {  	(v2sf) =	vpush v63, $0x7;
	p1 =	por p2, p1  }
0x32d: {  	(v2sf) =	vpush v2, $0x7;
	[tilespmem:s6+$0x3880] =	vst @!p0 v5;
	s6 =	sshll.u32 @!p1 s8, $0x4  }
0x32e: {  	(v2sf) =	vpush v1, $0x7;
	v5 =	vld @!p1 [tilespmem:s6+$0x3C80];
	s6 =	sshll.u32 @!p1 s7, $0x4  }
0x32f: {  	s6 =	sand.u32 @!p1 $0x3F0, s6  }
0x330: {  	v6 =	vld @!p1 [tilespmem:s6+$0x3880]  }
0x331: {  	v7 =	vbroadcast @!p1 v3, $0x5;
	s7 =	spop (v2sf)  }
0x332: {  	s8 =	spop (v2sf)  }
0x333: {  	s21 =	spop (v2sf);
	v5 =	vmul.f32 @!p1 v5, v7  }
0x334: {  	p0 =	seq.s32 s8, s21  }
0x335: {  	p2 =	sgt.u32 @!p0 s7, $0x3F;
	v5 =	vadd.f32 @!p1 v5, v6  }
0x336: {  	(v2sf) =	vpush v63, $0x8;
	p0 =	por p2, p0  }
0x337: {  	(v2sf) =	vpush v2, $0x8;
	[tilespmem:s6+$0x3880] =	vst @!p1 v5;
	s6 =	sshll.u32 @!p0 s8, $0x4  }
0x338: {  	(v2sf) =	vpush v1, $0x8;
	v5 =	vld @!p0 [tilespmem:s6+$0x3C80];
	s6 =	sshll.u32 @!p0 s7, $0x4  }
0x339: {  	s6 =	sand.u32 @!p0 $0x3F0, s6  }
0x33a: {  	v6 =	vld @!p0 [tilespmem:s6+$0x3880]  }
0x33b: {  	v7 =	vbroadcast @!p0 v3, $0x6;
	s7 =	spop (v2sf)  }
0x33c: {  	s8 =	spop (v2sf)  }
0x33d: {  	s22 =	spop (v2sf);
	v5 =	vmul.f32 @!p0 v5, v7  }
0x33e: {  	p1 =	seq.s32 s8, s22  }
0x33f: {  	p2 =	sgt.u32 @!p1 s7, $0x3F;
	v5 =	vadd.f32 @!p0 v5, v6  }
0x340: {  	(v2sf) =	vpush v63, $0x9;
	p1 =	por p2, p1  }
0x341: {  	(v2sf) =	vpush v2, $0x9;
	[tilespmem:s6+$0x3880] =	vst @!p0 v5;
	s6 =	sshll.u32 @!p1 s8, $0x4  }
0x342: {  	(v2sf) =	vpush v1, $0x9;
	v5 =	vld @!p1 [tilespmem:s6+$0x3C80];
	s6 =	sshll.u32 @!p1 s7, $0x4  }
0x343: {  	s6 =	sand.u32 @!p1 $0x3F0, s6  }
0x344: {  	v6 =	vld @!p1 [tilespmem:s6+$0x3880]  }
0x345: {  	v7 =	vbroadcast @!p1 v3, $0x7;
	s7 =	spop (v2sf)  }
0x346: {  	s8 =	spop (v2sf)  }
0x347: {  	s23 =	spop (v2sf);
	v5 =	vmul.f32 @!p1 v5, v7  }
0x348: {  	p0 =	seq.s32 s8, s23  }
0x349: {  	p2 =	sgt.u32 @!p0 s7, $0x3F;
	v5 =	vadd.f32 @!p1 v5, v6  }
0x34a: {  	(v2sf) =	vpush v63, $0xA;
	p0 =	por p2, p0  }
0x34b: {  	(v2sf) =	vpush v2, $0xA;
	[tilespmem:s6+$0x3880] =	vst @!p1 v5;
	s6 =	sshll.u32 @!p0 s8, $0x4  }
0x34c: {  	(v2sf) =	vpush v1, $0xA;
	v5 =	vld @!p0 [tilespmem:s6+$0x3C80];
	s6 =	sshll.u32 @!p0 s7, $0x4  }
0x34d: {  	s6 =	sand.u32 @!p0 $0x3F0, s6  }
0x34e: {  	v6 =	vld @!p0 [tilespmem:s6+$0x3880]  }
0x34f: {  	v7 =	vbroadcast @!p0 v3, $0x8;
	s7 =	spop (v2sf)  }
0x350: {  	s8 =	spop (v2sf)  }
0x351: {  	s24 =	spop (v2sf);
	v5 =	vmul.f32 @!p0 v5, v7  }
0x352: {  	p1 =	seq.s32 s8, s24  }
0x353: {  	p2 =	sgt.u32 @!p1 s7, $0x3F;
	v5 =	vadd.f32 @!p0 v5, v6  }
0x354: {  	(v2sf) =	vpush v63, $0xB;
	p1 =	por p2, p1  }
0x355: {  	(v2sf) =	vpush v2, $0xB;
	[tilespmem:s6+$0x3880] =	vst @!p0 v5;
	s6 =	sshll.u32 @!p1 s8, $0x4  }
0x356: {  	(v2sf) =	vpush v1, $0xB;
	v5 =	vld @!p1 [tilespmem:s6+$0x3C80];
	s6 =	sshll.u32 @!p1 s7, $0x4  }
0x357: {  	s6 =	sand.u32 @!p1 $0x3F0, s6  }
0x358: {  	v6 =	vld @!p1 [tilespmem:s6+$0x3880]  }
0x359: {  	v7 =	vbroadcast @!p1 v3, $0x9;
	s7 =	spop (v2sf)  }
0x35a: {  	s8 =	spop (v2sf)  }
0x35b: {  	s25 =	spop (v2sf);
	v5 =	vmul.f32 @!p1 v5, v7  }
0x35c: {  	p0 =	seq.s32 s8, s25  }
0x35d: {  	p2 =	sgt.u32 @!p0 s7, $0x3F;
	v5 =	vadd.f32 @!p1 v5, v6  }
0x35e: {  	(v2sf) =	vpush v63, $0xC;
	p0 =	por p2, p0  }
0x35f: {  	(v2sf) =	vpush v2, $0xC;
	[tilespmem:s6+$0x3880] =	vst @!p1 v5;
	s6 =	sshll.u32 @!p0 s8, $0x4  }
0x360: {  	(v2sf) =	vpush v1, $0xC;
	v5 =	vld @!p0 [tilespmem:s6+$0x3C80];
	s6 =	sshll.u32 @!p0 s7, $0x4  }
0x361: {  	s6 =	sand.u32 @!p0 $0x3F0, s6  }
0x362: {  	v6 =	vld @!p0 [tilespmem:s6+$0x3880]  }
0x363: {  	v7 =	vbroadcast @!p0 v3, $0xA;
	s7 =	spop (v2sf)  }
0x364: {  	s8 =	spop (v2sf)  }
0x365: {  	s26 =	spop (v2sf);
	v5 =	vmul.f32 @!p0 v5, v7  }
0x366: {  	p1 =	seq.s32 s8, s26  }
0x367: {  	p2 =	sgt.u32 @!p1 s7, $0x3F;
	v5 =	vadd.f32 @!p0 v5, v6  }
0x368: {  	(v2sf) =	vpush v63, $0xD;
	p1 =	por p2, p1  }
0x369: {  	(v2sf) =	vpush v2, $0xD;
	[tilespmem:s6+$0x3880] =	vst @!p0 v5;
	s6 =	sshll.u32 @!p1 s8, $0x4  }
0x36a: {  	(v2sf) =	vpush v1, $0xD;
	v5 =	vld @!p1 [tilespmem:s6+$0x3C80];
	s6 =	sshll.u32 @!p1 s7, $0x4  }
0x36b: {  	s6 =	sand.u32 @!p1 $0x3F0, s6  }
0x36c: {  	v6 =	vld @!p1 [tilespmem:s6+$0x3880]  }
0x36d: {  	v7 =	vbroadcast @!p1 v3, $0xB;
	s7 =	spop (v2sf)  }
0x36e: {  	s8 =	spop (v2sf)  }
0x36f: {  	s28 =	spop (v2sf);
	v5 =	vmul.f32 @!p1 v5, v7  }
0x370: {  	p0 =	seq.s32 s8, s28  }
0x371: {  	p2 =	sgt.u32 @!p0 s7, $0x3F;
	v5 =	vadd.f32 @!p1 v5, v6  }
0x372: {  	(v2sf) =	vpush v63, $0xE;
	p0 =	por p2, p0  }
0x373: {  	(v2sf) =	vpush v2, $0xE;
	[tilespmem:s6+$0x3880] =	vst @!p1 v5;
	s6 =	sshll.u32 @!p0 s8, $0x4  }
0x374: {  	(v2sf) =	vpush v1, $0xE;
	v5 =	vld @!p0 [tilespmem:s6+$0x3C80];
	s6 =	sshll.u32 @!p0 s7, $0x4  }
0x375: {  	s6 =	sand.u32 @!p0 $0x3F0, s6  }
0x376: {  	v6 =	vld @!p0 [tilespmem:s6+$0x3880]  }
0x377: {  	v7 =	vbroadcast @!p0 v3, $0xC;
	s7 =	spop (v2sf)  }
0x378: {  	s8 =	spop (v2sf)  }
0x379: {  	s29 =	spop (v2sf);
	v5 =	vmul.f32 @!p0 v5, v7  }
0x37a: {  	p1 =	seq.s32 s8, s29  }
0x37b: {  	p2 =	sgt.u32 @!p1 s7, $0x3F;
	v5 =	vadd.f32 @!p0 v5, v6  }
0x37c: {  	(v2sf) =	vpush v63, $0xF;
	p1 =	por p2, p1  }
0x37d: {  	(v2sf) =	vpush v2, $0xF;
	[tilespmem:s6+$0x3880] =	vst @!p0 v5;
	s6 =	sshll.u32 @!p1 s8, $0x4  }
0x37e: {  	(v2sf) =	vpush v1, $0xF;
	v2 =	vld @!p1 [tilespmem:s6+$0x3C80];
	s6 =	sshll.u32 @!p1 s7, $0x4  }
0x37f: {  	s6 =	sand.u32 @!p1 $0x3F0, s6  }
0x380: {  	v1 =	vld @!p1 [tilespmem:s6+$0x3880]  }
0x381: {  	v4 =	vbroadcast @!p1 v3, $0xD;
	s7 =	spop (v2sf)  }
0x382: {  	s8 =	spop (v2sf)  }
0x383: {  	s30 =	spop (v2sf);
	v2 =	vmul.f32 @!p1 v2, v4  }
0x384: {  	p0 =	seq.s32 s8, s30  }
0x385: {  	p2 =	sgt.u32 @!p0 s7, $0x3F;
	v1 =	vadd.f32 @!p1 v2, v1  }
0x386: {  	p0 =	por p2, p0  }
0x387: {  	[tilespmem:s6+$0x3880] =	vst @!p1 v1;
	s6 =	sshll.u32 @!p0 s8, $0x4  }
0x388: {  	v1 =	vld @!p0 [tilespmem:s6+$0x3C80];
	s6 =	sshll.u32 @!p0 s7, $0x4  }
0x389: {  	s6 =	sand.u32 @!p0 $0x3F0, s6  }
0x38a: {  	v2 =	vld @!p0 [tilespmem:s6+$0x3880]  }
0x38b: {  	v4 =	vbroadcast @!p0 v3, $0xE;
	s7 =	spop (v2sf)  }
0x38c: {  	s8 =	spop (v2sf)  }
0x38d: {  	s31 =	spop (v2sf);
	v1 =	vmul.f32 @!p0 v1, v4  }
0x38e: {  	p1 =	seq.s32 s8, s31  }
0x38f: {  	p2 =	sgt.u32 @!p1 s7, $0x3F;
	v1 =	vadd.f32 @!p0 v1, v2  }
0x390: {  	p1 =	por p2, p1  }
0x391: {  	[tilespmem:s6+$0x3880] =	vst @!p0 v1;
	s6 =	sshll.u32 @!p1 s8, $0x4  }
0x392: {  	v1 =	vld @!p1 [tilespmem:s6+$0x3C80];
	s6 =	sshll.u32 @!p1 s7, $0x4  }
0x393: {  	s6 =	sand.u32 @!p1 $0x3F0, s6  }
0x394: {  	v2 =	vld @!p1 [tilespmem:s6+$0x3880]  }
0x395: {  	s3 =	sadd.s32 $0x200, s3;
	v3 =	vbroadcast @!p1 v3, $0xF  }
0x396: {  	p0 =	sne.s32 s3, $0xE00  }
.Ltmp2:
0x397: {  	v1 =	vmul.f32 @!p1 v1, v3;
	(pc) =	sbr.rel @p0 .LBB2_5-.Ltmp2, $3  }
0x398: {  	_ = 	snop  }
0x399: {  	v1 =	vadd.f32 @!p1 v1, v2;
	_ =	sdelay $0x1  }
0x39a: {  	[tilespmem:s6+$0x3880] =	vst @!p1 v1  }
0x39b: {  	p0 =	seq.s32 s1, $0xF  }
0x39c: {  	s3 =	sadd.s32 @p0 $0x780, s2;
	s4 =	simm.s32 @p0 $0x0;
	s6 =	simm.s32 @p0 $0x3880  }
0x39d: {  	[hbm4b:s3+s4] =	stream.linear.scatter @p0 [tilespmem:s6], [sflag:$0x4], $0x280, $0x38;
	[tilespmem:$0x7C80] =	vst v63  }
0x39e: {  	s3 =	simm.s32 @p0 $0x4  }
0x39f: {  	_ =	swait.ge @p0 [sflag:s3], $0x280  }
0x3a0: {  	s2 =	sadd.s32 @!p0 s2, s5;
	[sflag:s3] =	ssyncset.done @p0 $0x0  }
0x3a1: {  	s4 =	simm.s32 @!p0 $0x3880;
	[sflag:s3] =	ssyncadd.s32 @p0 $0xFFFFFD80;
	s3 =	simm.s32 @!p0 $0x0  }
0x3a2: {  	[hbm4b:s2+s3] =	stream.linear.scatter @!p0 [tilespmem:s4], [sflag:$0x4], $0x400, $0x38;
	[tilespmem:$0x7C80] =	vst v63  }
0x3a3: {  	s2 =	simm.s32 @!p0 $0x4  }
0x3a4: {  	_ =	swait.ge @!p0 [sflag:s2], $0x400  }
0x3a5: {  	[sflag:s2] =	ssyncset.done @!p0 $0x0  }
0x3a6: {  	[sflag:s2] =	ssyncadd.s32 @!p0 $0xFFFFFC00  }
0x3a7: {  	_ =	sfence.sel $0x180000  }
0x3a8: {  	[bflag:$0x0] =	sbarrier.arrive $0xFFFF  }
0x3a9: {  	p0 =	sne.s32 s1, $0x0;
	_ =	strace $0x90000047  }
0x3aa: {  	s0 =	sadd.s32 @!p0 $0x100000, s0;
	[bflag:$0x2] =	sbarrier.arrive $0xFFFF  }
0x3ab: {  	[sflag:s0] =	ssyncadd.tile.s32 @!p0 $0x1;
	_ =	shalt  }
.Lfunc_end2:
_tile_overlayer_lowered:
.L_overlay_start_2:
0x3ac: {  	(tag) =	ssettag $0x2  }
0x3ad: {  	s0 =	rddreg [dreg:$0x0];
	s2 =	stileid.u32  }
0x3ae: {  	s1 =	rddreg [dreg:$0x1];
	p0 =	sne.s32 s2, $0x0  }
0x3af: {  	s3 =	rddreg [dreg:$0x2];
	[bflag:$0x3] =	sbarrier.arrive $0xFFFF;
	s2 =	simm.s32 @!p0 $0x1C04  }
0x3b0: {  	[timem:s3], [sflag:s2] =	dma.local @!p0 [hbm:s0], s1  }
0x3b1: {  	s0 =	simm.s32 @!p0 $0x4  }
0x3b2: {  	_ =	swait.ge @!p0 [sflag:s0], s1  }
0x3b3: {  	s1 =	ssub.s32 @!p0 $0x0, s1;
	[sflag:s0] =	ssyncset.done @!p0 $0x0  }
0x3b4: {  	[sflag:s0] =	ssyncadd.s32 @!p0 s1  }
0x3b5: {  	[bflag:$0x3] =	sbarrier.arrive $0xFFFF  }
0x3b6: {  	_ =	shalt  }

</sc_bundles>
